<compile_context>
chip_gen: v7x
topology: tpu7x:2x2x1
jax: 0.10.2.dev20260603
libtpu: 0.0.44.dev20260713+nightly
codegen_flags: <defaults>
</compile_context>

<pallas_src>
import functools

import jax
import jax.numpy as jnp
import numpy as np
from jax import lax
from jax.experimental import pallas as pl
from jax.experimental.pallas import tpu as pltpu
from jax.experimental.pallas import tpu_sc as plsc

NN = 10000
NP = 10240
NPA = 10112
EE = 320000
EP = 327680
EPA = 327680
HH = 128
NC = 2
NS = 16
NWK = NC * NS
KCH = 128
CPW = 80
CPA = 80
SLAB = NP // NS
SLA = NPA // NS
RB = 2048
NRB = NP // RB

ANCHOR_IDX = np.arange(0, 3200, 100, dtype=np.int32)



def _deg_body(dst_hbm, out_hbm, dst_v, ones_v, zb_v, deg_sh):
    c = lax.axis_index("c")
    s = lax.axis_index("s")
    wid = c * NS + s

    def fill(i, _):
        zb_v[pl.ds(i * 16, 16)] = jnp.zeros((16,), jnp.float32)
        return 0

    lax.fori_loop(0, SLAB // 16, fill, 0)
    for t in range(KCH // 16):
        ones_v[pl.ds(t * 16, 16)] = jnp.ones((16,), jnp.float32)
    pltpu.sync_copy(zb_v, deg_sh.at[pl.ds(s * SLAB, SLAB)])
    plsc.subcore_barrier()
    pltpu.sync_copy(dst_hbm.at[pl.ds(wid * CPW, CPW)], dst_v)

    def body(j, _):
        pltpu.sync_copy(ones_v, deg_sh.at[dst_v.at[j]], add=True)
        return 0

    lax.fori_loop(0, CPW, body, 0)
    plsc.subcore_barrier()
    pltpu.sync_copy(deg_sh.at[pl.ds(s * SLAB, SLAB)],
                    out_hbm.at[pl.ds(wid * SLAB, SLAB)])


def _agg_body(xs_hbm, srcx_hbm, dstx_hbm, out_hbm,
              siT, diA, diB, buf0, buf1, acc_sh, g0, g1, s0, s1):
    c = lax.axis_index("c")
    s = lax.axis_index("s")
    wid = c * NS + s
    rowbase = wid * CPA

    def zfill(i, _):
        for l in range(HH // 16):
            buf0[i, pl.ds(l * 16, 16)] = jnp.zeros((16,), jnp.float32)
        return 0

    lax.fori_loop(0, KCH, zfill, 0)
    for t in range(SLA // KCH):
        pltpu.sync_copy(buf0, acc_sh.at[pl.ds(s * SLA + t * KCH, KCH)])
    pltpu.sync_copy(buf0.at[pl.ds(0, SLA % KCH)],
                    acc_sh.at[pl.ds(s * SLA + (SLA // KCH) * KCH,
                                    SLA % KCH)])
    plsc.subcore_barrier()

    bufs = (buf0, buf1)
    gsem = (g0, g1)
    ssem = (s0, s1)

    def gwait(p, k):
        pltpu.make_async_copy(xs_hbm.at[siT.at[pl.ds(k * KCH, KCH)]],
                              bufs[p], gsem[p]).wait()

    def gstart(p, k):
        pltpu.async_copy(xs_hbm.at[siT.at[pl.ds(k * KCH, KCH)]],
                         bufs[p], gsem[p])

    def swait(p, drow, dtab):
        pltpu.make_async_copy(bufs[p], acc_sh.at[dtab.at[drow]],
                              ssem[p]).wait()

    def body(i, _):
        t0 = rowbase + 16 * i
        pltpu.sync_copy(
            srcx_hbm.at[pl.ds((rowbase + 16 * i) * KCH, 16 * KCH)], siT)
        pltpu.sync_copy(dstx_hbm.at[pl.ds(t0, 8)], diA)

        @pl.when(i > 0)
        def _():
            swait(0, 6, diB)
            swait(1, 7, diB)

        gstart(0, 0)
        gstart(1, 1)
        for k in range(2, 8):
            p = k % 2
            gwait(p, k - 2)
            pltpu.async_copy(bufs[p], acc_sh.at[diA.at[k - 2]], ssem[p],
                             add=True)
            swait(p, k - 2, diA)
            gstart(p, k)
        pltpu.sync_copy(dstx_hbm.at[pl.ds(t0 + 8, 8)], diB)
        for k in range(8, 16):
            p = k % 2
            if k - 2 < 8:
                gwait(p, k - 2)
                pltpu.async_copy(bufs[p], acc_sh.at[diA.at[k - 2]],
                                 ssem[p], add=True)
                swait(p, k - 2, diA)
            else:
                gwait(p, k - 2)
                pltpu.async_copy(bufs[p], acc_sh.at[diB.at[k - 10]],
                                 ssem[p], add=True)
                swait(p, k - 10, diB)
            gstart(p, k)
        gwait(0, 14)
        pltpu.async_copy(buf0, acc_sh.at[diB.at[6]], s0, add=True)
        gwait(1, 15)
        pltpu.async_copy(buf1, acc_sh.at[diB.at[7]], s1, add=True)
        return 0

    lax.fori_loop(0, CPA // 16, body, 0)
    swait(0, 6, diB)
    swait(1, 7, diB)
    plsc.subcore_barrier()
    pltpu.sync_copy(acc_sh.at[pl.ds(s * SLA, SLA)], out_hbm.at[c, s])


@functools.lru_cache(maxsize=None)
def _sc_kernels():
    mesh = plsc.VectorSubcoreMesh(
        core_axis_name="c", subcore_axis_name="s",
        num_cores=NC, num_subcores=NS)
    deg_k = pl.kernel(
        _deg_body,
        out_type=jax.ShapeDtypeStruct((NWK * SLAB,), jnp.float32),
        mesh=mesh,
        scratch_types=[
            pltpu.VMEM((CPW, KCH), jnp.int32),
            pltpu.VMEM((KCH,), jnp.float32),
            pltpu.VMEM((SLAB,), jnp.float32),
            pltpu.VMEM_SHARED((NP,), jnp.float32),
        ],
    )
    agg_k = pl.kernel(
        _agg_body,
        out_type=jax.ShapeDtypeStruct((NC, NS, SLA, HH), jnp.float32),
        mesh=mesh,
        scratch_types=(
            [pltpu.VMEM((16 * KCH,), jnp.int32)]
            + [pltpu.VMEM((8, KCH), jnp.int32) for _ in range(2)]
            + [pltpu.VMEM((KCH, HH), jnp.float32) for _ in range(2)]
            + [pltpu.VMEM_SHARED((NPA, HH), jnp.float32)]
            + [pltpu.SemaphoreType.DMA for _ in range(4)]
        ),
    )
    return deg_k, agg_k




def _lin1_body(x_ref, w_ref, dinv_ref, xs_ref):
    xw = lax.dot_general(x_ref[...], w_ref[...],
                         (((1,), (1,)), ((), ())),
                         preferred_element_type=jnp.float32)
    xs_ref[...] = xw * dinv_ref[...]


def _lin2_body(a0_ref, a1_ref, xs_ref, dinv_ref, b_ref, w_ref, out_ref):
    dinv = dinv_ref[...]
    h = dinv * (a0_ref[0] + a1_ref[0] + xs_ref[...]) + b_ref[...]
    h = jnp.maximum(h, 0.0)
    xw = lax.dot_general(h, w_ref[...], (((1,), (1,)), ((), ())),
                         preferred_element_type=jnp.float32)
    out_ref[...] = xw * dinv


def _anchor_body(a0_ref, a1_ref, xs_ref, dinv_ref, b_ref,
                 lw1_ref, lb1_ref, lw2_ref, lb2_ref,
                 proto_ref, anchn_ref):
    ha = (dinv_ref[...] * (a0_ref[...] + a1_ref[...] + xs_ref[...])
          + b_ref[...])
    qn = jnp.sqrt(jnp.sum(ha * ha, axis=1, keepdims=True))
    anchors = ha / qn
    anorm = jnp.maximum(
        jnp.sqrt(jnp.sum(anchors * anchors, axis=1, keepdims=True)), 1e-6)
    anchn_ref[...] = anchors / anorm
    hp = lax.dot_general(anchors, lw1_ref[...], (((1,), (1,)), ((), ())),
                         preferred_element_type=jnp.float32) + lb1_ref[...]
    hp = jnp.maximum(hp, 0.0)
    logits = lax.dot_general(hp, lw2_ref[...], (((1,), (1,)), ((), ())),
                             preferred_element_type=jnp.float32) + lb2_ref[...]
    m = jnp.max(logits, axis=1, keepdims=True)
    ls = m + jnp.log(jnp.sum(jnp.exp(logits - m), axis=1, keepdims=True))
    proto_ref[...] = logits - ls


def _final_body(a0_ref, a1_ref, xs_ref, dinv_ref, b_ref,
                anchn_ref, proto_ref, out_ref, xrel_ref):
    h = (dinv_ref[...] * (a0_ref[0] + a1_ref[0] + xs_ref[...])
         + b_ref[...])
    qn = jnp.sqrt(jnp.sum(h * h, axis=1, keepdims=True))
    xn = h / qn
    xnorm = jnp.maximum(
        jnp.sqrt(jnp.sum(xn * xn, axis=1, keepdims=True)), 1e-6)
    cos = lax.dot_general(xn, anchn_ref[...], (((1,), (1,)), ((), ())),
                          preferred_element_type=jnp.float32) / xnorm
    x_rel = (cos + 1.0) * 0.5
    t = lax.dot_general(x_rel, proto_ref[...], (((1,), (0,)), ((), ())),
                        preferred_element_type=jnp.float32)
    m = jnp.max(t, axis=1, keepdims=True)
    ls = m + jnp.log(jnp.sum(jnp.exp(t - m), axis=1, keepdims=True))
    out_ref[...] = t - ls
    xrel_ref[...] = x_rel


def _row_spec(minor):
    return pl.BlockSpec((RB, minor), lambda i: (i, 0))


def _part_spec(part, minor):
    return pl.BlockSpec((1, RB, minor), lambda i, _p=part: (_p, i, 0))


def _full_spec(shape):
    return pl.BlockSpec(shape, lambda i: tuple(0 for _ in shape))


_lin1 = pl.pallas_call(
    _lin1_body,
    grid=(NRB,),
    in_specs=[_row_spec(HH), _full_spec((HH, HH)), _row_spec(1)],
    out_specs=_row_spec(HH),
    out_shape=jax.ShapeDtypeStruct((NP, HH), jnp.float32),
)

_lin2 = pl.pallas_call(
    _lin2_body,
    grid=(NRB,),
    in_specs=[_part_spec(0, HH), _part_spec(1, HH), _row_spec(HH),
              _row_spec(1), _full_spec((1, HH)), _full_spec((HH, HH))],
    out_specs=_row_spec(HH),
    out_shape=jax.ShapeDtypeStruct((NP, HH), jnp.float32),
)

_anchor = pl.pallas_call(
    _anchor_body,
    out_shape=[jax.ShapeDtypeStruct((32, 40), jnp.float32),
               jax.ShapeDtypeStruct((32, HH), jnp.float32)],
)

_final = pl.pallas_call(
    _final_body,
    grid=(NRB,),
    in_specs=[_part_spec(0, HH), _part_spec(1, HH), _row_spec(HH),
              _row_spec(1), _full_spec((1, HH)), _full_spec((32, HH)),
              _full_spec((32, 40))],
    out_specs=[_row_spec(40), _row_spec(32)],
    out_shape=[jax.ShapeDtypeStruct((NN, 40), jnp.float32),
               jax.ShapeDtypeStruct((NN, 32), jnp.float32)],
)

_PAD_IDX = np.asarray(NN + np.arange(EPA - EE) % (NPA - NN),
                      dtype=np.int32)


def kernel(x, edge_index, W1, b1, W2, b2, LW1, Lb1, LW2, Lb2):
    pad = jnp.asarray(_PAD_IDX)
    src = jnp.concatenate([edge_index[0], pad])
    dst = jnp.concatenate([edge_index[1], pad]).reshape(NWK * CPA, KCH)
    _deg_kernel, _agg_kernel = _sc_kernels()

    degp = _deg_kernel(dst)
    deg = degp[:NP] + degp[NP:] + 1.0
    dinv = jnp.where(deg > 0, lax.rsqrt(deg), 0.0).reshape(NP, 1)

    xs1 = _lin1(x, W1, dinv)

    acc1 = _agg_kernel(xs1, src, dst).reshape(NC, NPA, HH)
    xs2 = _lin2(acc1, acc1, xs1, dinv, b1.reshape(1, HH), W2)

    acc2 = _agg_kernel(xs2, src, dst).reshape(NC, NPA, HH)

    aidx = jnp.asarray(ANCHOR_IDX)
    out_proto, anchn = _anchor(
        acc2[0][aidx], acc2[1][aidx], xs2[aidx], dinv[aidx],
        b2.reshape(1, HH), LW1, Lb1.reshape(1, HH), LW2, Lb2.reshape(1, 40))
    out, x_rel = _final(acc2, acc2, xs2, dinv, b2.reshape(1, HH),
                        anchn, out_proto)
    return (out, x_rel, out_proto)

# --- scband reference (transcript-rebuilt; emitter-appended) ---
"""Pipeline reference for scband-model-random-proto-77584289235342 (READ-ONLY COPY).

The authoritative reference and input builder live on the scoring server;
editing this copy changes nothing except your own understanding.
"""

import jax, jax.numpy as jnp
import numpy as np

N = 10000
E = 320000
DIN = 128
H = 128
C = 40
PROT = jnp.array([0, 100, 200, 300, 400, 500, 600, 700, 800, 900, 1000, 1100, 1200, 1300, 1400, 1500, 1600, 1700, 1800, 1900, 2000, 2100, 2200, 2300, 2400, 2500, 2600, 2700, 2800, 2900, 3000, 3100], dtype=jnp.int32)


def setup_inputs(seed: int = 0):
    key = jax.random.key(seed)
    ks = jax.random.split(key, 12)
    x = jax.random.normal(ks[0], (N, DIN), dtype=jnp.float32)
    edge_index = jax.random.randint(ks[1], (2, E), 0, N, dtype=jnp.int32)
    W1 = jax.random.normal(ks[2], (H, DIN), dtype=jnp.float32) * 0.05
    b1 = jnp.zeros((H,), dtype=jnp.float32)
    W2 = jax.random.normal(ks[3], (H, H), dtype=jnp.float32) * 0.05
    b2 = jnp.zeros((H,), dtype=jnp.float32)
    LW1 = jax.random.normal(ks[4], (H, H), dtype=jnp.float32) * 0.05
    Lb1 = jnp.zeros((H,), dtype=jnp.float32)
    LW2 = jax.random.normal(ks[5], (C, H), dtype=jnp.float32) * 0.05
    Lb2 = jnp.zeros((C,), dtype=jnp.float32)
    return {"x": x, "edge_index": edge_index, "W1": W1, "b1": b1, "W2": W2, "b2": b2, "LW1": LW1, "Lb1": Lb1, "LW2": LW2, "Lb2": Lb2}


def _gcn_conv(x, src, dst, W, b):
    # GCNConv: add self-loops, symmetric normalization, linear transform, scatter-add
    loop = jnp.arange(N, dtype=src.dtype)
    s = jnp.concatenate([src, loop])
    d = jnp.concatenate([dst, loop])
    deg = jnp.zeros((N,), dtype=x.dtype).at[d].add(1.0)
    dinv = jnp.where(deg > 0, 1.0 / jnp.sqrt(deg), 0.0)
    norm = dinv[s] * dinv[d]
    xw = x @ W.T
    msg = xw[s] * norm[:, None]
    out = jax.ops.segment_sum(msg, d, num_segments=N)
    return out + b


def _forward(x, edge_index, W1, b1, W2, b2, LW1, Lb1, LW2, Lb2):
    src, dst = edge_index[0], edge_index[1]
    h = _gcn_conv(x, src, dst, W1, b1)
    h = jax.nn.relu(h)
    h = _gcn_conv(h, src, dst, W2, b2)
    qn = jnp.linalg.norm(h, ord=2, axis=1, keepdims=True)
    xn = h / qn
    # relative representation: rescaled cosine similarity to anchors
    anchors = xn[PROT]
    xnorm = jnp.maximum(jnp.linalg.norm(xn, axis=1), 1e-06)
    anorm = jnp.maximum(jnp.linalg.norm(anchors, axis=1), 1e-06)
    cos = (xn @ anchors.T) / (xnorm[:, None] * anorm[None, :])
    x_rel = (cos - (-1.0)) / (1.0 - (-1.0))
    # prototype head
    hp = jax.nn.relu(xn[PROT] @ LW1.T + Lb1)
    logits = hp @ LW2.T + Lb2
    out_proto = jax.nn.log_softmax(logits, axis=-1)
    out = jax.nn.log_softmax(x_rel @ out_proto, axis=-1)
    return (out, x_rel, out_proto)


def reference(x, edge_index, W1, b1, W2, b2, LW1, Lb1, LW2, Lb2):
    return _forward(x, edge_index, W1, b1, W2, b2, LW1, Lb1, LW2, Lb2)

if __name__ == "__main__":
    import jax
    _d = setup_inputs()
    print(jax.jit(kernel)(*tuple(_d.values())))

</pallas_src>

<mosaic_0001>
#map = affine_map<(d0, d1) -> (0, 0)>
#map1 = affine_map<(d0, d1) -> (0)>
module attributes {stable_mosaic.version = 14 : i64} {
  func.func @_deg_body(%arg0: i32, %arg1: i32, %arg2: memref<2560x128xi32, #tpu.memory_space<hbm>>, %arg3: memref<20480xf32, #tpu.memory_space<hbm>>, %arg4: memref<80x128xi32, #tpu.memory_space<vmem>>, %arg5: memref<128xf32, #tpu.memory_space<vmem>>, %arg6: memref<640xf32, #tpu.memory_space<vmem>>, %arg7: memref<10240xf32, #tpu.memory_space<vmem_shared>>) attributes {dimension_semantics = [#tpu.dimension_semantics<core_parallel>, #tpu.dimension_semantics<subcore_parallel>], iteration_bounds = array<i64: 2, 16>, scalar_prefetch = 0 : i64, scratch_operands = 4 : i64, tpu.core_type = #tpu.core_type<sc_vector_subcore>, window_params = [{transform_indices = #map}, {transform_indices = #map1}]} {
    %mul3A = arith.constant 16 : i32
    %mul3A_0 = arith.muli %arg0, %mul3A : i32
    %add3A = arith.addi %mul3A_0, %arg1 : i32
    %scan3A = arith.constant 0 : i32
    %scan3A_1 = arith.constant 0 : i32
    %scan3A_2 = arith.constant 40 : i32
    %scan3A_3 = arith.addi %scan3A_1, %scan3A_2 : i32
    %scan3A_4 = arith.constant 1 : i32
    %scan3A_5 = scf.for %scan3A_69 = %scan3A_1 to %scan3A_3 step %scan3A_4 iter_args(%scan3A_70 = %scan3A) -> (i32)  : i32 {
      %broadcast_in_dim3A_71 = arith.constant 0.000000e+00 : f32
      %broadcast_in_dim3A_72 = vector.broadcast %broadcast_in_dim3A_71 : f32 to vector<16xf32>
      %mul3A_73 = arith.constant 16 : i32
      %mul3A_74 = arith.muli %scan3A_69, %mul3A_73 : i32
      %swap3A_75 = arith.index_cast %mul3A_74 : i32 to index
      %swap3A_76 = tpu.vector_load %arg6[%swap3A_75] {strides = array<i32>} : memref<640xf32, #tpu.memory_space<vmem>>, vector<16xf32>,
      %swap3A_77 = vector.shape_cast %swap3A_76 : vector<16xf32> to vector<16xf32>
      %swap3A_78 = vector.shape_cast %broadcast_in_dim3A_72 : vector<16xf32> to vector<16xf32>
      tpu.vector_store %arg6[%swap3A_75], %swap3A_78 {strides = array<i32>} : memref<640xf32, #tpu.memory_space<vmem>>, vector<16xf32>,
      %scan3A_79 = arith.constant 0 : i32
      scf.yield %scan3A_79 : i32
    }
    %scan3A_6 = arith.constant 40 : i32
    %broadcast_in_dim3A = arith.constant 1.000000e+00 : f32
    %broadcast_in_dim3A_7 = vector.broadcast %broadcast_in_dim3A : f32 to vector<16xf32>
    %swap3A = arith.constant 0 : index
    %swap3A_8 = tpu.vector_load %arg5[%swap3A] {strides = array<i32>} : memref<128xf32, #tpu.memory_space<vmem>>, vector<16xf32>,
    %swap3A_9 = vector.shape_cast %swap3A_8 : vector<16xf32> to vector<16xf32>
    %swap3A_10 = vector.shape_cast %broadcast_in_dim3A_7 : vector<16xf32> to vector<16xf32>
    tpu.vector_store %arg5[%swap3A], %swap3A_10 {strides = array<i32>} : memref<128xf32, #tpu.memory_space<vmem>>, vector<16xf32>,
    %broadcast_in_dim3A_11 = arith.constant 1.000000e+00 : f32
    %broadcast_in_dim3A_12 = vector.broadcast %broadcast_in_dim3A_11 : f32 to vector<16xf32>
    %swap3A_13 = arith.constant 16 : index
    %swap3A_14 = tpu.vector_load %arg5[%swap3A_13] {strides = array<i32>} : memref<128xf32, #tpu.memory_space<vmem>>, vector<16xf32>,
    %swap3A_15 = vector.shape_cast %swap3A_14 : vector<16xf32> to vector<16xf32>
    %swap3A_16 = vector.shape_cast %broadcast_in_dim3A_12 : vector<16xf32> to vector<16xf32>
    tpu.vector_store %arg5[%swap3A_13], %swap3A_16 {strides = array<i32>} : memref<128xf32, #tpu.memory_space<vmem>>, vector<16xf32>,
    %broadcast_in_dim3A_17 = arith.constant 1.000000e+00 : f32
    %broadcast_in_dim3A_18 = vector.broadcast %broadcast_in_dim3A_17 : f32 to vector<16xf32>
    %swap3A_19 = arith.constant 32 : index
    %swap3A_20 = tpu.vector_load %arg5[%swap3A_19] {strides = array<i32>} : memref<128xf32, #tpu.memory_space<vmem>>, vector<16xf32>,
    %swap3A_21 = vector.shape_cast %swap3A_20 : vector<16xf32> to vector<16xf32>
    %swap3A_22 = vector.shape_cast %broadcast_in_dim3A_18 : vector<16xf32> to vector<16xf32>
    tpu.vector_store %arg5[%swap3A_19], %swap3A_22 {strides = array<i32>} : memref<128xf32, #tpu.memory_space<vmem>>, vector<16xf32>,
    %broadcast_in_dim3A_23 = arith.constant 1.000000e+00 : f32
    %broadcast_in_dim3A_24 = vector.broadcast %broadcast_in_dim3A_23 : f32 to vector<16xf32>
    %swap3A_25 = arith.constant 48 : index
    %swap3A_26 = tpu.vector_load %arg5[%swap3A_25] {strides = array<i32>} : memref<128xf32, #tpu.memory_space<vmem>>, vector<16xf32>,
    %swap3A_27 = vector.shape_cast %swap3A_26 : vector<16xf32> to vector<16xf32>
    %swap3A_28 = vector.shape_cast %broadcast_in_dim3A_24 : vector<16xf32> to vector<16xf32>
    tpu.vector_store %arg5[%swap3A_25], %swap3A_28 {strides = array<i32>} : memref<128xf32, #tpu.memory_space<vmem>>, vector<16xf32>,
    %broadcast_in_dim3A_29 = arith.constant 1.000000e+00 : f32
    %broadcast_in_dim3A_30 = vector.broadcast %broadcast_in_dim3A_29 : f32 to vector<16xf32>
    %swap3A_31 = arith.constant 64 : index
    %swap3A_32 = tpu.vector_load %arg5[%swap3A_31] {strides = array<i32>} : memref<128xf32, #tpu.memory_space<vmem>>, vector<16xf32>,
    %swap3A_33 = vector.shape_cast %swap3A_32 : vector<16xf32> to vector<16xf32>
    %swap3A_34 = vector.shape_cast %broadcast_in_dim3A_30 : vector<16xf32> to vector<16xf32>
    tpu.vector_store %arg5[%swap3A_31], %swap3A_34 {strides = array<i32>} : memref<128xf32, #tpu.memory_space<vmem>>, vector<16xf32>,
    %broadcast_in_dim3A_35 = arith.constant 1.000000e+00 : f32
    %broadcast_in_dim3A_36 = vector.broadcast %broadcast_in_dim3A_35 : f32 to vector<16xf32>
    %swap3A_37 = arith.constant 80 : index
    %swap3A_38 = tpu.vector_load %arg5[%swap3A_37] {strides = array<i32>} : memref<128xf32, #tpu.memory_space<vmem>>, vector<16xf32>,
    %swap3A_39 = vector.shape_cast %swap3A_38 : vector<16xf32> to vector<16xf32>
    %swap3A_40 = vector.shape_cast %broadcast_in_dim3A_36 : vector<16xf32> to vector<16xf32>
    tpu.vector_store %arg5[%swap3A_37], %swap3A_40 {strides = array<i32>} : memref<128xf32, #tpu.memory_space<vmem>>, vector<16xf32>,
    %broadcast_in_dim3A_41 = arith.constant 1.000000e+00 : f32
    %broadcast_in_dim3A_42 = vector.broadcast %broadcast_in_dim3A_41 : f32 to vector<16xf32>
    %swap3A_43 = arith.constant 96 : index
    %swap3A_44 = tpu.vector_load %arg5[%swap3A_43] {strides = array<i32>} : memref<128xf32, #tpu.memory_space<vmem>>, vector<16xf32>,
    %swap3A_45 = vector.shape_cast %swap3A_44 : vector<16xf32> to vector<16xf32>
    %swap3A_46 = vector.shape_cast %broadcast_in_dim3A_42 : vector<16xf32> to vector<16xf32>
    tpu.vector_store %arg5[%swap3A_43], %swap3A_46 {strides = array<i32>} : memref<128xf32, #tpu.memory_space<vmem>>, vector<16xf32>,
    %broadcast_in_dim3A_47 = arith.constant 1.000000e+00 : f32
    %broadcast_in_dim3A_48 = vector.broadcast %broadcast_in_dim3A_47 : f32 to vector<16xf32>
    %swap3A_49 = arith.constant 112 : index
    %swap3A_50 = tpu.vector_load %arg5[%swap3A_49] {strides = array<i32>} : memref<128xf32, #tpu.memory_space<vmem>>, vector<16xf32>,
    %swap3A_51 = vector.shape_cast %swap3A_50 : vector<16xf32> to vector<16xf32>
    %swap3A_52 = vector.shape_cast %broadcast_in_dim3A_48 : vector<16xf32> to vector<16xf32>
    tpu.vector_store %arg5[%swap3A_49], %swap3A_52 {strides = array<i32>} : memref<128xf32, #tpu.memory_space<vmem>>, vector<16xf32>,
    %mul3A_53 = arith.constant 640 : i32
    %mul3A_54 = arith.muli %arg1, %mul3A_53 : i32
    "tpu.region"() ({
      %run_scoped3A = tpu.sem_alloc : memref<!tpu.dma_semaphore, #tpu.memory_space<semaphore_mem>>
      %dma_start3A = tpu.memref_slice %arg7[%mul3A_54] : memref<10240xf32, #tpu.memory_space<vmem_shared>> -> memref<640xf32, #tpu.memory_space<vmem_shared>>
      %dma_start3A_69 = tpu.memref_slice %arg7[%mul3A_54] : memref<10240xf32, #tpu.memory_space<vmem_shared>> -> memref<640xf32, #tpu.memory_space<vmem_shared>>
      tpu.enqueue_dma source(%arg6 : memref<640xf32, #tpu.memory_space<vmem>>) target(%dma_start3A_69 : memref<640xf32, #tpu.memory_space<vmem_shared>>) target_semaphore(%run_scoped3A : memref<!tpu.dma_semaphore, #tpu.memory_space<semaphore_mem>>)
      %dma_wait3A = tpu.memref_slice %arg7[%mul3A_54] : memref<10240xf32, #tpu.memory_space<vmem_shared>> -> memref<640xf32, #tpu.memory_space<vmem_shared>>
      %dma_wait3A_70 = tpu.memref_slice %arg7[%mul3A_54] : memref<10240xf32, #tpu.memory_space<vmem_shared>> -> memref<640xf32, #tpu.memory_space<vmem_shared>>
      tpu.wait_dma2 semaphore(%run_scoped3A : memref<!tpu.dma_semaphore, #tpu.memory_space<semaphore_mem>>) src(%arg6 : memref<640xf32, #tpu.memory_space<vmem>>) dst(%dma_wait3A_70 : memref<640xf32, #tpu.memory_space<vmem_shared>>)
      tpu.yield
    }) : () -> ()
    %barrier3A = arith.constant 0 : index
    tpu.barrier barrier_id(%barrier3A)
    %mul3A_55 = arith.constant 80 : i32
    %mul3A_56 = arith.muli %add3A, %mul3A_55 : i32
    "tpu.region"() ({
      %run_scoped3A = tpu.sem_alloc : memref<!tpu.dma_semaphore, #tpu.memory_space<semaphore_mem>>
      %dma_start3A = arith.constant 0 : i32
      %dma_start3A_69 = tpu.memref_slice %arg2[%mul3A_56, %dma_start3A] : memref<2560x128xi32, #tpu.memory_space<hbm>> -> memref<80x128xi32, #tpu.memory_space<hbm>>
      %dma_start3A_70 = arith.constant 0 : i32
      %dma_start3A_71 = tpu.memref_slice %arg2[%mul3A_56, %dma_start3A_70] : memref<2560x128xi32, #tpu.memory_space<hbm>> -> memref<80x128xi32, #tpu.memory_space<hbm>>
      tpu.enqueue_dma source(%dma_start3A_71 : memref<80x128xi32, #tpu.memory_space<hbm>>) target(%arg4 : memref<80x128xi32, #tpu.memory_space<vmem>>) target_semaphore(%run_scoped3A : memref<!tpu.dma_semaphore, #tpu.memory_space<semaphore_mem>>)
      %dma_wait3A = arith.constant 0 : i32
      %dma_wait3A_72 = tpu.memref_slice %arg2[%mul3A_56, %dma_wait3A] : memref<2560x128xi32, #tpu.memory_space<hbm>> -> memref<80x128xi32, #tpu.memory_space<hbm>>
      %dma_wait3A_73 = arith.constant 0 : i32
      %dma_wait3A_74 = tpu.memref_slice %arg2[%mul3A_56, %dma_wait3A_73] : memref<2560x128xi32, #tpu.memory_space<hbm>> -> memref<80x128xi32, #tpu.memory_space<hbm>>
      tpu.wait_dma2 semaphore(%run_scoped3A : memref<!tpu.dma_semaphore, #tpu.memory_space<semaphore_mem>>) src(%dma_wait3A_74 : memref<80x128xi32, #tpu.memory_space<hbm>>) dst(%arg4 : memref<80x128xi32, #tpu.memory_space<vmem>>)
      tpu.yield
    }) : () -> ()
    %scan3A_57 = arith.constant 0 : i32
    %scan3A_58 = arith.constant 0 : i32
    %scan3A_59 = arith.constant 80 : i32
    %scan3A_60 = arith.addi %scan3A_58, %scan3A_59 : i32
    %scan3A_61 = arith.constant 1 : i32
    %scan3A_62 = scf.for %scan3A_69 = %scan3A_58 to %scan3A_60 step %scan3A_61 iter_args(%scan3A_70 = %scan3A_57) -> (i32)  : i32 {
      "tpu.region"() ({
        %run_scoped3A = tpu.sem_alloc : memref<!tpu.dma_semaphore, #tpu.memory_space<semaphore_mem>>
        %dma_start3A = arith.constant 0 : i32
        %dma_start3A_72 = tpu.memref_slice %arg4[%scan3A_69, %dma_start3A] : memref<80x128xi32, #tpu.memory_space<vmem>> -> memref<1x128xi32, #tpu.memory_space<vmem>>
        %dma_start3A_73 = tpu.memref_squeeze %dma_start3A_72 : memref<1x128xi32, #tpu.memory_space<vmem>> -> memref<128xi32, #tpu.memory_space<vmem>>
        %dma_start3A_74 = arith.constant 0 : i32
        %dma_start3A_75 = tpu.memref_slice %arg7[%dma_start3A_74] : memref<10240xf32, #tpu.memory_space<vmem_shared>> -> memref<10240xf32, #tpu.memory_space<vmem_shared>>
        tpu.enqueue_indirect_dma source(%arg5 : memref<128xf32, #tpu.memory_space<vmem>>) target(%dma_start3A_75 : memref<10240xf32, #tpu.memory_space<vmem_shared>>) offsets(%dma_start3A_73 : memref<128xi32, #tpu.memory_space<vmem>>) semaphore(%run_scoped3A : memref<!tpu.dma_semaphore, #tpu.memory_space<semaphore_mem>>) {add = true}
        %dma_wait3A = arith.constant 0 : i32
        %dma_wait3A_76 = tpu.memref_slice %arg4[%scan3A_69, %dma_wait3A] : memref<80x128xi32, #tpu.memory_space<vmem>> -> memref<1x128xi32, #tpu.memory_space<vmem>>
        %dma_wait3A_77 = tpu.memref_squeeze %dma_wait3A_76 : memref<1x128xi32, #tpu.memory_space<vmem>> -> memref<128xi32, #tpu.memory_space<vmem>>
        %dma_wait3A_78 = arith.constant 0 : i32
        %dma_wait3A_79 = tpu.memref_slice %arg7[%dma_wait3A_78] : memref<10240xf32, #tpu.memory_space<vmem_shared>> -> memref<10240xf32, #tpu.memory_space<vmem_shared>>
        tpu.wait_indirect_dma semaphore(%run_scoped3A : memref<!tpu.dma_semaphore, #tpu.memory_space<semaphore_mem>>) src(%arg5 : memref<128xf32, #tpu.memory_space<vmem>>) dst(%dma_wait3A_79 : memref<10240xf32, #tpu.memory_space<vmem_shared>>)
        tpu.yield
      }) : () -> ()
      %scan3A_71 = arith.constant 0 : i32
      scf.yield %scan3A_71 : i32
    }
    %scan3A_63 = arith.constant 80 : i32
    %barrier3A_64 = arith.constant 0 : index
    tpu.barrier barrier_id(%barrier3A_64)
    %mul3A_65 = arith.constant 640 : i32
    %mul3A_66 = arith.muli %arg1, %mul3A_65 : i32
    %mul3A_67 = arith.constant 640 : i32
    %mul3A_68 = arith.muli %add3A, %mul3A_67 : i32
    "tpu.region"() ({
      %run_scoped3A = tpu.sem_alloc : memref<!tpu.dma_semaphore, #tpu.memory_space<semaphore_mem>>
      %dma_start3A = tpu.memref_slice %arg3[%mul3A_68] : memref<20480xf32, #tpu.memory_space<hbm>> -> memref<640xf32, #tpu.memory_space<hbm>>
      %dma_start3A_69 = tpu.memref_slice %arg7[%mul3A_66] : memref<10240xf32, #tpu.memory_space<vmem_shared>> -> memref<640xf32, #tpu.memory_space<vmem_shared>>
      tpu.enqueue_dma source(%dma_start3A_69 : memref<640xf32, #tpu.memory_space<vmem_shared>>) target(%dma_start3A : memref<640xf32, #tpu.memory_space<hbm>>) target_semaphore(%run_scoped3A : memref<!tpu.dma_semaphore, #tpu.memory_space<semaphore_mem>>)
      %dma_wait3A = tpu.memref_slice %arg3[%mul3A_68] : memref<20480xf32, #tpu.memory_space<hbm>> -> memref<640xf32, #tpu.memory_space<hbm>>
      %dma_wait3A_70 = tpu.memref_slice %arg7[%mul3A_66] : memref<10240xf32, #tpu.memory_space<vmem_shared>> -> memref<640xf32, #tpu.memory_space<vmem_shared>>
      tpu.wait_dma2 semaphore(%run_scoped3A : memref<!tpu.dma_semaphore, #tpu.memory_space<semaphore_mem>>) src(%dma_wait3A_70 : memref<640xf32, #tpu.memory_space<vmem_shared>>) dst(%dma_wait3A : memref<640xf32, #tpu.memory_space<hbm>>)
      tpu.yield
    }) : () -> ()
    return
  }
}

#map = affine_map<(d0, d1) -> (0, 0)>
#map1 = affine_map<(d0, d1) -> (0)>
#map2 = affine_map<(d0, d1) -> (0, 0, 0, 0)>
module attributes {stable_mosaic.version = 14 : i64} {
  func.func @_agg_body(%arg0: i32, %arg1: i32, %arg2: memref<10240x128xf32, #tpu.memory_space<hbm>>, %arg3: memref<327680xi32, #tpu.memory_space<hbm>>, %arg4: memref<2560x128xi32, #tpu.memory_space<hbm>>, %arg5: memref<2x16x632x128xf32, #tpu.memory_space<hbm>>, %arg6: memref<2048xi32, #tpu.memory_space<vmem>>, %arg7: memref<8x128xi32, #tpu.memory_space<vmem>>, %arg8: memref<8x128xi32, #tpu.memory_space<vmem>>, %arg9: memref<128x128xf32, #tpu.memory_space<vmem>>, %arg10: memref<128x128xf32, #tpu.memory_space<vmem>>, %arg11: memref<10112x128xf32, #tpu.memory_space<vmem_shared>>, %arg12: memref<!tpu.dma_semaphore, #tpu.memory_space<semaphore_mem>>, %arg13: memref<!tpu.dma_semaphore, #tpu.memory_space<semaphore_mem>>, %arg14: memref<!tpu.dma_semaphore, #tpu.memory_space<semaphore_mem>>, %arg15: memref<!tpu.dma_semaphore, #tpu.memory_space<semaphore_mem>>) attributes {dimension_semantics = [#tpu.dimension_semantics<core_parallel>, #tpu.dimension_semantics<subcore_parallel>], iteration_bounds = array<i64: 2, 16>, scalar_prefetch = 0 : i64, scratch_operands = 10 : i64, tpu.core_type = #tpu.core_type<sc_vector_subcore>, window_params = [{transform_indices = #map}, {transform_indices = #map1}, {transform_indices = #map}, {transform_indices = #map2}]} {
    %mul3A = arith.constant 16 : i32
    %mul3A_0 = arith.muli %arg0, %mul3A : i32
    %add3A = arith.addi %mul3A_0, %arg1 : i32
    %mul3A_1 = arith.constant 80 : i32
    %mul3A_2 = arith.muli %add3A, %mul3A_1 : i32
    %scan3A = arith.constant 0 : i32
    %scan3A_3 = arith.constant 0 : i32
    %scan3A_4 = arith.constant 128 : i32
    %scan3A_5 = arith.addi %scan3A_3, %scan3A_4 : i32
    %scan3A_6 = arith.constant 1 : i32
    %scan3A_7 = scf.for %scan3A_52 = %scan3A_3 to %scan3A_5 step %scan3A_6 iter_args(%scan3A_53 = %scan3A) -> (i32)  : i32 {
      %broadcast_in_dim3A = arith.constant 0.000000e+00 : f32
      %broadcast_in_dim3A_54 = vector.broadcast %broadcast_in_dim3A : f32 to vector<16xf32>
      %swap3A = arith.index_cast %scan3A_52 : i32 to index
      %swap3A_55 = arith.constant 0 : index
      %swap3A_56 = tpu.vector_load %arg9[%swap3A, %swap3A_55] {strides = array<i32>} : memref<128x128xf32, #tpu.memory_space<vmem>>, vector<1x16xf32>,
      %swap3A_57 = vector.shape_cast %swap3A_56 : vector<1x16xf32> to vector<16xf32>
      %swap3A_58 = vector.shape_cast %broadcast_in_dim3A_54 : vector<16xf32> to vector<1x16xf32>
      tpu.vector_store %arg9[%swap3A, %swap3A_55], %swap3A_58 {strides = array<i32>} : memref<128x128xf32, #tpu.memory_space<vmem>>, vector<1x16xf32>,
      %broadcast_in_dim3A_59 = arith.constant 0.000000e+00 : f32
      %broadcast_in_dim3A_60 = vector.broadcast %broadcast_in_dim3A_59 : f32 to vector<16xf32>
      %swap3A_61 = arith.index_cast %scan3A_52 : i32 to index
      %swap3A_62 = arith.constant 16 : index
      %swap3A_63 = tpu.vector_load %arg9[%swap3A_61, %swap3A_62] {strides = array<i32>} : memref<128x128xf32, #tpu.memory_space<vmem>>, vector<1x16xf32>,
      %swap3A_64 = vector.shape_cast %swap3A_63 : vector<1x16xf32> to vector<16xf32>
      %swap3A_65 = vector.shape_cast %broadcast_in_dim3A_60 : vector<16xf32> to vector<1x16xf32>
      tpu.vector_store %arg9[%swap3A_61, %swap3A_62], %swap3A_65 {strides = array<i32>} : memref<128x128xf32, #tpu.memory_space<vmem>>, vector<1x16xf32>,
      %broadcast_in_dim3A_66 = arith.constant 0.000000e+00 : f32
      %broadcast_in_dim3A_67 = vector.broadcast %broadcast_in_dim3A_66 : f32 to vector<16xf32>
      %swap3A_68 = arith.index_cast %scan3A_52 : i32 to index
      %swap3A_69 = arith.constant 32 : index
      %swap3A_70 = tpu.vector_load %arg9[%swap3A_68, %swap3A_69] {strides = array<i32>} : memref<128x128xf32, #tpu.memory_space<vmem>>, vector<1x16xf32>,
      %swap3A_71 = vector.shape_cast %swap3A_70 : vector<1x16xf32> to vector<16xf32>
      %swap3A_72 = vector.shape_cast %broadcast_in_dim3A_67 : vector<16xf32> to vector<1x16xf32>
      tpu.vector_store %arg9[%swap3A_68, %swap3A_69], %swap3A_72 {strides = array<i32>} : memref<128x128xf32, #tpu.memory_space<vmem>>, vector<1x16xf32>,
      %broadcast_in_dim3A_73 = arith.constant 0.000000e+00 : f32
      %broadcast_in_dim3A_74 = vector.broadcast %broadcast_in_dim3A_73 : f32 to vector<16xf32>
      %swap3A_75 = arith.index_cast %scan3A_52 : i32 to index
      %swap3A_76 = arith.constant 48 : index
      %swap3A_77 = tpu.vector_load %arg9[%swap3A_75, %swap3A_76] {strides = array<i32>} : memref<128x128xf32, #tpu.memory_space<vmem>>, vector<1x16xf32>,
      %swap3A_78 = vector.shape_cast %swap3A_77 : vector<1x16xf32> to vector<16xf32>
      %swap3A_79 = vector.shape_cast %broadcast_in_dim3A_74 : vector<16xf32> to vector<1x16xf32>
      tpu.vector_store %arg9[%swap3A_75, %swap3A_76], %swap3A_79 {strides = array<i32>} : memref<128x128xf32, #tpu.memory_space<vmem>>, vector<1x16xf32>,
      %broadcast_in_dim3A_80 = arith.constant 0.000000e+00 : f32
      %broadcast_in_dim3A_81 = vector.broadcast %broadcast_in_dim3A_80 : f32 to vector<16xf32>
      %swap3A_82 = arith.index_cast %scan3A_52 : i32 to index
      %swap3A_83 = arith.constant 64 : index
      %swap3A_84 = tpu.vector_load %arg9[%swap3A_82, %swap3A_83] {strides = array<i32>} : memref<128x128xf32, #tpu.memory_space<vmem>>, vector<1x16xf32>,
      %swap3A_85 = vector.shape_cast %swap3A_84 : vector<1x16xf32> to vector<16xf32>
      %swap3A_86 = vector.shape_cast %broadcast_in_dim3A_81 : vector<16xf32> to vector<1x16xf32>
      tpu.vector_store %arg9[%swap3A_82, %swap3A_83], %swap3A_86 {strides = array<i32>} : memref<128x128xf32, #tpu.memory_space<vmem>>, vector<1x16xf32>,
      %broadcast_in_dim3A_87 = arith.constant 0.000000e+00 : f32
      %broadcast_in_dim3A_88 = vector.broadcast %broadcast_in_dim3A_87 : f32 to vector<16xf32>
      %swap3A_89 = arith.index_cast %scan3A_52 : i32 to index
      %swap3A_90 = arith.constant 80 : index
      %swap3A_91 = tpu.vector_load %arg9[%swap3A_89, %swap3A_90] {strides = array<i32>} : memref<128x128xf32, #tpu.memory_space<vmem>>, vector<1x16xf32>,
      %swap3A_92 = vector.shape_cast %swap3A_91 : vector<1x16xf32> to vector<16xf32>
      %swap3A_93 = vector.shape_cast %broadcast_in_dim3A_88 : vector<16xf32> to vector<1x16xf32>
      tpu.vector_store %arg9[%swap3A_89, %swap3A_90], %swap3A_93 {strides = array<i32>} : memref<128x128xf32, #tpu.memory_space<vmem>>, vector<1x16xf32>,
      %broadcast_in_dim3A_94 = arith.constant 0.000000e+00 : f32
      %broadcast_in_dim3A_95 = vector.broadcast %broadcast_in_dim3A_94 : f32 to vector<16xf32>
      %swap3A_96 = arith.index_cast %scan3A_52 : i32 to index
      %swap3A_97 = arith.constant 96 : index
      %swap3A_98 = tpu.vector_load %arg9[%swap3A_96, %swap3A_97] {strides = array<i32>} : memref<128x128xf32, #tpu.memory_space<vmem>>, vector<1x16xf32>,
      %swap3A_99 = vector.shape_cast %swap3A_98 : vector<1x16xf32> to vector<16xf32>
      %swap3A_100 = vector.shape_cast %broadcast_in_dim3A_95 : vector<16xf32> to vector<1x16xf32>
      tpu.vector_store %arg9[%swap3A_96, %swap3A_97], %swap3A_100 {strides = array<i32>} : memref<128x128xf32, #tpu.memory_space<vmem>>, vector<1x16xf32>,
      %broadcast_in_dim3A_101 = arith.constant 0.000000e+00 : f32
      %broadcast_in_dim3A_102 = vector.broadcast %broadcast_in_dim3A_101 : f32 to vector<16xf32>
      %swap3A_103 = arith.index_cast %scan3A_52 : i32 to index
      %swap3A_104 = arith.constant 112 : index
      %swap3A_105 = tpu.vector_load %arg9[%swap3A_103, %swap3A_104] {strides = array<i32>} : memref<128x128xf32, #tpu.memory_space<vmem>>, vector<1x16xf32>,
      %swap3A_106 = vector.shape_cast %swap3A_105 : vector<1x16xf32> to vector<16xf32>
      %swap3A_107 = vector.shape_cast %broadcast_in_dim3A_102 : vector<16xf32> to vector<1x16xf32>
      tpu.vector_store %arg9[%swap3A_103, %swap3A_104], %swap3A_107 {strides = array<i32>} : memref<128x128xf32, #tpu.memory_space<vmem>>, vector<1x16xf32>,
      %scan3A_108 = arith.constant 0 : i32
      scf.yield %scan3A_108 : i32
    }
    %scan3A_8 = arith.constant 128 : i32
    %mul3A_9 = arith.constant 632 : i32
    %mul3A_10 = arith.muli %arg1, %mul3A_9 : i32
    %add3A_11 = arith.constant 0 : i32
    %add3A_12 = arith.addi %mul3A_10, %add3A_11 : i32
    "tpu.region"() ({
      %run_scoped3A = tpu.sem_alloc : memref<!tpu.dma_semaphore, #tpu.memory_space<semaphore_mem>>
      %dma_start3A = arith.constant 0 : i32
      %dma_start3A_52 = tpu.memref_slice %arg11[%add3A_12, %dma_start3A] : memref<10112x128xf32, #tpu.memory_space<vmem_shared>> -> memref<128x128xf32, #tpu.memory_space<vmem_shared>>
      %dma_start3A_53 = arith.constant 0 : i32
      %dma_start3A_54 = tpu.memref_slice %arg11[%add3A_12, %dma_start3A_53] : memref<10112x128xf32, #tpu.memory_space<vmem_shared>> -> memref<128x128xf32, #tpu.memory_space<vmem_shared>>
      tpu.enqueue_dma source(%arg9 : memref<128x128xf32, #tpu.memory_space<vmem>>) target(%dma_start3A_54 : memref<128x128xf32, #tpu.memory_space<vmem_shared>>) target_semaphore(%run_scoped3A : memref<!tpu.dma_semaphore, #tpu.memory_space<semaphore_mem>>)
      %dma_wait3A_55 = arith.constant 0 : i32
      %dma_wait3A_56 = tpu.memref_slice %arg11[%add3A_12, %dma_wait3A_55] : memref<10112x128xf32, #tpu.memory_space<vmem_shared>> -> memref<128x128xf32, #tpu.memory_space<vmem_shared>>
      %dma_wait3A_57 = arith.constant 0 : i32
      %dma_wait3A_58 = tpu.memref_slice %arg11[%add3A_12, %dma_wait3A_57] : memref<10112x128xf32, #tpu.memory_space<vmem_shared>> -> memref<128x128xf32, #tpu.memory_space<vmem_shared>>
      tpu.wait_dma2 semaphore(%run_scoped3A : memref<!tpu.dma_semaphore, #tpu.memory_space<semaphore_mem>>) src(%arg9 : memref<128x128xf32, #tpu.memory_space<vmem>>) dst(%dma_wait3A_58 : memref<128x128xf32, #tpu.memory_space<vmem_shared>>)
      tpu.yield
    }) : () -> ()
    %mul3A_13 = arith.constant 632 : i32
    %mul3A_14 = arith.muli %arg1, %mul3A_13 : i32
    %add3A_15 = arith.constant 128 : i32
    %add3A_16 = arith.addi %mul3A_14, %add3A_15 : i32
    "tpu.region"() ({
      %run_scoped3A = tpu.sem_alloc : memref<!tpu.dma_semaphore, #tpu.memory_space<semaphore_mem>>
      %dma_start3A = arith.constant 0 : i32
      %dma_start3A_52 = tpu.memref_slice %arg11[%add3A_16, %dma_start3A] : memref<10112x128xf32, #tpu.memory_space<vmem_shared>> -> memref<128x128xf32, #tpu.memory_space<vmem_shared>>
      %dma_start3A_53 = arith.constant 0 : i32
      %dma_start3A_54 = tpu.memref_slice %arg11[%add3A_16, %dma_start3A_53] : memref<10112x128xf32, #tpu.memory_space<vmem_shared>> -> memref<128x128xf32, #tpu.memory_space<vmem_shared>>
      tpu.enqueue_dma source(%arg9 : memref<128x128xf32, #tpu.memory_space<vmem>>) target(%dma_start3A_54 : memref<128x128xf32, #tpu.memory_space<vmem_shared>>) target_semaphore(%run_scoped3A : memref<!tpu.dma_semaphore, #tpu.memory_space<semaphore_mem>>)
      %dma_wait3A_55 = arith.constant 0 : i32
      %dma_wait3A_56 = tpu.memref_slice %arg11[%add3A_16, %dma_wait3A_55] : memref<10112x128xf32, #tpu.memory_space<vmem_shared>> -> memref<128x128xf32, #tpu.memory_space<vmem_shared>>
      %dma_wait3A_57 = arith.constant 0 : i32
      %dma_wait3A_58 = tpu.memref_slice %arg11[%add3A_16, %dma_wait3A_57] : memref<10112x128xf32, #tpu.memory_space<vmem_shared>> -> memref<128x128xf32, #tpu.memory_space<vmem_shared>>
      tpu.wait_dma2 semaphore(%run_scoped3A : memref<!tpu.dma_semaphore, #tpu.memory_space<semaphore_mem>>) src(%arg9 : memref<128x128xf32, #tpu.memory_space<vmem>>) dst(%dma_wait3A_58 : memref<128x128xf32, #tpu.memory_space<vmem_shared>>)
      tpu.yield
    }) : () -> ()
    %mul3A_17 = arith.constant 632 : i32
    %mul3A_18 = arith.muli %arg1, %mul3A_17 : i32
    %add3A_19 = arith.constant 256 : i32
    %add3A_20 = arith.addi %mul3A_18, %add3A_19 : i32
    "tpu.region"() ({
      %run_scoped3A = tpu.sem_alloc : memref<!tpu.dma_semaphore, #tpu.memory_space<semaphore_mem>>
      %dma_start3A = arith.constant 0 : i32
      %dma_start3A_52 = tpu.memref_slice %arg11[%add3A_20, %dma_start3A] : memref<10112x128xf32, #tpu.memory_space<vmem_shared>> -> memref<128x128xf32, #tpu.memory_space<vmem_shared>>
      %dma_start3A_53 = arith.constant 0 : i32
      %dma_start3A_54 = tpu.memref_slice %arg11[%add3A_20, %dma_start3A_53] : memref<10112x128xf32, #tpu.memory_space<vmem_shared>> -> memref<128x128xf32, #tpu.memory_space<vmem_shared>>
      tpu.enqueue_dma source(%arg9 : memref<128x128xf32, #tpu.memory_space<vmem>>) target(%dma_start3A_54 : memref<128x128xf32, #tpu.memory_space<vmem_shared>>) target_semaphore(%run_scoped3A : memref<!tpu.dma_semaphore, #tpu.memory_space<semaphore_mem>>)
      %dma_wait3A_55 = arith.constant 0 : i32
      %dma_wait3A_56 = tpu.memref_slice %arg11[%add3A_20, %dma_wait3A_55] : memref<10112x128xf32, #tpu.memory_space<vmem_shared>> -> memref<128x128xf32, #tpu.memory_space<vmem_shared>>
      %dma_wait3A_57 = arith.constant 0 : i32
      %dma_wait3A_58 = tpu.memref_slice %arg11[%add3A_20, %dma_wait3A_57] : memref<10112x128xf32, #tpu.memory_space<vmem_shared>> -> memref<128x128xf32, #tpu.memory_space<vmem_shared>>
      tpu.wait_dma2 semaphore(%run_scoped3A : memref<!tpu.dma_semaphore, #tpu.memory_space<semaphore_mem>>) src(%arg9 : memref<128x128xf32, #tpu.memory_space<vmem>>) dst(%dma_wait3A_58 : memref<128x128xf32, #tpu.memory_space<vmem_shared>>)
      tpu.yield
    }) : () -> ()
    %mul3A_21 = arith.constant 632 : i32
    %mul3A_22 = arith.muli %arg1, %mul3A_21 : i32
    %add3A_23 = arith.constant 384 : i32
    %add3A_24 = arith.addi %mul3A_22, %add3A_23 : i32
    "tpu.region"() ({
      %run_scoped3A = tpu.sem_alloc : memref<!tpu.dma_semaphore, #tpu.memory_space<semaphore_mem>>
      %dma_start3A = arith.constant 0 : i32
      %dma_start3A_52 = tpu.memref_slice %arg11[%add3A_24, %dma_start3A] : memref<10112x128xf32, #tpu.memory_space<vmem_shared>> -> memref<128x128xf32, #tpu.memory_space<vmem_shared>>
      %dma_start3A_53 = arith.constant 0 : i32
      %dma_start3A_54 = tpu.memref_slice %arg11[%add3A_24, %dma_start3A_53] : memref<10112x128xf32, #tpu.memory_space<vmem_shared>> -> memref<128x128xf32, #tpu.memory_space<vmem_shared>>
      tpu.enqueue_dma source(%arg9 : memref<128x128xf32, #tpu.memory_space<vmem>>) target(%dma_start3A_54 : memref<128x128xf32, #tpu.memory_space<vmem_shared>>) target_semaphore(%run_scoped3A : memref<!tpu.dma_semaphore, #tpu.memory_space<semaphore_mem>>)
      %dma_wait3A_55 = arith.constant 0 : i32
      %dma_wait3A_56 = tpu.memref_slice %arg11[%add3A_24, %dma_wait3A_55] : memref<10112x128xf32, #tpu.memory_space<vmem_shared>> -> memref<128x128xf32, #tpu.memory_space<vmem_shared>>
      %dma_wait3A_57 = arith.constant 0 : i32
      %dma_wait3A_58 = tpu.memref_slice %arg11[%add3A_24, %dma_wait3A_57] : memref<10112x128xf32, #tpu.memory_space<vmem_shared>> -> memref<128x128xf32, #tpu.memory_space<vmem_shared>>
      tpu.wait_dma2 semaphore(%run_scoped3A : memref<!tpu.dma_semaphore, #tpu.memory_space<semaphore_mem>>) src(%arg9 : memref<128x128xf32, #tpu.memory_space<vmem>>) dst(%dma_wait3A_58 : memref<128x128xf32, #tpu.memory_space<vmem_shared>>)
      tpu.yield
    }) : () -> ()
    %mul3A_25 = arith.constant 632 : i32
    %mul3A_26 = arith.muli %arg1, %mul3A_25 : i32
    %add3A_27 = arith.constant 512 : i32
    %add3A_28 = arith.addi %mul3A_26, %add3A_27 : i32
    "tpu.region"() ({
      %run_scoped3A = tpu.sem_alloc : memref<!tpu.dma_semaphore, #tpu.memory_space<semaphore_mem>>
      %dma_start3A = arith.constant 0 : i32
      %dma_start3A_52 = arith.constant 0 : i32
      %dma_start3A_53 = tpu.memref_slice %arg9[%dma_start3A, %dma_start3A_52] : memref<128x128xf32, #tpu.memory_space<vmem>> -> memref<120x128xf32, #tpu.memory_space<vmem>>
      %dma_start3A_54 = arith.constant 0 : i32
      %dma_start3A_55 = tpu.memref_slice %arg11[%add3A_28, %dma_start3A_54] : memref<10112x128xf32, #tpu.memory_space<vmem_shared>> -> memref<120x128xf32, #tpu.memory_space<vmem_shared>>
      %dma_start3A_56 = arith.constant 0 : i32
      %dma_start3A_57 = tpu.memref_slice %arg11[%add3A_28, %dma_start3A_56] : memref<10112x128xf32, #tpu.memory_space<vmem_shared>> -> memref<120x128xf32, #tpu.memory_space<vmem_shared>>
      %dma_start3A_58 = arith.constant 0 : i32
      %dma_start3A_59 = arith.constant 0 : i32
      %dma_start3A_60 = tpu.memref_slice %arg9[%dma_start3A_58, %dma_start3A_59] : memref<128x128xf32, #tpu.memory_space<vmem>> -> memref<120x128xf32, #tpu.memory_space<vmem>>
      tpu.enqueue_dma source(%dma_start3A_60 : memref<120x128xf32, #tpu.memory_space<vmem>>) target(%dma_start3A_57 : memref<120x128xf32, #tpu.memory_space<vmem_shared>>) target_semaphore(%run_scoped3A : memref<!tpu.dma_semaphore, #tpu.memory_space<semaphore_mem>>)
      %dma_wait3A_61 = arith.constant 0 : i32
      %dma_wait3A_62 = arith.constant 0 : i32
      %dma_wait3A_63 = tpu.memref_slice %arg9[%dma_wait3A_61, %dma_wait3A_62] : memref<128x128xf32, #tpu.memory_space<vmem>> -> memref<120x128xf32, #tpu.memory_space<vmem>>
      %dma_wait3A_64 = arith.constant 0 : i32
      %dma_wait3A_65 = tpu.memref_slice %arg11[%add3A_28, %dma_wait3A_64] : memref<10112x128xf32, #tpu.memory_space<vmem_shared>> -> memref<120x128xf32, #tpu.memory_space<vmem_shared>>
      %dma_wait3A_66 = arith.constant 0 : i32
      %dma_wait3A_67 = tpu.memref_slice %arg11[%add3A_28, %dma_wait3A_66] : memref<10112x128xf32, #tpu.memory_space<vmem_shared>> -> memref<120x128xf32, #tpu.memory_space<vmem_shared>>
      %dma_wait3A_68 = arith.constant 0 : i32
      %dma_wait3A_69 = arith.constant 0 : i32
      %dma_wait3A_70 = tpu.memref_slice %arg9[%dma_wait3A_68, %dma_wait3A_69] : memref<128x128xf32, #tpu.memory_space<vmem>> -> memref<120x128xf32, #tpu.memory_space<vmem>>
      tpu.wait_dma2 semaphore(%run_scoped3A : memref<!tpu.dma_semaphore, #tpu.memory_space<semaphore_mem>>) src(%dma_wait3A_70 : memref<120x128xf32, #tpu.memory_space<vmem>>) dst(%dma_wait3A_67 : memref<120x128xf32, #tpu.memory_space<vmem_shared>>)
      tpu.yield
    }) : () -> ()
    %barrier3A = arith.constant 0 : index
    tpu.barrier barrier_id(%barrier3A)
    %scan3A_29 = arith.constant 0 : i32
    %scan3A_30 = arith.constant 0 : i32
    %scan3A_31 = arith.constant 5 : i32
    %scan3A_32 = arith.addi %scan3A_30, %scan3A_31 : i32
    %scan3A_33 = arith.constant 1 : i32
    %scan3A_34 = scf.for %scan3A_52 = %scan3A_30 to %scan3A_32 step %scan3A_33 iter_args(%scan3A_53 = %scan3A_29) -> (i32)  : i32 {
      %mul3A_54 = arith.constant 16 : i32
      %mul3A_55 = arith.muli %mul3A_54, %scan3A_52 : i32
      %add3A_56 = arith.addi %mul3A_2, %mul3A_55 : i32
      %mul3A_57 = arith.constant 16 : i32
      %mul3A_58 = arith.muli %mul3A_57, %scan3A_52 : i32
      %add3A_59 = arith.addi %mul3A_2, %mul3A_58 : i32
      %mul3A_60 = arith.constant 128 : i32
      %mul3A_61 = arith.muli %add3A_59, %mul3A_60 : i32
      "tpu.region"() ({
        %run_scoped3A = tpu.sem_alloc : memref<!tpu.dma_semaphore, #tpu.memory_space<semaphore_mem>>
        %dma_start3A_436 = tpu.memref_slice %arg3[%mul3A_61] : memref<327680xi32, #tpu.memory_space<hbm>> -> memref<2048xi32, #tpu.memory_space<hbm>>
        %dma_start3A_437 = tpu.memref_slice %arg3[%mul3A_61] : memref<327680xi32, #tpu.memory_space<hbm>> -> memref<2048xi32, #tpu.memory_space<hbm>>
        tpu.enqueue_dma source(%dma_start3A_437 : memref<2048xi32, #tpu.memory_space<hbm>>) target(%arg6 : memref<2048xi32, #tpu.memory_space<vmem>>) target_semaphore(%run_scoped3A : memref<!tpu.dma_semaphore, #tpu.memory_space<semaphore_mem>>)
        %dma_wait3A_438 = tpu.memref_slice %arg3[%mul3A_61] : memref<327680xi32, #tpu.memory_space<hbm>> -> memref<2048xi32, #tpu.memory_space<hbm>>
        %dma_wait3A_439 = tpu.memref_slice %arg3[%mul3A_61] : memref<327680xi32, #tpu.memory_space<hbm>> -> memref<2048xi32, #tpu.memory_space<hbm>>
        tpu.wait_dma2 semaphore(%run_scoped3A : memref<!tpu.dma_semaphore, #tpu.memory_space<semaphore_mem>>) src(%dma_wait3A_439 : memref<2048xi32, #tpu.memory_space<hbm>>) dst(%arg6 : memref<2048xi32, #tpu.memory_space<vmem>>)
        tpu.yield
      }) : () -> ()
      "tpu.region"() ({
        %run_scoped3A = tpu.sem_alloc : memref<!tpu.dma_semaphore, #tpu.memory_space<semaphore_mem>>
        %dma_start3A_436 = arith.constant 0 : i32
        %dma_start3A_437 = tpu.memref_slice %arg4[%add3A_56, %dma_start3A_436] : memref<2560x128xi32, #tpu.memory_space<hbm>> -> memref<8x128xi32, #tpu.memory_space<hbm>>
        %dma_start3A_438 = arith.constant 0 : i32
        %dma_start3A_439 = tpu.memref_slice %arg4[%add3A_56, %dma_start3A_438] : memref<2560x128xi32, #tpu.memory_space<hbm>> -> memref<8x128xi32, #tpu.memory_space<hbm>>
        tpu.enqueue_dma source(%dma_start3A_439 : memref<8x128xi32, #tpu.memory_space<hbm>>) target(%arg7 : memref<8x128xi32, #tpu.memory_space<vmem>>) target_semaphore(%run_scoped3A : memref<!tpu.dma_semaphore, #tpu.memory_space<semaphore_mem>>)
        %dma_wait3A_440 = arith.constant 0 : i32
        %dma_wait3A_441 = tpu.memref_slice %arg4[%add3A_56, %dma_wait3A_440] : memref<2560x128xi32, #tpu.memory_space<hbm>> -> memref<8x128xi32, #tpu.memory_space<hbm>>
        %dma_wait3A_442 = arith.constant 0 : i32
        %dma_wait3A_443 = tpu.memref_slice %arg4[%add3A_56, %dma_wait3A_442] : memref<2560x128xi32, #tpu.memory_space<hbm>> -> memref<8x128xi32, #tpu.memory_space<hbm>>
        tpu.wait_dma2 semaphore(%run_scoped3A : memref<!tpu.dma_semaphore, #tpu.memory_space<semaphore_mem>>) src(%dma_wait3A_443 : memref<8x128xi32, #tpu.memory_space<hbm>>) dst(%arg7 : memref<8x128xi32, #tpu.memory_space<vmem>>)
        tpu.yield
      }) : () -> ()
      %gt3A = arith.constant 0 : i32
      %gt3A_62 = arith.cmpi sgt, %scan3A_52, %gt3A : i32
      %convert_element_type3A = arith.extui %gt3A_62 : i1 to i32
      %cond3A = arith.constant 0 : i32
      %cond3A_63 = arith.cmpi ne, %convert_element_type3A, %cond3A : i32
      scf.if %cond3A_63 {
        %dma_wait3A_436 = arith.constant 6 : i32
        %dma_wait3A_437 = arith.constant 0 : i32
        %dma_wait3A_438 = tpu.memref_slice %arg8[%dma_wait3A_436, %dma_wait3A_437] : memref<8x128xi32, #tpu.memory_space<vmem>> -> memref<1x128xi32, #tpu.memory_space<vmem>>
        %dma_wait3A_439 = tpu.memref_squeeze %dma_wait3A_438 : memref<1x128xi32, #tpu.memory_space<vmem>> -> memref<128xi32, #tpu.memory_space<vmem>>
        %dma_wait3A_440 = arith.constant 0 : i32
        %dma_wait3A_441 = arith.constant 0 : i32
        %dma_wait3A_442 = tpu.memref_slice %arg11[%dma_wait3A_440, %dma_wait3A_441] : memref<10112x128xf32, #tpu.memory_space<vmem_shared>> -> memref<10112x128xf32, #tpu.memory_space<vmem_shared>>
        tpu.wait_indirect_dma semaphore(%arg14 : memref<!tpu.dma_semaphore, #tpu.memory_space<semaphore_mem>>) src(%arg9 : memref<128x128xf32, #tpu.memory_space<vmem>>) dst(%dma_wait3A_442 : memref<10112x128xf32, #tpu.memory_space<vmem_shared>>)
        %dma_wait3A_443 = arith.constant 7 : i32
        %dma_wait3A_444 = arith.constant 0 : i32
        %dma_wait3A_445 = tpu.memref_slice %arg8[%dma_wait3A_443, %dma_wait3A_444] : memref<8x128xi32, #tpu.memory_space<vmem>> -> memref<1x128xi32, #tpu.memory_space<vmem>>
        %dma_wait3A_446 = tpu.memref_squeeze %dma_wait3A_445 : memref<1x128xi32, #tpu.memory_space<vmem>> -> memref<128xi32, #tpu.memory_space<vmem>>
        %dma_wait3A_447 = arith.constant 0 : i32
        %dma_wait3A_448 = arith.constant 0 : i32
        %dma_wait3A_449 = tpu.memref_slice %arg11[%dma_wait3A_447, %dma_wait3A_448] : memref<10112x128xf32, #tpu.memory_space<vmem_shared>> -> memref<10112x128xf32, #tpu.memory_space<vmem_shared>>
        tpu.wait_indirect_dma semaphore(%arg15 : memref<!tpu.dma_semaphore, #tpu.memory_space<semaphore_mem>>) src(%arg10 : memref<128x128xf32, #tpu.memory_space<vmem>>) dst(%dma_wait3A_449 : memref<10112x128xf32, #tpu.memory_space<vmem_shared>>)
      } else {
      }
      %dma_start3A = arith.constant 0 : i32
      %dma_start3A_64 = tpu.memref_slice %arg6[%dma_start3A] : memref<2048xi32, #tpu.memory_space<vmem>> -> memref<128xi32, #tpu.memory_space<vmem>>
      %dma_start3A_65 = arith.constant 0 : i32
      %dma_start3A_66 = arith.constant 0 : i32
      %dma_start3A_67 = tpu.memref_slice %arg2[%dma_start3A_65, %dma_start3A_66] : memref<10240x128xf32, #tpu.memory_space<hbm>> -> memref<10240x128xf32, #tpu.memory_space<hbm>>
      tpu.enqueue_indirect_dma source(%dma_start3A_67 : memref<10240x128xf32, #tpu.memory_space<hbm>>) target(%arg9 : memref<128x128xf32, #tpu.memory_space<vmem>>) offsets(%dma_start3A_64 : memref<128xi32, #tpu.memory_space<vmem>>) semaphore(%arg12 : memref<!tpu.dma_semaphore, #tpu.memory_space<semaphore_mem>>)
      %dma_start3A_68 = arith.constant 128 : i32
      %dma_start3A_69 = tpu.memref_slice %arg6[%dma_start3A_68] : memref<2048xi32, #tpu.memory_space<vmem>> -> memref<128xi32, #tpu.memory_space<vmem>>
      %dma_start3A_70 = arith.constant 0 : i32
      %dma_start3A_71 = arith.constant 0 : i32
      %dma_start3A_72 = tpu.memref_slice %arg2[%dma_start3A_70, %dma_start3A_71] : memref<10240x128xf32, #tpu.memory_space<hbm>> -> memref<10240x128xf32, #tpu.memory_space<hbm>>
      tpu.enqueue_indirect_dma source(%dma_start3A_72 : memref<10240x128xf32, #tpu.memory_space<hbm>>) target(%arg10 : memref<128x128xf32, #tpu.memory_space<vmem>>) offsets(%dma_start3A_69 : memref<128xi32, #tpu.memory_space<vmem>>) semaphore(%arg13 : memref<!tpu.dma_semaphore, #tpu.memory_space<semaphore_mem>>)
      %dma_wait3A_73 = arith.constant 0 : i32
      %dma_wait3A_74 = tpu.memref_slice %arg6[%dma_wait3A_73] : memref<2048xi32, #tpu.memory_space<vmem>> -> memref<128xi32, #tpu.memory_space<vmem>>
      %dma_wait3A_75 = arith.constant 0 : i32
      %dma_wait3A_76 = arith.constant 0 : i32
      %dma_wait3A_77 = tpu.memref_slice %arg2[%dma_wait3A_75, %dma_wait3A_76] : memref<10240x128xf32, #tpu.memory_space<hbm>> -> memref<10240x128xf32, #tpu.memory_space<hbm>>
      tpu.wait_indirect_dma semaphore(%arg12 : memref<!tpu.dma_semaphore, #tpu.memory_space<semaphore_mem>>) src(%dma_wait3A_77 : memref<10240x128xf32, #tpu.memory_space<hbm>>) dst(%arg9 : memref<128x128xf32, #tpu.memory_space<vmem>>)
      %dma_start3A_78 = arith.constant 0 : i32
      %dma_start3A_79 = arith.constant 0 : i32
      %dma_start3A_80 = tpu.memref_slice %arg7[%dma_start3A_78, %dma_start3A_79] : memref<8x128xi32, #tpu.memory_space<vmem>> -> memref<1x128xi32, #tpu.memory_space<vmem>>
      %dma_start3A_81 = tpu.memref_squeeze %dma_start3A_80 : memref<1x128xi32, #tpu.memory_space<vmem>> -> memref<128xi32, #tpu.memory_space<vmem>>
      %dma_start3A_82 = arith.constant 0 : i32
      %dma_start3A_83 = arith.constant 0 : i32
      %dma_start3A_84 = tpu.memref_slice %arg11[%dma_start3A_82, %dma_start3A_83] : memref<10112x128xf32, #tpu.memory_space<vmem_shared>> -> memref<10112x128xf32, #tpu.memory_space<vmem_shared>>
      tpu.enqueue_indirect_dma source(%arg9 : memref<128x128xf32, #tpu.memory_space<vmem>>) target(%dma_start3A_84 : memref<10112x128xf32, #tpu.memory_space<vmem_shared>>) offsets(%dma_start3A_81 : memref<128xi32, #tpu.memory_space<vmem>>) semaphore(%arg14 : memref<!tpu.dma_semaphore, #tpu.memory_space<semaphore_mem>>) {add = true}
      %dma_wait3A_85 = arith.constant 0 : i32
      %dma_wait3A_86 = arith.constant 0 : i32
      %dma_wait3A_87 = tpu.memref_slice %arg7[%dma_wait3A_85, %dma_wait3A_86] : memref<8x128xi32, #tpu.memory_space<vmem>> -> memref<1x128xi32, #tpu.memory_space<vmem>>
      %dma_wait3A_88 = tpu.memref_squeeze %dma_wait3A_87 : memref<1x128xi32, #tpu.memory_space<vmem>> -> memref<128xi32, #tpu.memory_space<vmem>>
      %dma_wait3A_89 = arith.constant 0 : i32
      %dma_wait3A_90 = arith.constant 0 : i32
      %dma_wait3A_91 = tpu.memref_slice %arg11[%dma_wait3A_89, %dma_wait3A_90] : memref<10112x128xf32, #tpu.memory_space<vmem_shared>> -> memref<10112x128xf32, #tpu.memory_space<vmem_shared>>
      tpu.wait_indirect_dma semaphore(%arg14 : memref<!tpu.dma_semaphore, #tpu.memory_space<semaphore_mem>>) src(%arg9 : memref<128x128xf32, #tpu.memory_space<vmem>>) dst(%dma_wait3A_91 : memref<10112x128xf32, #tpu.memory_space<vmem_shared>>)
      %dma_start3A_92 = arith.constant 256 : i32
      %dma_start3A_93 = tpu.memref_slice %arg6[%dma_start3A_92] : memref<2048xi32, #tpu.memory_space<vmem>> -> memref<128xi32, #tpu.memory_space<vmem>>
      %dma_start3A_94 = arith.constant 0 : i32
      %dma_start3A_95 = arith.constant 0 : i32
      %dma_start3A_96 = tpu.memref_slice %arg2[%dma_start3A_94, %dma_start3A_95] : memref<10240x128xf32, #tpu.memory_space<hbm>> -> memref<10240x128xf32, #tpu.memory_space<hbm>>
      tpu.enqueue_indirect_dma source(%dma_start3A_96 : memref<10240x128xf32, #tpu.memory_space<hbm>>) target(%arg9 : memref<128x128xf32, #tpu.memory_space<vmem>>) offsets(%dma_start3A_93 : memref<128xi32, #tpu.memory_space<vmem>>) semaphore(%arg12 : memref<!tpu.dma_semaphore, #tpu.memory_space<semaphore_mem>>)
      %dma_wait3A_97 = arith.constant 128 : i32
      %dma_wait3A_98 = tpu.memref_slice %arg6[%dma_wait3A_97] : memref<2048xi32, #tpu.memory_space<vmem>> -> memref<128xi32, #tpu.memory_space<vmem>>
      %dma_wait3A_99 = arith.constant 0 : i32
      %dma_wait3A_100 = arith.constant 0 : i32
      %dma_wait3A_101 = tpu.memref_slice %arg2[%dma_wait3A_99, %dma_wait3A_100] : memref<10240x128xf32, #tpu.memory_space<hbm>> -> memref<10240x128xf32, #tpu.memory_space<hbm>>
      tpu.wait_indirect_dma semaphore(%arg13 : memref<!tpu.dma_semaphore, #tpu.memory_space<semaphore_mem>>) src(%dma_wait3A_101 : memref<10240x128xf32, #tpu.memory_space<hbm>>) dst(%arg10 : memref<128x128xf32, #tpu.memory_space<vmem>>)
      %dma_start3A_102 = arith.constant 1 : i32
      %dma_start3A_103 = arith.constant 0 : i32
      %dma_start3A_104 = tpu.memref_slice %arg7[%dma_start3A_102, %dma_start3A_103] : memref<8x128xi32, #tpu.memory_space<vmem>> -> memref<1x128xi32, #tpu.memory_space<vmem>>
      %dma_start3A_105 = tpu.memref_squeeze %dma_start3A_104 : memref<1x128xi32, #tpu.memory_space<vmem>> -> memref<128xi32, #tpu.memory_space<vmem>>
      %dma_start3A_106 = arith.constant 0 : i32
      %dma_start3A_107 = arith.constant 0 : i32
      %dma_start3A_108 = tpu.memref_slice %arg11[%dma_start3A_106, %dma_start3A_107] : memref<10112x128xf32, #tpu.memory_space<vmem_shared>> -> memref<10112x128xf32, #tpu.memory_space<vmem_shared>>
      tpu.enqueue_indirect_dma source(%arg10 : memref<128x128xf32, #tpu.memory_space<vmem>>) target(%dma_start3A_108 : memref<10112x128xf32, #tpu.memory_space<vmem_shared>>) offsets(%dma_start3A_105 : memref<128xi32, #tpu.memory_space<vmem>>) semaphore(%arg15 : memref<!tpu.dma_semaphore, #tpu.memory_space<semaphore_mem>>) {add = true}
      %dma_wait3A_109 = arith.constant 1 : i32
      %dma_wait3A_110 = arith.constant 0 : i32
      %dma_wait3A_111 = tpu.memref_slice %arg7[%dma_wait3A_109, %dma_wait3A_110] : memref<8x128xi32, #tpu.memory_space<vmem>> -> memref<1x128xi32, #tpu.memory_space<vmem>>
      %dma_wait3A_112 = tpu.memref_squeeze %dma_wait3A_111 : memref<1x128xi32, #tpu.memory_space<vmem>> -> memref<128xi32, #tpu.memory_space<vmem>>
      %dma_wait3A_113 = arith.constant 0 : i32
      %dma_wait3A_114 = arith.constant 0 : i32
      %dma_wait3A_115 = tpu.memref_slice %arg11[%dma_wait3A_113, %dma_wait3A_114] : memref<10112x128xf32, #tpu.memory_space<vmem_shared>> -> memref<10112x128xf32, #tpu.memory_space<vmem_shared>>
      tpu.wait_indirect_dma semaphore(%arg15 : memref<!tpu.dma_semaphore, #tpu.memory_space<semaphore_mem>>) src(%arg10 : memref<128x128xf32, #tpu.memory_space<vmem>>) dst(%dma_wait3A_115 : memref<10112x128xf32, #tpu.memory_space<vmem_shared>>)
      %dma_start3A_116 = arith.constant 384 : i32
      %dma_start3A_117 = tpu.memref_slice %arg6[%dma_start3A_116] : memref<2048xi32, #tpu.memory_space<vmem>> -> memref<128xi32, #tpu.memory_space<vmem>>
      %dma_start3A_118 = arith.constant 0 : i32
      %dma_start3A_119 = arith.constant 0 : i32
      %dma_start3A_120 = tpu.memref_slice %arg2[%dma_start3A_118, %dma_start3A_119] : memref<10240x128xf32, #tpu.memory_space<hbm>> -> memref<10240x128xf32, #tpu.memory_space<hbm>>
      tpu.enqueue_indirect_dma source(%dma_start3A_120 : memref<10240x128xf32, #tpu.memory_space<hbm>>) target(%arg10 : memref<128x128xf32, #tpu.memory_space<vmem>>) offsets(%dma_start3A_117 : memref<128xi32, #tpu.memory_space<vmem>>) semaphore(%arg13 : memref<!tpu.dma_semaphore, #tpu.memory_space<semaphore_mem>>)
      %dma_wait3A_121 = arith.constant 256 : i32
      %dma_wait3A_122 = tpu.memref_slice %arg6[%dma_wait3A_121] : memref<2048xi32, #tpu.memory_space<vmem>> -> memref<128xi32, #tpu.memory_space<vmem>>
      %dma_wait3A_123 = arith.constant 0 : i32
      %dma_wait3A_124 = arith.constant 0 : i32
      %dma_wait3A_125 = tpu.memref_slice %arg2[%dma_wait3A_123, %dma_wait3A_124] : memref<10240x128xf32, #tpu.memory_space<hbm>> -> memref<10240x128xf32, #tpu.memory_space<hbm>>
      tpu.wait_indirect_dma semaphore(%arg12 : memref<!tpu.dma_semaphore, #tpu.memory_space<semaphore_mem>>) src(%dma_wait3A_125 : memref<10240x128xf32, #tpu.memory_space<hbm>>) dst(%arg9 : memref<128x128xf32, #tpu.memory_space<vmem>>)
      %dma_start3A_126 = arith.constant 2 : i32
      %dma_start3A_127 = arith.constant 0 : i32
      %dma_start3A_128 = tpu.memref_slice %arg7[%dma_start3A_126, %dma_start3A_127] : memref<8x128xi32, #tpu.memory_space<vmem>> -> memref<1x128xi32, #tpu.memory_space<vmem>>
      %dma_start3A_129 = tpu.memref_squeeze %dma_start3A_128 : memref<1x128xi32, #tpu.memory_space<vmem>> -> memref<128xi32, #tpu.memory_space<vmem>>
      %dma_start3A_130 = arith.constant 0 : i32
      %dma_start3A_131 = arith.constant 0 : i32
      %dma_start3A_132 = tpu.memref_slice %arg11[%dma_start3A_130, %dma_start3A_131] : memref<10112x128xf32, #tpu.memory_space<vmem_shared>> -> memref<10112x128xf32, #tpu.memory_space<vmem_shared>>
      tpu.enqueue_indirect_dma source(%arg9 : memref<128x128xf32, #tpu.memory_space<vmem>>) target(%dma_start3A_132 : memref<10112x128xf32, #tpu.memory_space<vmem_shared>>) offsets(%dma_start3A_129 : memref<128xi32, #tpu.memory_space<vmem>>) semaphore(%arg14 : memref<!tpu.dma_semaphore, #tpu.memory_space<semaphore_mem>>) {add = true}
      %dma_wait3A_133 = arith.constant 2 : i32
      %dma_wait3A_134 = arith.constant 0 : i32
      %dma_wait3A_135 = tpu.memref_slice %arg7[%dma_wait3A_133, %dma_wait3A_134] : memref<8x128xi32, #tpu.memory_space<vmem>> -> memref<1x128xi32, #tpu.memory_space<vmem>>
      %dma_wait3A_136 = tpu.memref_squeeze %dma_wait3A_135 : memref<1x128xi32, #tpu.memory_space<vmem>> -> memref<128xi32, #tpu.memory_space<vmem>>
      %dma_wait3A_137 = arith.constant 0 : i32
      %dma_wait3A_138 = arith.constant 0 : i32
      %dma_wait3A_139 = tpu.memref_slice %arg11[%dma_wait3A_137, %dma_wait3A_138] : memref<10112x128xf32, #tpu.memory_space<vmem_shared>> -> memref<10112x128xf32, #tpu.memory_space<vmem_shared>>
      tpu.wait_indirect_dma semaphore(%arg14 : memref<!tpu.dma_semaphore, #tpu.memory_space<semaphore_mem>>) src(%arg9 : memref<128x128xf32, #tpu.memory_space<vmem>>) dst(%dma_wait3A_139 : memref<10112x128xf32, #tpu.memory_space<vmem_shared>>)
      %dma_start3A_140 = arith.constant 512 : i32
      %dma_start3A_141 = tpu.memref_slice %arg6[%dma_start3A_140] : memref<2048xi32, #tpu.memory_space<vmem>> -> memref<128xi32, #tpu.memory_space<vmem>>
      %dma_start3A_142 = arith.constant 0 : i32
      %dma_start3A_143 = arith.constant 0 : i32
      %dma_start3A_144 = tpu.memref_slice %arg2[%dma_start3A_142, %dma_start3A_143] : memref<10240x128xf32, #tpu.memory_space<hbm>> -> memref<10240x128xf32, #tpu.memory_space<hbm>>
      tpu.enqueue_indirect_dma source(%dma_start3A_144 : memref<10240x128xf32, #tpu.memory_space<hbm>>) target(%arg9 : memref<128x128xf32, #tpu.memory_space<vmem>>) offsets(%dma_start3A_141 : memref<128xi32, #tpu.memory_space<vmem>>) semaphore(%arg12 : memref<!tpu.dma_semaphore, #tpu.memory_space<semaphore_mem>>)
      %dma_wait3A_145 = arith.constant 384 : i32
      %dma_wait3A_146 = tpu.memref_slice %arg6[%dma_wait3A_145] : memref<2048xi32, #tpu.memory_space<vmem>> -> memref<128xi32, #tpu.memory_space<vmem>>
      %dma_wait3A_147 = arith.constant 0 : i32
      %dma_wait3A_148 = arith.constant 0 : i32
      %dma_wait3A_149 = tpu.memref_slice %arg2[%dma_wait3A_147, %dma_wait3A_148] : memref<10240x128xf32, #tpu.memory_space<hbm>> -> memref<10240x128xf32, #tpu.memory_space<hbm>>
      tpu.wait_indirect_dma semaphore(%arg13 : memref<!tpu.dma_semaphore, #tpu.memory_space<semaphore_mem>>) src(%dma_wait3A_149 : memref<10240x128xf32, #tpu.memory_space<hbm>>) dst(%arg10 : memref<128x128xf32, #tpu.memory_space<vmem>>)
      %dma_start3A_150 = arith.constant 3 : i32
      %dma_start3A_151 = arith.constant 0 : i32
      %dma_start3A_152 = tpu.memref_slice %arg7[%dma_start3A_150, %dma_start3A_151] : memref<8x128xi32, #tpu.memory_space<vmem>> -> memref<1x128xi32, #tpu.memory_space<vmem>>
      %dma_start3A_153 = tpu.memref_squeeze %dma_start3A_152 : memref<1x128xi32, #tpu.memory_space<vmem>> -> memref<128xi32, #tpu.memory_space<vmem>>
      %dma_start3A_154 = arith.constant 0 : i32
      %dma_start3A_155 = arith.constant 0 : i32
      %dma_start3A_156 = tpu.memref_slice %arg11[%dma_start3A_154, %dma_start3A_155] : memref<10112x128xf32, #tpu.memory_space<vmem_shared>> -> memref<10112x128xf32, #tpu.memory_space<vmem_shared>>
      tpu.enqueue_indirect_dma source(%arg10 : memref<128x128xf32, #tpu.memory_space<vmem>>) target(%dma_start3A_156 : memref<10112x128xf32, #tpu.memory_space<vmem_shared>>) offsets(%dma_start3A_153 : memref<128xi32, #tpu.memory_space<vmem>>) semaphore(%arg15 : memref<!tpu.dma_semaphore, #tpu.memory_space<semaphore_mem>>) {add = true}
      %dma_wait3A_157 = arith.constant 3 : i32
      %dma_wait3A_158 = arith.constant 0 : i32
      %dma_wait3A_159 = tpu.memref_slice %arg7[%dma_wait3A_157, %dma_wait3A_158] : memref<8x128xi32, #tpu.memory_space<vmem>> -> memref<1x128xi32, #tpu.memory_space<vmem>>
      %dma_wait3A_160 = tpu.memref_squeeze %dma_wait3A_159 : memref<1x128xi32, #tpu.memory_space<vmem>> -> memref<128xi32, #tpu.memory_space<vmem>>
      %dma_wait3A_161 = arith.constant 0 : i32
      %dma_wait3A_162 = arith.constant 0 : i32
      %dma_wait3A_163 = tpu.memref_slice %arg11[%dma_wait3A_161, %dma_wait3A_162] : memref<10112x128xf32, #tpu.memory_space<vmem_shared>> -> memref<10112x128xf32, #tpu.memory_space<vmem_shared>>
      tpu.wait_indirect_dma semaphore(%arg15 : memref<!tpu.dma_semaphore, #tpu.memory_space<semaphore_mem>>) src(%arg10 : memref<128x128xf32, #tpu.memory_space<vmem>>) dst(%dma_wait3A_163 : memref<10112x128xf32, #tpu.memory_space<vmem_shared>>)
      %dma_start3A_164 = arith.constant 640 : i32
      %dma_start3A_165 = tpu.memref_slice %arg6[%dma_start3A_164] : memref<2048xi32, #tpu.memory_space<vmem>> -> memref<128xi32, #tpu.memory_space<vmem>>
      %dma_start3A_166 = arith.constant 0 : i32
      %dma_start3A_167 = arith.constant 0 : i32
      %dma_start3A_168 = tpu.memref_slice %arg2[%dma_start3A_166, %dma_start3A_167] : memref<10240x128xf32, #tpu.memory_space<hbm>> -> memref<10240x128xf32, #tpu.memory_space<hbm>>
      tpu.enqueue_indirect_dma source(%dma_start3A_168 : memref<10240x128xf32, #tpu.memory_space<hbm>>) target(%arg10 : memref<128x128xf32, #tpu.memory_space<vmem>>) offsets(%dma_start3A_165 : memref<128xi32, #tpu.memory_space<vmem>>) semaphore(%arg13 : memref<!tpu.dma_semaphore, #tpu.memory_space<semaphore_mem>>)
      %dma_wait3A_169 = arith.constant 512 : i32
      %dma_wait3A_170 = tpu.memref_slice %arg6[%dma_wait3A_169] : memref<2048xi32, #tpu.memory_space<vmem>> -> memref<128xi32, #tpu.memory_space<vmem>>
      %dma_wait3A_171 = arith.constant 0 : i32
      %dma_wait3A_172 = arith.constant 0 : i32
      %dma_wait3A_173 = tpu.memref_slice %arg2[%dma_wait3A_171, %dma_wait3A_172] : memref<10240x128xf32, #tpu.memory_space<hbm>> -> memref<10240x128xf32, #tpu.memory_space<hbm>>
      tpu.wait_indirect_dma semaphore(%arg12 : memref<!tpu.dma_semaphore, #tpu.memory_space<semaphore_mem>>) src(%dma_wait3A_173 : memref<10240x128xf32, #tpu.memory_space<hbm>>) dst(%arg9 : memref<128x128xf32, #tpu.memory_space<vmem>>)
      %dma_start3A_174 = arith.constant 4 : i32
      %dma_start3A_175 = arith.constant 0 : i32
      %dma_start3A_176 = tpu.memref_slice %arg7[%dma_start3A_174, %dma_start3A_175] : memref<8x128xi32, #tpu.memory_space<vmem>> -> memref<1x128xi32, #tpu.memory_space<vmem>>
      %dma_start3A_177 = tpu.memref_squeeze %dma_start3A_176 : memref<1x128xi32, #tpu.memory_space<vmem>> -> memref<128xi32, #tpu.memory_space<vmem>>
      %dma_start3A_178 = arith.constant 0 : i32
      %dma_start3A_179 = arith.constant 0 : i32
      %dma_start3A_180 = tpu.memref_slice %arg11[%dma_start3A_178, %dma_start3A_179] : memref<10112x128xf32, #tpu.memory_space<vmem_shared>> -> memref<10112x128xf32, #tpu.memory_space<vmem_shared>>
      tpu.enqueue_indirect_dma source(%arg9 : memref<128x128xf32, #tpu.memory_space<vmem>>) target(%dma_start3A_180 : memref<10112x128xf32, #tpu.memory_space<vmem_shared>>) offsets(%dma_start3A_177 : memref<128xi32, #tpu.memory_space<vmem>>) semaphore(%arg14 : memref<!tpu.dma_semaphore, #tpu.memory_space<semaphore_mem>>) {add = true}
      %dma_wait3A_181 = arith.constant 4 : i32
      %dma_wait3A_182 = arith.constant 0 : i32
      %dma_wait3A_183 = tpu.memref_slice %arg7[%dma_wait3A_181, %dma_wait3A_182] : memref<8x128xi32, #tpu.memory_space<vmem>> -> memref<1x128xi32, #tpu.memory_space<vmem>>
      %dma_wait3A_184 = tpu.memref_squeeze %dma_wait3A_183 : memref<1x128xi32, #tpu.memory_space<vmem>> -> memref<128xi32, #tpu.memory_space<vmem>>
      %dma_wait3A_185 = arith.constant 0 : i32
      %dma_wait3A_186 = arith.constant 0 : i32
      %dma_wait3A_187 = tpu.memref_slice %arg11[%dma_wait3A_185, %dma_wait3A_186] : memref<10112x128xf32, #tpu.memory_space<vmem_shared>> -> memref<10112x128xf32, #tpu.memory_space<vmem_shared>>
      tpu.wait_indirect_dma semaphore(%arg14 : memref<!tpu.dma_semaphore, #tpu.memory_space<semaphore_mem>>) src(%arg9 : memref<128x128xf32, #tpu.memory_space<vmem>>) dst(%dma_wait3A_187 : memref<10112x128xf32, #tpu.memory_space<vmem_shared>>)
      %dma_start3A_188 = arith.constant 768 : i32
      %dma_start3A_189 = tpu.memref_slice %arg6[%dma_start3A_188] : memref<2048xi32, #tpu.memory_space<vmem>> -> memref<128xi32, #tpu.memory_space<vmem>>
      %dma_start3A_190 = arith.constant 0 : i32
      %dma_start3A_191 = arith.constant 0 : i32
      %dma_start3A_192 = tpu.memref_slice %arg2[%dma_start3A_190, %dma_start3A_191] : memref<10240x128xf32, #tpu.memory_space<hbm>> -> memref<10240x128xf32, #tpu.memory_space<hbm>>
      tpu.enqueue_indirect_dma source(%dma_start3A_192 : memref<10240x128xf32, #tpu.memory_space<hbm>>) target(%arg9 : memref<128x128xf32, #tpu.memory_space<vmem>>) offsets(%dma_start3A_189 : memref<128xi32, #tpu.memory_space<vmem>>) semaphore(%arg12 : memref<!tpu.dma_semaphore, #tpu.memory_space<semaphore_mem>>)
      %dma_wait3A_193 = arith.constant 640 : i32
      %dma_wait3A_194 = tpu.memref_slice %arg6[%dma_wait3A_193] : memref<2048xi32, #tpu.memory_space<vmem>> -> memref<128xi32, #tpu.memory_space<vmem>>
      %dma_wait3A_195 = arith.constant 0 : i32
      %dma_wait3A_196 = arith.constant 0 : i32
      %dma_wait3A_197 = tpu.memref_slice %arg2[%dma_wait3A_195, %dma_wait3A_196] : memref<10240x128xf32, #tpu.memory_space<hbm>> -> memref<10240x128xf32, #tpu.memory_space<hbm>>
      tpu.wait_indirect_dma semaphore(%arg13 : memref<!tpu.dma_semaphore, #tpu.memory_space<semaphore_mem>>) src(%dma_wait3A_197 : memref<10240x128xf32, #tpu.memory_space<hbm>>) dst(%arg10 : memref<128x128xf32, #tpu.memory_space<vmem>>)
      %dma_start3A_198 = arith.constant 5 : i32
      %dma_start3A_199 = arith.constant 0 : i32
      %dma_start3A_200 = tpu.memref_slice %arg7[%dma_start3A_198, %dma_start3A_199] : memref<8x128xi32, #tpu.memory_space<vmem>> -> memref<1x128xi32, #tpu.memory_space<vmem>>
      %dma_start3A_201 = tpu.memref_squeeze %dma_start3A_200 : memref<1x128xi32, #tpu.memory_space<vmem>> -> memref<128xi32, #tpu.memory_space<vmem>>
      %dma_start3A_202 = arith.constant 0 : i32
      %dma_start3A_203 = arith.constant 0 : i32
      %dma_start3A_204 = tpu.memref_slice %arg11[%dma_start3A_202, %dma_start3A_203] : memref<10112x128xf32, #tpu.memory_space<vmem_shared>> -> memref<10112x128xf32, #tpu.memory_space<vmem_shared>>
      tpu.enqueue_indirect_dma source(%arg10 : memref<128x128xf32, #tpu.memory_space<vmem>>) target(%dma_start3A_204 : memref<10112x128xf32, #tpu.memory_space<vmem_shared>>) offsets(%dma_start3A_201 : memref<128xi32, #tpu.memory_space<vmem>>) semaphore(%arg15 : memref<!tpu.dma_semaphore, #tpu.memory_space<semaphore_mem>>) {add = true}
      %dma_wait3A_205 = arith.constant 5 : i32
      %dma_wait3A_206 = arith.constant 0 : i32
      %dma_wait3A_207 = tpu.memref_slice %arg7[%dma_wait3A_205, %dma_wait3A_206] : memref<8x128xi32, #tpu.memory_space<vmem>> -> memref<1x128xi32, #tpu.memory_space<vmem>>
      %dma_wait3A_208 = tpu.memref_squeeze %dma_wait3A_207 : memref<1x128xi32, #tpu.memory_space<vmem>> -> memref<128xi32, #tpu.memory_space<vmem>>
      %dma_wait3A_209 = arith.constant 0 : i32
      %dma_wait3A_210 = arith.constant 0 : i32
      %dma_wait3A_211 = tpu.memref_slice %arg11[%dma_wait3A_209, %dma_wait3A_210] : memref<10112x128xf32, #tpu.memory_space<vmem_shared>> -> memref<10112x128xf32, #tpu.memory_space<vmem_shared>>
      tpu.wait_indirect_dma semaphore(%arg15 : memref<!tpu.dma_semaphore, #tpu.memory_space<semaphore_mem>>) src(%arg10 : memref<128x128xf32, #tpu.memory_space<vmem>>) dst(%dma_wait3A_211 : memref<10112x128xf32, #tpu.memory_space<vmem_shared>>)
      %dma_start3A_212 = arith.constant 896 : i32
      %dma_start3A_213 = tpu.memref_slice %arg6[%dma_start3A_212] : memref<2048xi32, #tpu.memory_space<vmem>> -> memref<128xi32, #tpu.memory_space<vmem>>
      %dma_start3A_214 = arith.constant 0 : i32
      %dma_start3A_215 = arith.constant 0 : i32
      %dma_start3A_216 = tpu.memref_slice %arg2[%dma_start3A_214, %dma_start3A_215] : memref<10240x128xf32, #tpu.memory_space<hbm>> -> memref<10240x128xf32, #tpu.memory_space<hbm>>
      tpu.enqueue_indirect_dma source(%dma_start3A_216 : memref<10240x128xf32, #tpu.memory_space<hbm>>) target(%arg10 : memref<128x128xf32, #tpu.memory_space<vmem>>) offsets(%dma_start3A_213 : memref<128xi32, #tpu.memory_space<vmem>>) semaphore(%arg13 : memref<!tpu.dma_semaphore, #tpu.memory_space<semaphore_mem>>)
      %add3A_217 = arith.constant 8 : i32
      %add3A_218 = arith.addi %add3A_56, %add3A_217 : i32
      "tpu.region"() ({
        %run_scoped3A = tpu.sem_alloc : memref<!tpu.dma_semaphore, #tpu.memory_space<semaphore_mem>>
        %dma_start3A_436 = arith.constant 0 : i32
        %dma_start3A_437 = tpu.memref_slice %arg4[%add3A_218, %dma_start3A_436] : memref<2560x128xi32, #tpu.memory_space<hbm>> -> memref<8x128xi32, #tpu.memory_space<hbm>>
        %dma_start3A_438 = arith.constant 0 : i32
        %dma_start3A_439 = tpu.memref_slice %arg4[%add3A_218, %dma_start3A_438] : memref<2560x128xi32, #tpu.memory_space<hbm>> -> memref<8x128xi32, #tpu.memory_space<hbm>>
        tpu.enqueue_dma source(%dma_start3A_439 : memref<8x128xi32, #tpu.memory_space<hbm>>) target(%arg8 : memref<8x128xi32, #tpu.memory_space<vmem>>) target_semaphore(%run_scoped3A : memref<!tpu.dma_semaphore, #tpu.memory_space<semaphore_mem>>)
        %dma_wait3A_440 = arith.constant 0 : i32
        %dma_wait3A_441 = tpu.memref_slice %arg4[%add3A_218, %dma_wait3A_440] : memref<2560x128xi32, #tpu.memory_space<hbm>> -> memref<8x128xi32, #tpu.memory_space<hbm>>
        %dma_wait3A_442 = arith.constant 0 : i32
        %dma_wait3A_443 = tpu.memref_slice %arg4[%add3A_218, %dma_wait3A_442] : memref<2560x128xi32, #tpu.memory_space<hbm>> -> memref<8x128xi32, #tpu.memory_space<hbm>>
        tpu.wait_dma2 semaphore(%run_scoped3A : memref<!tpu.dma_semaphore, #tpu.memory_space<semaphore_mem>>) src(%dma_wait3A_443 : memref<8x128xi32, #tpu.memory_space<hbm>>) dst(%arg8 : memref<8x128xi32, #tpu.memory_space<vmem>>)
        tpu.yield
      }) : () -> ()
      %dma_wait3A_219 = arith.constant 768 : i32
      %dma_wait3A_220 = tpu.memref_slice %arg6[%dma_wait3A_219] : memref<2048xi32, #tpu.memory_space<vmem>> -> memref<128xi32, #tpu.memory_space<vmem>>
      %dma_wait3A_221 = arith.constant 0 : i32
      %dma_wait3A_222 = arith.constant 0 : i32
      %dma_wait3A_223 = tpu.memref_slice %arg2[%dma_wait3A_221, %dma_wait3A_222] : memref<10240x128xf32, #tpu.memory_space<hbm>> -> memref<10240x128xf32, #tpu.memory_space<hbm>>
      tpu.wait_indirect_dma semaphore(%arg12 : memref<!tpu.dma_semaphore, #tpu.memory_space<semaphore_mem>>) src(%dma_wait3A_223 : memref<10240x128xf32, #tpu.memory_space<hbm>>) dst(%arg9 : memref<128x128xf32, #tpu.memory_space<vmem>>)
      %dma_start3A_224 = arith.constant 6 : i32
      %dma_start3A_225 = arith.constant 0 : i32
      %dma_start3A_226 = tpu.memref_slice %arg7[%dma_start3A_224, %dma_start3A_225] : memref<8x128xi32, #tpu.memory_space<vmem>> -> memref<1x128xi32, #tpu.memory_space<vmem>>
      %dma_start3A_227 = tpu.memref_squeeze %dma_start3A_226 : memref<1x128xi32, #tpu.memory_space<vmem>> -> memref<128xi32, #tpu.memory_space<vmem>>
      %dma_start3A_228 = arith.constant 0 : i32
      %dma_start3A_229 = arith.constant 0 : i32
      %dma_start3A_230 = tpu.memref_slice %arg11[%dma_start3A_228, %dma_start3A_229] : memref<10112x128xf32, #tpu.memory_space<vmem_shared>> -> memref<10112x128xf32, #tpu.memory_space<vmem_shared>>
      tpu.enqueue_indirect_dma source(%arg9 : memref<128x128xf32, #tpu.memory_space<vmem>>) target(%dma_start3A_230 : memref<10112x128xf32, #tpu.memory_space<vmem_shared>>) offsets(%dma_start3A_227 : memref<128xi32, #tpu.memory_space<vmem>>) semaphore(%arg14 : memref<!tpu.dma_semaphore, #tpu.memory_space<semaphore_mem>>) {add = true}
      %dma_wait3A_231 = arith.constant 6 : i32
      %dma_wait3A_232 = arith.constant 0 : i32
      %dma_wait3A_233 = tpu.memref_slice %arg7[%dma_wait3A_231, %dma_wait3A_232] : memref<8x128xi32, #tpu.memory_space<vmem>> -> memref<1x128xi32, #tpu.memory_space<vmem>>
      %dma_wait3A_234 = tpu.memref_squeeze %dma_wait3A_233 : memref<1x128xi32, #tpu.memory_space<vmem>> -> memref<128xi32, #tpu.memory_space<vmem>>
      %dma_wait3A_235 = arith.constant 0 : i32
      %dma_wait3A_236 = arith.constant 0 : i32
      %dma_wait3A_237 = tpu.memref_slice %arg11[%dma_wait3A_235, %dma_wait3A_236] : memref<10112x128xf32, #tpu.memory_space<vmem_shared>> -> memref<10112x128xf32, #tpu.memory_space<vmem_shared>>
      tpu.wait_indirect_dma semaphore(%arg14 : memref<!tpu.dma_semaphore, #tpu.memory_space<semaphore_mem>>) src(%arg9 : memref<128x128xf32, #tpu.memory_space<vmem>>) dst(%dma_wait3A_237 : memref<10112x128xf32, #tpu.memory_space<vmem_shared>>)
      %dma_start3A_238 = arith.constant 1024 : i32
      %dma_start3A_239 = tpu.memref_slice %arg6[%dma_start3A_238] : memref<2048xi32, #tpu.memory_space<vmem>> -> memref<128xi32, #tpu.memory_space<vmem>>
      %dma_start3A_240 = arith.constant 0 : i32
      %dma_start3A_241 = arith.constant 0 : i32
      %dma_start3A_242 = tpu.memref_slice %arg2[%dma_start3A_240, %dma_start3A_241] : memref<10240x128xf32, #tpu.memory_space<hbm>> -> memref<10240x128xf32, #tpu.memory_space<hbm>>
      tpu.enqueue_indirect_dma source(%dma_start3A_242 : memref<10240x128xf32, #tpu.memory_space<hbm>>) target(%arg9 : memref<128x128xf32, #tpu.memory_space<vmem>>) offsets(%dma_start3A_239 : memref<128xi32, #tpu.memory_space<vmem>>) semaphore(%arg12 : memref<!tpu.dma_semaphore, #tpu.memory_space<semaphore_mem>>)
      %dma_wait3A_243 = arith.constant 896 : i32
      %dma_wait3A_244 = tpu.memref_slice %arg6[%dma_wait3A_243] : memref<2048xi32, #tpu.memory_space<vmem>> -> memref<128xi32, #tpu.memory_space<vmem>>
      %dma_wait3A_245 = arith.constant 0 : i32
      %dma_wait3A_246 = arith.constant 0 : i32
      %dma_wait3A_247 = tpu.memref_slice %arg2[%dma_wait3A_245, %dma_wait3A_246] : memref<10240x128xf32, #tpu.memory_space<hbm>> -> memref<10240x128xf32, #tpu.memory_space<hbm>>
      tpu.wait_indirect_dma semaphore(%arg13 : memref<!tpu.dma_semaphore, #tpu.memory_space<semaphore_mem>>) src(%dma_wait3A_247 : memref<10240x128xf32, #tpu.memory_space<hbm>>) dst(%arg10 : memref<128x128xf32, #tpu.memory_space<vmem>>)
      %dma_start3A_248 = arith.constant 7 : i32
      %dma_start3A_249 = arith.constant 0 : i32
      %dma_start3A_250 = tpu.memref_slice %arg7[%dma_start3A_248, %dma_start3A_249] : memref<8x128xi32, #tpu.memory_space<vmem>> -> memref<1x128xi32, #tpu.memory_space<vmem>>
      %dma_start3A_251 = tpu.memref_squeeze %dma_start3A_250 : memref<1x128xi32, #tpu.memory_space<vmem>> -> memref<128xi32, #tpu.memory_space<vmem>>
      %dma_start3A_252 = arith.constant 0 : i32
      %dma_start3A_253 = arith.constant 0 : i32
      %dma_start3A_254 = tpu.memref_slice %arg11[%dma_start3A_252, %dma_start3A_253] : memref<10112x128xf32, #tpu.memory_space<vmem_shared>> -> memref<10112x128xf32, #tpu.memory_space<vmem_shared>>
      tpu.enqueue_indirect_dma source(%arg10 : memref<128x128xf32, #tpu.memory_space<vmem>>) target(%dma_start3A_254 : memref<10112x128xf32, #tpu.memory_space<vmem_shared>>) offsets(%dma_start3A_251 : memref<128xi32, #tpu.memory_space<vmem>>) semaphore(%arg15 : memref<!tpu.dma_semaphore, #tpu.memory_space<semaphore_mem>>) {add = true}
      %dma_wait3A_255 = arith.constant 7 : i32
      %dma_wait3A_256 = arith.constant 0 : i32
      %dma_wait3A_257 = tpu.memref_slice %arg7[%dma_wait3A_255, %dma_wait3A_256] : memref<8x128xi32, #tpu.memory_space<vmem>> -> memref<1x128xi32, #tpu.memory_space<vmem>>
      %dma_wait3A_258 = tpu.memref_squeeze %dma_wait3A_257 : memref<1x128xi32, #tpu.memory_space<vmem>> -> memref<128xi32, #tpu.memory_space<vmem>>
      %dma_wait3A_259 = arith.constant 0 : i32
      %dma_wait3A_260 = arith.constant 0 : i32
      %dma_wait3A_261 = tpu.memref_slice %arg11[%dma_wait3A_259, %dma_wait3A_260] : memref<10112x128xf32, #tpu.memory_space<vmem_shared>> -> memref<10112x128xf32, #tpu.memory_space<vmem_shared>>
      tpu.wait_indirect_dma semaphore(%arg15 : memref<!tpu.dma_semaphore, #tpu.memory_space<semaphore_mem>>) src(%arg10 : memref<128x128xf32, #tpu.memory_space<vmem>>) dst(%dma_wait3A_261 : memref<10112x128xf32, #tpu.memory_space<vmem_shared>>)
      %dma_start3A_262 = arith.constant 1152 : i32
      %dma_start3A_263 = tpu.memref_slice %arg6[%dma_start3A_262] : memref<2048xi32, #tpu.memory_space<vmem>> -> memref<128xi32, #tpu.memory_space<vmem>>
      %dma_start3A_264 = arith.constant 0 : i32
      %dma_start3A_265 = arith.constant 0 : i32
      %dma_start3A_266 = tpu.memref_slice %arg2[%dma_start3A_264, %dma_start3A_265] : memref<10240x128xf32, #tpu.memory_space<hbm>> -> memref<10240x128xf32, #tpu.memory_space<hbm>>
      tpu.enqueue_indirect_dma source(%dma_start3A_266 : memref<10240x128xf32, #tpu.memory_space<hbm>>) target(%arg10 : memref<128x128xf32, #tpu.memory_space<vmem>>) offsets(%dma_start3A_263 : memref<128xi32, #tpu.memory_space<vmem>>) semaphore(%arg13 : memref<!tpu.dma_semaphore, #tpu.memory_space<semaphore_mem>>)
      %dma_wait3A_267 = arith.constant 1024 : i32
      %dma_wait3A_268 = tpu.memref_slice %arg6[%dma_wait3A_267] : memref<2048xi32, #tpu.memory_space<vmem>> -> memref<128xi32, #tpu.memory_space<vmem>>
      %dma_wait3A_269 = arith.constant 0 : i32
      %dma_wait3A_270 = arith.constant 0 : i32
      %dma_wait3A_271 = tpu.memref_slice %arg2[%dma_wait3A_269, %dma_wait3A_270] : memref<10240x128xf32, #tpu.memory_space<hbm>> -> memref<10240x128xf32, #tpu.memory_space<hbm>>
      tpu.wait_indirect_dma semaphore(%arg12 : memref<!tpu.dma_semaphore, #tpu.memory_space<semaphore_mem>>) src(%dma_wait3A_271 : memref<10240x128xf32, #tpu.memory_space<hbm>>) dst(%arg9 : memref<128x128xf32, #tpu.memory_space<vmem>>)
      %dma_start3A_272 = arith.constant 0 : i32
      %dma_start3A_273 = arith.constant 0 : i32
      %dma_start3A_274 = tpu.memref_slice %arg8[%dma_start3A_272, %dma_start3A_273] : memref<8x128xi32, #tpu.memory_space<vmem>> -> memref<1x128xi32, #tpu.memory_space<vmem>>
      %dma_start3A_275 = tpu.memref_squeeze %dma_start3A_274 : memref<1x128xi32, #tpu.memory_space<vmem>> -> memref<128xi32, #tpu.memory_space<vmem>>
      %dma_start3A_276 = arith.constant 0 : i32
      %dma_start3A_277 = arith.constant 0 : i32
      %dma_start3A_278 = tpu.memref_slice %arg11[%dma_start3A_276, %dma_start3A_277] : memref<10112x128xf32, #tpu.memory_space<vmem_shared>> -> memref<10112x128xf32, #tpu.memory_space<vmem_shared>>
      tpu.enqueue_indirect_dma source(%arg9 : memref<128x128xf32, #tpu.memory_space<vmem>>) target(%dma_start3A_278 : memref<10112x128xf32, #tpu.memory_space<vmem_shared>>) offsets(%dma_start3A_275 : memref<128xi32, #tpu.memory_space<vmem>>) semaphore(%arg14 : memref<!tpu.dma_semaphore, #tpu.memory_space<semaphore_mem>>) {add = true}
      %dma_wait3A_279 = arith.constant 0 : i32
      %dma_wait3A_280 = arith.constant 0 : i32
      %dma_wait3A_281 = tpu.memref_slice %arg8[%dma_wait3A_279, %dma_wait3A_280] : memref<8x128xi32, #tpu.memory_space<vmem>> -> memref<1x128xi32, #tpu.memory_space<vmem>>
      %dma_wait3A_282 = tpu.memref_squeeze %dma_wait3A_281 : memref<1x128xi32, #tpu.memory_space<vmem>> -> memref<128xi32, #tpu.memory_space<vmem>>
      %dma_wait3A_283 = arith.constant 0 : i32
      %dma_wait3A_284 = arith.constant 0 : i32
      %dma_wait3A_285 = tpu.memref_slice %arg11[%dma_wait3A_283, %dma_wait3A_284] : memref<10112x128xf32, #tpu.memory_space<vmem_shared>> -> memref<10112x128xf32, #tpu.memory_space<vmem_shared>>
      tpu.wait_indirect_dma semaphore(%arg14 : memref<!tpu.dma_semaphore, #tpu.memory_space<semaphore_mem>>) src(%arg9 : memref<128x128xf32, #tpu.memory_space<vmem>>) dst(%dma_wait3A_285 : memref<10112x128xf32, #tpu.memory_space<vmem_shared>>)
      %dma_start3A_286 = arith.constant 1280 : i32
      %dma_start3A_287 = tpu.memref_slice %arg6[%dma_start3A_286] : memref<2048xi32, #tpu.memory_space<vmem>> -> memref<128xi32, #tpu.memory_space<vmem>>
      %dma_start3A_288 = arith.constant 0 : i32
      %dma_start3A_289 = arith.constant 0 : i32
      %dma_start3A_290 = tpu.memref_slice %arg2[%dma_start3A_288, %dma_start3A_289] : memref<10240x128xf32, #tpu.memory_space<hbm>> -> memref<10240x128xf32, #tpu.memory_space<hbm>>
      tpu.enqueue_indirect_dma source(%dma_start3A_290 : memref<10240x128xf32, #tpu.memory_space<hbm>>) target(%arg9 : memref<128x128xf32, #tpu.memory_space<vmem>>) offsets(%dma_start3A_287 : memref<128xi32, #tpu.memory_space<vmem>>) semaphore(%arg12 : memref<!tpu.dma_semaphore, #tpu.memory_space<semaphore_mem>>)
      %dma_wait3A_291 = arith.constant 1152 : i32
      %dma_wait3A_292 = tpu.memref_slice %arg6[%dma_wait3A_291] : memref<2048xi32, #tpu.memory_space<vmem>> -> memref<128xi32, #tpu.memory_space<vmem>>
      %dma_wait3A_293 = arith.constant 0 : i32
      %dma_wait3A_294 = arith.constant 0 : i32
      %dma_wait3A_295 = tpu.memref_slice %arg2[%dma_wait3A_293, %dma_wait3A_294] : memref<10240x128xf32, #tpu.memory_space<hbm>> -> memref<10240x128xf32, #tpu.memory_space<hbm>>
      tpu.wait_indirect_dma semaphore(%arg13 : memref<!tpu.dma_semaphore, #tpu.memory_space<semaphore_mem>>) src(%dma_wait3A_295 : memref<10240x128xf32, #tpu.memory_space<hbm>>) dst(%arg10 : memref<128x128xf32, #tpu.memory_space<vmem>>)
      %dma_start3A_296 = arith.constant 1 : i32
      %dma_start3A_297 = arith.constant 0 : i32
      %dma_start3A_298 = tpu.memref_slice %arg8[%dma_start3A_296, %dma_start3A_297] : memref<8x128xi32, #tpu.memory_space<vmem>> -> memref<1x128xi32, #tpu.memory_space<vmem>>
      %dma_start3A_299 = tpu.memref_squeeze %dma_start3A_298 : memref<1x128xi32, #tpu.memory_space<vmem>> -> memref<128xi32, #tpu.memory_space<vmem>>
      %dma_start3A_300 = arith.constant 0 : i32
      %dma_start3A_301 = arith.constant 0 : i32
      %dma_start3A_302 = tpu.memref_slice %arg11[%dma_start3A_300, %dma_start3A_301] : memref<10112x128xf32, #tpu.memory_space<vmem_shared>> -> memref<10112x128xf32, #tpu.memory_space<vmem_shared>>
      tpu.enqueue_indirect_dma source(%arg10 : memref<128x128xf32, #tpu.memory_space<vmem>>) target(%dma_start3A_302 : memref<10112x128xf32, #tpu.memory_space<vmem_shared>>) offsets(%dma_start3A_299 : memref<128xi32, #tpu.memory_space<vmem>>) semaphore(%arg15 : memref<!tpu.dma_semaphore, #tpu.memory_space<semaphore_mem>>) {add = true}
      %dma_wait3A_303 = arith.constant 1 : i32
      %dma_wait3A_304 = arith.constant 0 : i32
      %dma_wait3A_305 = tpu.memref_slice %arg8[%dma_wait3A_303, %dma_wait3A_304] : memref<8x128xi32, #tpu.memory_space<vmem>> -> memref<1x128xi32, #tpu.memory_space<vmem>>
      %dma_wait3A_306 = tpu.memref_squeeze %dma_wait3A_305 : memref<1x128xi32, #tpu.memory_space<vmem>> -> memref<128xi32, #tpu.memory_space<vmem>>
      %dma_wait3A_307 = arith.constant 0 : i32
      %dma_wait3A_308 = arith.constant 0 : i32
      %dma_wait3A_309 = tpu.memref_slice %arg11[%dma_wait3A_307, %dma_wait3A_308] : memref<10112x128xf32, #tpu.memory_space<vmem_shared>> -> memref<10112x128xf32, #tpu.memory_space<vmem_shared>>
      tpu.wait_indirect_dma semaphore(%arg15 : memref<!tpu.dma_semaphore, #tpu.memory_space<semaphore_mem>>) src(%arg10 : memref<128x128xf32, #tpu.memory_space<vmem>>) dst(%dma_wait3A_309 : memref<10112x128xf32, #tpu.memory_space<vmem_shared>>)
      %dma_start3A_310 = arith.constant 1408 : i32
      %dma_start3A_311 = tpu.memref_slice %arg6[%dma_start3A_310] : memref<2048xi32, #tpu.memory_space<vmem>> -> memref<128xi32, #tpu.memory_space<vmem>>
      %dma_start3A_312 = arith.constant 0 : i32
      %dma_start3A_313 = arith.constant 0 : i32
      %dma_start3A_314 = tpu.memref_slice %arg2[%dma_start3A_312, %dma_start3A_313] : memref<10240x128xf32, #tpu.memory_space<hbm>> -> memref<10240x128xf32, #tpu.memory_space<hbm>>
      tpu.enqueue_indirect_dma source(%dma_start3A_314 : memref<10240x128xf32, #tpu.memory_space<hbm>>) target(%arg10 : memref<128x128xf32, #tpu.memory_space<vmem>>) offsets(%dma_start3A_311 : memref<128xi32, #tpu.memory_space<vmem>>) semaphore(%arg13 : memref<!tpu.dma_semaphore, #tpu.memory_space<semaphore_mem>>)
      %dma_wait3A_315 = arith.constant 1280 : i32
      %dma_wait3A_316 = tpu.memref_slice %arg6[%dma_wait3A_315] : memref<2048xi32, #tpu.memory_space<vmem>> -> memref<128xi32, #tpu.memory_space<vmem>>
      %dma_wait3A_317 = arith.constant 0 : i32
      %dma_wait3A_318 = arith.constant 0 : i32
      %dma_wait3A_319 = tpu.memref_slice %arg2[%dma_wait3A_317, %dma_wait3A_318] : memref<10240x128xf32, #tpu.memory_space<hbm>> -> memref<10240x128xf32, #tpu.memory_space<hbm>>
      tpu.wait_indirect_dma semaphore(%arg12 : memref<!tpu.dma_semaphore, #tpu.memory_space<semaphore_mem>>) src(%dma_wait3A_319 : memref<10240x128xf32, #tpu.memory_space<hbm>>) dst(%arg9 : memref<128x128xf32, #tpu.memory_space<vmem>>)
      %dma_start3A_320 = arith.constant 2 : i32
      %dma_start3A_321 = arith.constant 0 : i32
      %dma_start3A_322 = tpu.memref_slice %arg8[%dma_start3A_320, %dma_start3A_321] : memref<8x128xi32, #tpu.memory_space<vmem>> -> memref<1x128xi32, #tpu.memory_space<vmem>>
      %dma_start3A_323 = tpu.memref_squeeze %dma_start3A_322 : memref<1x128xi32, #tpu.memory_space<vmem>> -> memref<128xi32, #tpu.memory_space<vmem>>
      %dma_start3A_324 = arith.constant 0 : i32
      %dma_start3A_325 = arith.constant 0 : i32
      %dma_start3A_326 = tpu.memref_slice %arg11[%dma_start3A_324, %dma_start3A_325] : memref<10112x128xf32, #tpu.memory_space<vmem_shared>> -> memref<10112x128xf32, #tpu.memory_space<vmem_shared>>
      tpu.enqueue_indirect_dma source(%arg9 : memref<128x128xf32, #tpu.memory_space<vmem>>) target(%dma_start3A_326 : memref<10112x128xf32, #tpu.memory_space<vmem_shared>>) offsets(%dma_start3A_323 : memref<128xi32, #tpu.memory_space<vmem>>) semaphore(%arg14 : memref<!tpu.dma_semaphore, #tpu.memory_space<semaphore_mem>>) {add = true}
      %dma_wait3A_327 = arith.constant 2 : i32
      %dma_wait3A_328 = arith.constant 0 : i32
      %dma_wait3A_329 = tpu.memref_slice %arg8[%dma_wait3A_327, %dma_wait3A_328] : memref<8x128xi32, #tpu.memory_space<vmem>> -> memref<1x128xi32, #tpu.memory_space<vmem>>
      %dma_wait3A_330 = tpu.memref_squeeze %dma_wait3A_329 : memref<1x128xi32, #tpu.memory_space<vmem>> -> memref<128xi32, #tpu.memory_space<vmem>>
      %dma_wait3A_331 = arith.constant 0 : i32
      %dma_wait3A_332 = arith.constant 0 : i32
      %dma_wait3A_333 = tpu.memref_slice %arg11[%dma_wait3A_331, %dma_wait3A_332] : memref<10112x128xf32, #tpu.memory_space<vmem_shared>> -> memref<10112x128xf32, #tpu.memory_space<vmem_shared>>
      tpu.wait_indirect_dma semaphore(%arg14 : memref<!tpu.dma_semaphore, #tpu.memory_space<semaphore_mem>>) src(%arg9 : memref<128x128xf32, #tpu.memory_space<vmem>>) dst(%dma_wait3A_333 : memref<10112x128xf32, #tpu.memory_space<vmem_shared>>)
      %dma_start3A_334 = arith.constant 1536 : i32
      %dma_start3A_335 = tpu.memref_slice %arg6[%dma_start3A_334] : memref<2048xi32, #tpu.memory_space<vmem>> -> memref<128xi32, #tpu.memory_space<vmem>>
      %dma_start3A_336 = arith.constant 0 : i32
      %dma_start3A_337 = arith.constant 0 : i32
      %dma_start3A_338 = tpu.memref_slice %arg2[%dma_start3A_336, %dma_start3A_337] : memref<10240x128xf32, #tpu.memory_space<hbm>> -> memref<10240x128xf32, #tpu.memory_space<hbm>>
      tpu.enqueue_indirect_dma source(%dma_start3A_338 : memref<10240x128xf32, #tpu.memory_space<hbm>>) target(%arg9 : memref<128x128xf32, #tpu.memory_space<vmem>>) offsets(%dma_start3A_335 : memref<128xi32, #tpu.memory_space<vmem>>) semaphore(%arg12 : memref<!tpu.dma_semaphore, #tpu.memory_space<semaphore_mem>>)
      %dma_wait3A_339 = arith.constant 1408 : i32
      %dma_wait3A_340 = tpu.memref_slice %arg6[%dma_wait3A_339] : memref<2048xi32, #tpu.memory_space<vmem>> -> memref<128xi32, #tpu.memory_space<vmem>>
      %dma_wait3A_341 = arith.constant 0 : i32
      %dma_wait3A_342 = arith.constant 0 : i32
      %dma_wait3A_343 = tpu.memref_slice %arg2[%dma_wait3A_341, %dma_wait3A_342] : memref<10240x128xf32, #tpu.memory_space<hbm>> -> memref<10240x128xf32, #tpu.memory_space<hbm>>
      tpu.wait_indirect_dma semaphore(%arg13 : memref<!tpu.dma_semaphore, #tpu.memory_space<semaphore_mem>>) src(%dma_wait3A_343 : memref<10240x128xf32, #tpu.memory_space<hbm>>) dst(%arg10 : memref<128x128xf32, #tpu.memory_space<vmem>>)
      %dma_start3A_344 = arith.constant 3 : i32
      %dma_start3A_345 = arith.constant 0 : i32
      %dma_start3A_346 = tpu.memref_slice %arg8[%dma_start3A_344, %dma_start3A_345] : memref<8x128xi32, #tpu.memory_space<vmem>> -> memref<1x128xi32, #tpu.memory_space<vmem>>
      %dma_start3A_347 = tpu.memref_squeeze %dma_start3A_346 : memref<1x128xi32, #tpu.memory_space<vmem>> -> memref<128xi32, #tpu.memory_space<vmem>>
      %dma_start3A_348 = arith.constant 0 : i32
      %dma_start3A_349 = arith.constant 0 : i32
      %dma_start3A_350 = tpu.memref_slice %arg11[%dma_start3A_348, %dma_start3A_349] : memref<10112x128xf32, #tpu.memory_space<vmem_shared>> -> memref<10112x128xf32, #tpu.memory_space<vmem_shared>>
      tpu.enqueue_indirect_dma source(%arg10 : memref<128x128xf32, #tpu.memory_space<vmem>>) target(%dma_start3A_350 : memref<10112x128xf32, #tpu.memory_space<vmem_shared>>) offsets(%dma_start3A_347 : memref<128xi32, #tpu.memory_space<vmem>>) semaphore(%arg15 : memref<!tpu.dma_semaphore, #tpu.memory_space<semaphore_mem>>) {add = true}
      %dma_wait3A_351 = arith.constant 3 : i32
      %dma_wait3A_352 = arith.constant 0 : i32
      %dma_wait3A_353 = tpu.memref_slice %arg8[%dma_wait3A_351, %dma_wait3A_352] : memref<8x128xi32, #tpu.memory_space<vmem>> -> memref<1x128xi32, #tpu.memory_space<vmem>>
      %dma_wait3A_354 = tpu.memref_squeeze %dma_wait3A_353 : memref<1x128xi32, #tpu.memory_space<vmem>> -> memref<128xi32, #tpu.memory_space<vmem>>
      %dma_wait3A_355 = arith.constant 0 : i32
      %dma_wait3A_356 = arith.constant 0 : i32
      %dma_wait3A_357 = tpu.memref_slice %arg11[%dma_wait3A_355, %dma_wait3A_356] : memref<10112x128xf32, #tpu.memory_space<vmem_shared>> -> memref<10112x128xf32, #tpu.memory_space<vmem_shared>>
      tpu.wait_indirect_dma semaphore(%arg15 : memref<!tpu.dma_semaphore, #tpu.memory_space<semaphore_mem>>) src(%arg10 : memref<128x128xf32, #tpu.memory_space<vmem>>) dst(%dma_wait3A_357 : memref<10112x128xf32, #tpu.memory_space<vmem_shared>>)
      %dma_start3A_358 = arith.constant 1664 : i32
      %dma_start3A_359 = tpu.memref_slice %arg6[%dma_start3A_358] : memref<2048xi32, #tpu.memory_space<vmem>> -> memref<128xi32, #tpu.memory_space<vmem>>
      %dma_start3A_360 = arith.constant 0 : i32
      %dma_start3A_361 = arith.constant 0 : i32
      %dma_start3A_362 = tpu.memref_slice %arg2[%dma_start3A_360, %dma_start3A_361] : memref<10240x128xf32, #tpu.memory_space<hbm>> -> memref<10240x128xf32, #tpu.memory_space<hbm>>
      tpu.enqueue_indirect_dma source(%dma_start3A_362 : memref<10240x128xf32, #tpu.memory_space<hbm>>) target(%arg10 : memref<128x128xf32, #tpu.memory_space<vmem>>) offsets(%dma_start3A_359 : memref<128xi32, #tpu.memory_space<vmem>>) semaphore(%arg13 : memref<!tpu.dma_semaphore, #tpu.memory_space<semaphore_mem>>)
      %dma_wait3A_363 = arith.constant 1536 : i32
      %dma_wait3A_364 = tpu.memref_slice %arg6[%dma_wait3A_363] : memref<2048xi32, #tpu.memory_space<vmem>> -> memref<128xi32, #tpu.memory_space<vmem>>
      %dma_wait3A_365 = arith.constant 0 : i32
      %dma_wait3A_366 = arith.constant 0 : i32
      %dma_wait3A_367 = tpu.memref_slice %arg2[%dma_wait3A_365, %dma_wait3A_366] : memref<10240x128xf32, #tpu.memory_space<hbm>> -> memref<10240x128xf32, #tpu.memory_space<hbm>>
      tpu.wait_indirect_dma semaphore(%arg12 : memref<!tpu.dma_semaphore, #tpu.memory_space<semaphore_mem>>) src(%dma_wait3A_367 : memref<10240x128xf32, #tpu.memory_space<hbm>>) dst(%arg9 : memref<128x128xf32, #tpu.memory_space<vmem>>)
      %dma_start3A_368 = arith.constant 4 : i32
      %dma_start3A_369 = arith.constant 0 : i32
      %dma_start3A_370 = tpu.memref_slice %arg8[%dma_start3A_368, %dma_start3A_369] : memref<8x128xi32, #tpu.memory_space<vmem>> -> memref<1x128xi32, #tpu.memory_space<vmem>>
      %dma_start3A_371 = tpu.memref_squeeze %dma_start3A_370 : memref<1x128xi32, #tpu.memory_space<vmem>> -> memref<128xi32, #tpu.memory_space<vmem>>
      %dma_start3A_372 = arith.constant 0 : i32
      %dma_start3A_373 = arith.constant 0 : i32
      %dma_start3A_374 = tpu.memref_slice %arg11[%dma_start3A_372, %dma_start3A_373] : memref<10112x128xf32, #tpu.memory_space<vmem_shared>> -> memref<10112x128xf32, #tpu.memory_space<vmem_shared>>
      tpu.enqueue_indirect_dma source(%arg9 : memref<128x128xf32, #tpu.memory_space<vmem>>) target(%dma_start3A_374 : memref<10112x128xf32, #tpu.memory_space<vmem_shared>>) offsets(%dma_start3A_371 : memref<128xi32, #tpu.memory_space<vmem>>) semaphore(%arg14 : memref<!tpu.dma_semaphore, #tpu.memory_space<semaphore_mem>>) {add = true}
      %dma_wait3A_375 = arith.constant 4 : i32
      %dma_wait3A_376 = arith.constant 0 : i32
      %dma_wait3A_377 = tpu.memref_slice %arg8[%dma_wait3A_375, %dma_wait3A_376] : memref<8x128xi32, #tpu.memory_space<vmem>> -> memref<1x128xi32, #tpu.memory_space<vmem>>
      %dma_wait3A_378 = tpu.memref_squeeze %dma_wait3A_377 : memref<1x128xi32, #tpu.memory_space<vmem>> -> memref<128xi32, #tpu.memory_space<vmem>>
      %dma_wait3A_379 = arith.constant 0 : i32
      %dma_wait3A_380 = arith.constant 0 : i32
      %dma_wait3A_381 = tpu.memref_slice %arg11[%dma_wait3A_379, %dma_wait3A_380] : memref<10112x128xf32, #tpu.memory_space<vmem_shared>> -> memref<10112x128xf32, #tpu.memory_space<vmem_shared>>
      tpu.wait_indirect_dma semaphore(%arg14 : memref<!tpu.dma_semaphore, #tpu.memory_space<semaphore_mem>>) src(%arg9 : memref<128x128xf32, #tpu.memory_space<vmem>>) dst(%dma_wait3A_381 : memref<10112x128xf32, #tpu.memory_space<vmem_shared>>)
      %dma_start3A_382 = arith.constant 1792 : i32
      %dma_start3A_383 = tpu.memref_slice %arg6[%dma_start3A_382] : memref<2048xi32, #tpu.memory_space<vmem>> -> memref<128xi32, #tpu.memory_space<vmem>>
      %dma_start3A_384 = arith.constant 0 : i32
      %dma_start3A_385 = arith.constant 0 : i32
      %dma_start3A_386 = tpu.memref_slice %arg2[%dma_start3A_384, %dma_start3A_385] : memref<10240x128xf32, #tpu.memory_space<hbm>> -> memref<10240x128xf32, #tpu.memory_space<hbm>>
      tpu.enqueue_indirect_dma source(%dma_start3A_386 : memref<10240x128xf32, #tpu.memory_space<hbm>>) target(%arg9 : memref<128x128xf32, #tpu.memory_space<vmem>>) offsets(%dma_start3A_383 : memref<128xi32, #tpu.memory_space<vmem>>) semaphore(%arg12 : memref<!tpu.dma_semaphore, #tpu.memory_space<semaphore_mem>>)
      %dma_wait3A_387 = arith.constant 1664 : i32
      %dma_wait3A_388 = tpu.memref_slice %arg6[%dma_wait3A_387] : memref<2048xi32, #tpu.memory_space<vmem>> -> memref<128xi32, #tpu.memory_space<vmem>>
      %dma_wait3A_389 = arith.constant 0 : i32
      %dma_wait3A_390 = arith.constant 0 : i32
      %dma_wait3A_391 = tpu.memref_slice %arg2[%dma_wait3A_389, %dma_wait3A_390] : memref<10240x128xf32, #tpu.memory_space<hbm>> -> memref<10240x128xf32, #tpu.memory_space<hbm>>
      tpu.wait_indirect_dma semaphore(%arg13 : memref<!tpu.dma_semaphore, #tpu.memory_space<semaphore_mem>>) src(%dma_wait3A_391 : memref<10240x128xf32, #tpu.memory_space<hbm>>) dst(%arg10 : memref<128x128xf32, #tpu.memory_space<vmem>>)
      %dma_start3A_392 = arith.constant 5 : i32
      %dma_start3A_393 = arith.constant 0 : i32
      %dma_start3A_394 = tpu.memref_slice %arg8[%dma_start3A_392, %dma_start3A_393] : memref<8x128xi32, #tpu.memory_space<vmem>> -> memref<1x128xi32, #tpu.memory_space<vmem>>
      %dma_start3A_395 = tpu.memref_squeeze %dma_start3A_394 : memref<1x128xi32, #tpu.memory_space<vmem>> -> memref<128xi32, #tpu.memory_space<vmem>>
      %dma_start3A_396 = arith.constant 0 : i32
      %dma_start3A_397 = arith.constant 0 : i32
      %dma_start3A_398 = tpu.memref_slice %arg11[%dma_start3A_396, %dma_start3A_397] : memref<10112x128xf32, #tpu.memory_space<vmem_shared>> -> memref<10112x128xf32, #tpu.memory_space<vmem_shared>>
      tpu.enqueue_indirect_dma source(%arg10 : memref<128x128xf32, #tpu.memory_space<vmem>>) target(%dma_start3A_398 : memref<10112x128xf32, #tpu.memory_space<vmem_shared>>) offsets(%dma_start3A_395 : memref<128xi32, #tpu.memory_space<vmem>>) semaphore(%arg15 : memref<!tpu.dma_semaphore, #tpu.memory_space<semaphore_mem>>) {add = true}
      %dma_wait3A_399 = arith.constant 5 : i32
      %dma_wait3A_400 = arith.constant 0 : i32
      %dma_wait3A_401 = tpu.memref_slice %arg8[%dma_wait3A_399, %dma_wait3A_400] : memref<8x128xi32, #tpu.memory_space<vmem>> -> memref<1x128xi32, #tpu.memory_space<vmem>>
      %dma_wait3A_402 = tpu.memref_squeeze %dma_wait3A_401 : memref<1x128xi32, #tpu.memory_space<vmem>> -> memref<128xi32, #tpu.memory_space<vmem>>
      %dma_wait3A_403 = arith.constant 0 : i32
      %dma_wait3A_404 = arith.constant 0 : i32
      %dma_wait3A_405 = tpu.memref_slice %arg11[%dma_wait3A_403, %dma_wait3A_404] : memref<10112x128xf32, #tpu.memory_space<vmem_shared>> -> memref<10112x128xf32, #tpu.memory_space<vmem_shared>>
      tpu.wait_indirect_dma semaphore(%arg15 : memref<!tpu.dma_semaphore, #tpu.memory_space<semaphore_mem>>) src(%arg10 : memref<128x128xf32, #tpu.memory_space<vmem>>) dst(%dma_wait3A_405 : memref<10112x128xf32, #tpu.memory_space<vmem_shared>>)
      %dma_start3A_406 = arith.constant 1920 : i32
      %dma_start3A_407 = tpu.memref_slice %arg6[%dma_start3A_406] : memref<2048xi32, #tpu.memory_space<vmem>> -> memref<128xi32, #tpu.memory_space<vmem>>
      %dma_start3A_408 = arith.constant 0 : i32
      %dma_start3A_409 = arith.constant 0 : i32
      %dma_start3A_410 = tpu.memref_slice %arg2[%dma_start3A_408, %dma_start3A_409] : memref<10240x128xf32, #tpu.memory_space<hbm>> -> memref<10240x128xf32, #tpu.memory_space<hbm>>
      tpu.enqueue_indirect_dma source(%dma_start3A_410 : memref<10240x128xf32, #tpu.memory_space<hbm>>) target(%arg10 : memref<128x128xf32, #tpu.memory_space<vmem>>) offsets(%dma_start3A_407 : memref<128xi32, #tpu.memory_space<vmem>>) semaphore(%arg13 : memref<!tpu.dma_semaphore, #tpu.memory_space<semaphore_mem>>)
      %dma_wait3A_411 = arith.constant 1792 : i32
      %dma_wait3A_412 = tpu.memref_slice %arg6[%dma_wait3A_411] : memref<2048xi32, #tpu.memory_space<vmem>> -> memref<128xi32, #tpu.memory_space<vmem>>
      %dma_wait3A_413 = arith.constant 0 : i32
      %dma_wait3A_414 = arith.constant 0 : i32
      %dma_wait3A_415 = tpu.memref_slice %arg2[%dma_wait3A_413, %dma_wait3A_414] : memref<10240x128xf32, #tpu.memory_space<hbm>> -> memref<10240x128xf32, #tpu.memory_space<hbm>>
      tpu.wait_indirect_dma semaphore(%arg12 : memref<!tpu.dma_semaphore, #tpu.memory_space<semaphore_mem>>) src(%dma_wait3A_415 : memref<10240x128xf32, #tpu.memory_space<hbm>>) dst(%arg9 : memref<128x128xf32, #tpu.memory_space<vmem>>)
      %dma_start3A_416 = arith.constant 6 : i32
      %dma_start3A_417 = arith.constant 0 : i32
      %dma_start3A_418 = tpu.memref_slice %arg8[%dma_start3A_416, %dma_start3A_417] : memref<8x128xi32, #tpu.memory_space<vmem>> -> memref<1x128xi32, #tpu.memory_space<vmem>>
      %dma_start3A_419 = tpu.memref_squeeze %dma_start3A_418 : memref<1x128xi32, #tpu.memory_space<vmem>> -> memref<128xi32, #tpu.memory_space<vmem>>
      %dma_start3A_420 = arith.constant 0 : i32
      %dma_start3A_421 = arith.constant 0 : i32
      %dma_start3A_422 = tpu.memref_slice %arg11[%dma_start3A_420, %dma_start3A_421] : memref<10112x128xf32, #tpu.memory_space<vmem_shared>> -> memref<10112x128xf32, #tpu.memory_space<vmem_shared>>
      tpu.enqueue_indirect_dma source(%arg9 : memref<128x128xf32, #tpu.memory_space<vmem>>) target(%dma_start3A_422 : memref<10112x128xf32, #tpu.memory_space<vmem_shared>>) offsets(%dma_start3A_419 : memref<128xi32, #tpu.memory_space<vmem>>) semaphore(%arg14 : memref<!tpu.dma_semaphore, #tpu.memory_space<semaphore_mem>>) {add = true}
      %dma_wait3A_423 = arith.constant 1920 : i32
      %dma_wait3A_424 = tpu.memref_slice %arg6[%dma_wait3A_423] : memref<2048xi32, #tpu.memory_space<vmem>> -> memref<128xi32, #tpu.memory_space<vmem>>
      %dma_wait3A_425 = arith.constant 0 : i32
      %dma_wait3A_426 = arith.constant 0 : i32
      %dma_wait3A_427 = tpu.memref_slice %arg2[%dma_wait3A_425, %dma_wait3A_426] : memref<10240x128xf32, #tpu.memory_space<hbm>> -> memref<10240x128xf32, #tpu.memory_space<hbm>>
      tpu.wait_indirect_dma semaphore(%arg13 : memref<!tpu.dma_semaphore, #tpu.memory_space<semaphore_mem>>) src(%dma_wait3A_427 : memref<10240x128xf32, #tpu.memory_space<hbm>>) dst(%arg10 : memref<128x128xf32, #tpu.memory_space<vmem>>)
      %dma_start3A_428 = arith.constant 7 : i32
      %dma_start3A_429 = arith.constant 0 : i32
      %dma_start3A_430 = tpu.memref_slice %arg8[%dma_start3A_428, %dma_start3A_429] : memref<8x128xi32, #tpu.memory_space<vmem>> -> memref<1x128xi32, #tpu.memory_space<vmem>>
      %dma_start3A_431 = tpu.memref_squeeze %dma_start3A_430 : memref<1x128xi32, #tpu.memory_space<vmem>> -> memref<128xi32, #tpu.memory_space<vmem>>
      %dma_start3A_432 = arith.constant 0 : i32
      %dma_start3A_433 = arith.constant 0 : i32
      %dma_start3A_434 = tpu.memref_slice %arg11[%dma_start3A_432, %dma_start3A_433] : memref<10112x128xf32, #tpu.memory_space<vmem_shared>> -> memref<10112x128xf32, #tpu.memory_space<vmem_shared>>
      tpu.enqueue_indirect_dma source(%arg10 : memref<128x128xf32, #tpu.memory_space<vmem>>) target(%dma_start3A_434 : memref<10112x128xf32, #tpu.memory_space<vmem_shared>>) offsets(%dma_start3A_431 : memref<128xi32, #tpu.memory_space<vmem>>) semaphore(%arg15 : memref<!tpu.dma_semaphore, #tpu.memory_space<semaphore_mem>>) {add = true}
      %scan3A_435 = arith.constant 0 : i32
      scf.yield %scan3A_435 : i32
    }
    %scan3A_35 = arith.constant 5 : i32
    %dma_wait3A = arith.constant 6 : i32
    %dma_wait3A_36 = arith.constant 0 : i32
    %dma_wait3A_37 = tpu.memref_slice %arg8[%dma_wait3A, %dma_wait3A_36] : memref<8x128xi32, #tpu.memory_space<vmem>> -> memref<1x128xi32, #tpu.memory_space<vmem>>
    %dma_wait3A_38 = tpu.memref_squeeze %dma_wait3A_37 : memref<1x128xi32, #tpu.memory_space<vmem>> -> memref<128xi32, #tpu.memory_space<vmem>>
    %dma_wait3A_39 = arith.constant 0 : i32
    %dma_wait3A_40 = arith.constant 0 : i32
    %dma_wait3A_41 = tpu.memref_slice %arg11[%dma_wait3A_39, %dma_wait3A_40] : memref<10112x128xf32, #tpu.memory_space<vmem_shared>> -> memref<10112x128xf32, #tpu.memory_space<vmem_shared>>
    tpu.wait_indirect_dma semaphore(%arg14 : memref<!tpu.dma_semaphore, #tpu.memory_space<semaphore_mem>>) src(%arg9 : memref<128x128xf32, #tpu.memory_space<vmem>>) dst(%dma_wait3A_41 : memref<10112x128xf32, #tpu.memory_space<vmem_shared>>)
    %dma_wait3A_42 = arith.constant 7 : i32
    %dma_wait3A_43 = arith.constant 0 : i32
    %dma_wait3A_44 = tpu.memref_slice %arg8[%dma_wait3A_42, %dma_wait3A_43] : memref<8x128xi32, #tpu.memory_space<vmem>> -> memref<1x128xi32, #tpu.memory_space<vmem>>
    %dma_wait3A_45 = tpu.memref_squeeze %dma_wait3A_44 : memref<1x128xi32, #tpu.memory_space<vmem>> -> memref<128xi32, #tpu.memory_space<vmem>>
    %dma_wait3A_46 = arith.constant 0 : i32
    %dma_wait3A_47 = arith.constant 0 : i32
    %dma_wait3A_48 = tpu.memref_slice %arg11[%dma_wait3A_46, %dma_wait3A_47] : memref<10112x128xf32, #tpu.memory_space<vmem_shared>> -> memref<10112x128xf32, #tpu.memory_space<vmem_shared>>
    tpu.wait_indirect_dma semaphore(%arg15 : memref<!tpu.dma_semaphore, #tpu.memory_space<semaphore_mem>>) src(%arg10 : memref<128x128xf32, #tpu.memory_space<vmem>>) dst(%dma_wait3A_48 : memref<10112x128xf32, #tpu.memory_space<vmem_shared>>)
    %barrier3A_49 = arith.constant 0 : index
    tpu.barrier barrier_id(%barrier3A_49)
    %mul3A_50 = arith.constant 632 : i32
    %mul3A_51 = arith.muli %arg1, %mul3A_50 : i32
    "tpu.region"() ({
      %run_scoped3A = tpu.sem_alloc : memref<!tpu.dma_semaphore, #tpu.memory_space<semaphore_mem>>
      %dma_start3A = arith.constant 0 : i32
      %dma_start3A_52 = arith.constant 0 : i32
      %dma_start3A_53 = tpu.memref_slice %arg5[%arg0, %arg1, %dma_start3A, %dma_start3A_52] : memref<2x16x632x128xf32, #tpu.memory_space<hbm>> -> memref<1x1x632x128xf32, #tpu.memory_space<hbm>>
      %dma_start3A_54 = tpu.memref_squeeze %dma_start3A_53 : memref<1x1x632x128xf32, #tpu.memory_space<hbm>> -> memref<632x128xf32, #tpu.memory_space<hbm>>
      %dma_start3A_55 = arith.constant 0 : i32
      %dma_start3A_56 = tpu.memref_slice %arg11[%mul3A_51, %dma_start3A_55] : memref<10112x128xf32, #tpu.memory_space<vmem_shared>> -> memref<632x128xf32, #tpu.memory_space<vmem_shared>>
      tpu.enqueue_dma source(%dma_start3A_56 : memref<632x128xf32, #tpu.memory_space<vmem_shared>>) target(%dma_start3A_54 : memref<632x128xf32, #tpu.memory_space<hbm>>) target_semaphore(%run_scoped3A : memref<!tpu.dma_semaphore, #tpu.memory_space<semaphore_mem>>)
      %dma_wait3A_57 = arith.constant 0 : i32
      %dma_wait3A_58 = arith.constant 0 : i32
      %dma_wait3A_59 = tpu.memref_slice %arg5[%arg0, %arg1, %dma_wait3A_57, %dma_wait3A_58] : memref<2x16x632x128xf32, #tpu.memory_space<hbm>> -> memref<1x1x632x128xf32, #tpu.memory_space<hbm>>
      %dma_wait3A_60 = tpu.memref_squeeze %dma_wait3A_59 : memref<1x1x632x128xf32, #tpu.memory_space<hbm>> -> memref<632x128xf32, #tpu.memory_space<hbm>>
      %dma_wait3A_61 = arith.constant 0 : i32
      %dma_wait3A_62 = tpu.memref_slice %arg11[%mul3A_51, %dma_wait3A_61] : memref<10112x128xf32, #tpu.memory_space<vmem_shared>> -> memref<632x128xf32, #tpu.memory_space<vmem_shared>>
      tpu.wait_dma2 semaphore(%run_scoped3A : memref<!tpu.dma_semaphore, #tpu.memory_space<semaphore_mem>>) src(%dma_wait3A_62 : memref<632x128xf32, #tpu.memory_space<vmem_shared>>) dst(%dma_wait3A_60 : memref<632x128xf32, #tpu.memory_space<hbm>>)
      tpu.yield
    }) : () -> ()
    return
  }
}

#map = affine_map<(d0, d1) -> (0, 0)>
#map1 = affine_map<(d0, d1) -> (0)>
#map2 = affine_map<(d0, d1) -> (0, 0, 0, 0)>
module attributes {stable_mosaic.version = 14 : i64} {
  func.func @_agg_body(%arg0: i32, %arg1: i32, %arg2: memref<10240x128xf32, #tpu.memory_space<hbm>>, %arg3: memref<327680xi32, #tpu.memory_space<hbm>>, %arg4: memref<2560x128xi32, #tpu.memory_space<hbm>>, %arg5: memref<2x16x632x128xf32, #tpu.memory_space<hbm>>, %arg6: memref<2048xi32, #tpu.memory_space<vmem>>, %arg7: memref<8x128xi32, #tpu.memory_space<vmem>>, %arg8: memref<8x128xi32, #tpu.memory_space<vmem>>, %arg9: memref<128x128xf32, #tpu.memory_space<vmem>>, %arg10: memref<128x128xf32, #tpu.memory_space<vmem>>, %arg11: memref<10112x128xf32, #tpu.memory_space<vmem_shared>>, %arg12: memref<!tpu.dma_semaphore, #tpu.memory_space<semaphore_mem>>, %arg13: memref<!tpu.dma_semaphore, #tpu.memory_space<semaphore_mem>>, %arg14: memref<!tpu.dma_semaphore, #tpu.memory_space<semaphore_mem>>, %arg15: memref<!tpu.dma_semaphore, #tpu.memory_space<semaphore_mem>>) attributes {dimension_semantics = [#tpu.dimension_semantics<core_parallel>, #tpu.dimension_semantics<subcore_parallel>], iteration_bounds = array<i64: 2, 16>, scalar_prefetch = 0 : i64, scratch_operands = 10 : i64, tpu.core_type = #tpu.core_type<sc_vector_subcore>, window_params = [{transform_indices = #map}, {transform_indices = #map1}, {transform_indices = #map}, {transform_indices = #map2}]} {
    %mul3A = arith.constant 16 : i32
    %mul3A_0 = arith.muli %arg0, %mul3A : i32
    %add3A = arith.addi %mul3A_0, %arg1 : i32
    %mul3A_1 = arith.constant 80 : i32
    %mul3A_2 = arith.muli %add3A, %mul3A_1 : i32
    %scan3A = arith.constant 0 : i32
    %scan3A_3 = arith.constant 0 : i32
    %scan3A_4 = arith.constant 128 : i32
    %scan3A_5 = arith.addi %scan3A_3, %scan3A_4 : i32
    %scan3A_6 = arith.constant 1 : i32
    %scan3A_7 = scf.for %scan3A_52 = %scan3A_3 to %scan3A_5 step %scan3A_6 iter_args(%scan3A_53 = %scan3A) -> (i32)  : i32 {
      %broadcast_in_dim3A = arith.constant 0.000000e+00 : f32
      %broadcast_in_dim3A_54 = vector.broadcast %broadcast_in_dim3A : f32 to vector<16xf32>
      %swap3A = arith.index_cast %scan3A_52 : i32 to index
      %swap3A_55 = arith.constant 0 : index
      %swap3A_56 = tpu.vector_load %arg9[%swap3A, %swap3A_55] {strides = array<i32>} : memref<128x128xf32, #tpu.memory_space<vmem>>, vector<1x16xf32>,
      %swap3A_57 = vector.shape_cast %swap3A_56 : vector<1x16xf32> to vector<16xf32>
      %swap3A_58 = vector.shape_cast %broadcast_in_dim3A_54 : vector<16xf32> to vector<1x16xf32>
      tpu.vector_store %arg9[%swap3A, %swap3A_55], %swap3A_58 {strides = array<i32>} : memref<128x128xf32, #tpu.memory_space<vmem>>, vector<1x16xf32>,
      %broadcast_in_dim3A_59 = arith.constant 0.000000e+00 : f32
      %broadcast_in_dim3A_60 = vector.broadcast %broadcast_in_dim3A_59 : f32 to vector<16xf32>
      %swap3A_61 = arith.index_cast %scan3A_52 : i32 to index
      %swap3A_62 = arith.constant 16 : index
      %swap3A_63 = tpu.vector_load %arg9[%swap3A_61, %swap3A_62] {strides = array<i32>} : memref<128x128xf32, #tpu.memory_space<vmem>>, vector<1x16xf32>,
      %swap3A_64 = vector.shape_cast %swap3A_63 : vector<1x16xf32> to vector<16xf32>
      %swap3A_65 = vector.shape_cast %broadcast_in_dim3A_60 : vector<16xf32> to vector<1x16xf32>
      tpu.vector_store %arg9[%swap3A_61, %swap3A_62], %swap3A_65 {strides = array<i32>} : memref<128x128xf32, #tpu.memory_space<vmem>>, vector<1x16xf32>,
      %broadcast_in_dim3A_66 = arith.constant 0.000000e+00 : f32
      %broadcast_in_dim3A_67 = vector.broadcast %broadcast_in_dim3A_66 : f32 to vector<16xf32>
      %swap3A_68 = arith.index_cast %scan3A_52 : i32 to index
      %swap3A_69 = arith.constant 32 : index
      %swap3A_70 = tpu.vector_load %arg9[%swap3A_68, %swap3A_69] {strides = array<i32>} : memref<128x128xf32, #tpu.memory_space<vmem>>, vector<1x16xf32>,
      %swap3A_71 = vector.shape_cast %swap3A_70 : vector<1x16xf32> to vector<16xf32>
      %swap3A_72 = vector.shape_cast %broadcast_in_dim3A_67 : vector<16xf32> to vector<1x16xf32>
      tpu.vector_store %arg9[%swap3A_68, %swap3A_69], %swap3A_72 {strides = array<i32>} : memref<128x128xf32, #tpu.memory_space<vmem>>, vector<1x16xf32>,
      %broadcast_in_dim3A_73 = arith.constant 0.000000e+00 : f32
      %broadcast_in_dim3A_74 = vector.broadcast %broadcast_in_dim3A_73 : f32 to vector<16xf32>
      %swap3A_75 = arith.index_cast %scan3A_52 : i32 to index
      %swap3A_76 = arith.constant 48 : index
      %swap3A_77 = tpu.vector_load %arg9[%swap3A_75, %swap3A_76] {strides = array<i32>} : memref<128x128xf32, #tpu.memory_space<vmem>>, vector<1x16xf32>,
      %swap3A_78 = vector.shape_cast %swap3A_77 : vector<1x16xf32> to vector<16xf32>
      %swap3A_79 = vector.shape_cast %broadcast_in_dim3A_74 : vector<16xf32> to vector<1x16xf32>
      tpu.vector_store %arg9[%swap3A_75, %swap3A_76], %swap3A_79 {strides = array<i32>} : memref<128x128xf32, #tpu.memory_space<vmem>>, vector<1x16xf32>,
      %broadcast_in_dim3A_80 = arith.constant 0.000000e+00 : f32
      %broadcast_in_dim3A_81 = vector.broadcast %broadcast_in_dim3A_80 : f32 to vector<16xf32>
      %swap3A_82 = arith.index_cast %scan3A_52 : i32 to index
      %swap3A_83 = arith.constant 64 : index
      %swap3A_84 = tpu.vector_load %arg9[%swap3A_82, %swap3A_83] {strides = array<i32>} : memref<128x128xf32, #tpu.memory_space<vmem>>, vector<1x16xf32>,
      %swap3A_85 = vector.shape_cast %swap3A_84 : vector<1x16xf32> to vector<16xf32>
      %swap3A_86 = vector.shape_cast %broadcast_in_dim3A_81 : vector<16xf32> to vector<1x16xf32>
      tpu.vector_store %arg9[%swap3A_82, %swap3A_83], %swap3A_86 {strides = array<i32>} : memref<128x128xf32, #tpu.memory_space<vmem>>, vector<1x16xf32>,
      %broadcast_in_dim3A_87 = arith.constant 0.000000e+00 : f32
      %broadcast_in_dim3A_88 = vector.broadcast %broadcast_in_dim3A_87 : f32 to vector<16xf32>
      %swap3A_89 = arith.index_cast %scan3A_52 : i32 to index
      %swap3A_90 = arith.constant 80 : index
      %swap3A_91 = tpu.vector_load %arg9[%swap3A_89, %swap3A_90] {strides = array<i32>} : memref<128x128xf32, #tpu.memory_space<vmem>>, vector<1x16xf32>,
      %swap3A_92 = vector.shape_cast %swap3A_91 : vector<1x16xf32> to vector<16xf32>
      %swap3A_93 = vector.shape_cast %broadcast_in_dim3A_88 : vector<16xf32> to vector<1x16xf32>
      tpu.vector_store %arg9[%swap3A_89, %swap3A_90], %swap3A_93 {strides = array<i32>} : memref<128x128xf32, #tpu.memory_space<vmem>>, vector<1x16xf32>,
      %broadcast_in_dim3A_94 = arith.constant 0.000000e+00 : f32
      %broadcast_in_dim3A_95 = vector.broadcast %broadcast_in_dim3A_94 : f32 to vector<16xf32>
      %swap3A_96 = arith.index_cast %scan3A_52 : i32 to index
      %swap3A_97 = arith.constant 96 : index
      %swap3A_98 = tpu.vector_load %arg9[%swap3A_96, %swap3A_97] {strides = array<i32>} : memref<128x128xf32, #tpu.memory_space<vmem>>, vector<1x16xf32>,
      %swap3A_99 = vector.shape_cast %swap3A_98 : vector<1x16xf32> to vector<16xf32>
      %swap3A_100 = vector.shape_cast %broadcast_in_dim3A_95 : vector<16xf32> to vector<1x16xf32>
      tpu.vector_store %arg9[%swap3A_96, %swap3A_97], %swap3A_100 {strides = array<i32>} : memref<128x128xf32, #tpu.memory_space<vmem>>, vector<1x16xf32>,
      %broadcast_in_dim3A_101 = arith.constant 0.000000e+00 : f32
      %broadcast_in_dim3A_102 = vector.broadcast %broadcast_in_dim3A_101 : f32 to vector<16xf32>
      %swap3A_103 = arith.index_cast %scan3A_52 : i32 to index
      %swap3A_104 = arith.constant 112 : index
      %swap3A_105 = tpu.vector_load %arg9[%swap3A_103, %swap3A_104] {strides = array<i32>} : memref<128x128xf32, #tpu.memory_space<vmem>>, vector<1x16xf32>,
      %swap3A_106 = vector.shape_cast %swap3A_105 : vector<1x16xf32> to vector<16xf32>
      %swap3A_107 = vector.shape_cast %broadcast_in_dim3A_102 : vector<16xf32> to vector<1x16xf32>
      tpu.vector_store %arg9[%swap3A_103, %swap3A_104], %swap3A_107 {strides = array<i32>} : memref<128x128xf32, #tpu.memory_space<vmem>>, vector<1x16xf32>,
      %scan3A_108 = arith.constant 0 : i32
      scf.yield %scan3A_108 : i32
    }
    %scan3A_8 = arith.constant 128 : i32
    %mul3A_9 = arith.constant 632 : i32
    %mul3A_10 = arith.muli %arg1, %mul3A_9 : i32
    %add3A_11 = arith.constant 0 : i32
    %add3A_12 = arith.addi %mul3A_10, %add3A_11 : i32
    "tpu.region"() ({
      %run_scoped3A = tpu.sem_alloc : memref<!tpu.dma_semaphore, #tpu.memory_space<semaphore_mem>>
      %dma_start3A = arith.constant 0 : i32
      %dma_start3A_52 = tpu.memref_slice %arg11[%add3A_12, %dma_start3A] : memref<10112x128xf32, #tpu.memory_space<vmem_shared>> -> memref<128x128xf32, #tpu.memory_space<vmem_shared>>
      %dma_start3A_53 = arith.constant 0 : i32
      %dma_start3A_54 = tpu.memref_slice %arg11[%add3A_12, %dma_start3A_53] : memref<10112x128xf32, #tpu.memory_space<vmem_shared>> -> memref<128x128xf32, #tpu.memory_space<vmem_shared>>
      tpu.enqueue_dma source(%arg9 : memref<128x128xf32, #tpu.memory_space<vmem>>) target(%dma_start3A_54 : memref<128x128xf32, #tpu.memory_space<vmem_shared>>) target_semaphore(%run_scoped3A : memref<!tpu.dma_semaphore, #tpu.memory_space<semaphore_mem>>)
      %dma_wait3A_55 = arith.constant 0 : i32
      %dma_wait3A_56 = tpu.memref_slice %arg11[%add3A_12, %dma_wait3A_55] : memref<10112x128xf32, #tpu.memory_space<vmem_shared>> -> memref<128x128xf32, #tpu.memory_space<vmem_shared>>
      %dma_wait3A_57 = arith.constant 0 : i32
      %dma_wait3A_58 = tpu.memref_slice %arg11[%add3A_12, %dma_wait3A_57] : memref<10112x128xf32, #tpu.memory_space<vmem_shared>> -> memref<128x128xf32, #tpu.memory_space<vmem_shared>>
      tpu.wait_dma2 semaphore(%run_scoped3A : memref<!tpu.dma_semaphore, #tpu.memory_space<semaphore_mem>>) src(%arg9 : memref<128x128xf32, #tpu.memory_space<vmem>>) dst(%dma_wait3A_58 : memref<128x128xf32, #tpu.memory_space<vmem_shared>>)
      tpu.yield
    }) : () -> ()
    %mul3A_13 = arith.constant 632 : i32
    %mul3A_14 = arith.muli %arg1, %mul3A_13 : i32
    %add3A_15 = arith.constant 128 : i32
    %add3A_16 = arith.addi %mul3A_14, %add3A_15 : i32
    "tpu.region"() ({
      %run_scoped3A = tpu.sem_alloc : memref<!tpu.dma_semaphore, #tpu.memory_space<semaphore_mem>>
      %dma_start3A = arith.constant 0 : i32
      %dma_start3A_52 = tpu.memref_slice %arg11[%add3A_16, %dma_start3A] : memref<10112x128xf32, #tpu.memory_space<vmem_shared>> -> memref<128x128xf32, #tpu.memory_space<vmem_shared>>
      %dma_start3A_53 = arith.constant 0 : i32
      %dma_start3A_54 = tpu.memref_slice %arg11[%add3A_16, %dma_start3A_53] : memref<10112x128xf32, #tpu.memory_space<vmem_shared>> -> memref<128x128xf32, #tpu.memory_space<vmem_shared>>
      tpu.enqueue_dma source(%arg9 : memref<128x128xf32, #tpu.memory_space<vmem>>) target(%dma_start3A_54 : memref<128x128xf32, #tpu.memory_space<vmem_shared>>) target_semaphore(%run_scoped3A : memref<!tpu.dma_semaphore, #tpu.memory_space<semaphore_mem>>)
      %dma_wait3A_55 = arith.constant 0 : i32
      %dma_wait3A_56 = tpu.memref_slice %arg11[%add3A_16, %dma_wait3A_55] : memref<10112x128xf32, #tpu.memory_space<vmem_shared>> -> memref<128x128xf32, #tpu.memory_space<vmem_shared>>
      %dma_wait3A_57 = arith.constant 0 : i32
      %dma_wait3A_58 = tpu.memref_slice %arg11[%add3A_16, %dma_wait3A_57] : memref<10112x128xf32, #tpu.memory_space<vmem_shared>> -> memref<128x128xf32, #tpu.memory_space<vmem_shared>>
      tpu.wait_dma2 semaphore(%run_scoped3A : memref<!tpu.dma_semaphore, #tpu.memory_space<semaphore_mem>>) src(%arg9 : memref<128x128xf32, #tpu.memory_space<vmem>>) dst(%dma_wait3A_58 : memref<128x128xf32, #tpu.memory_space<vmem_shared>>)
      tpu.yield
    }) : () -> ()
    %mul3A_17 = arith.constant 632 : i32
    %mul3A_18 = arith.muli %arg1, %mul3A_17 : i32
    %add3A_19 = arith.constant 256 : i32
    %add3A_20 = arith.addi %mul3A_18, %add3A_19 : i32
    "tpu.region"() ({
      %run_scoped3A = tpu.sem_alloc : memref<!tpu.dma_semaphore, #tpu.memory_space<semaphore_mem>>
      %dma_start3A = arith.constant 0 : i32
      %dma_start3A_52 = tpu.memref_slice %arg11[%add3A_20, %dma_start3A] : memref<10112x128xf32, #tpu.memory_space<vmem_shared>> -> memref<128x128xf32, #tpu.memory_space<vmem_shared>>
      %dma_start3A_53 = arith.constant 0 : i32
      %dma_start3A_54 = tpu.memref_slice %arg11[%add3A_20, %dma_start3A_53] : memref<10112x128xf32, #tpu.memory_space<vmem_shared>> -> memref<128x128xf32, #tpu.memory_space<vmem_shared>>
      tpu.enqueue_dma source(%arg9 : memref<128x128xf32, #tpu.memory_space<vmem>>) target(%dma_start3A_54 : memref<128x128xf32, #tpu.memory_space<vmem_shared>>) target_semaphore(%run_scoped3A : memref<!tpu.dma_semaphore, #tpu.memory_space<semaphore_mem>>)
      %dma_wait3A_55 = arith.constant 0 : i32
      %dma_wait3A_56 = tpu.memref_slice %arg11[%add3A_20, %dma_wait3A_55] : memref<10112x128xf32, #tpu.memory_space<vmem_shared>> -> memref<128x128xf32, #tpu.memory_space<vmem_shared>>
      %dma_wait3A_57 = arith.constant 0 : i32
      %dma_wait3A_58 = tpu.memref_slice %arg11[%add3A_20, %dma_wait3A_57] : memref<10112x128xf32, #tpu.memory_space<vmem_shared>> -> memref<128x128xf32, #tpu.memory_space<vmem_shared>>
      tpu.wait_dma2 semaphore(%run_scoped3A : memref<!tpu.dma_semaphore, #tpu.memory_space<semaphore_mem>>) src(%arg9 : memref<128x128xf32, #tpu.memory_space<vmem>>) dst(%dma_wait3A_58 : memref<128x128xf32, #tpu.memory_space<vmem_shared>>)
      tpu.yield
    }) : () -> ()
    %mul3A_21 = arith.constant 632 : i32
    %mul3A_22 = arith.muli %arg1, %mul3A_21 : i32
    %add3A_23 = arith.constant 384 : i32
    %add3A_24 = arith.addi %mul3A_22, %add3A_23 : i32
    "tpu.region"() ({
      %run_scoped3A = tpu.sem_alloc : memref<!tpu.dma_semaphore, #tpu.memory_space<semaphore_mem>>
      %dma_start3A = arith.constant 0 : i32
      %dma_start3A_52 = tpu.memref_slice %arg11[%add3A_24, %dma_start3A] : memref<10112x128xf32, #tpu.memory_space<vmem_shared>> -> memref<128x128xf32, #tpu.memory_space<vmem_shared>>
      %dma_start3A_53 = arith.constant 0 : i32
      %dma_start3A_54 = tpu.memref_slice %arg11[%add3A_24, %dma_start3A_53] : memref<10112x128xf32, #tpu.memory_space<vmem_shared>> -> memref<128x128xf32, #tpu.memory_space<vmem_shared>>
      tpu.enqueue_dma source(%arg9 : memref<128x128xf32, #tpu.memory_space<vmem>>) target(%dma_start3A_54 : memref<128x128xf32, #tpu.memory_space<vmem_shared>>) target_semaphore(%run_scoped3A : memref<!tpu.dma_semaphore, #tpu.memory_space<semaphore_mem>>)
      %dma_wait3A_55 = arith.constant 0 : i32
      %dma_wait3A_56 = tpu.memref_slice %arg11[%add3A_24, %dma_wait3A_55] : memref<10112x128xf32, #tpu.memory_space<vmem_shared>> -> memref<128x128xf32, #tpu.memory_space<vmem_shared>>
      %dma_wait3A_57 = arith.constant 0 : i32
      %dma_wait3A_58 = tpu.memref_slice %arg11[%add3A_24, %dma_wait3A_57] : memref<10112x128xf32, #tpu.memory_space<vmem_shared>> -> memref<128x128xf32, #tpu.memory_space<vmem_shared>>
      tpu.wait_dma2 semaphore(%run_scoped3A : memref<!tpu.dma_semaphore, #tpu.memory_space<semaphore_mem>>) src(%arg9 : memref<128x128xf32, #tpu.memory_space<vmem>>) dst(%dma_wait3A_58 : memref<128x128xf32, #tpu.memory_space<vmem_shared>>)
      tpu.yield
    }) : () -> ()
    %mul3A_25 = arith.constant 632 : i32
    %mul3A_26 = arith.muli %arg1, %mul3A_25 : i32
    %add3A_27 = arith.constant 512 : i32
    %add3A_28 = arith.addi %mul3A_26, %add3A_27 : i32
    "tpu.region"() ({
      %run_scoped3A = tpu.sem_alloc : memref<!tpu.dma_semaphore, #tpu.memory_space<semaphore_mem>>
      %dma_start3A = arith.constant 0 : i32
      %dma_start3A_52 = arith.constant 0 : i32
      %dma_start3A_53 = tpu.memref_slice %arg9[%dma_start3A, %dma_start3A_52] : memref<128x128xf32, #tpu.memory_space<vmem>> -> memref<120x128xf32, #tpu.memory_space<vmem>>
      %dma_start3A_54 = arith.constant 0 : i32
      %dma_start3A_55 = tpu.memref_slice %arg11[%add3A_28, %dma_start3A_54] : memref<10112x128xf32, #tpu.memory_space<vmem_shared>> -> memref<120x128xf32, #tpu.memory_space<vmem_shared>>
      %dma_start3A_56 = arith.constant 0 : i32
      %dma_start3A_57 = tpu.memref_slice %arg11[%add3A_28, %dma_start3A_56] : memref<10112x128xf32, #tpu.memory_space<vmem_shared>> -> memref<120x128xf32, #tpu.memory_space<vmem_shared>>
      %dma_start3A_58 = arith.constant 0 : i32
      %dma_start3A_59 = arith.constant 0 : i32
      %dma_start3A_60 = tpu.memref_slice %arg9[%dma_start3A_58, %dma_start3A_59] : memref<128x128xf32, #tpu.memory_space<vmem>> -> memref<120x128xf32, #tpu.memory_space<vmem>>
      tpu.enqueue_dma source(%dma_start3A_60 : memref<120x128xf32, #tpu.memory_space<vmem>>) target(%dma_start3A_57 : memref<120x128xf32, #tpu.memory_space<vmem_shared>>) target_semaphore(%run_scoped3A : memref<!tpu.dma_semaphore, #tpu.memory_space<semaphore_mem>>)
      %dma_wait3A_61 = arith.constant 0 : i32
      %dma_wait3A_62 = arith.constant 0 : i32
      %dma_wait3A_63 = tpu.memref_slice %arg9[%dma_wait3A_61, %dma_wait3A_62] : memref<128x128xf32, #tpu.memory_space<vmem>> -> memref<120x128xf32, #tpu.memory_space<vmem>>
      %dma_wait3A_64 = arith.constant 0 : i32
      %dma_wait3A_65 = tpu.memref_slice %arg11[%add3A_28, %dma_wait3A_64] : memref<10112x128xf32, #tpu.memory_space<vmem_shared>> -> memref<120x128xf32, #tpu.memory_space<vmem_shared>>
      %dma_wait3A_66 = arith.constant 0 : i32
      %dma_wait3A_67 = tpu.memref_slice %arg11[%add3A_28, %dma_wait3A_66] : memref<10112x128xf32, #tpu.memory_space<vmem_shared>> -> memref<120x128xf32, #tpu.memory_space<vmem_shared>>
      %dma_wait3A_68 = arith.constant 0 : i32
      %dma_wait3A_69 = arith.constant 0 : i32
      %dma_wait3A_70 = tpu.memref_slice %arg9[%dma_wait3A_68, %dma_wait3A_69] : memref<128x128xf32, #tpu.memory_space<vmem>> -> memref<120x128xf32, #tpu.memory_space<vmem>>
      tpu.wait_dma2 semaphore(%run_scoped3A : memref<!tpu.dma_semaphore, #tpu.memory_space<semaphore_mem>>) src(%dma_wait3A_70 : memref<120x128xf32, #tpu.memory_space<vmem>>) dst(%dma_wait3A_67 : memref<120x128xf32, #tpu.memory_space<vmem_shared>>)
      tpu.yield
    }) : () -> ()
    %barrier3A = arith.constant 0 : index
    tpu.barrier barrier_id(%barrier3A)
    %scan3A_29 = arith.constant 0 : i32
    %scan3A_30 = arith.constant 0 : i32
    %scan3A_31 = arith.constant 5 : i32
    %scan3A_32 = arith.addi %scan3A_30, %scan3A_31 : i32
    %scan3A_33 = arith.constant 1 : i32
    %scan3A_34 = scf.for %scan3A_52 = %scan3A_30 to %scan3A_32 step %scan3A_33 iter_args(%scan3A_53 = %scan3A_29) -> (i32)  : i32 {
      %mul3A_54 = arith.constant 16 : i32
      %mul3A_55 = arith.muli %mul3A_54, %scan3A_52 : i32
      %add3A_56 = arith.addi %mul3A_2, %mul3A_55 : i32
      %mul3A_57 = arith.constant 16 : i32
      %mul3A_58 = arith.muli %mul3A_57, %scan3A_52 : i32
      %add3A_59 = arith.addi %mul3A_2, %mul3A_58 : i32
      %mul3A_60 = arith.constant 128 : i32
      %mul3A_61 = arith.muli %add3A_59, %mul3A_60 : i32
      "tpu.region"() ({
        %run_scoped3A = tpu.sem_alloc : memref<!tpu.dma_semaphore, #tpu.memory_space<semaphore_mem>>
        %dma_start3A_436 = tpu.memref_slice %arg3[%mul3A_61] : memref<327680xi32, #tpu.memory_space<hbm>> -> memref<2048xi32, #tpu.memory_space<hbm>>
        %dma_start3A_437 = tpu.memref_slice %arg3[%mul3A_61] : memref<327680xi32, #tpu.memory_space<hbm>> -> memref<2048xi32, #tpu.memory_space<hbm>>
        tpu.enqueue_dma source(%dma_start3A_437 : memref<2048xi32, #tpu.memory_space<hbm>>) target(%arg6 : memref<2048xi32, #tpu.memory_space<vmem>>) target_semaphore(%run_scoped3A : memref<!tpu.dma_semaphore, #tpu.memory_space<semaphore_mem>>)
        %dma_wait3A_438 = tpu.memref_slice %arg3[%mul3A_61] : memref<327680xi32, #tpu.memory_space<hbm>> -> memref<2048xi32, #tpu.memory_space<hbm>>
        %dma_wait3A_439 = tpu.memref_slice %arg3[%mul3A_61] : memref<327680xi32, #tpu.memory_space<hbm>> -> memref<2048xi32, #tpu.memory_space<hbm>>
        tpu.wait_dma2 semaphore(%run_scoped3A : memref<!tpu.dma_semaphore, #tpu.memory_space<semaphore_mem>>) src(%dma_wait3A_439 : memref<2048xi32, #tpu.memory_space<hbm>>) dst(%arg6 : memref<2048xi32, #tpu.memory_space<vmem>>)
        tpu.yield
      }) : () -> ()
      "tpu.region"() ({
        %run_scoped3A = tpu.sem_alloc : memref<!tpu.dma_semaphore, #tpu.memory_space<semaphore_mem>>
        %dma_start3A_436 = arith.constant 0 : i32
        %dma_start3A_437 = tpu.memref_slice %arg4[%add3A_56, %dma_start3A_436] : memref<2560x128xi32, #tpu.memory_space<hbm>> -> memref<8x128xi32, #tpu.memory_space<hbm>>
        %dma_start3A_438 = arith.constant 0 : i32
        %dma_start3A_439 = tpu.memref_slice %arg4[%add3A_56, %dma_start3A_438] : memref<2560x128xi32, #tpu.memory_space<hbm>> -> memref<8x128xi32, #tpu.memory_space<hbm>>
        tpu.enqueue_dma source(%dma_start3A_439 : memref<8x128xi32, #tpu.memory_space<hbm>>) target(%arg7 : memref<8x128xi32, #tpu.memory_space<vmem>>) target_semaphore(%run_scoped3A : memref<!tpu.dma_semaphore, #tpu.memory_space<semaphore_mem>>)
        %dma_wait3A_440 = arith.constant 0 : i32
        %dma_wait3A_441 = tpu.memref_slice %arg4[%add3A_56, %dma_wait3A_440] : memref<2560x128xi32, #tpu.memory_space<hbm>> -> memref<8x128xi32, #tpu.memory_space<hbm>>
        %dma_wait3A_442 = arith.constant 0 : i32
        %dma_wait3A_443 = tpu.memref_slice %arg4[%add3A_56, %dma_wait3A_442] : memref<2560x128xi32, #tpu.memory_space<hbm>> -> memref<8x128xi32, #tpu.memory_space<hbm>>
        tpu.wait_dma2 semaphore(%run_scoped3A : memref<!tpu.dma_semaphore, #tpu.memory_space<semaphore_mem>>) src(%dma_wait3A_443 : memref<8x128xi32, #tpu.memory_space<hbm>>) dst(%arg7 : memref<8x128xi32, #tpu.memory_space<vmem>>)
        tpu.yield
      }) : () -> ()
      %gt3A = arith.constant 0 : i32
      %gt3A_62 = arith.cmpi sgt, %scan3A_52, %gt3A : i32
      %convert_element_type3A = arith.extui %gt3A_62 : i1 to i32
      %cond3A = arith.constant 0 : i32
      %cond3A_63 = arith.cmpi ne, %convert_element_type3A, %cond3A : i32
      scf.if %cond3A_63 {
        %dma_wait3A_436 = arith.constant 6 : i32
        %dma_wait3A_437 = arith.constant 0 : i32
        %dma_wait3A_438 = tpu.memref_slice %arg8[%dma_wait3A_436, %dma_wait3A_437] : memref<8x128xi32, #tpu.memory_space<vmem>> -> memref<1x128xi32, #tpu.memory_space<vmem>>
        %dma_wait3A_439 = tpu.memref_squeeze %dma_wait3A_438 : memref<1x128xi32, #tpu.memory_space<vmem>> -> memref<128xi32, #tpu.memory_space<vmem>>
        %dma_wait3A_440 = arith.constant 0 : i32
        %dma_wait3A_441 = arith.constant 0 : i32
        %dma_wait3A_442 = tpu.memref_slice %arg11[%dma_wait3A_440, %dma_wait3A_441] : memref<10112x128xf32, #tpu.memory_space<vmem_shared>> -> memref<10112x128xf32, #tpu.memory_space<vmem_shared>>
        tpu.wait_indirect_dma semaphore(%arg14 : memref<!tpu.dma_semaphore, #tpu.memory_space<semaphore_mem>>) src(%arg9 : memref<128x128xf32, #tpu.memory_space<vmem>>) dst(%dma_wait3A_442 : memref<10112x128xf32, #tpu.memory_space<vmem_shared>>)
        %dma_wait3A_443 = arith.constant 7 : i32
        %dma_wait3A_444 = arith.constant 0 : i32
        %dma_wait3A_445 = tpu.memref_slice %arg8[%dma_wait3A_443, %dma_wait3A_444] : memref<8x128xi32, #tpu.memory_space<vmem>> -> memref<1x128xi32, #tpu.memory_space<vmem>>
        %dma_wait3A_446 = tpu.memref_squeeze %dma_wait3A_445 : memref<1x128xi32, #tpu.memory_space<vmem>> -> memref<128xi32, #tpu.memory_space<vmem>>
        %dma_wait3A_447 = arith.constant 0 : i32
        %dma_wait3A_448 = arith.constant 0 : i32
        %dma_wait3A_449 = tpu.memref_slice %arg11[%dma_wait3A_447, %dma_wait3A_448] : memref<10112x128xf32, #tpu.memory_space<vmem_shared>> -> memref<10112x128xf32, #tpu.memory_space<vmem_shared>>
        tpu.wait_indirect_dma semaphore(%arg15 : memref<!tpu.dma_semaphore, #tpu.memory_space<semaphore_mem>>) src(%arg10 : memref<128x128xf32, #tpu.memory_space<vmem>>) dst(%dma_wait3A_449 : memref<10112x128xf32, #tpu.memory_space<vmem_shared>>)
      } else {
      }
      %dma_start3A = arith.constant 0 : i32
      %dma_start3A_64 = tpu.memref_slice %arg6[%dma_start3A] : memref<2048xi32, #tpu.memory_space<vmem>> -> memref<128xi32, #tpu.memory_space<vmem>>
      %dma_start3A_65 = arith.constant 0 : i32
      %dma_start3A_66 = arith.constant 0 : i32
      %dma_start3A_67 = tpu.memref_slice %arg2[%dma_start3A_65, %dma_start3A_66] : memref<10240x128xf32, #tpu.memory_space<hbm>> -> memref<10240x128xf32, #tpu.memory_space<hbm>>
      tpu.enqueue_indirect_dma source(%dma_start3A_67 : memref<10240x128xf32, #tpu.memory_space<hbm>>) target(%arg9 : memref<128x128xf32, #tpu.memory_space<vmem>>) offsets(%dma_start3A_64 : memref<128xi32, #tpu.memory_space<vmem>>) semaphore(%arg12 : memref<!tpu.dma_semaphore, #tpu.memory_space<semaphore_mem>>)
      %dma_start3A_68 = arith.constant 128 : i32
      %dma_start3A_69 = tpu.memref_slice %arg6[%dma_start3A_68] : memref<2048xi32, #tpu.memory_space<vmem>> -> memref<128xi32, #tpu.memory_space<vmem>>
      %dma_start3A_70 = arith.constant 0 : i32
      %dma_start3A_71 = arith.constant 0 : i32
      %dma_start3A_72 = tpu.memref_slice %arg2[%dma_start3A_70, %dma_start3A_71] : memref<10240x128xf32, #tpu.memory_space<hbm>> -> memref<10240x128xf32, #tpu.memory_space<hbm>>
      tpu.enqueue_indirect_dma source(%dma_start3A_72 : memref<10240x128xf32, #tpu.memory_space<hbm>>) target(%arg10 : memref<128x128xf32, #tpu.memory_space<vmem>>) offsets(%dma_start3A_69 : memref<128xi32, #tpu.memory_space<vmem>>) semaphore(%arg13 : memref<!tpu.dma_semaphore, #tpu.memory_space<semaphore_mem>>)
      %dma_wait3A_73 = arith.constant 0 : i32
      %dma_wait3A_74 = tpu.memref_slice %arg6[%dma_wait3A_73] : memref<2048xi32, #tpu.memory_space<vmem>> -> memref<128xi32, #tpu.memory_space<vmem>>
      %dma_wait3A_75 = arith.constant 0 : i32
      %dma_wait3A_76 = arith.constant 0 : i32
      %dma_wait3A_77 = tpu.memref_slice %arg2[%dma_wait3A_75, %dma_wait3A_76] : memref<10240x128xf32, #tpu.memory_space<hbm>> -> memref<10240x128xf32, #tpu.memory_space<hbm>>
      tpu.wait_indirect_dma semaphore(%arg12 : memref<!tpu.dma_semaphore, #tpu.memory_space<semaphore_mem>>) src(%dma_wait3A_77 : memref<10240x128xf32, #tpu.memory_space<hbm>>) dst(%arg9 : memref<128x128xf32, #tpu.memory_space<vmem>>)
      %dma_start3A_78 = arith.constant 0 : i32
      %dma_start3A_79 = arith.constant 0 : i32
      %dma_start3A_80 = tpu.memref_slice %arg7[%dma_start3A_78, %dma_start3A_79] : memref<8x128xi32, #tpu.memory_space<vmem>> -> memref<1x128xi32, #tpu.memory_space<vmem>>
      %dma_start3A_81 = tpu.memref_squeeze %dma_start3A_80 : memref<1x128xi32, #tpu.memory_space<vmem>> -> memref<128xi32, #tpu.memory_space<vmem>>
      %dma_start3A_82 = arith.constant 0 : i32
      %dma_start3A_83 = arith.constant 0 : i32
      %dma_start3A_84 = tpu.memref_slice %arg11[%dma_start3A_82, %dma_start3A_83] : memref<10112x128xf32, #tpu.memory_space<vmem_shared>> -> memref<10112x128xf32, #tpu.memory_space<vmem_shared>>
      tpu.enqueue_indirect_dma source(%arg9 : memref<128x128xf32, #tpu.memory_space<vmem>>) target(%dma_start3A_84 : memref<10112x128xf32, #tpu.memory_space<vmem_shared>>) offsets(%dma_start3A_81 : memref<128xi32, #tpu.memory_space<vmem>>) semaphore(%arg14 : memref<!tpu.dma_semaphore, #tpu.memory_space<semaphore_mem>>) {add = true}
      %dma_wait3A_85 = arith.constant 0 : i32
      %dma_wait3A_86 = arith.constant 0 : i32
      %dma_wait3A_87 = tpu.memref_slice %arg7[%dma_wait3A_85, %dma_wait3A_86] : memref<8x128xi32, #tpu.memory_space<vmem>> -> memref<1x128xi32, #tpu.memory_space<vmem>>
      %dma_wait3A_88 = tpu.memref_squeeze %dma_wait3A_87 : memref<1x128xi32, #tpu.memory_space<vmem>> -> memref<128xi32, #tpu.memory_space<vmem>>
      %dma_wait3A_89 = arith.constant 0 : i32
      %dma_wait3A_90 = arith.constant 0 : i32
      %dma_wait3A_91 = tpu.memref_slice %arg11[%dma_wait3A_89, %dma_wait3A_90] : memref<10112x128xf32, #tpu.memory_space<vmem_shared>> -> memref<10112x128xf32, #tpu.memory_space<vmem_shared>>
      tpu.wait_indirect_dma semaphore(%arg14 : memref<!tpu.dma_semaphore, #tpu.memory_space<semaphore_mem>>) src(%arg9 : memref<128x128xf32, #tpu.memory_space<vmem>>) dst(%dma_wait3A_91 : memref<10112x128xf32, #tpu.memory_space<vmem_shared>>)
      %dma_start3A_92 = arith.constant 256 : i32
      %dma_start3A_93 = tpu.memref_slice %arg6[%dma_start3A_92] : memref<2048xi32, #tpu.memory_space<vmem>> -> memref<128xi32, #tpu.memory_space<vmem>>
      %dma_start3A_94 = arith.constant 0 : i32
      %dma_start3A_95 = arith.constant 0 : i32
      %dma_start3A_96 = tpu.memref_slice %arg2[%dma_start3A_94, %dma_start3A_95] : memref<10240x128xf32, #tpu.memory_space<hbm>> -> memref<10240x128xf32, #tpu.memory_space<hbm>>
      tpu.enqueue_indirect_dma source(%dma_start3A_96 : memref<10240x128xf32, #tpu.memory_space<hbm>>) target(%arg9 : memref<128x128xf32, #tpu.memory_space<vmem>>) offsets(%dma_start3A_93 : memref<128xi32, #tpu.memory_space<vmem>>) semaphore(%arg12 : memref<!tpu.dma_semaphore, #tpu.memory_space<semaphore_mem>>)
      %dma_wait3A_97 = arith.constant 128 : i32
      %dma_wait3A_98 = tpu.memref_slice %arg6[%dma_wait3A_97] : memref<2048xi32, #tpu.memory_space<vmem>> -> memref<128xi32, #tpu.memory_space<vmem>>
      %dma_wait3A_99 = arith.constant 0 : i32
      %dma_wait3A_100 = arith.constant 0 : i32
      %dma_wait3A_101 = tpu.memref_slice %arg2[%dma_wait3A_99, %dma_wait3A_100] : memref<10240x128xf32, #tpu.memory_space<hbm>> -> memref<10240x128xf32, #tpu.memory_space<hbm>>
      tpu.wait_indirect_dma semaphore(%arg13 : memref<!tpu.dma_semaphore, #tpu.memory_space<semaphore_mem>>) src(%dma_wait3A_101 : memref<10240x128xf32, #tpu.memory_space<hbm>>) dst(%arg10 : memref<128x128xf32, #tpu.memory_space<vmem>>)
      %dma_start3A_102 = arith.constant 1 : i32
      %dma_start3A_103 = arith.constant 0 : i32
      %dma_start3A_104 = tpu.memref_slice %arg7[%dma_start3A_102, %dma_start3A_103] : memref<8x128xi32, #tpu.memory_space<vmem>> -> memref<1x128xi32, #tpu.memory_space<vmem>>
      %dma_start3A_105 = tpu.memref_squeeze %dma_start3A_104 : memref<1x128xi32, #tpu.memory_space<vmem>> -> memref<128xi32, #tpu.memory_space<vmem>>
      %dma_start3A_106 = arith.constant 0 : i32
      %dma_start3A_107 = arith.constant 0 : i32
      %dma_start3A_108 = tpu.memref_slice %arg11[%dma_start3A_106, %dma_start3A_107] : memref<10112x128xf32, #tpu.memory_space<vmem_shared>> -> memref<10112x128xf32, #tpu.memory_space<vmem_shared>>
      tpu.enqueue_indirect_dma source(%arg10 : memref<128x128xf32, #tpu.memory_space<vmem>>) target(%dma_start3A_108 : memref<10112x128xf32, #tpu.memory_space<vmem_shared>>) offsets(%dma_start3A_105 : memref<128xi32, #tpu.memory_space<vmem>>) semaphore(%arg15 : memref<!tpu.dma_semaphore, #tpu.memory_space<semaphore_mem>>) {add = true}
      %dma_wait3A_109 = arith.constant 1 : i32
      %dma_wait3A_110 = arith.constant 0 : i32
      %dma_wait3A_111 = tpu.memref_slice %arg7[%dma_wait3A_109, %dma_wait3A_110] : memref<8x128xi32, #tpu.memory_space<vmem>> -> memref<1x128xi32, #tpu.memory_space<vmem>>
      %dma_wait3A_112 = tpu.memref_squeeze %dma_wait3A_111 : memref<1x128xi32, #tpu.memory_space<vmem>> -> memref<128xi32, #tpu.memory_space<vmem>>
      %dma_wait3A_113 = arith.constant 0 : i32
      %dma_wait3A_114 = arith.constant 0 : i32
      %dma_wait3A_115 = tpu.memref_slice %arg11[%dma_wait3A_113, %dma_wait3A_114] : memref<10112x128xf32, #tpu.memory_space<vmem_shared>> -> memref<10112x128xf32, #tpu.memory_space<vmem_shared>>
      tpu.wait_indirect_dma semaphore(%arg15 : memref<!tpu.dma_semaphore, #tpu.memory_space<semaphore_mem>>) src(%arg10 : memref<128x128xf32, #tpu.memory_space<vmem>>) dst(%dma_wait3A_115 : memref<10112x128xf32, #tpu.memory_space<vmem_shared>>)
      %dma_start3A_116 = arith.constant 384 : i32
      %dma_start3A_117 = tpu.memref_slice %arg6[%dma_start3A_116] : memref<2048xi32, #tpu.memory_space<vmem>> -> memref<128xi32, #tpu.memory_space<vmem>>
      %dma_start3A_118 = arith.constant 0 : i32
      %dma_start3A_119 = arith.constant 0 : i32
      %dma_start3A_120 = tpu.memref_slice %arg2[%dma_start3A_118, %dma_start3A_119] : memref<10240x128xf32, #tpu.memory_space<hbm>> -> memref<10240x128xf32, #tpu.memory_space<hbm>>
      tpu.enqueue_indirect_dma source(%dma_start3A_120 : memref<10240x128xf32, #tpu.memory_space<hbm>>) target(%arg10 : memref<128x128xf32, #tpu.memory_space<vmem>>) offsets(%dma_start3A_117 : memref<128xi32, #tpu.memory_space<vmem>>) semaphore(%arg13 : memref<!tpu.dma_semaphore, #tpu.memory_space<semaphore_mem>>)
      %dma_wait3A_121 = arith.constant 256 : i32
      %dma_wait3A_122 = tpu.memref_slice %arg6[%dma_wait3A_121] : memref<2048xi32, #tpu.memory_space<vmem>> -> memref<128xi32, #tpu.memory_space<vmem>>
      %dma_wait3A_123 = arith.constant 0 : i32
      %dma_wait3A_124 = arith.constant 0 : i32
      %dma_wait3A_125 = tpu.memref_slice %arg2[%dma_wait3A_123, %dma_wait3A_124] : memref<10240x128xf32, #tpu.memory_space<hbm>> -> memref<10240x128xf32, #tpu.memory_space<hbm>>
      tpu.wait_indirect_dma semaphore(%arg12 : memref<!tpu.dma_semaphore, #tpu.memory_space<semaphore_mem>>) src(%dma_wait3A_125 : memref<10240x128xf32, #tpu.memory_space<hbm>>) dst(%arg9 : memref<128x128xf32, #tpu.memory_space<vmem>>)
      %dma_start3A_126 = arith.constant 2 : i32
      %dma_start3A_127 = arith.constant 0 : i32
      %dma_start3A_128 = tpu.memref_slice %arg7[%dma_start3A_126, %dma_start3A_127] : memref<8x128xi32, #tpu.memory_space<vmem>> -> memref<1x128xi32, #tpu.memory_space<vmem>>
      %dma_start3A_129 = tpu.memref_squeeze %dma_start3A_128 : memref<1x128xi32, #tpu.memory_space<vmem>> -> memref<128xi32, #tpu.memory_space<vmem>>
      %dma_start3A_130 = arith.constant 0 : i32
      %dma_start3A_131 = arith.constant 0 : i32
      %dma_start3A_132 = tpu.memref_slice %arg11[%dma_start3A_130, %dma_start3A_131] : memref<10112x128xf32, #tpu.memory_space<vmem_shared>> -> memref<10112x128xf32, #tpu.memory_space<vmem_shared>>
      tpu.enqueue_indirect_dma source(%arg9 : memref<128x128xf32, #tpu.memory_space<vmem>>) target(%dma_start3A_132 : memref<10112x128xf32, #tpu.memory_space<vmem_shared>>) offsets(%dma_start3A_129 : memref<128xi32, #tpu.memory_space<vmem>>) semaphore(%arg14 : memref<!tpu.dma_semaphore, #tpu.memory_space<semaphore_mem>>) {add = true}
      %dma_wait3A_133 = arith.constant 2 : i32
      %dma_wait3A_134 = arith.constant 0 : i32
      %dma_wait3A_135 = tpu.memref_slice %arg7[%dma_wait3A_133, %dma_wait3A_134] : memref<8x128xi32, #tpu.memory_space<vmem>> -> memref<1x128xi32, #tpu.memory_space<vmem>>
      %dma_wait3A_136 = tpu.memref_squeeze %dma_wait3A_135 : memref<1x128xi32, #tpu.memory_space<vmem>> -> memref<128xi32, #tpu.memory_space<vmem>>
      %dma_wait3A_137 = arith.constant 0 : i32
      %dma_wait3A_138 = arith.constant 0 : i32
      %dma_wait3A_139 = tpu.memref_slice %arg11[%dma_wait3A_137, %dma_wait3A_138] : memref<10112x128xf32, #tpu.memory_space<vmem_shared>> -> memref<10112x128xf32, #tpu.memory_space<vmem_shared>>
      tpu.wait_indirect_dma semaphore(%arg14 : memref<!tpu.dma_semaphore, #tpu.memory_space<semaphore_mem>>) src(%arg9 : memref<128x128xf32, #tpu.memory_space<vmem>>) dst(%dma_wait3A_139 : memref<10112x128xf32, #tpu.memory_space<vmem_shared>>)
      %dma_start3A_140 = arith.constant 512 : i32
      %dma_start3A_141 = tpu.memref_slice %arg6[%dma_start3A_140] : memref<2048xi32, #tpu.memory_space<vmem>> -> memref<128xi32, #tpu.memory_space<vmem>>
      %dma_start3A_142 = arith.constant 0 : i32
      %dma_start3A_143 = arith.constant 0 : i32
      %dma_start3A_144 = tpu.memref_slice %arg2[%dma_start3A_142, %dma_start3A_143] : memref<10240x128xf32, #tpu.memory_space<hbm>> -> memref<10240x128xf32, #tpu.memory_space<hbm>>
      tpu.enqueue_indirect_dma source(%dma_start3A_144 : memref<10240x128xf32, #tpu.memory_space<hbm>>) target(%arg9 : memref<128x128xf32, #tpu.memory_space<vmem>>) offsets(%dma_start3A_141 : memref<128xi32, #tpu.memory_space<vmem>>) semaphore(%arg12 : memref<!tpu.dma_semaphore, #tpu.memory_space<semaphore_mem>>)
      %dma_wait3A_145 = arith.constant 384 : i32
      %dma_wait3A_146 = tpu.memref_slice %arg6[%dma_wait3A_145] : memref<2048xi32, #tpu.memory_space<vmem>> -> memref<128xi32, #tpu.memory_space<vmem>>
      %dma_wait3A_147 = arith.constant 0 : i32
      %dma_wait3A_148 = arith.constant 0 : i32
      %dma_wait3A_149 = tpu.memref_slice %arg2[%dma_wait3A_147, %dma_wait3A_148] : memref<10240x128xf32, #tpu.memory_space<hbm>> -> memref<10240x128xf32, #tpu.memory_space<hbm>>
      tpu.wait_indirect_dma semaphore(%arg13 : memref<!tpu.dma_semaphore, #tpu.memory_space<semaphore_mem>>) src(%dma_wait3A_149 : memref<10240x128xf32, #tpu.memory_space<hbm>>) dst(%arg10 : memref<128x128xf32, #tpu.memory_space<vmem>>)
      %dma_start3A_150 = arith.constant 3 : i32
      %dma_start3A_151 = arith.constant 0 : i32
      %dma_start3A_152 = tpu.memref_slice %arg7[%dma_start3A_150, %dma_start3A_151] : memref<8x128xi32, #tpu.memory_space<vmem>> -> memref<1x128xi32, #tpu.memory_space<vmem>>
      %dma_start3A_153 = tpu.memref_squeeze %dma_start3A_152 : memref<1x128xi32, #tpu.memory_space<vmem>> -> memref<128xi32, #tpu.memory_space<vmem>>
      %dma_start3A_154 = arith.constant 0 : i32
      %dma_start3A_155 = arith.constant 0 : i32
      %dma_start3A_156 = tpu.memref_slice %arg11[%dma_start3A_154, %dma_start3A_155] : memref<10112x128xf32, #tpu.memory_space<vmem_shared>> -> memref<10112x128xf32, #tpu.memory_space<vmem_shared>>
      tpu.enqueue_indirect_dma source(%arg10 : memref<128x128xf32, #tpu.memory_space<vmem>>) target(%dma_start3A_156 : memref<10112x128xf32, #tpu.memory_space<vmem_shared>>) offsets(%dma_start3A_153 : memref<128xi32, #tpu.memory_space<vmem>>) semaphore(%arg15 : memref<!tpu.dma_semaphore, #tpu.memory_space<semaphore_mem>>) {add = true}
      %dma_wait3A_157 = arith.constant 3 : i32
      %dma_wait3A_158 = arith.constant 0 : i32
      %dma_wait3A_159 = tpu.memref_slice %arg7[%dma_wait3A_157, %dma_wait3A_158] : memref<8x128xi32, #tpu.memory_space<vmem>> -> memref<1x128xi32, #tpu.memory_space<vmem>>
      %dma_wait3A_160 = tpu.memref_squeeze %dma_wait3A_159 : memref<1x128xi32, #tpu.memory_space<vmem>> -> memref<128xi32, #tpu.memory_space<vmem>>
      %dma_wait3A_161 = arith.constant 0 : i32
      %dma_wait3A_162 = arith.constant 0 : i32
      %dma_wait3A_163 = tpu.memref_slice %arg11[%dma_wait3A_161, %dma_wait3A_162] : memref<10112x128xf32, #tpu.memory_space<vmem_shared>> -> memref<10112x128xf32, #tpu.memory_space<vmem_shared>>
      tpu.wait_indirect_dma semaphore(%arg15 : memref<!tpu.dma_semaphore, #tpu.memory_space<semaphore_mem>>) src(%arg10 : memref<128x128xf32, #tpu.memory_space<vmem>>) dst(%dma_wait3A_163 : memref<10112x128xf32, #tpu.memory_space<vmem_shared>>)
      %dma_start3A_164 = arith.constant 640 : i32
      %dma_start3A_165 = tpu.memref_slice %arg6[%dma_start3A_164] : memref<2048xi32, #tpu.memory_space<vmem>> -> memref<128xi32, #tpu.memory_space<vmem>>
      %dma_start3A_166 = arith.constant 0 : i32
      %dma_start3A_167 = arith.constant 0 : i32
      %dma_start3A_168 = tpu.memref_slice %arg2[%dma_start3A_166, %dma_start3A_167] : memref<10240x128xf32, #tpu.memory_space<hbm>> -> memref<10240x128xf32, #tpu.memory_space<hbm>>
      tpu.enqueue_indirect_dma source(%dma_start3A_168 : memref<10240x128xf32, #tpu.memory_space<hbm>>) target(%arg10 : memref<128x128xf32, #tpu.memory_space<vmem>>) offsets(%dma_start3A_165 : memref<128xi32, #tpu.memory_space<vmem>>) semaphore(%arg13 : memref<!tpu.dma_semaphore, #tpu.memory_space<semaphore_mem>>)
      %dma_wait3A_169 = arith.constant 512 : i32
      %dma_wait3A_170 = tpu.memref_slice %arg6[%dma_wait3A_169] : memref<2048xi32, #tpu.memory_space<vmem>> -> memref<128xi32, #tpu.memory_space<vmem>>
      %dma_wait3A_171 = arith.constant 0 : i32
      %dma_wait3A_172 = arith.constant 0 : i32
      %dma_wait3A_173 = tpu.memref_slice %arg2[%dma_wait3A_171, %dma_wait3A_172] : memref<10240x128xf32, #tpu.memory_space<hbm>> -> memref<10240x128xf32, #tpu.memory_space<hbm>>
      tpu.wait_indirect_dma semaphore(%arg12 : memref<!tpu.dma_semaphore, #tpu.memory_space<semaphore_mem>>) src(%dma_wait3A_173 : memref<10240x128xf32, #tpu.memory_space<hbm>>) dst(%arg9 : memref<128x128xf32, #tpu.memory_space<vmem>>)
      %dma_start3A_174 = arith.constant 4 : i32
      %dma_start3A_175 = arith.constant 0 : i32
      %dma_start3A_176 = tpu.memref_slice %arg7[%dma_start3A_174, %dma_start3A_175] : memref<8x128xi32, #tpu.memory_space<vmem>> -> memref<1x128xi32, #tpu.memory_space<vmem>>
      %dma_start3A_177 = tpu.memref_squeeze %dma_start3A_176 : memref<1x128xi32, #tpu.memory_space<vmem>> -> memref<128xi32, #tpu.memory_space<vmem>>
      %dma_start3A_178 = arith.constant 0 : i32
      %dma_start3A_179 = arith.constant 0 : i32
      %dma_start3A_180 = tpu.memref_slice %arg11[%dma_start3A_178, %dma_start3A_179] : memref<10112x128xf32, #tpu.memory_space<vmem_shared>> -> memref<10112x128xf32, #tpu.memory_space<vmem_shared>>
      tpu.enqueue_indirect_dma source(%arg9 : memref<128x128xf32, #tpu.memory_space<vmem>>) target(%dma_start3A_180 : memref<10112x128xf32, #tpu.memory_space<vmem_shared>>) offsets(%dma_start3A_177 : memref<128xi32, #tpu.memory_space<vmem>>) semaphore(%arg14 : memref<!tpu.dma_semaphore, #tpu.memory_space<semaphore_mem>>) {add = true}
      %dma_wait3A_181 = arith.constant 4 : i32
      %dma_wait3A_182 = arith.constant 0 : i32
      %dma_wait3A_183 = tpu.memref_slice %arg7[%dma_wait3A_181, %dma_wait3A_182] : memref<8x128xi32, #tpu.memory_space<vmem>> -> memref<1x128xi32, #tpu.memory_space<vmem>>
      %dma_wait3A_184 = tpu.memref_squeeze %dma_wait3A_183 : memref<1x128xi32, #tpu.memory_space<vmem>> -> memref<128xi32, #tpu.memory_space<vmem>>
      %dma_wait3A_185 = arith.constant 0 : i32
      %dma_wait3A_186 = arith.constant 0 : i32
      %dma_wait3A_187 = tpu.memref_slice %arg11[%dma_wait3A_185, %dma_wait3A_186] : memref<10112x128xf32, #tpu.memory_space<vmem_shared>> -> memref<10112x128xf32, #tpu.memory_space<vmem_shared>>
      tpu.wait_indirect_dma semaphore(%arg14 : memref<!tpu.dma_semaphore, #tpu.memory_space<semaphore_mem>>) src(%arg9 : memref<128x128xf32, #tpu.memory_space<vmem>>) dst(%dma_wait3A_187 : memref<10112x128xf32, #tpu.memory_space<vmem_shared>>)
      %dma_start3A_188 = arith.constant 768 : i32
      %dma_start3A_189 = tpu.memref_slice %arg6[%dma_start3A_188] : memref<2048xi32, #tpu.memory_space<vmem>> -> memref<128xi32, #tpu.memory_space<vmem>>
      %dma_start3A_190 = arith.constant 0 : i32
      %dma_start3A_191 = arith.constant 0 : i32
      %dma_start3A_192 = tpu.memref_slice %arg2[%dma_start3A_190, %dma_start3A_191] : memref<10240x128xf32, #tpu.memory_space<hbm>> -> memref<10240x128xf32, #tpu.memory_space<hbm>>
      tpu.enqueue_indirect_dma source(%dma_start3A_192 : memref<10240x128xf32, #tpu.memory_space<hbm>>) target(%arg9 : memref<128x128xf32, #tpu.memory_space<vmem>>) offsets(%dma_start3A_189 : memref<128xi32, #tpu.memory_space<vmem>>) semaphore(%arg12 : memref<!tpu.dma_semaphore, #tpu.memory_space<semaphore_mem>>)
      %dma_wait3A_193 = arith.constant 640 : i32
      %dma_wait3A_194 = tpu.memref_slice %arg6[%dma_wait3A_193] : memref<2048xi32, #tpu.memory_space<vmem>> -> memref<128xi32, #tpu.memory_space<vmem>>
      %dma_wait3A_195 = arith.constant 0 : i32
      %dma_wait3A_196 = arith.constant 0 : i32
      %dma_wait3A_197 = tpu.memref_slice %arg2[%dma_wait3A_195, %dma_wait3A_196] : memref<10240x128xf32, #tpu.memory_space<hbm>> -> memref<10240x128xf32, #tpu.memory_space<hbm>>
      tpu.wait_indirect_dma semaphore(%arg13 : memref<!tpu.dma_semaphore, #tpu.memory_space<semaphore_mem>>) src(%dma_wait3A_197 : memref<10240x128xf32, #tpu.memory_space<hbm>>) dst(%arg10 : memref<128x128xf32, #tpu.memory_space<vmem>>)
      %dma_start3A_198 = arith.constant 5 : i32
      %dma_start3A_199 = arith.constant 0 : i32
      %dma_start3A_200 = tpu.memref_slice %arg7[%dma_start3A_198, %dma_start3A_199] : memref<8x128xi32, #tpu.memory_space<vmem>> -> memref<1x128xi32, #tpu.memory_space<vmem>>
      %dma_start3A_201 = tpu.memref_squeeze %dma_start3A_200 : memref<1x128xi32, #tpu.memory_space<vmem>> -> memref<128xi32, #tpu.memory_space<vmem>>
      %dma_start3A_202 = arith.constant 0 : i32
      %dma_start3A_203 = arith.constant 0 : i32
      %dma_start3A_204 = tpu.memref_slice %arg11[%dma_start3A_202, %dma_start3A_203] : memref<10112x128xf32, #tpu.memory_space<vmem_shared>> -> memref<10112x128xf32, #tpu.memory_space<vmem_shared>>
      tpu.enqueue_indirect_dma source(%arg10 : memref<128x128xf32, #tpu.memory_space<vmem>>) target(%dma_start3A_204 : memref<10112x128xf32, #tpu.memory_space<vmem_shared>>) offsets(%dma_start3A_201 : memref<128xi32, #tpu.memory_space<vmem>>) semaphore(%arg15 : memref<!tpu.dma_semaphore, #tpu.memory_space<semaphore_mem>>) {add = true}
      %dma_wait3A_205 = arith.constant 5 : i32
      %dma_wait3A_206 = arith.constant 0 : i32
      %dma_wait3A_207 = tpu.memref_slice %arg7[%dma_wait3A_205, %dma_wait3A_206] : memref<8x128xi32, #tpu.memory_space<vmem>> -> memref<1x128xi32, #tpu.memory_space<vmem>>
      %dma_wait3A_208 = tpu.memref_squeeze %dma_wait3A_207 : memref<1x128xi32, #tpu.memory_space<vmem>> -> memref<128xi32, #tpu.memory_space<vmem>>
      %dma_wait3A_209 = arith.constant 0 : i32
      %dma_wait3A_210 = arith.constant 0 : i32
      %dma_wait3A_211 = tpu.memref_slice %arg11[%dma_wait3A_209, %dma_wait3A_210] : memref<10112x128xf32, #tpu.memory_space<vmem_shared>> -> memref<10112x128xf32, #tpu.memory_space<vmem_shared>>
      tpu.wait_indirect_dma semaphore(%arg15 : memref<!tpu.dma_semaphore, #tpu.memory_space<semaphore_mem>>) src(%arg10 : memref<128x128xf32, #tpu.memory_space<vmem>>) dst(%dma_wait3A_211 : memref<10112x128xf32, #tpu.memory_space<vmem_shared>>)
      %dma_start3A_212 = arith.constant 896 : i32
      %dma_start3A_213 = tpu.memref_slice %arg6[%dma_start3A_212] : memref<2048xi32, #tpu.memory_space<vmem>> -> memref<128xi32, #tpu.memory_space<vmem>>
      %dma_start3A_214 = arith.constant 0 : i32
      %dma_start3A_215 = arith.constant 0 : i32
      %dma_start3A_216 = tpu.memref_slice %arg2[%dma_start3A_214, %dma_start3A_215] : memref<10240x128xf32, #tpu.memory_space<hbm>> -> memref<10240x128xf32, #tpu.memory_space<hbm>>
      tpu.enqueue_indirect_dma source(%dma_start3A_216 : memref<10240x128xf32, #tpu.memory_space<hbm>>) target(%arg10 : memref<128x128xf32, #tpu.memory_space<vmem>>) offsets(%dma_start3A_213 : memref<128xi32, #tpu.memory_space<vmem>>) semaphore(%arg13 : memref<!tpu.dma_semaphore, #tpu.memory_space<semaphore_mem>>)
      %add3A_217 = arith.constant 8 : i32
      %add3A_218 = arith.addi %add3A_56, %add3A_217 : i32
      "tpu.region"() ({
        %run_scoped3A = tpu.sem_alloc : memref<!tpu.dma_semaphore, #tpu.memory_space<semaphore_mem>>
        %dma_start3A_436 = arith.constant 0 : i32
        %dma_start3A_437 = tpu.memref_slice %arg4[%add3A_218, %dma_start3A_436] : memref<2560x128xi32, #tpu.memory_space<hbm>> -> memref<8x128xi32, #tpu.memory_space<hbm>>
        %dma_start3A_438 = arith.constant 0 : i32
        %dma_start3A_439 = tpu.memref_slice %arg4[%add3A_218, %dma_start3A_438] : memref<2560x128xi32, #tpu.memory_space<hbm>> -> memref<8x128xi32, #tpu.memory_space<hbm>>
        tpu.enqueue_dma source(%dma_start3A_439 : memref<8x128xi32, #tpu.memory_space<hbm>>) target(%arg8 : memref<8x128xi32, #tpu.memory_space<vmem>>) target_semaphore(%run_scoped3A : memref<!tpu.dma_semaphore, #tpu.memory_space<semaphore_mem>>)
        %dma_wait3A_440 = arith.constant 0 : i32
        %dma_wait3A_441 = tpu.memref_slice %arg4[%add3A_218, %dma_wait3A_440] : memref<2560x128xi32, #tpu.memory_space<hbm>> -> memref<8x128xi32, #tpu.memory_space<hbm>>
        %dma_wait3A_442 = arith.constant 0 : i32
        %dma_wait3A_443 = tpu.memref_slice %arg4[%add3A_218, %dma_wait3A_442] : memref<2560x128xi32, #tpu.memory_space<hbm>> -> memref<8x128xi32, #tpu.memory_space<hbm>>
        tpu.wait_dma2 semaphore(%run_scoped3A : memref<!tpu.dma_semaphore, #tpu.memory_space<semaphore_mem>>) src(%dma_wait3A_443 : memref<8x128xi32, #tpu.memory_space<hbm>>) dst(%arg8 : memref<8x128xi32, #tpu.memory_space<vmem>>)
        tpu.yield
      }) : () -> ()
      %dma_wait3A_219 = arith.constant 768 : i32
      %dma_wait3A_220 = tpu.memref_slice %arg6[%dma_wait3A_219] : memref<2048xi32, #tpu.memory_space<vmem>> -> memref<128xi32, #tpu.memory_space<vmem>>
      %dma_wait3A_221 = arith.constant 0 : i32
      %dma_wait3A_222 = arith.constant 0 : i32
      %dma_wait3A_223 = tpu.memref_slice %arg2[%dma_wait3A_221, %dma_wait3A_222] : memref<10240x128xf32, #tpu.memory_space<hbm>> -> memref<10240x128xf32, #tpu.memory_space<hbm>>
      tpu.wait_indirect_dma semaphore(%arg12 : memref<!tpu.dma_semaphore, #tpu.memory_space<semaphore_mem>>) src(%dma_wait3A_223 : memref<10240x128xf32, #tpu.memory_space<hbm>>) dst(%arg9 : memref<128x128xf32, #tpu.memory_space<vmem>>)
      %dma_start3A_224 = arith.constant 6 : i32
      %dma_start3A_225 = arith.constant 0 : i32
      %dma_start3A_226 = tpu.memref_slice %arg7[%dma_start3A_224, %dma_start3A_225] : memref<8x128xi32, #tpu.memory_space<vmem>> -> memref<1x128xi32, #tpu.memory_space<vmem>>
      %dma_start3A_227 = tpu.memref_squeeze %dma_start3A_226 : memref<1x128xi32, #tpu.memory_space<vmem>> -> memref<128xi32, #tpu.memory_space<vmem>>
      %dma_start3A_228 = arith.constant 0 : i32
      %dma_start3A_229 = arith.constant 0 : i32
      %dma_start3A_230 = tpu.memref_slice %arg11[%dma_start3A_228, %dma_start3A_229] : memref<10112x128xf32, #tpu.memory_space<vmem_shared>> -> memref<10112x128xf32, #tpu.memory_space<vmem_shared>>
      tpu.enqueue_indirect_dma source(%arg9 : memref<128x128xf32, #tpu.memory_space<vmem>>) target(%dma_start3A_230 : memref<10112x128xf32, #tpu.memory_space<vmem_shared>>) offsets(%dma_start3A_227 : memref<128xi32, #tpu.memory_space<vmem>>) semaphore(%arg14 : memref<!tpu.dma_semaphore, #tpu.memory_space<semaphore_mem>>) {add = true}
      %dma_wait3A_231 = arith.constant 6 : i32
      %dma_wait3A_232 = arith.constant 0 : i32
      %dma_wait3A_233 = tpu.memref_slice %arg7[%dma_wait3A_231, %dma_wait3A_232] : memref<8x128xi32, #tpu.memory_space<vmem>> -> memref<1x128xi32, #tpu.memory_space<vmem>>
      %dma_wait3A_234 = tpu.memref_squeeze %dma_wait3A_233 : memref<1x128xi32, #tpu.memory_space<vmem>> -> memref<128xi32, #tpu.memory_space<vmem>>
      %dma_wait3A_235 = arith.constant 0 : i32
      %dma_wait3A_236 = arith.constant 0 : i32
      %dma_wait3A_237 = tpu.memref_slice %arg11[%dma_wait3A_235, %dma_wait3A_236] : memref<10112x128xf32, #tpu.memory_space<vmem_shared>> -> memref<10112x128xf32, #tpu.memory_space<vmem_shared>>
      tpu.wait_indirect_dma semaphore(%arg14 : memref<!tpu.dma_semaphore, #tpu.memory_space<semaphore_mem>>) src(%arg9 : memref<128x128xf32, #tpu.memory_space<vmem>>) dst(%dma_wait3A_237 : memref<10112x128xf32, #tpu.memory_space<vmem_shared>>)
      %dma_start3A_238 = arith.constant 1024 : i32
      %dma_start3A_239 = tpu.memref_slice %arg6[%dma_start3A_238] : memref<2048xi32, #tpu.memory_space<vmem>> -> memref<128xi32, #tpu.memory_space<vmem>>
      %dma_start3A_240 = arith.constant 0 : i32
      %dma_start3A_241 = arith.constant 0 : i32
      %dma_start3A_242 = tpu.memref_slice %arg2[%dma_start3A_240, %dma_start3A_241] : memref<10240x128xf32, #tpu.memory_space<hbm>> -> memref<10240x128xf32, #tpu.memory_space<hbm>>
      tpu.enqueue_indirect_dma source(%dma_start3A_242 : memref<10240x128xf32, #tpu.memory_space<hbm>>) target(%arg9 : memref<128x128xf32, #tpu.memory_space<vmem>>) offsets(%dma_start3A_239 : memref<128xi32, #tpu.memory_space<vmem>>) semaphore(%arg12 : memref<!tpu.dma_semaphore, #tpu.memory_space<semaphore_mem>>)
      %dma_wait3A_243 = arith.constant 896 : i32
      %dma_wait3A_244 = tpu.memref_slice %arg6[%dma_wait3A_243] : memref<2048xi32, #tpu.memory_space<vmem>> -> memref<128xi32, #tpu.memory_space<vmem>>
      %dma_wait3A_245 = arith.constant 0 : i32
      %dma_wait3A_246 = arith.constant 0 : i32
      %dma_wait3A_247 = tpu.memref_slice %arg2[%dma_wait3A_245, %dma_wait3A_246] : memref<10240x128xf32, #tpu.memory_space<hbm>> -> memref<10240x128xf32, #tpu.memory_space<hbm>>
      tpu.wait_indirect_dma semaphore(%arg13 : memref<!tpu.dma_semaphore, #tpu.memory_space<semaphore_mem>>) src(%dma_wait3A_247 : memref<10240x128xf32, #tpu.memory_space<hbm>>) dst(%arg10 : memref<128x128xf32, #tpu.memory_space<vmem>>)
      %dma_start3A_248 = arith.constant 7 : i32
      %dma_start3A_249 = arith.constant 0 : i32
      %dma_start3A_250 = tpu.memref_slice %arg7[%dma_start3A_248, %dma_start3A_249] : memref<8x128xi32, #tpu.memory_space<vmem>> -> memref<1x128xi32, #tpu.memory_space<vmem>>
      %dma_start3A_251 = tpu.memref_squeeze %dma_start3A_250 : memref<1x128xi32, #tpu.memory_space<vmem>> -> memref<128xi32, #tpu.memory_space<vmem>>
      %dma_start3A_252 = arith.constant 0 : i32
      %dma_start3A_253 = arith.constant 0 : i32
      %dma_start3A_254 = tpu.memref_slice %arg11[%dma_start3A_252, %dma_start3A_253] : memref<10112x128xf32, #tpu.memory_space<vmem_shared>> -> memref<10112x128xf32, #tpu.memory_space<vmem_shared>>
      tpu.enqueue_indirect_dma source(%arg10 : memref<128x128xf32, #tpu.memory_space<vmem>>) target(%dma_start3A_254 : memref<10112x128xf32, #tpu.memory_space<vmem_shared>>) offsets(%dma_start3A_251 : memref<128xi32, #tpu.memory_space<vmem>>) semaphore(%arg15 : memref<!tpu.dma_semaphore, #tpu.memory_space<semaphore_mem>>) {add = true}
      %dma_wait3A_255 = arith.constant 7 : i32
      %dma_wait3A_256 = arith.constant 0 : i32
      %dma_wait3A_257 = tpu.memref_slice %arg7[%dma_wait3A_255, %dma_wait3A_256] : memref<8x128xi32, #tpu.memory_space<vmem>> -> memref<1x128xi32, #tpu.memory_space<vmem>>
      %dma_wait3A_258 = tpu.memref_squeeze %dma_wait3A_257 : memref<1x128xi32, #tpu.memory_space<vmem>> -> memref<128xi32, #tpu.memory_space<vmem>>
      %dma_wait3A_259 = arith.constant 0 : i32
      %dma_wait3A_260 = arith.constant 0 : i32
      %dma_wait3A_261 = tpu.memref_slice %arg11[%dma_wait3A_259, %dma_wait3A_260] : memref<10112x128xf32, #tpu.memory_space<vmem_shared>> -> memref<10112x128xf32, #tpu.memory_space<vmem_shared>>
      tpu.wait_indirect_dma semaphore(%arg15 : memref<!tpu.dma_semaphore, #tpu.memory_space<semaphore_mem>>) src(%arg10 : memref<128x128xf32, #tpu.memory_space<vmem>>) dst(%dma_wait3A_261 : memref<10112x128xf32, #tpu.memory_space<vmem_shared>>)
      %dma_start3A_262 = arith.constant 1152 : i32
      %dma_start3A_263 = tpu.memref_slice %arg6[%dma_start3A_262] : memref<2048xi32, #tpu.memory_space<vmem>> -> memref<128xi32, #tpu.memory_space<vmem>>
      %dma_start3A_264 = arith.constant 0 : i32
      %dma_start3A_265 = arith.constant 0 : i32
      %dma_start3A_266 = tpu.memref_slice %arg2[%dma_start3A_264, %dma_start3A_265] : memref<10240x128xf32, #tpu.memory_space<hbm>> -> memref<10240x128xf32, #tpu.memory_space<hbm>>
      tpu.enqueue_indirect_dma source(%dma_start3A_266 : memref<10240x128xf32, #tpu.memory_space<hbm>>) target(%arg10 : memref<128x128xf32, #tpu.memory_space<vmem>>) offsets(%dma_start3A_263 : memref<128xi32, #tpu.memory_space<vmem>>) semaphore(%arg13 : memref<!tpu.dma_semaphore, #tpu.memory_space<semaphore_mem>>)
      %dma_wait3A_267 = arith.constant 1024 : i32
      %dma_wait3A_268 = tpu.memref_slice %arg6[%dma_wait3A_267] : memref<2048xi32, #tpu.memory_space<vmem>> -> memref<128xi32, #tpu.memory_space<vmem>>
      %dma_wait3A_269 = arith.constant 0 : i32
      %dma_wait3A_270 = arith.constant 0 : i32
      %dma_wait3A_271 = tpu.memref_slice %arg2[%dma_wait3A_269, %dma_wait3A_270] : memref<10240x128xf32, #tpu.memory_space<hbm>> -> memref<10240x128xf32, #tpu.memory_space<hbm>>
      tpu.wait_indirect_dma semaphore(%arg12 : memref<!tpu.dma_semaphore, #tpu.memory_space<semaphore_mem>>) src(%dma_wait3A_271 : memref<10240x128xf32, #tpu.memory_space<hbm>>) dst(%arg9 : memref<128x128xf32, #tpu.memory_space<vmem>>)
      %dma_start3A_272 = arith.constant 0 : i32
      %dma_start3A_273 = arith.constant 0 : i32
      %dma_start3A_274 = tpu.memref_slice %arg8[%dma_start3A_272, %dma_start3A_273] : memref<8x128xi32, #tpu.memory_space<vmem>> -> memref<1x128xi32, #tpu.memory_space<vmem>>
      %dma_start3A_275 = tpu.memref_squeeze %dma_start3A_274 : memref<1x128xi32, #tpu.memory_space<vmem>> -> memref<128xi32, #tpu.memory_space<vmem>>
      %dma_start3A_276 = arith.constant 0 : i32
      %dma_start3A_277 = arith.constant 0 : i32
      %dma_start3A_278 = tpu.memref_slice %arg11[%dma_start3A_276, %dma_start3A_277] : memref<10112x128xf32, #tpu.memory_space<vmem_shared>> -> memref<10112x128xf32, #tpu.memory_space<vmem_shared>>
      tpu.enqueue_indirect_dma source(%arg9 : memref<128x128xf32, #tpu.memory_space<vmem>>) target(%dma_start3A_278 : memref<10112x128xf32, #tpu.memory_space<vmem_shared>>) offsets(%dma_start3A_275 : memref<128xi32, #tpu.memory_space<vmem>>) semaphore(%arg14 : memref<!tpu.dma_semaphore, #tpu.memory_space<semaphore_mem>>) {add = true}
      %dma_wait3A_279 = arith.constant 0 : i32
      %dma_wait3A_280 = arith.constant 0 : i32
      %dma_wait3A_281 = tpu.memref_slice %arg8[%dma_wait3A_279, %dma_wait3A_280] : memref<8x128xi32, #tpu.memory_space<vmem>> -> memref<1x128xi32, #tpu.memory_space<vmem>>
      %dma_wait3A_282 = tpu.memref_squeeze %dma_wait3A_281 : memref<1x128xi32, #tpu.memory_space<vmem>> -> memref<128xi32, #tpu.memory_space<vmem>>
      %dma_wait3A_283 = arith.constant 0 : i32
      %dma_wait3A_284 = arith.constant 0 : i32
      %dma_wait3A_285 = tpu.memref_slice %arg11[%dma_wait3A_283, %dma_wait3A_284] : memref<10112x128xf32, #tpu.memory_space<vmem_shared>> -> memref<10112x128xf32, #tpu.memory_space<vmem_shared>>
      tpu.wait_indirect_dma semaphore(%arg14 : memref<!tpu.dma_semaphore, #tpu.memory_space<semaphore_mem>>) src(%arg9 : memref<128x128xf32, #tpu.memory_space<vmem>>) dst(%dma_wait3A_285 : memref<10112x128xf32, #tpu.memory_space<vmem_shared>>)
      %dma_start3A_286 = arith.constant 1280 : i32
      %dma_start3A_287 = tpu.memref_slice %arg6[%dma_start3A_286] : memref<2048xi32, #tpu.memory_space<vmem>> -> memref<128xi32, #tpu.memory_space<vmem>>
      %dma_start3A_288 = arith.constant 0 : i32
      %dma_start3A_289 = arith.constant 0 : i32
      %dma_start3A_290 = tpu.memref_slice %arg2[%dma_start3A_288, %dma_start3A_289] : memref<10240x128xf32, #tpu.memory_space<hbm>> -> memref<10240x128xf32, #tpu.memory_space<hbm>>
      tpu.enqueue_indirect_dma source(%dma_start3A_290 : memref<10240x128xf32, #tpu.memory_space<hbm>>) target(%arg9 : memref<128x128xf32, #tpu.memory_space<vmem>>) offsets(%dma_start3A_287 : memref<128xi32, #tpu.memory_space<vmem>>) semaphore(%arg12 : memref<!tpu.dma_semaphore, #tpu.memory_space<semaphore_mem>>)
      %dma_wait3A_291 = arith.constant 1152 : i32
      %dma_wait3A_292 = tpu.memref_slice %arg6[%dma_wait3A_291] : memref<2048xi32, #tpu.memory_space<vmem>> -> memref<128xi32, #tpu.memory_space<vmem>>
      %dma_wait3A_293 = arith.constant 0 : i32
      %dma_wait3A_294 = arith.constant 0 : i32
      %dma_wait3A_295 = tpu.memref_slice %arg2[%dma_wait3A_293, %dma_wait3A_294] : memref<10240x128xf32, #tpu.memory_space<hbm>> -> memref<10240x128xf32, #tpu.memory_space<hbm>>
      tpu.wait_indirect_dma semaphore(%arg13 : memref<!tpu.dma_semaphore, #tpu.memory_space<semaphore_mem>>) src(%dma_wait3A_295 : memref<10240x128xf32, #tpu.memory_space<hbm>>) dst(%arg10 : memref<128x128xf32, #tpu.memory_space<vmem>>)
      %dma_start3A_296 = arith.constant 1 : i32
      %dma_start3A_297 = arith.constant 0 : i32
      %dma_start3A_298 = tpu.memref_slice %arg8[%dma_start3A_296, %dma_start3A_297] : memref<8x128xi32, #tpu.memory_space<vmem>> -> memref<1x128xi32, #tpu.memory_space<vmem>>
      %dma_start3A_299 = tpu.memref_squeeze %dma_start3A_298 : memref<1x128xi32, #tpu.memory_space<vmem>> -> memref<128xi32, #tpu.memory_space<vmem>>
      %dma_start3A_300 = arith.constant 0 : i32
      %dma_start3A_301 = arith.constant 0 : i32
      %dma_start3A_302 = tpu.memref_slice %arg11[%dma_start3A_300, %dma_start3A_301] : memref<10112x128xf32, #tpu.memory_space<vmem_shared>> -> memref<10112x128xf32, #tpu.memory_space<vmem_shared>>
      tpu.enqueue_indirect_dma source(%arg10 : memref<128x128xf32, #tpu.memory_space<vmem>>) target(%dma_start3A_302 : memref<10112x128xf32, #tpu.memory_space<vmem_shared>>) offsets(%dma_start3A_299 : memref<128xi32, #tpu.memory_space<vmem>>) semaphore(%arg15 : memref<!tpu.dma_semaphore, #tpu.memory_space<semaphore_mem>>) {add = true}
      %dma_wait3A_303 = arith.constant 1 : i32
      %dma_wait3A_304 = arith.constant 0 : i32
      %dma_wait3A_305 = tpu.memref_slice %arg8[%dma_wait3A_303, %dma_wait3A_304] : memref<8x128xi32, #tpu.memory_space<vmem>> -> memref<1x128xi32, #tpu.memory_space<vmem>>
      %dma_wait3A_306 = tpu.memref_squeeze %dma_wait3A_305 : memref<1x128xi32, #tpu.memory_space<vmem>> -> memref<128xi32, #tpu.memory_space<vmem>>
      %dma_wait3A_307 = arith.constant 0 : i32
      %dma_wait3A_308 = arith.constant 0 : i32
      %dma_wait3A_309 = tpu.memref_slice %arg11[%dma_wait3A_307, %dma_wait3A_308] : memref<10112x128xf32, #tpu.memory_space<vmem_shared>> -> memref<10112x128xf32, #tpu.memory_space<vmem_shared>>
      tpu.wait_indirect_dma semaphore(%arg15 : memref<!tpu.dma_semaphore, #tpu.memory_space<semaphore_mem>>) src(%arg10 : memref<128x128xf32, #tpu.memory_space<vmem>>) dst(%dma_wait3A_309 : memref<10112x128xf32, #tpu.memory_space<vmem_shared>>)
      %dma_start3A_310 = arith.constant 1408 : i32
      %dma_start3A_311 = tpu.memref_slice %arg6[%dma_start3A_310] : memref<2048xi32, #tpu.memory_space<vmem>> -> memref<128xi32, #tpu.memory_space<vmem>>
      %dma_start3A_312 = arith.constant 0 : i32
      %dma_start3A_313 = arith.constant 0 : i32
      %dma_start3A_314 = tpu.memref_slice %arg2[%dma_start3A_312, %dma_start3A_313] : memref<10240x128xf32, #tpu.memory_space<hbm>> -> memref<10240x128xf32, #tpu.memory_space<hbm>>
      tpu.enqueue_indirect_dma source(%dma_start3A_314 : memref<10240x128xf32, #tpu.memory_space<hbm>>) target(%arg10 : memref<128x128xf32, #tpu.memory_space<vmem>>) offsets(%dma_start3A_311 : memref<128xi32, #tpu.memory_space<vmem>>) semaphore(%arg13 : memref<!tpu.dma_semaphore, #tpu.memory_space<semaphore_mem>>)
      %dma_wait3A_315 = arith.constant 1280 : i32
      %dma_wait3A_316 = tpu.memref_slice %arg6[%dma_wait3A_315] : memref<2048xi32, #tpu.memory_space<vmem>> -> memref<128xi32, #tpu.memory_space<vmem>>
      %dma_wait3A_317 = arith.constant 0 : i32
      %dma_wait3A_318 = arith.constant 0 : i32
      %dma_wait3A_319 = tpu.memref_slice %arg2[%dma_wait3A_317, %dma_wait3A_318] : memref<10240x128xf32, #tpu.memory_space<hbm>> -> memref<10240x128xf32, #tpu.memory_space<hbm>>
      tpu.wait_indirect_dma semaphore(%arg12 : memref<!tpu.dma_semaphore, #tpu.memory_space<semaphore_mem>>) src(%dma_wait3A_319 : memref<10240x128xf32, #tpu.memory_space<hbm>>) dst(%arg9 : memref<128x128xf32, #tpu.memory_space<vmem>>)
      %dma_start3A_320 = arith.constant 2 : i32
      %dma_start3A_321 = arith.constant 0 : i32
      %dma_start3A_322 = tpu.memref_slice %arg8[%dma_start3A_320, %dma_start3A_321] : memref<8x128xi32, #tpu.memory_space<vmem>> -> memref<1x128xi32, #tpu.memory_space<vmem>>
      %dma_start3A_323 = tpu.memref_squeeze %dma_start3A_322 : memref<1x128xi32, #tpu.memory_space<vmem>> -> memref<128xi32, #tpu.memory_space<vmem>>
      %dma_start3A_324 = arith.constant 0 : i32
      %dma_start3A_325 = arith.constant 0 : i32
      %dma_start3A_326 = tpu.memref_slice %arg11[%dma_start3A_324, %dma_start3A_325] : memref<10112x128xf32, #tpu.memory_space<vmem_shared>> -> memref<10112x128xf32, #tpu.memory_space<vmem_shared>>
      tpu.enqueue_indirect_dma source(%arg9 : memref<128x128xf32, #tpu.memory_space<vmem>>) target(%dma_start3A_326 : memref<10112x128xf32, #tpu.memory_space<vmem_shared>>) offsets(%dma_start3A_323 : memref<128xi32, #tpu.memory_space<vmem>>) semaphore(%arg14 : memref<!tpu.dma_semaphore, #tpu.memory_space<semaphore_mem>>) {add = true}
      %dma_wait3A_327 = arith.constant 2 : i32
      %dma_wait3A_328 = arith.constant 0 : i32
      %dma_wait3A_329 = tpu.memref_slice %arg8[%dma_wait3A_327, %dma_wait3A_328] : memref<8x128xi32, #tpu.memory_space<vmem>> -> memref<1x128xi32, #tpu.memory_space<vmem>>
      %dma_wait3A_330 = tpu.memref_squeeze %dma_wait3A_329 : memref<1x128xi32, #tpu.memory_space<vmem>> -> memref<128xi32, #tpu.memory_space<vmem>>
      %dma_wait3A_331 = arith.constant 0 : i32
      %dma_wait3A_332 = arith.constant 0 : i32
      %dma_wait3A_333 = tpu.memref_slice %arg11[%dma_wait3A_331, %dma_wait3A_332] : memref<10112x128xf32, #tpu.memory_space<vmem_shared>> -> memref<10112x128xf32, #tpu.memory_space<vmem_shared>>
      tpu.wait_indirect_dma semaphore(%arg14 : memref<!tpu.dma_semaphore, #tpu.memory_space<semaphore_mem>>) src(%arg9 : memref<128x128xf32, #tpu.memory_space<vmem>>) dst(%dma_wait3A_333 : memref<10112x128xf32, #tpu.memory_space<vmem_shared>>)
      %dma_start3A_334 = arith.constant 1536 : i32
      %dma_start3A_335 = tpu.memref_slice %arg6[%dma_start3A_334] : memref<2048xi32, #tpu.memory_space<vmem>> -> memref<128xi32, #tpu.memory_space<vmem>>
      %dma_start3A_336 = arith.constant 0 : i32
      %dma_start3A_337 = arith.constant 0 : i32
      %dma_start3A_338 = tpu.memref_slice %arg2[%dma_start3A_336, %dma_start3A_337] : memref<10240x128xf32, #tpu.memory_space<hbm>> -> memref<10240x128xf32, #tpu.memory_space<hbm>>
      tpu.enqueue_indirect_dma source(%dma_start3A_338 : memref<10240x128xf32, #tpu.memory_space<hbm>>) target(%arg9 : memref<128x128xf32, #tpu.memory_space<vmem>>) offsets(%dma_start3A_335 : memref<128xi32, #tpu.memory_space<vmem>>) semaphore(%arg12 : memref<!tpu.dma_semaphore, #tpu.memory_space<semaphore_mem>>)
      %dma_wait3A_339 = arith.constant 1408 : i32
      %dma_wait3A_340 = tpu.memref_slice %arg6[%dma_wait3A_339] : memref<2048xi32, #tpu.memory_space<vmem>> -> memref<128xi32, #tpu.memory_space<vmem>>
      %dma_wait3A_341 = arith.constant 0 : i32
      %dma_wait3A_342 = arith.constant 0 : i32
      %dma_wait3A_343 = tpu.memref_slice %arg2[%dma_wait3A_341, %dma_wait3A_342] : memref<10240x128xf32, #tpu.memory_space<hbm>> -> memref<10240x128xf32, #tpu.memory_space<hbm>>
      tpu.wait_indirect_dma semaphore(%arg13 : memref<!tpu.dma_semaphore, #tpu.memory_space<semaphore_mem>>) src(%dma_wait3A_343 : memref<10240x128xf32, #tpu.memory_space<hbm>>) dst(%arg10 : memref<128x128xf32, #tpu.memory_space<vmem>>)
      %dma_start3A_344 = arith.constant 3 : i32
      %dma_start3A_345 = arith.constant 0 : i32
      %dma_start3A_346 = tpu.memref_slice %arg8[%dma_start3A_344, %dma_start3A_345] : memref<8x128xi32, #tpu.memory_space<vmem>> -> memref<1x128xi32, #tpu.memory_space<vmem>>
      %dma_start3A_347 = tpu.memref_squeeze %dma_start3A_346 : memref<1x128xi32, #tpu.memory_space<vmem>> -> memref<128xi32, #tpu.memory_space<vmem>>
      %dma_start3A_348 = arith.constant 0 : i32
      %dma_start3A_349 = arith.constant 0 : i32
      %dma_start3A_350 = tpu.memref_slice %arg11[%dma_start3A_348, %dma_start3A_349] : memref<10112x128xf32, #tpu.memory_space<vmem_shared>> -> memref<10112x128xf32, #tpu.memory_space<vmem_shared>>
      tpu.enqueue_indirect_dma source(%arg10 : memref<128x128xf32, #tpu.memory_space<vmem>>) target(%dma_start3A_350 : memref<10112x128xf32, #tpu.memory_space<vmem_shared>>) offsets(%dma_start3A_347 : memref<128xi32, #tpu.memory_space<vmem>>) semaphore(%arg15 : memref<!tpu.dma_semaphore, #tpu.memory_space<semaphore_mem>>) {add = true}
      %dma_wait3A_351 = arith.constant 3 : i32
      %dma_wait3A_352 = arith.constant 0 : i32
      %dma_wait3A_353 = tpu.memref_slice %arg8[%dma_wait3A_351, %dma_wait3A_352] : memref<8x128xi32, #tpu.memory_space<vmem>> -> memref<1x128xi32, #tpu.memory_space<vmem>>
      %dma_wait3A_354 = tpu.memref_squeeze %dma_wait3A_353 : memref<1x128xi32, #tpu.memory_space<vmem>> -> memref<128xi32, #tpu.memory_space<vmem>>
      %dma_wait3A_355 = arith.constant 0 : i32
      %dma_wait3A_356 = arith.constant 0 : i32
      %dma_wait3A_357 = tpu.memref_slice %arg11[%dma_wait3A_355, %dma_wait3A_356] : memref<10112x128xf32, #tpu.memory_space<vmem_shared>> -> memref<10112x128xf32, #tpu.memory_space<vmem_shared>>
      tpu.wait_indirect_dma semaphore(%arg15 : memref<!tpu.dma_semaphore, #tpu.memory_space<semaphore_mem>>) src(%arg10 : memref<128x128xf32, #tpu.memory_space<vmem>>) dst(%dma_wait3A_357 : memref<10112x128xf32, #tpu.memory_space<vmem_shared>>)
      %dma_start3A_358 = arith.constant 1664 : i32
      %dma_start3A_359 = tpu.memref_slice %arg6[%dma_start3A_358] : memref<2048xi32, #tpu.memory_space<vmem>> -> memref<128xi32, #tpu.memory_space<vmem>>
      %dma_start3A_360 = arith.constant 0 : i32
      %dma_start3A_361 = arith.constant 0 : i32
      %dma_start3A_362 = tpu.memref_slice %arg2[%dma_start3A_360, %dma_start3A_361] : memref<10240x128xf32, #tpu.memory_space<hbm>> -> memref<10240x128xf32, #tpu.memory_space<hbm>>
      tpu.enqueue_indirect_dma source(%dma_start3A_362 : memref<10240x128xf32, #tpu.memory_space<hbm>>) target(%arg10 : memref<128x128xf32, #tpu.memory_space<vmem>>) offsets(%dma_start3A_359 : memref<128xi32, #tpu.memory_space<vmem>>) semaphore(%arg13 : memref<!tpu.dma_semaphore, #tpu.memory_space<semaphore_mem>>)
      %dma_wait3A_363 = arith.constant 1536 : i32
      %dma_wait3A_364 = tpu.memref_slice %arg6[%dma_wait3A_363] : memref<2048xi32, #tpu.memory_space<vmem>> -> memref<128xi32, #tpu.memory_space<vmem>>
      %dma_wait3A_365 = arith.constant 0 : i32
      %dma_wait3A_366 = arith.constant 0 : i32
      %dma_wait3A_367 = tpu.memref_slice %arg2[%dma_wait3A_365, %dma_wait3A_366] : memref<10240x128xf32, #tpu.memory_space<hbm>> -> memref<10240x128xf32, #tpu.memory_space<hbm>>
      tpu.wait_indirect_dma semaphore(%arg12 : memref<!tpu.dma_semaphore, #tpu.memory_space<semaphore_mem>>) src(%dma_wait3A_367 : memref<10240x128xf32, #tpu.memory_space<hbm>>) dst(%arg9 : memref<128x128xf32, #tpu.memory_space<vmem>>)
      %dma_start3A_368 = arith.constant 4 : i32
      %dma_start3A_369 = arith.constant 0 : i32
      %dma_start3A_370 = tpu.memref_slice %arg8[%dma_start3A_368, %dma_start3A_369] : memref<8x128xi32, #tpu.memory_space<vmem>> -> memref<1x128xi32, #tpu.memory_space<vmem>>
      %dma_start3A_371 = tpu.memref_squeeze %dma_start3A_370 : memref<1x128xi32, #tpu.memory_space<vmem>> -> memref<128xi32, #tpu.memory_space<vmem>>
      %dma_start3A_372 = arith.constant 0 : i32
      %dma_start3A_373 = arith.constant 0 : i32
      %dma_start3A_374 = tpu.memref_slice %arg11[%dma_start3A_372, %dma_start3A_373] : memref<10112x128xf32, #tpu.memory_space<vmem_shared>> -> memref<10112x128xf32, #tpu.memory_space<vmem_shared>>
      tpu.enqueue_indirect_dma source(%arg9 : memref<128x128xf32, #tpu.memory_space<vmem>>) target(%dma_start3A_374 : memref<10112x128xf32, #tpu.memory_space<vmem_shared>>) offsets(%dma_start3A_371 : memref<128xi32, #tpu.memory_space<vmem>>) semaphore(%arg14 : memref<!tpu.dma_semaphore, #tpu.memory_space<semaphore_mem>>) {add = true}
      %dma_wait3A_375 = arith.constant 4 : i32
      %dma_wait3A_376 = arith.constant 0 : i32
      %dma_wait3A_377 = tpu.memref_slice %arg8[%dma_wait3A_375, %dma_wait3A_376] : memref<8x128xi32, #tpu.memory_space<vmem>> -> memref<1x128xi32, #tpu.memory_space<vmem>>
      %dma_wait3A_378 = tpu.memref_squeeze %dma_wait3A_377 : memref<1x128xi32, #tpu.memory_space<vmem>> -> memref<128xi32, #tpu.memory_space<vmem>>
      %dma_wait3A_379 = arith.constant 0 : i32
      %dma_wait3A_380 = arith.constant 0 : i32
      %dma_wait3A_381 = tpu.memref_slice %arg11[%dma_wait3A_379, %dma_wait3A_380] : memref<10112x128xf32, #tpu.memory_space<vmem_shared>> -> memref<10112x128xf32, #tpu.memory_space<vmem_shared>>
      tpu.wait_indirect_dma semaphore(%arg14 : memref<!tpu.dma_semaphore, #tpu.memory_space<semaphore_mem>>) src(%arg9 : memref<128x128xf32, #tpu.memory_space<vmem>>) dst(%dma_wait3A_381 : memref<10112x128xf32, #tpu.memory_space<vmem_shared>>)
      %dma_start3A_382 = arith.constant 1792 : i32
      %dma_start3A_383 = tpu.memref_slice %arg6[%dma_start3A_382] : memref<2048xi32, #tpu.memory_space<vmem>> -> memref<128xi32, #tpu.memory_space<vmem>>
      %dma_start3A_384 = arith.constant 0 : i32
      %dma_start3A_385 = arith.constant 0 : i32
      %dma_start3A_386 = tpu.memref_slice %arg2[%dma_start3A_384, %dma_start3A_385] : memref<10240x128xf32, #tpu.memory_space<hbm>> -> memref<10240x128xf32, #tpu.memory_space<hbm>>
      tpu.enqueue_indirect_dma source(%dma_start3A_386 : memref<10240x128xf32, #tpu.memory_space<hbm>>) target(%arg9 : memref<128x128xf32, #tpu.memory_space<vmem>>) offsets(%dma_start3A_383 : memref<128xi32, #tpu.memory_space<vmem>>) semaphore(%arg12 : memref<!tpu.dma_semaphore, #tpu.memory_space<semaphore_mem>>)
      %dma_wait3A_387 = arith.constant 1664 : i32
      %dma_wait3A_388 = tpu.memref_slice %arg6[%dma_wait3A_387] : memref<2048xi32, #tpu.memory_space<vmem>> -> memref<128xi32, #tpu.memory_space<vmem>>
      %dma_wait3A_389 = arith.constant 0 : i32
      %dma_wait3A_390 = arith.constant 0 : i32
      %dma_wait3A_391 = tpu.memref_slice %arg2[%dma_wait3A_389, %dma_wait3A_390] : memref<10240x128xf32, #tpu.memory_space<hbm>> -> memref<10240x128xf32, #tpu.memory_space<hbm>>
      tpu.wait_indirect_dma semaphore(%arg13 : memref<!tpu.dma_semaphore, #tpu.memory_space<semaphore_mem>>) src(%dma_wait3A_391 : memref<10240x128xf32, #tpu.memory_space<hbm>>) dst(%arg10 : memref<128x128xf32, #tpu.memory_space<vmem>>)
      %dma_start3A_392 = arith.constant 5 : i32
      %dma_start3A_393 = arith.constant 0 : i32
      %dma_start3A_394 = tpu.memref_slice %arg8[%dma_start3A_392, %dma_start3A_393] : memref<8x128xi32, #tpu.memory_space<vmem>> -> memref<1x128xi32, #tpu.memory_space<vmem>>
      %dma_start3A_395 = tpu.memref_squeeze %dma_start3A_394 : memref<1x128xi32, #tpu.memory_space<vmem>> -> memref<128xi32, #tpu.memory_space<vmem>>
      %dma_start3A_396 = arith.constant 0 : i32
      %dma_start3A_397 = arith.constant 0 : i32
      %dma_start3A_398 = tpu.memref_slice %arg11[%dma_start3A_396, %dma_start3A_397] : memref<10112x128xf32, #tpu.memory_space<vmem_shared>> -> memref<10112x128xf32, #tpu.memory_space<vmem_shared>>
      tpu.enqueue_indirect_dma source(%arg10 : memref<128x128xf32, #tpu.memory_space<vmem>>) target(%dma_start3A_398 : memref<10112x128xf32, #tpu.memory_space<vmem_shared>>) offsets(%dma_start3A_395 : memref<128xi32, #tpu.memory_space<vmem>>) semaphore(%arg15 : memref<!tpu.dma_semaphore, #tpu.memory_space<semaphore_mem>>) {add = true}
      %dma_wait3A_399 = arith.constant 5 : i32
      %dma_wait3A_400 = arith.constant 0 : i32
      %dma_wait3A_401 = tpu.memref_slice %arg8[%dma_wait3A_399, %dma_wait3A_400] : memref<8x128xi32, #tpu.memory_space<vmem>> -> memref<1x128xi32, #tpu.memory_space<vmem>>
      %dma_wait3A_402 = tpu.memref_squeeze %dma_wait3A_401 : memref<1x128xi32, #tpu.memory_space<vmem>> -> memref<128xi32, #tpu.memory_space<vmem>>
      %dma_wait3A_403 = arith.constant 0 : i32
      %dma_wait3A_404 = arith.constant 0 : i32
      %dma_wait3A_405 = tpu.memref_slice %arg11[%dma_wait3A_403, %dma_wait3A_404] : memref<10112x128xf32, #tpu.memory_space<vmem_shared>> -> memref<10112x128xf32, #tpu.memory_space<vmem_shared>>
      tpu.wait_indirect_dma semaphore(%arg15 : memref<!tpu.dma_semaphore, #tpu.memory_space<semaphore_mem>>) src(%arg10 : memref<128x128xf32, #tpu.memory_space<vmem>>) dst(%dma_wait3A_405 : memref<10112x128xf32, #tpu.memory_space<vmem_shared>>)
      %dma_start3A_406 = arith.constant 1920 : i32
      %dma_start3A_407 = tpu.memref_slice %arg6[%dma_start3A_406] : memref<2048xi32, #tpu.memory_space<vmem>> -> memref<128xi32, #tpu.memory_space<vmem>>
      %dma_start3A_408 = arith.constant 0 : i32
      %dma_start3A_409 = arith.constant 0 : i32
      %dma_start3A_410 = tpu.memref_slice %arg2[%dma_start3A_408, %dma_start3A_409] : memref<10240x128xf32, #tpu.memory_space<hbm>> -> memref<10240x128xf32, #tpu.memory_space<hbm>>
      tpu.enqueue_indirect_dma source(%dma_start3A_410 : memref<10240x128xf32, #tpu.memory_space<hbm>>) target(%arg10 : memref<128x128xf32, #tpu.memory_space<vmem>>) offsets(%dma_start3A_407 : memref<128xi32, #tpu.memory_space<vmem>>) semaphore(%arg13 : memref<!tpu.dma_semaphore, #tpu.memory_space<semaphore_mem>>)
      %dma_wait3A_411 = arith.constant 1792 : i32
      %dma_wait3A_412 = tpu.memref_slice %arg6[%dma_wait3A_411] : memref<2048xi32, #tpu.memory_space<vmem>> -> memref<128xi32, #tpu.memory_space<vmem>>
      %dma_wait3A_413 = arith.constant 0 : i32
      %dma_wait3A_414 = arith.constant 0 : i32
      %dma_wait3A_415 = tpu.memref_slice %arg2[%dma_wait3A_413, %dma_wait3A_414] : memref<10240x128xf32, #tpu.memory_space<hbm>> -> memref<10240x128xf32, #tpu.memory_space<hbm>>
      tpu.wait_indirect_dma semaphore(%arg12 : memref<!tpu.dma_semaphore, #tpu.memory_space<semaphore_mem>>) src(%dma_wait3A_415 : memref<10240x128xf32, #tpu.memory_space<hbm>>) dst(%arg9 : memref<128x128xf32, #tpu.memory_space<vmem>>)
      %dma_start3A_416 = arith.constant 6 : i32
      %dma_start3A_417 = arith.constant 0 : i32
      %dma_start3A_418 = tpu.memref_slice %arg8[%dma_start3A_416, %dma_start3A_417] : memref<8x128xi32, #tpu.memory_space<vmem>> -> memref<1x128xi32, #tpu.memory_space<vmem>>
      %dma_start3A_419 = tpu.memref_squeeze %dma_start3A_418 : memref<1x128xi32, #tpu.memory_space<vmem>> -> memref<128xi32, #tpu.memory_space<vmem>>
      %dma_start3A_420 = arith.constant 0 : i32
      %dma_start3A_421 = arith.constant 0 : i32
      %dma_start3A_422 = tpu.memref_slice %arg11[%dma_start3A_420, %dma_start3A_421] : memref<10112x128xf32, #tpu.memory_space<vmem_shared>> -> memref<10112x128xf32, #tpu.memory_space<vmem_shared>>
      tpu.enqueue_indirect_dma source(%arg9 : memref<128x128xf32, #tpu.memory_space<vmem>>) target(%dma_start3A_422 : memref<10112x128xf32, #tpu.memory_space<vmem_shared>>) offsets(%dma_start3A_419 : memref<128xi32, #tpu.memory_space<vmem>>) semaphore(%arg14 : memref<!tpu.dma_semaphore, #tpu.memory_space<semaphore_mem>>) {add = true}
      %dma_wait3A_423 = arith.constant 1920 : i32
      %dma_wait3A_424 = tpu.memref_slice %arg6[%dma_wait3A_423] : memref<2048xi32, #tpu.memory_space<vmem>> -> memref<128xi32, #tpu.memory_space<vmem>>
      %dma_wait3A_425 = arith.constant 0 : i32
      %dma_wait3A_426 = arith.constant 0 : i32
      %dma_wait3A_427 = tpu.memref_slice %arg2[%dma_wait3A_425, %dma_wait3A_426] : memref<10240x128xf32, #tpu.memory_space<hbm>> -> memref<10240x128xf32, #tpu.memory_space<hbm>>
      tpu.wait_indirect_dma semaphore(%arg13 : memref<!tpu.dma_semaphore, #tpu.memory_space<semaphore_mem>>) src(%dma_wait3A_427 : memref<10240x128xf32, #tpu.memory_space<hbm>>) dst(%arg10 : memref<128x128xf32, #tpu.memory_space<vmem>>)
      %dma_start3A_428 = arith.constant 7 : i32
      %dma_start3A_429 = arith.constant 0 : i32
      %dma_start3A_430 = tpu.memref_slice %arg8[%dma_start3A_428, %dma_start3A_429] : memref<8x128xi32, #tpu.memory_space<vmem>> -> memref<1x128xi32, #tpu.memory_space<vmem>>
      %dma_start3A_431 = tpu.memref_squeeze %dma_start3A_430 : memref<1x128xi32, #tpu.memory_space<vmem>> -> memref<128xi32, #tpu.memory_space<vmem>>
      %dma_start3A_432 = arith.constant 0 : i32
      %dma_start3A_433 = arith.constant 0 : i32
      %dma_start3A_434 = tpu.memref_slice %arg11[%dma_start3A_432, %dma_start3A_433] : memref<10112x128xf32, #tpu.memory_space<vmem_shared>> -> memref<10112x128xf32, #tpu.memory_space<vmem_shared>>
      tpu.enqueue_indirect_dma source(%arg10 : memref<128x128xf32, #tpu.memory_space<vmem>>) target(%dma_start3A_434 : memref<10112x128xf32, #tpu.memory_space<vmem_shared>>) offsets(%dma_start3A_431 : memref<128xi32, #tpu.memory_space<vmem>>) semaphore(%arg15 : memref<!tpu.dma_semaphore, #tpu.memory_space<semaphore_mem>>) {add = true}
      %scan3A_435 = arith.constant 0 : i32
      scf.yield %scan3A_435 : i32
    }
    %scan3A_35 = arith.constant 5 : i32
    %dma_wait3A = arith.constant 6 : i32
    %dma_wait3A_36 = arith.constant 0 : i32
    %dma_wait3A_37 = tpu.memref_slice %arg8[%dma_wait3A, %dma_wait3A_36] : memref<8x128xi32, #tpu.memory_space<vmem>> -> memref<1x128xi32, #tpu.memory_space<vmem>>
    %dma_wait3A_38 = tpu.memref_squeeze %dma_wait3A_37 : memref<1x128xi32, #tpu.memory_space<vmem>> -> memref<128xi32, #tpu.memory_space<vmem>>
    %dma_wait3A_39 = arith.constant 0 : i32
    %dma_wait3A_40 = arith.constant 0 : i32
    %dma_wait3A_41 = tpu.memref_slice %arg11[%dma_wait3A_39, %dma_wait3A_40] : memref<10112x128xf32, #tpu.memory_space<vmem_shared>> -> memref<10112x128xf32, #tpu.memory_space<vmem_shared>>
    tpu.wait_indirect_dma semaphore(%arg14 : memref<!tpu.dma_semaphore, #tpu.memory_space<semaphore_mem>>) src(%arg9 : memref<128x128xf32, #tpu.memory_space<vmem>>) dst(%dma_wait3A_41 : memref<10112x128xf32, #tpu.memory_space<vmem_shared>>)
    %dma_wait3A_42 = arith.constant 7 : i32
    %dma_wait3A_43 = arith.constant 0 : i32
    %dma_wait3A_44 = tpu.memref_slice %arg8[%dma_wait3A_42, %dma_wait3A_43] : memref<8x128xi32, #tpu.memory_space<vmem>> -> memref<1x128xi32, #tpu.memory_space<vmem>>
    %dma_wait3A_45 = tpu.memref_squeeze %dma_wait3A_44 : memref<1x128xi32, #tpu.memory_space<vmem>> -> memref<128xi32, #tpu.memory_space<vmem>>
    %dma_wait3A_46 = arith.constant 0 : i32
    %dma_wait3A_47 = arith.constant 0 : i32
    %dma_wait3A_48 = tpu.memref_slice %arg11[%dma_wait3A_46, %dma_wait3A_47] : memref<10112x128xf32, #tpu.memory_space<vmem_shared>> -> memref<10112x128xf32, #tpu.memory_space<vmem_shared>>
    tpu.wait_indirect_dma semaphore(%arg15 : memref<!tpu.dma_semaphore, #tpu.memory_space<semaphore_mem>>) src(%arg10 : memref<128x128xf32, #tpu.memory_space<vmem>>) dst(%dma_wait3A_48 : memref<10112x128xf32, #tpu.memory_space<vmem_shared>>)
    %barrier3A_49 = arith.constant 0 : index
    tpu.barrier barrier_id(%barrier3A_49)
    %mul3A_50 = arith.constant 632 : i32
    %mul3A_51 = arith.muli %arg1, %mul3A_50 : i32
    "tpu.region"() ({
      %run_scoped3A = tpu.sem_alloc : memref<!tpu.dma_semaphore, #tpu.memory_space<semaphore_mem>>
      %dma_start3A = arith.constant 0 : i32
      %dma_start3A_52 = arith.constant 0 : i32
      %dma_start3A_53 = tpu.memref_slice %arg5[%arg0, %arg1, %dma_start3A, %dma_start3A_52] : memref<2x16x632x128xf32, #tpu.memory_space<hbm>> -> memref<1x1x632x128xf32, #tpu.memory_space<hbm>>
      %dma_start3A_54 = tpu.memref_squeeze %dma_start3A_53 : memref<1x1x632x128xf32, #tpu.memory_space<hbm>> -> memref<632x128xf32, #tpu.memory_space<hbm>>
      %dma_start3A_55 = arith.constant 0 : i32
      %dma_start3A_56 = tpu.memref_slice %arg11[%mul3A_51, %dma_start3A_55] : memref<10112x128xf32, #tpu.memory_space<vmem_shared>> -> memref<632x128xf32, #tpu.memory_space<vmem_shared>>
      tpu.enqueue_dma source(%dma_start3A_56 : memref<632x128xf32, #tpu.memory_space<vmem_shared>>) target(%dma_start3A_54 : memref<632x128xf32, #tpu.memory_space<hbm>>) target_semaphore(%run_scoped3A : memref<!tpu.dma_semaphore, #tpu.memory_space<semaphore_mem>>)
      %dma_wait3A_57 = arith.constant 0 : i32
      %dma_wait3A_58 = arith.constant 0 : i32
      %dma_wait3A_59 = tpu.memref_slice %arg5[%arg0, %arg1, %dma_wait3A_57, %dma_wait3A_58] : memref<2x16x632x128xf32, #tpu.memory_space<hbm>> -> memref<1x1x632x128xf32, #tpu.memory_space<hbm>>
      %dma_wait3A_60 = tpu.memref_squeeze %dma_wait3A_59 : memref<1x1x632x128xf32, #tpu.memory_space<hbm>> -> memref<632x128xf32, #tpu.memory_space<hbm>>
      %dma_wait3A_61 = arith.constant 0 : i32
      %dma_wait3A_62 = tpu.memref_slice %arg11[%mul3A_51, %dma_wait3A_61] : memref<10112x128xf32, #tpu.memory_space<vmem_shared>> -> memref<632x128xf32, #tpu.memory_space<vmem_shared>>
      tpu.wait_dma2 semaphore(%run_scoped3A : memref<!tpu.dma_semaphore, #tpu.memory_space<semaphore_mem>>) src(%dma_wait3A_62 : memref<632x128xf32, #tpu.memory_space<vmem_shared>>) dst(%dma_wait3A_60 : memref<632x128xf32, #tpu.memory_space<hbm>>)
      tpu.yield
    }) : () -> ()
    return
  }
}

module attributes {stable_mosaic.version = 14 : i64} {
  func.func @_lin2_body(%arg0: i32, %arg1: memref<1x2048x128xf32, #tpu.memory_space<vmem>>, %arg2: memref<1x2048x128xf32, #tpu.memory_space<vmem>>, %arg3: memref<2048x128xf32, #tpu.memory_space<vmem>>, %arg4: memref<2048x1xf32, #tpu.memory_space<vmem>>, %arg5: memref<1x128xf32, #tpu.memory_space<vmem>>, %arg6: memref<128x128xf32, #tpu.memory_space<vmem>>, %arg7: memref<2048x128xf32, #tpu.memory_space<vmem>>) attributes {dimension_semantics = [#tpu.dimension_semantics<arbitrary>], iteration_bounds = array<i64: 5>, scalar_prefetch = 0 : i64, scratch_operands = 0 : i64, tpu.core_type = #tpu.core_type<tc>, window_params = [{transform_indices = @transform_0, window_bounds = array<i64: 1, 2048, 128>}, {transform_indices = @transform_1, window_bounds = array<i64: 1, 2048, 128>}, {transform_indices = @transform_2, window_bounds = array<i64: 2048, 128>}, {transform_indices = @transform_3, window_bounds = array<i64: 2048, 1>}, {pipeline_mode = #tpu.pipeline_mode<synchronous>, transform_indices = @transform_4, window_bounds = array<i64: 1, 128>}, {pipeline_mode = #tpu.pipeline_mode<synchronous>, transform_indices = @transform_5, window_bounds = array<i64: 128, 128>}, {transform_indices = @transform_6, window_bounds = array<i64: 2048, 128>}]} {
    %get3A = arith.constant 0 : index
    %get3A_0 = arith.constant 0 : index
    %get3A_1 = vector.load %arg4[%get3A, %get3A_0] : memref<2048x1xf32, #tpu.memory_space<vmem>>, vector<2048x1xf32>
    %get3A_2 = arith.constant 0 : index
    %get3A_3 = arith.constant 0 : index
    %get3A_4 = arith.constant 0 : index
    %get3A_5 = vector.load %arg1[%get3A_2, %get3A_3, %get3A_4] : memref<1x2048x128xf32, #tpu.memory_space<vmem>>, vector<1x2048x128xf32>
    %get3A_6 = vector.shape_cast %get3A_5 : vector<1x2048x128xf32> to vector<2048x128xf32>
    %get3A_7 = arith.constant 0 : index
    %get3A_8 = arith.constant 0 : index
    %get3A_9 = arith.constant 0 : index
    %get3A_10 = vector.load %arg2[%get3A_7, %get3A_8, %get3A_9] : memref<1x2048x128xf32, #tpu.memory_space<vmem>>, vector<1x2048x128xf32>
    %get3A_11 = vector.shape_cast %get3A_10 : vector<1x2048x128xf32> to vector<2048x128xf32>
    %add3A = arith.addf %get3A_6, %get3A_11 : vector<2048x128xf32>
    %get3A_12 = arith.constant 0 : index
    %get3A_13 = arith.constant 0 : index
    %get3A_14 = vector.load %arg3[%get3A_12, %get3A_13] : memref<2048x128xf32, #tpu.memory_space<vmem>>, vector<2048x128xf32>
    %add3A_15 = arith.addf %add3A, %get3A_14 : vector<2048x128xf32>
    %mul3A = vector.broadcast %get3A_1 : vector<2048x1xf32> to vector<2048x128xf32>
    %mul3A_16 = arith.mulf %mul3A, %add3A_15 : vector<2048x128xf32>
    %get3A_17 = arith.constant 0 : index
    %get3A_18 = arith.constant 0 : index
    %get3A_19 = vector.load %arg5[%get3A_17, %get3A_18] : memref<1x128xf32, #tpu.memory_space<vmem>>, vector<1x128xf32>
    %add3A_20 = vector.broadcast %get3A_19 : vector<1x128xf32> to vector<2048x128xf32>
    %add3A_21 = arith.addf %mul3A_16, %add3A_20 : vector<2048x128xf32>
    %max3A = arith.constant 0.000000e+00 : f32
    %max3A_22 = vector.broadcast %max3A : f32 to vector<2048x128xf32>
    %max3A_23 = arith.maximumf %add3A_21, %max3A_22 : vector<2048x128xf32>
    %get3A_24 = arith.constant 0 : index
    %get3A_25 = arith.constant 0 : index
    %get3A_26 = vector.load %arg6[%get3A_24, %get3A_25] : memref<128x128xf32, #tpu.memory_space<vmem>>, vector<128x128xf32>
    %dot_general3A = arith.constant dense<0.000000e+00> : vector<2048x128xf32>
    %dot_general3A_27 = tpu.matmul %max3A_23, %get3A_26, %dot_general3A {dimension_numbers = #tpu.dot_dimension_numbers<[1], [1], [0], [0], [0, 0, 1, 0], [], []>, transpose_lhs_hint = false} : vector<2048x128xf32>, vector<128x128xf32>, vector<2048x128xf32> -> vector<2048x128xf32>
    %mul3A_28 = vector.broadcast %get3A_1 : vector<2048x1xf32> to vector<2048x128xf32>
    %mul3A_29 = arith.mulf %dot_general3A_27, %mul3A_28 : vector<2048x128xf32>
    %swap3A = arith.constant 0 : index
    %swap3A_30 = arith.constant 0 : index
    %swap3A_31 = vector.load %arg7[%swap3A, %swap3A_30] : memref<2048x128xf32, #tpu.memory_space<vmem>>, vector<2048x128xf32>
    tpu.vector_store %arg7[%swap3A, %swap3A_30], %mul3A_29 {strides = array<i32>} : memref<2048x128xf32, #tpu.memory_space<vmem>>, vector<2048x128xf32>,
    return
  }
  func.func @transform_0(%arg0: i32) -> (i32, i32, i32) {
    %c0_i32 = arith.constant 0 : i32
    %c0_i32_0 = arith.constant 0 : i32
    %c0_i32_1 = arith.constant 0 : i32
    return %c0_i32, %arg0, %c0_i32_0 : i32, i32, i32
  }
  func.func @transform_1(%arg0: i32) -> (i32, i32, i32) {
    %c1_i32 = arith.constant 1 : i32
    %c0_i32 = arith.constant 0 : i32
    %c0_i32_0 = arith.constant 0 : i32
    return %c1_i32, %arg0, %c0_i32 : i32, i32, i32
  }
  func.func @transform_2(%arg0: i32) -> (i32, i32) {
    %c0_i32 = arith.constant 0 : i32
    %c0_i32_0 = arith.constant 0 : i32
    return %arg0, %c0_i32 : i32, i32
  }
  func.func @transform_3(%arg0: i32) -> (i32, i32) {
    %c0_i32 = arith.constant 0 : i32
    %c0_i32_0 = arith.constant 0 : i32
    return %arg0, %c0_i32 : i32, i32
  }
  func.func @transform_4(%arg0: i32) -> (i32, i32) {
    %c0_i32 = arith.constant 0 : i32
    %c0_i32_0 = arith.constant 0 : i32
    %c0_i32_1 = arith.constant 0 : i32
    return %c0_i32, %c0_i32_0 : i32, i32
  }
  func.func @transform_5(%arg0: i32) -> (i32, i32) {
    %c0_i32 = arith.constant 0 : i32
    %c0_i32_0 = arith.constant 0 : i32
    %c0_i32_1 = arith.constant 0 : i32
    return %c0_i32, %c0_i32_0 : i32, i32
  }
  func.func @transform_6(%arg0: i32) -> (i32, i32) {
    %c0_i32 = arith.constant 0 : i32
    %c0_i32_0 = arith.constant 0 : i32
    return %arg0, %c0_i32 : i32, i32
  }
}

module attributes {stable_mosaic.version = 14 : i64} {
  func.func @_lin1_body(%arg0: i32, %arg1: memref<2048x128xf32, #tpu.memory_space<vmem>>, %arg2: memref<128x128xf32, #tpu.memory_space<vmem>>, %arg3: memref<2048x1xf32, #tpu.memory_space<vmem>>, %arg4: memref<2048x128xf32, #tpu.memory_space<vmem>>) attributes {dimension_semantics = [#tpu.dimension_semantics<arbitrary>], iteration_bounds = array<i64: 5>, scalar_prefetch = 0 : i64, scratch_operands = 0 : i64, tpu.core_type = #tpu.core_type<tc>, window_params = [{transform_indices = @transform_0, window_bounds = array<i64: 2048, 128>}, {pipeline_mode = #tpu.pipeline_mode<synchronous>, transform_indices = @transform_1, window_bounds = array<i64: 128, 128>}, {transform_indices = @transform_2, window_bounds = array<i64: 2048, 1>}, {transform_indices = @transform_3, window_bounds = array<i64: 2048, 128>}]} {
    %get3A = arith.constant 0 : index
    %get3A_0 = arith.constant 0 : index
    %get3A_1 = vector.load %arg1[%get3A, %get3A_0] : memref<2048x128xf32, #tpu.memory_space<vmem>>, vector<2048x128xf32>
    %get3A_2 = arith.constant 0 : index
    %get3A_3 = arith.constant 0 : index
    %get3A_4 = vector.load %arg2[%get3A_2, %get3A_3] : memref<128x128xf32, #tpu.memory_space<vmem>>, vector<128x128xf32>
    %dot_general3A = arith.constant dense<0.000000e+00> : vector<2048x128xf32>
    %dot_general3A_5 = tpu.matmul %get3A_1, %get3A_4, %dot_general3A {dimension_numbers = #tpu.dot_dimension_numbers<[1], [1], [0], [0], [0, 0, 1, 0], [], []>, transpose_lhs_hint = false} : vector<2048x128xf32>, vector<128x128xf32>, vector<2048x128xf32> -> vector<2048x128xf32>
    %get3A_6 = arith.constant 0 : index
    %get3A_7 = arith.constant 0 : index
    %get3A_8 = vector.load %arg3[%get3A_6, %get3A_7] : memref<2048x1xf32, #tpu.memory_space<vmem>>, vector<2048x1xf32>
    %mul3A = vector.broadcast %get3A_8 : vector<2048x1xf32> to vector<2048x128xf32>
    %mul3A_9 = arith.mulf %dot_general3A_5, %mul3A : vector<2048x128xf32>
    %swap3A = arith.constant 0 : index
    %swap3A_10 = arith.constant 0 : index
    %swap3A_11 = vector.load %arg4[%swap3A, %swap3A_10] : memref<2048x128xf32, #tpu.memory_space<vmem>>, vector<2048x128xf32>
    tpu.vector_store %arg4[%swap3A, %swap3A_10], %mul3A_9 {strides = array<i32>} : memref<2048x128xf32, #tpu.memory_space<vmem>>, vector<2048x128xf32>,
    return
  }
  func.func @transform_0(%arg0: i32) -> (i32, i32) {
    %c0_i32 = arith.constant 0 : i32
    %c0_i32_0 = arith.constant 0 : i32
    return %arg0, %c0_i32 : i32, i32
  }
  func.func @transform_1(%arg0: i32) -> (i32, i32) {
    %c0_i32 = arith.constant 0 : i32
    %c0_i32_0 = arith.constant 0 : i32
    %c0_i32_1 = arith.constant 0 : i32
    return %c0_i32, %c0_i32_0 : i32, i32
  }
  func.func @transform_2(%arg0: i32) -> (i32, i32) {
    %c0_i32 = arith.constant 0 : i32
    %c0_i32_0 = arith.constant 0 : i32
    return %arg0, %c0_i32 : i32, i32
  }
  func.func @transform_3(%arg0: i32) -> (i32, i32) {
    %c0_i32 = arith.constant 0 : i32
    %c0_i32_0 = arith.constant 0 : i32
    return %arg0, %c0_i32 : i32, i32
  }
}

module attributes {stable_mosaic.version = 14 : i64} {
  func.func @_anchor_body(%arg0: memref<32x128xf32, #tpu.memory_space<vmem>>, %arg1: memref<32x128xf32, #tpu.memory_space<vmem>>, %arg2: memref<32x128xf32, #tpu.memory_space<vmem>>, %arg3: memref<32x1xf32, #tpu.memory_space<vmem>>, %arg4: memref<1x128xf32, #tpu.memory_space<vmem>>, %arg5: memref<128x128xf32, #tpu.memory_space<vmem>>, %arg6: memref<1x128xf32, #tpu.memory_space<vmem>>, %arg7: memref<40x128xf32, #tpu.memory_space<vmem>>, %arg8: memref<1x40xf32, #tpu.memory_space<vmem>>, %arg9: memref<32x40xf32, #tpu.memory_space<vmem>>, %arg10: memref<32x128xf32, #tpu.memory_space<vmem>>) attributes {dimension_semantics = [], scalar_prefetch = 0 : i64, scratch_operands = 0 : i64, tpu.core_type = #tpu.core_type<tc>} {
    %get3A = arith.constant 0 : index
    %get3A_0 = arith.constant 0 : index
    %get3A_1 = vector.load %arg3[%get3A, %get3A_0] : memref<32x1xf32, #tpu.memory_space<vmem>>, vector<32x1xf32>
    %get3A_2 = arith.constant 0 : index
    %get3A_3 = arith.constant 0 : index
    %get3A_4 = vector.load %arg0[%get3A_2, %get3A_3] : memref<32x128xf32, #tpu.memory_space<vmem>>, vector<32x128xf32>
    %get3A_5 = arith.constant 0 : index
    %get3A_6 = arith.constant 0 : index
    %get3A_7 = vector.load %arg1[%get3A_5, %get3A_6] : memref<32x128xf32, #tpu.memory_space<vmem>>, vector<32x128xf32>
    %add3A = arith.addf %get3A_4, %get3A_7 : vector<32x128xf32>
    %get3A_8 = arith.constant 0 : index
    %get3A_9 = arith.constant 0 : index
    %get3A_10 = vector.load %arg2[%get3A_8, %get3A_9] : memref<32x128xf32, #tpu.memory_space<vmem>>, vector<32x128xf32>
    %add3A_11 = arith.addf %add3A, %get3A_10 : vector<32x128xf32>
    %mul3A = vector.broadcast %get3A_1 : vector<32x1xf32> to vector<32x128xf32>
    %mul3A_12 = arith.mulf %mul3A, %add3A_11 : vector<32x128xf32>
    %get3A_13 = arith.constant 0 : index
    %get3A_14 = arith.constant 0 : index
    %get3A_15 = vector.load %arg4[%get3A_13, %get3A_14] : memref<1x128xf32, #tpu.memory_space<vmem>>, vector<1x128xf32>
    %add3A_16 = vector.broadcast %get3A_15 : vector<1x128xf32> to vector<32x128xf32>
    %add3A_17 = arith.addf %mul3A_12, %add3A_16 : vector<32x128xf32>
    %mul3A_18 = arith.mulf %add3A_17, %add3A_17 : vector<32x128xf32>
    %reduce_sum3A = arith.constant dense<0.000000e+00> : vector<32xf32>
    %reduce_sum3A_19 = vector.multi_reduction <add>, %mul3A_18, %reduce_sum3A [1] : vector<32x128xf32> to vector<32xf32>
    %broadcast_in_dim3A = vector.shape_cast %reduce_sum3A_19 : vector<32xf32> to vector<32x1xf32>
    %sqrt3A = math.sqrt %broadcast_in_dim3A : vector<32x1xf32>
    %div3A = vector.broadcast %sqrt3A : vector<32x1xf32> to vector<32x128xf32>
    %div3A_20 = arith.divf %add3A_17, %div3A : vector<32x128xf32>
    %mul3A_21 = arith.mulf %div3A_20, %div3A_20 : vector<32x128xf32>
    %reduce_sum3A_22 = arith.constant dense<0.000000e+00> : vector<32xf32>
    %reduce_sum3A_23 = vector.multi_reduction <add>, %mul3A_21, %reduce_sum3A_22 [1] : vector<32x128xf32> to vector<32xf32>
    %broadcast_in_dim3A_24 = vector.shape_cast %reduce_sum3A_23 : vector<32xf32> to vector<32x1xf32>
    %sqrt3A_25 = math.sqrt %broadcast_in_dim3A_24 : vector<32x1xf32>
    %max3A = arith.constant 9.99999997E-7 : f32
    %max3A_26 = vector.broadcast %max3A : f32 to vector<32x1xf32>
    %max3A_27 = arith.maximumf %sqrt3A_25, %max3A_26 : vector<32x1xf32>
    %div3A_28 = vector.broadcast %max3A_27 : vector<32x1xf32> to vector<32x128xf32>
    %div3A_29 = arith.divf %div3A_20, %div3A_28 : vector<32x128xf32>
    %swap3A = arith.constant 0 : index
    %swap3A_30 = arith.constant 0 : index
    %swap3A_31 = vector.load %arg10[%swap3A, %swap3A_30] : memref<32x128xf32, #tpu.memory_space<vmem>>, vector<32x128xf32>
    tpu.vector_store %arg10[%swap3A, %swap3A_30], %div3A_29 {strides = array<i32>} : memref<32x128xf32, #tpu.memory_space<vmem>>, vector<32x128xf32>,
    %get3A_32 = arith.constant 0 : index
    %get3A_33 = arith.constant 0 : index
    %get3A_34 = vector.load %arg5[%get3A_32, %get3A_33] : memref<128x128xf32, #tpu.memory_space<vmem>>, vector<128x128xf32>
    %dot_general3A = arith.constant dense<0.000000e+00> : vector<32x128xf32>
    %dot_general3A_35 = tpu.matmul %div3A_20, %get3A_34, %dot_general3A {dimension_numbers = #tpu.dot_dimension_numbers<[1], [1], [0], [0], [0, 0, 1, 0], [], []>, transpose_lhs_hint = false} : vector<32x128xf32>, vector<128x128xf32>, vector<32x128xf32> -> vector<32x128xf32>
    %get3A_36 = arith.constant 0 : index
    %get3A_37 = arith.constant 0 : index
    %get3A_38 = vector.load %arg6[%get3A_36, %get3A_37] : memref<1x128xf32, #tpu.memory_space<vmem>>, vector<1x128xf32>
    %add3A_39 = vector.broadcast %get3A_38 : vector<1x128xf32> to vector<32x128xf32>
    %add3A_40 = arith.addf %dot_general3A_35, %add3A_39 : vector<32x128xf32>
    %max3A_41 = arith.constant 0.000000e+00 : f32
    %max3A_42 = vector.broadcast %max3A_41 : f32 to vector<32x128xf32>
    %max3A_43 = arith.maximumf %add3A_40, %max3A_42 : vector<32x128xf32>
    %get3A_44 = arith.constant 0 : index
    %get3A_45 = arith.constant 0 : index
    %get3A_46 = vector.load %arg7[%get3A_44, %get3A_45] : memref<40x128xf32, #tpu.memory_space<vmem>>, vector<40x128xf32>
    %dot_general3A_47 = arith.constant dense<0.000000e+00> : vector<32x40xf32>
    %dot_general3A_48 = tpu.matmul %max3A_43, %get3A_46, %dot_general3A_47 {dimension_numbers = #tpu.dot_dimension_numbers<[1], [1], [0], [0], [0, 0, 1, 0], [], []>, transpose_lhs_hint = false} : vector<32x128xf32>, vector<40x128xf32>, vector<32x40xf32> -> vector<32x40xf32>
    %get3A_49 = arith.constant 0 : index
    %get3A_50 = arith.constant 0 : index
    %get3A_51 = vector.load %arg8[%get3A_49, %get3A_50] : memref<1x40xf32, #tpu.memory_space<vmem>>, vector<1x40xf32>
    %add3A_52 = vector.broadcast %get3A_51 : vector<1x40xf32> to vector<32x40xf32>
    %add3A_53 = arith.addf %dot_general3A_48, %add3A_52 : vector<32x40xf32>
    %reduce_max3A = arith.constant dense<0xFF800000> : vector<32xf32>
    %reduce_max3A_54 = vector.multi_reduction <maximumf>, %add3A_53, %reduce_max3A [1] : vector<32x40xf32> to vector<32xf32>
    %broadcast_in_dim3A_55 = vector.shape_cast %reduce_max3A_54 : vector<32xf32> to vector<32x1xf32>
    %sub3A = vector.broadcast %broadcast_in_dim3A_55 : vector<32x1xf32> to vector<32x40xf32>
    %sub3A_56 = arith.subf %add3A_53, %sub3A : vector<32x40xf32>
    %exp3A = math.exp %sub3A_56 : vector<32x40xf32>
    %reduce_sum3A_57 = arith.constant dense<0.000000e+00> : vector<32xf32>
    %reduce_sum3A_58 = vector.multi_reduction <add>, %exp3A, %reduce_sum3A_57 [1] : vector<32x40xf32> to vector<32xf32>
    %broadcast_in_dim3A_59 = vector.shape_cast %reduce_sum3A_58 : vector<32xf32> to vector<32x1xf32>
    %log3A = math.log %broadcast_in_dim3A_59 : vector<32x1xf32>
    %add3A_60 = arith.addf %broadcast_in_dim3A_55, %log3A : vector<32x1xf32>
    %sub3A_61 = vector.broadcast %add3A_60 : vector<32x1xf32> to vector<32x40xf32>
    %sub3A_62 = arith.subf %add3A_53, %sub3A_61 : vector<32x40xf32>
    %swap3A_63 = arith.constant 0 : index
    %swap3A_64 = arith.constant 0 : index
    %swap3A_65 = vector.load %arg9[%swap3A_63, %swap3A_64] : memref<32x40xf32, #tpu.memory_space<vmem>>, vector<32x40xf32>
    tpu.vector_store %arg9[%swap3A_63, %swap3A_64], %sub3A_62 {strides = array<i32>} : memref<32x40xf32, #tpu.memory_space<vmem>>, vector<32x40xf32>,
    return
  }
}

module attributes {stable_mosaic.version = 14 : i64} {
  func.func @_final_body(%arg0: i32, %arg1: memref<1x2048x128xf32, #tpu.memory_space<vmem>>, %arg2: memref<1x2048x128xf32, #tpu.memory_space<vmem>>, %arg3: memref<2048x128xf32, #tpu.memory_space<vmem>>, %arg4: memref<2048x1xf32, #tpu.memory_space<vmem>>, %arg5: memref<1x128xf32, #tpu.memory_space<vmem>>, %arg6: memref<32x128xf32, #tpu.memory_space<vmem>>, %arg7: memref<32x40xf32, #tpu.memory_space<vmem>>, %arg8: memref<2048x40xf32, #tpu.memory_space<vmem>>, %arg9: memref<2048x32xf32, #tpu.memory_space<vmem>>) attributes {dimension_semantics = [#tpu.dimension_semantics<arbitrary>], iteration_bounds = array<i64: 5>, scalar_prefetch = 0 : i64, scratch_operands = 0 : i64, tpu.core_type = #tpu.core_type<tc>, window_params = [{transform_indices = @transform_0, window_bounds = array<i64: 1, 2048, 128>}, {transform_indices = @transform_1, window_bounds = array<i64: 1, 2048, 128>}, {transform_indices = @transform_2, window_bounds = array<i64: 2048, 128>}, {transform_indices = @transform_3, window_bounds = array<i64: 2048, 1>}, {pipeline_mode = #tpu.pipeline_mode<synchronous>, transform_indices = @transform_4, window_bounds = array<i64: 1, 128>}, {pipeline_mode = #tpu.pipeline_mode<synchronous>, transform_indices = @transform_5, window_bounds = array<i64: 32, 128>}, {pipeline_mode = #tpu.pipeline_mode<synchronous>, transform_indices = @transform_6, window_bounds = array<i64: 32, 40>}, {transform_indices = @transform_7, window_bounds = array<i64: 2048, 40>}, {transform_indices = @transform_8, window_bounds = array<i64: 2048, 32>}]} {
    %get3A = arith.constant 0 : index
    %get3A_0 = arith.constant 0 : index
    %get3A_1 = vector.load %arg4[%get3A, %get3A_0] : memref<2048x1xf32, #tpu.memory_space<vmem>>, vector<2048x1xf32>
    %get3A_2 = arith.constant 0 : index
    %get3A_3 = arith.constant 0 : index
    %get3A_4 = arith.constant 0 : index
    %get3A_5 = vector.load %arg1[%get3A_2, %get3A_3, %get3A_4] : memref<1x2048x128xf32, #tpu.memory_space<vmem>>, vector<1x2048x128xf32>
    %get3A_6 = vector.shape_cast %get3A_5 : vector<1x2048x128xf32> to vector<2048x128xf32>
    %get3A_7 = arith.constant 0 : index
    %get3A_8 = arith.constant 0 : index
    %get3A_9 = arith.constant 0 : index
    %get3A_10 = vector.load %arg2[%get3A_7, %get3A_8, %get3A_9] : memref<1x2048x128xf32, #tpu.memory_space<vmem>>, vector<1x2048x128xf32>
    %get3A_11 = vector.shape_cast %get3A_10 : vector<1x2048x128xf32> to vector<2048x128xf32>
    %add3A = arith.addf %get3A_6, %get3A_11 : vector<2048x128xf32>
    %get3A_12 = arith.constant 0 : index
    %get3A_13 = arith.constant 0 : index
    %get3A_14 = vector.load %arg3[%get3A_12, %get3A_13] : memref<2048x128xf32, #tpu.memory_space<vmem>>, vector<2048x128xf32>
    %add3A_15 = arith.addf %add3A, %get3A_14 : vector<2048x128xf32>
    %mul3A = vector.broadcast %get3A_1 : vector<2048x1xf32> to vector<2048x128xf32>
    %mul3A_16 = arith.mulf %mul3A, %add3A_15 : vector<2048x128xf32>
    %get3A_17 = arith.constant 0 : index
    %get3A_18 = arith.constant 0 : index
    %get3A_19 = vector.load %arg5[%get3A_17, %get3A_18] : memref<1x128xf32, #tpu.memory_space<vmem>>, vector<1x128xf32>
    %add3A_20 = vector.broadcast %get3A_19 : vector<1x128xf32> to vector<2048x128xf32>
    %add3A_21 = arith.addf %mul3A_16, %add3A_20 : vector<2048x128xf32>
    %mul3A_22 = arith.mulf %add3A_21, %add3A_21 : vector<2048x128xf32>
    %reduce_sum3A = arith.constant dense<0.000000e+00> : vector<2048xf32>
    %reduce_sum3A_23 = vector.multi_reduction <add>, %mul3A_22, %reduce_sum3A [1] : vector<2048x128xf32> to vector<2048xf32>
    %broadcast_in_dim3A = vector.shape_cast %reduce_sum3A_23 : vector<2048xf32> to vector<2048x1xf32>
    %sqrt3A = math.sqrt %broadcast_in_dim3A : vector<2048x1xf32>
    %div3A = vector.broadcast %sqrt3A : vector<2048x1xf32> to vector<2048x128xf32>
    %div3A_24 = arith.divf %add3A_21, %div3A : vector<2048x128xf32>
    %mul3A_25 = arith.mulf %div3A_24, %div3A_24 : vector<2048x128xf32>
    %reduce_sum3A_26 = arith.constant dense<0.000000e+00> : vector<2048xf32>
    %reduce_sum3A_27 = vector.multi_reduction <add>, %mul3A_25, %reduce_sum3A_26 [1] : vector<2048x128xf32> to vector<2048xf32>
    %broadcast_in_dim3A_28 = vector.shape_cast %reduce_sum3A_27 : vector<2048xf32> to vector<2048x1xf32>
    %sqrt3A_29 = math.sqrt %broadcast_in_dim3A_28 : vector<2048x1xf32>
    %max3A = arith.constant 9.99999997E-7 : f32
    %max3A_30 = vector.broadcast %max3A : f32 to vector<2048x1xf32>
    %max3A_31 = arith.maximumf %sqrt3A_29, %max3A_30 : vector<2048x1xf32>
    %get3A_32 = arith.constant 0 : index
    %get3A_33 = arith.constant 0 : index
    %get3A_34 = vector.load %arg6[%get3A_32, %get3A_33] : memref<32x128xf32, #tpu.memory_space<vmem>>, vector<32x128xf32>
    %dot_general3A = arith.constant dense<0.000000e+00> : vector<2048x32xf32>
    %dot_general3A_35 = tpu.matmul %div3A_24, %get3A_34, %dot_general3A {dimension_numbers = #tpu.dot_dimension_numbers<[1], [1], [0], [0], [0, 0, 1, 0], [], []>, transpose_lhs_hint = false} : vector<2048x128xf32>, vector<32x128xf32>, vector<2048x32xf32> -> vector<2048x32xf32>
    %div3A_36 = vector.broadcast %max3A_31 : vector<2048x1xf32> to vector<2048x32xf32>
    %div3A_37 = arith.divf %dot_general3A_35, %div3A_36 : vector<2048x32xf32>
    %add3A_38 = arith.constant 1.000000e+00 : f32
    %add3A_39 = vector.broadcast %add3A_38 : f32 to vector<2048x32xf32>
    %add3A_40 = arith.addf %div3A_37, %add3A_39 : vector<2048x32xf32>
    %mul3A_41 = arith.constant 5.000000e-01 : f32
    %mul3A_42 = vector.broadcast %mul3A_41 : f32 to vector<2048x32xf32>
    %mul3A_43 = arith.mulf %add3A_40, %mul3A_42 : vector<2048x32xf32>
    %get3A_44 = arith.constant 0 : index
    %get3A_45 = arith.constant 0 : index
    %get3A_46 = vector.load %arg7[%get3A_44, %get3A_45] : memref<32x40xf32, #tpu.memory_space<vmem>>, vector<32x40xf32>
    %dot_general3A_47 = arith.constant dense<0.000000e+00> : vector<2048x40xf32>
    %dot_general3A_48 = tpu.matmul %mul3A_43, %get3A_46, %dot_general3A_47 {dimension_numbers = #tpu.dot_dimension_numbers<[1], [0], [0], [1], [0, 0, 1, 1], [], []>, transpose_lhs_hint = false} : vector<2048x32xf32>, vector<32x40xf32>, vector<2048x40xf32> -> vector<2048x40xf32>
    %reduce_max3A = arith.constant dense<0xFF800000> : vector<2048xf32>
    %reduce_max3A_49 = vector.multi_reduction <maximumf>, %dot_general3A_48, %reduce_max3A [1] : vector<2048x40xf32> to vector<2048xf32>
    %broadcast_in_dim3A_50 = vector.shape_cast %reduce_max3A_49 : vector<2048xf32> to vector<2048x1xf32>
    %sub3A = vector.broadcast %broadcast_in_dim3A_50 : vector<2048x1xf32> to vector<2048x40xf32>
    %sub3A_51 = arith.subf %dot_general3A_48, %sub3A : vector<2048x40xf32>
    %exp3A = math.exp %sub3A_51 : vector<2048x40xf32>
    %reduce_sum3A_52 = arith.constant dense<0.000000e+00> : vector<2048xf32>
    %reduce_sum3A_53 = vector.multi_reduction <add>, %exp3A, %reduce_sum3A_52 [1] : vector<2048x40xf32> to vector<2048xf32>
    %broadcast_in_dim3A_54 = vector.shape_cast %reduce_sum3A_53 : vector<2048xf32> to vector<2048x1xf32>
    %log3A = math.log %broadcast_in_dim3A_54 : vector<2048x1xf32>
    %add3A_55 = arith.addf %broadcast_in_dim3A_50, %log3A : vector<2048x1xf32>
    %sub3A_56 = vector.broadcast %add3A_55 : vector<2048x1xf32> to vector<2048x40xf32>
    %sub3A_57 = arith.subf %dot_general3A_48, %sub3A_56 : vector<2048x40xf32>
    %swap3A = arith.constant 0 : index
    %swap3A_58 = arith.constant 0 : index
    %swap3A_59 = vector.load %arg8[%swap3A, %swap3A_58] : memref<2048x40xf32, #tpu.memory_space<vmem>>, vector<2048x40xf32>
    tpu.vector_store %arg8[%swap3A, %swap3A_58], %sub3A_57 {strides = array<i32>} : memref<2048x40xf32, #tpu.memory_space<vmem>>, vector<2048x40xf32>,
    %swap3A_60 = arith.constant 0 : index
    %swap3A_61 = arith.constant 0 : index
    %swap3A_62 = vector.load %arg9[%swap3A_60, %swap3A_61] : memref<2048x32xf32, #tpu.memory_space<vmem>>, vector<2048x32xf32>
    tpu.vector_store %arg9[%swap3A_60, %swap3A_61], %mul3A_43 {strides = array<i32>} : memref<2048x32xf32, #tpu.memory_space<vmem>>, vector<2048x32xf32>,
    return
  }
  func.func @transform_0(%arg0: i32) -> (i32, i32, i32) {
    %c0_i32 = arith.constant 0 : i32
    %c0_i32_0 = arith.constant 0 : i32
    %c0_i32_1 = arith.constant 0 : i32
    return %c0_i32, %arg0, %c0_i32_0 : i32, i32, i32
  }
  func.func @transform_1(%arg0: i32) -> (i32, i32, i32) {
    %c1_i32 = arith.constant 1 : i32
    %c0_i32 = arith.constant 0 : i32
    %c0_i32_0 = arith.constant 0 : i32
    return %c1_i32, %arg0, %c0_i32 : i32, i32, i32
  }
  func.func @transform_2(%arg0: i32) -> (i32, i32) {
    %c0_i32 = arith.constant 0 : i32
    %c0_i32_0 = arith.constant 0 : i32
    return %arg0, %c0_i32 : i32, i32
  }
  func.func @transform_3(%arg0: i32) -> (i32, i32) {
    %c0_i32 = arith.constant 0 : i32
    %c0_i32_0 = arith.constant 0 : i32
    return %arg0, %c0_i32 : i32, i32
  }
  func.func @transform_4(%arg0: i32) -> (i32, i32) {
    %c0_i32 = arith.constant 0 : i32
    %c0_i32_0 = arith.constant 0 : i32
    %c0_i32_1 = arith.constant 0 : i32
    return %c0_i32, %c0_i32_0 : i32, i32
  }
  func.func @transform_5(%arg0: i32) -> (i32, i32) {
    %c0_i32 = arith.constant 0 : i32
    %c0_i32_0 = arith.constant 0 : i32
    %c0_i32_1 = arith.constant 0 : i32
    return %c0_i32, %c0_i32_0 : i32, i32
  }
  func.func @transform_6(%arg0: i32) -> (i32, i32) {
    %c0_i32 = arith.constant 0 : i32
    %c0_i32_0 = arith.constant 0 : i32
    %c0_i32_1 = arith.constant 0 : i32
    return %c0_i32, %c0_i32_0 : i32, i32
  }
  func.func @transform_7(%arg0: i32) -> (i32, i32) {
    %c0_i32 = arith.constant 0 : i32
    %c0_i32_0 = arith.constant 0 : i32
    return %arg0, %c0_i32 : i32, i32
  }
  func.func @transform_8(%arg0: i32) -> (i32, i32) {
    %c0_i32 = arith.constant 0 : i32
    %c0_i32_0 = arith.constant 0 : i32
    return %arg0, %c0_i32 : i32, i32
  }
}

</mosaic_0001>

<sc_bundles>
// kernel: kernel.12.cloned.1.call-start
scs
__scs_entry_jumppad:
0x0: {  	(pc) =	sbr.rel $0x88, $3  }
0x1: {  	(tag) =	ssettag $0x0;
	lr =	simm.s32 $0x1  }
0x2: {  	[smem:$0x3F97] =	sst lr;
	_ =	strace $0xD0000000  }
0x3: {  	_ = 	snop  }
0x4: {  	_ = 	snop  }
0x5: {  	_ = 	snop  }
0x6: {  	_ = 	snop  }
0x7: {  	_ = 	snop  }
__scs_overlays_trampoline_lowered:
0x8: {  	[smem:$0x3FA6] =	sst s0  }
0x9: {  	[smem:$0x3FA7] =	sst s1  }
0xa: {  	[smem:$0x3FA8] =	sst s2  }
0xb: {  	[smem:$0x3FA9] =	sst s3  }
0xc: {  	[smem:$0x3FAA] =	sst s4  }
0xd: {  	[smem:$0x3FAB] =	sst s5  }
0xe: {  	[smem:$0x3FAC] =	sst s6  }
0xf: {  	[smem:$0x3FAD] =	sst s7  }
0x10: {  	[smem:$0x3FAE] =	sst s8  }
0x11: {  	[smem:$0x3FAF] =	sst s9;
	s0 =	simm.s32 @!p0 $0x0  }
0x12: {  	s1 =	sld [smem:$0x3F95];
	s0 =	simm.s32 @p0 $0x1  }
0x13: {  	[smem:$0x3FB0] =	sst s0;
	s0 =	simm.s32 @!p1 $0x0  }
0x14: {  	s2 =	sld [smem:$0x3F94];
	s0 =	simm.s32 @p1 $0x1  }
0x15: {  	[smem:$0x3FB1] =	sst s0;
	s0 =	simm.s32 @!p2 $0x0  }
0x16: {  	s3 =	sld [smem:$0x3FDB];
	s0 =	simm.s32 @p2 $0x1  }
0x17: {  	s4 =	simm.s32 $0x1BF5;
	[smem:$0x3FB3] =	sst s0  }
0x18: {  	s0 =	sld [smem:$0x3F96];
	_ =	swait.ge [sflag:s4], $0x0  }
0x19: {  	s7 =	sld [smem:$0x3F97]  }
0x1a: {  	s8 =	sadd.s32 $0xFFFFE003, lr  }
0x1b: {  	s9 =	sadd.s32 $0xFFFFFEF7, lr;
	s5 =	simm.s32 $0xFFFFFFFF;
	p2 =	slt.u32 s8, $0xFFFFF086  }
0x1c: {  	p1 =	slt.u32 s9, $0xF7A;
	s5 =	simm.s32 @!p2 $0x0  }
0x1d: {  	s5 =	simm.s32 @p1 $0x1;
	p0 =	seq.s32 s7, s2  }
0x1e: {  	s7 =	smul.u32 @!p0 $0xF7A, s2;
	p2 =	seq.s32 @!p0 s5, $0x0  }
0x1f: {  	s9 =	smul.u32 $0xF7A, s1;
	s8 =	simm.s32 @!p0 $0x1BF5;
	p2 =	por !p2, p0  }
0x20: {  	[sflag:s8] =	ssyncset.s32 @!p0 $0xFFFFF086;
	s6 =	sadd.s32 @!p0 s3, s7;
	s7 =	simm.s32 @!p0 $0x108  }
0x21: {  	s3 =	sadd.s32 s3, s9;
	s6 =	sadd.s32 @!p0 $0x88, s6;
	s7 =	simm.s32 @p2 $0x1082  }
0x22: {  	[simem:s7], [sflag:s8] =	dma.local @!p0 [hbm:s6], $0xF7A  }
0x23: {  	s9 =	sor.u32 $0xD0000000, s2;
	s6 =	simm.s32 $0x108;
	_ =	swait.ge @!p0 [sflag:s8], $0x0  }
0x24: {  	s3 =	sadd.s32 $0x88, s3;
	s6 =	simm.s32 @!p1 $0x1082;
	[sflag:s4] =	ssyncset.s32 $0xFFFFF086  }
0x25: {  	[simem:s6], [sflag:s4] =	dma.local [hbm:s3], $0xF7A  }
0x26: {  	[smem:$0x3F97] =	sst s1;
	(tag) =	ssettag s2;
	_ =	strace s9  }
0x27: {  	s1 =	sld [smem:$0x3FA7]  }
0x28: {  	s2 =	sld [smem:$0x3FA8]  }
0x29: {  	s4 =	sld [smem:$0x3FAA]  }
0x2a: {  	p0 =	seq.s32 s5, $0x0;
	s5 =	sld [smem:$0x3FAB]  }
0x2b: {  	s6 =	sld [smem:$0x3FAC]  }
0x2c: {  	s7 =	sld [smem:$0x3FAD]  }
0x2d: {  	s3 =	simm.s32 $0x108;
	s8 =	sld [smem:$0x3FAE]  }
0x2e: {  	s3 =	simm.s32 @!p0 $0x1082;
	s9 =	sld [smem:$0x3FAF]  }
0x2f: {  	lr =	sadd.s32 s0, s3;
	s0 =	sld [smem:$0x3FA6]  }
0x30: {  	s3 =	sld [smem:$0x3FA9]  }
0x31: {  	[smem:$0x3FB2] =	sst s10  }
0x32: {  	s10 =	sld [smem:$0x3FB0];
	_ =	sdelay $0x3  }
0x33: {  	p0 =	seq.s32 s10, $0x1;
	s10 =	sld [smem:$0x3FB2];
	_ =	sdelay $0x3  }
0x34: {  	[smem:$0x3FB2] =	sst s10  }
0x35: {  	s10 =	sld [smem:$0x3FB1];
	_ =	sdelay $0x3  }
0x36: {  	p1 =	seq.s32 s10, $0x1;
	s10 =	sld [smem:$0x3FB2];
	_ =	sdelay $0x3  }
0x37: {  	[smem:$0x3FB2] =	sst s10  }
0x38: {  	s10 =	sld [smem:$0x3FB3]  }
0x39: {  	_ = 	snop;
	(pc) =	sbr.ind lr, $3  }
0x3a: {  	_ = 	snop  }
0x3b: {  	_ = 	snop  }
0x3c: {  	p2 =	seq.s32 s10, $0x1;
	s10 =	sld [smem:$0x3FB2]  }
0x3d: {  	_ =	shalt  }
0x3e: {  	_ =	shalt  }
0x3f: {  	_ =	shalt  }
0x40: {  	_ =	shalt  }
0x41: {  	_ =	shalt  }
0x42: {  	_ =	shalt  }
0x43: {  	_ =	shalt  }
0x44: {  	_ =	shalt  }
0x45: {  	_ =	shalt  }
0x46: {  	_ =	shalt  }
0x47: {  	_ =	shalt  }
0x48: {  	_ =	shalt  }
0x49: {  	_ =	shalt  }
0x4a: {  	_ =	shalt  }
0x4b: {  	_ =	shalt  }
0x4c: {  	_ =	shalt  }
0x4d: {  	_ =	shalt  }
0x4e: {  	_ =	shalt  }
0x4f: {  	_ =	shalt  }
0x50: {  	_ =	shalt  }
0x51: {  	_ =	shalt  }
0x52: {  	_ =	shalt  }
0x53: {  	_ =	shalt  }
0x54: {  	_ =	shalt  }
0x55: {  	_ =	shalt  }
0x56: {  	_ =	shalt  }
0x57: {  	_ =	shalt  }
0x58: {  	_ =	shalt  }
0x59: {  	_ =	shalt  }
0x5a: {  	_ =	shalt  }
0x5b: {  	_ =	shalt  }
0x5c: {  	_ =	shalt  }
0x5d: {  	_ =	shalt  }
0x5e: {  	_ =	shalt  }
0x5f: {  	_ =	shalt  }
0x60: {  	_ =	shalt  }
0x61: {  	_ =	shalt  }
0x62: {  	_ =	shalt  }
0x63: {  	_ =	shalt  }
0x64: {  	_ =	shalt  }
0x65: {  	_ =	shalt  }
0x66: {  	_ =	shalt  }
0x67: {  	_ =	shalt  }
0x68: {  	_ =	shalt  }
0x69: {  	_ =	shalt  }
0x6a: {  	_ =	shalt  }
0x6b: {  	_ =	shalt  }
0x6c: {  	_ =	shalt  }
0x6d: {  	_ =	shalt  }
0x6e: {  	_ =	shalt  }
0x6f: {  	_ =	shalt  }
0x70: {  	_ =	shalt  }
0x71: {  	_ =	shalt  }
0x72: {  	_ =	shalt  }
0x73: {  	_ =	shalt  }
0x74: {  	_ =	shalt  }
0x75: {  	_ =	shalt  }
0x76: {  	_ =	shalt  }
0x77: {  	_ =	shalt  }
0x78: {  	_ =	shalt  }
0x79: {  	_ =	shalt  }
0x7a: {  	_ =	shalt  }
0x7b: {  	_ =	shalt  }
0x7c: {  	_ =	shalt  }
0x7d: {  	_ =	shalt  }
0x7e: {  	_ =	shalt  }
0x7f: {  	_ =	shalt  }
0x80: {  	_ =	shalt  }
0x81: {  	_ =	shalt  }
0x82: {  	_ =	shalt  }
0x83: {  	_ =	shalt  }
0x84: {  	_ =	shalt  }
0x85: {  	_ =	shalt  }
0x86: {  	_ =	shalt  }
0x87: {  	_ =	shalt  }
.Lfunc_end0:
.L_simem_size_0:
called_computation.1_lowered:
.L_overlay_start_0:
0x88: {  	s2 =	sld [smem:$0x3FD9]  }
0x89: {  	s3 =	sld [smem:$0x3FFE];
	_ =	sdelay $0x1  }
0x8a: {  	s1 =	srdreg.scid  }
0x8b: {  	s0 =	sand.u32 $0x1, s1  }
0x8c: {  	s14 =	sshll.u32 s0, $0xA;
	s2 =	sadd.s32 s3, s2  }
0x8d: {  	s2 =	sadd.s32 s2, s14  }
0x8e: {  	[smem:$0x3FBE] =	sst s2  }
0x8f: {  	_ = 	snop  }
0x90: {  	s2 =	sld [smem:$0x3FD0];
	_ =	sdelay $0x2  }
0x91: {  	s15 =	simm.s32 $0xA;
	s4 =	simm.s32 $0x10  }
0x92: {  	[smem:s4], [sflag:s15] =	dma.local [hbm:s2], $0x1  }
0x93: {  	_ =	swait.eq [sflag:s15], $0x1  }
0x94: {  	[sflag:s15] =	ssyncset.done $0x0  }
0x95: {  	[sflag:s15] =	ssyncadd.s32 $0xFFFFFFFF  }
0x96: {  	s16 =	sld [smem:$0x10];
	(tm) =	ssettm $0x1  }
0x97: {  	s17 =	sld [smem:$0x3FFB];
	_ =	sdelay $0x3  }
0x98: {  	_ =	strace s17  }
0x99: {  	s3 =	sld [smem:$0x3FFC];
	_ =	sdelay $0x3  }
0x9a: {  	_ =	strace s3  }
0x9b: {  	s3 =	sld [smem:$0x3FFD];
	_ =	sdelay $0x3  }
0x9c: {  	_ =	strace s3  }
0x9d: {  	_ =	strace $0x8FFFFFFF  }
0x9e: {  	s18 =	sld [smem:$0x3FDB];
	_ =	sdelay $0x1  }
0x9f: {  	s19 =	simm.s32 $_scs_section_size  }
0xa0: {  	s5 =	simm.s32 $_size__tile_overlayer_lowered;
	s6 =	simm.s32 $_tile_overlayer_lowered  }
0xa1: {  	s22 =	simm.s32 $0x1BFF;
	s21 =	sshll.u32 s6, $0x1;
	s3 =	sadd.s32 s19, s18  }
0xa2: {  	s7 =	simm.s32 $0x0;
	s20 =	sshll.u32 s5, $0x1;
	s5 =	sadd.s32 s21, s3  }
0xa3: {  	[timem:s7], [sflag:s22] =	dma.local [hbm:s5], s20  }
0xa4: {  	_ =	swait.ge [sflag:s22], s20  }
0xa5: {  	s4 =	ssub.s32 $0x0, s20;
	[sflag:s22] =	ssyncset.done $0x0  }
0xa6: {  	[sflag:s22] =	ssyncadd.s32 s4;
	_ =	sdelay $0x1  }
0xa7: {  	s23 =	simm.s32 $0x1B8B  }
0xa8: {  	_ =	swait.ge [sflag:s23], $0x1  }
0xa9: {  	[sflag:s23] =	ssyncset.done $0x0  }
0xaa: {  	s25 =	simm.s32 $0x1B8E;
	s24 =	sld [smem:$0x3FFE];
	[sflag:s23] =	ssyncadd.s32 $0xFFFFFFFF  }
0xab: {  	s26 =	simm.s32 $execute0_lowered;
	[smem:$0x3FD2] =	sst s25  }
0xac: {  	s5 =	sshll.u32 s26, $0x1;
	_ =	strace $0x80000049;
	[dreg:$0x1] =	wrdreg $0xFFFFFFFF  }
0xad: {  	s28 =	simm.s32 $_size_execute0_lowered;
	s3 =	sadd.s32 s3, s5;
	[dreg:$0x0] =	wrdreg $0x0  }
0xae: {  	s5 =	sshll.u32 s28, $0x1;
	[dreg:$0x2] =	wrdreg s3  }
0xaf: {  	[dreg:$0x3] =	wrdreg s5  }
0xb0: {  	[dreg:$0x4] =	wrdreg $0xC0  }
0xb1: {  	_ =	task [dreg:s7], $0x5FFFF  }
0xb2: {  	[dreg:$0x1] =	wrdreg $0xFFFFFFFF  }
0xb3: {  	[dreg:$0x0] =	wrdreg $0x60  }
0xb4: {  	[dreg:$0x2] =	wrdreg s24  }
0xb5: {  	[dreg:$0x3] =	wrdreg s16  }
0xb6: {  	[dreg:$0x4] =	wrdreg $0x90000  }
0xb7: {  	[dreg:$0x5] =	wrdreg $0x9  }
0xb8: {  	_ =	task.clear_ibuf [dreg:s7], $0x6FFFF;
	_ =	strace $0x90000049  }
0xb9: {  	s29 =	simm.s32 $0x9;
	_ =	strace $0x8000004B  }
0xba: {  	_ =	swait.ge [sflag:s29], $0x1  }
0xbb: {  	[sflag:s29] =	ssyncadd.s32 $0xFFFFFFFF  }
0xbc: {  	_ =	strace $0x9000004B  }
0xbd: {  	_ =	sfence  }
0xbe: {  	s30 =	sld [smem:$0x0];
	_ =	sdelay $0x2  }
0xbf: {  	s31 =	sshll.u32 s1, $0xD;
	s1 =	sshrl.u32 s1, $0x2  }
0xc0: {  	s3 =	sand.u32 $0x4000, s31;
	s1 =	sadd.s32 s1, s30  }
0xc1: {  	s0 =	sor.u32 s3, s0;
	s1 =	sshll.u32 s1, $0x11  }
0xc2: {  	s0 =	sor.u32 s1, s0  }
0xc3: {  	s0 =	sadd.s32 $0x8F2B, s0  }
0xc4: {  	[sflag:s0] =	ssyncadd.remote.s32 $0x1  }
0xc5: {  	_ =	sfence.sel $0xFFFF  }
0xc6: {  	[dreg:$0x0] =	wrdreg $0xFFFFFFFF;
	(pc) =	sbr.abs _section_cstart, $3  }
0xc7: {  	[dreg:$0x1] =	wrdreg $0xFFFFFFFF  }
0xc8: {  	_ =	task.clear_ibuf [dreg:s7], $0x2FFFF;
	_ =	strace $0x9FFFFFFF  }
0xc9: {  	(tm) =	ssettm $0x7FFFFFFF  }
tec
execute0_lowered:
.L_overlay_start_1:
0x0: {  	(tag) =	ssettag $0x1  }
0x1: {  	s0 =	rddreg [dreg:$0x0]  }
0x2: {  	s1 =	rddreg [dreg:$0x1]  }
0x3: {  	s3 =	srdreg.scid;
	s2 =	rddreg [dreg:$0x2]  }
0x4: {  	s10 =	stileid.u32;
	s26 =	simm.s32 $0x100;
	s12 =	simm.s32 $0x900  }
0x5: {  	s14 =	simm.s32 $0x200;
	s15 =	simm.s32 $0x980;
	s17 =	simm.s32 $0x280  }
0x6: {  	s18 =	simm.s32 $0xA00;
	s5 =	sand.u32 $0x1, s3;
	s3 =	simm.s32 $0x0  }
0x7: {  	s19 =	simm.s32 $0x300;
	s20 =	simm.s32 $0xA80;
	[smem:$0x7FF] =	sst s3  }
0x8: {  	s21 =	simm.s32 $0x380;
	_ =	strace $0x8000004A;
	[dreg:$0x6] =	wrdreg s26  }
0x9: {  	s22 =	simm.s32 $0xB00;
	s6 =	smul.u32 $0x13C00, s10;
	[dreg:$0x9] =	wrdreg s12  }
0xa: {  	s28 =	simm.s32 $0x680;
	s8 =	smul.u32 $0x500, s10;
	[dreg:$0xa] =	wrdreg s14  }
0xb: {  	s29 =	simm.s32 $0xE00;
	s10 =	smul.u32 $0x4F000, s10;
	[dreg:$0xb] =	wrdreg s15  }
0xc: {  	s30 =	simm.s32 $0x700;
	s4 =	smul.u32 $0x13C000, s5;
	[dreg:$0xc] =	wrdreg s17  }
0xd: {  	s7 =	smul.u32 $0x5000, s5;
	s5 =	ssub.s32 $0x2, s5;
	[dreg:$0xd] =	wrdreg s18  }
0xe: {  	s31 =	simm.s32 $0xE80;
	s23 =	sshrl.u32 s5, $0x1;
	[dreg:$0xe] =	wrdreg s19  }
0xf: {  	s25 =	sshrl.u32 s10, $0x2;
	s10 =	simm.s32 $0x180;
	[dreg:$0xf] =	wrdreg s20  }
0x10: {  	s12 =	simm.s32 $0x1000;
	s14 =	simm.s32 $0x800;
	[dreg:$0x10] =	wrdreg s21  }
0x11: {  	s15 =	simm.s32 $0x80;
	s17 =	simm.s32 $0x1;
	[dreg:$0x11] =	wrdreg s22  }
0x12: {  	s18 =	simm.s32 $0x3;
	s19 =	simm.s32 $0x2;
	s20 =	simm.s32 $0x4  }
0x13: {  	s26 =	simm.s32 $0x500;
	s6 =	sadd.s32 s6, s4;
	s4 =	sadd.s32 $0xD800, s0  }
0x14: {  	s9 =	sadd.s32 s7, s0;
	s1 =	sadd.s32 s7, s1;
	[dreg:$0x8] =	wrdreg s10  }
0x15: {  	[dreg:$0x15] =	wrdreg s26;
	s6 =	sshrl.u32 s6, $0x3;
	s1 =	sadd.s32 s8, s1  }
0x16: {  	s9 =	sadd.s32 s8, s9;
	s8 =	simm.s32 $0x880;
	[dreg:$0x5] =	wrdreg s1  }
0x17: {  	s0 =	sadd.s32 s6, s0;
	s24 =	sadd.s32 $0x3800, s9;
	[dreg:$0x7] =	wrdreg s8  }
0x18: {  	s6 =	ssub.s32 s5, s23;
	s23 =	simm.s32 $0x400;
	[dreg:$0x4] =	wrdreg s24  }
0x19: {  	s5 =	sadd.s32 s25, s2;
	s25 =	simm.s32 $0x480;
	[dreg:$0x12] =	wrdreg s23  }
0x1a: {  	s21 =	simm.s32 $0xC00;
	s7 =	sadd.s32 $0x4000, s5;
	[dreg:$0x14] =	wrdreg s25  }
0x1b: {  	s22 =	simm.s32 $0xC80;
	s9 =	sadd.s32 $0x8000, s5;
	[dreg:$0x16] =	wrdreg s7  }
0x1c: {  	s26 =	simm.s32 $0xD80;
	s11 =	sadd.s32 $0xC000, s5;
	[dreg:$0x17] =	wrdreg s9  }
0x1d: {  	s1 =	simm.s32 $0xF00;
	s13 =	sadd.s32 $0x10000, s5;
	[dreg:$0x18] =	wrdreg s11  }
0x1e: {  	s0 =	sadd.s32 $0x35800, s0;
	s16 =	smax.u32 s6, $0x1;
	[dreg:$0x19] =	wrdreg s13  }
0x1f: {  	s24 =	simm.s32 $0xB80;
	s23 =	simm.s32 $0x580;
	[dreg:$0x1a] =	wrdreg s0  }
0x20: {  	s25 =	simm.s32 $0x600;
	s6 =	simm.s32 $0xF80;
	[dreg:$0x1b] =	wrdreg s16  }
0x21: {  	s13 =	simm.s32 $0x5;
	s16 =	simm.s32 $0x5000;
	[dreg:$0x13] =	wrdreg s24  }
0x22: {  	v0 =	vimm.f32 $0.0e+00;
	s24 =	simm.s32 $0xD00;
	s0 =	simm.s32 $0x780;
	s7 =	simm.s32 $0x0  }
.LBB2_1:
0x23: {  	s8 =	simm.s32 $0x0;
	s9 =	simm.s32 $0x200  }
.LBB2_2:
0x24: {  	p0 =	sne.s32 s9, $0xFE00;
	[tilespmem:s8+$0x1070] =	vst v0  }
0x25: {  	[tilespmem:s8+$0x1000] =	vst v0  }
0x26: {  	[tilespmem:s8+$0x1010] =	vst v0  }
.Ltmp0:
0x27: {  	[tilespmem:s8+$0x1020] =	vst v0;
	(pc) =	sbr.rel @p0 .LBB2_2-.Ltmp0, $4  }
0x28: {  	[tilespmem:s8+$0x1030] =	vst v0  }
0x29: {  	[tilespmem:s8+$0x1040] =	vst v0  }
0x2a: {  	[tilespmem:s8+$0x1050] =	vst v0  }
0x2b: {  	[tilespmem:s8+$0x1060] =	vst v0;
	s8 =	sshra.s32 s9, $0x2;
	s9 =	sadd.s32 $0x200, s9  }
0x2c: {  	[tilespmem:s8+$0x1070] =	vst v0  }
0x2d: {  	[tilespmem:s8+$0x1000] =	vst v0  }
0x2e: {  	[tilespmem:s8+$0x1010] =	vst v0  }
0x2f: {  	[tilespmem:s8+$0x1020] =	vst v0  }
0x30: {  	[tilespmem:s8+$0x1030] =	vst v0  }
0x31: {  	[tilespmem:s8+$0x1040] =	vst v0  }
0x32: {  	[tilespmem:s8+$0x1050] =	vst v0  }
0x33: {  	[tilespmem:s8+$0x1060] =	vst v0  }
0x34: {  	[spmem:s5] =	stream.linear.scatter [tilespmem:s12], [sflag:$0x5], $0x4000, $0x38;
	[tilespmem:$0x1CC00] =	vst v63  }
0x35: {  	_ =	swait.ge [sflag:s13], $0x4000  }
0x36: {  	[sflag:s13] =	ssyncset.done $0x0  }
0x37: {  	s11 =	rddreg [dreg:$0x16];
	[sflag:s13] =	ssyncadd.s32 $0xFFFFC000  }
0x38: {  	[spmem:s11] =	stream.linear.scatter [tilespmem:s12], [sflag:$0x5], $0x4000, $0x38;
	[tilespmem:$0x1CC00] =	vst v63  }
0x39: {  	_ =	swait.ge [sflag:s13], $0x4000  }
0x3a: {  	[sflag:s13] =	ssyncset.done $0x0  }
0x3b: {  	s9 =	rddreg [dreg:$0x17];
	[sflag:s13] =	ssyncadd.s32 $0xFFFFC000  }
0x3c: {  	[spmem:s9] =	stream.linear.scatter [tilespmem:s12], [sflag:$0x5], $0x4000, $0x38;
	[tilespmem:$0x1CC00] =	vst v63  }
0x3d: {  	_ =	swait.ge [sflag:s13], $0x4000  }
0x3e: {  	[sflag:s13] =	ssyncset.done $0x0  }
0x3f: {  	s10 =	rddreg [dreg:$0x18];
	[sflag:s13] =	ssyncadd.s32 $0xFFFFC000  }
0x40: {  	[spmem:s10] =	stream.linear.scatter [tilespmem:s12], [sflag:$0x5], $0x4000, $0x38;
	[tilespmem:$0x1CC00] =	vst v63  }
0x41: {  	_ =	swait.ge [sflag:s13], $0x4000  }
0x42: {  	[sflag:s13] =	ssyncset.done $0x0  }
0x43: {  	s11 =	rddreg [dreg:$0x19];
	[sflag:s13] =	ssyncadd.s32 $0xFFFFC000  }
0x44: {  	[spmem:s11] =	stream.linear.scatter [tilespmem:s12], [sflag:$0x5], $0x3C00, $0x38;
	[tilespmem:$0x1CC00] =	vst v63  }
0x45: {  	_ =	swait.ge [sflag:s13], $0x3C00  }
0x46: {  	[sflag:s13] =	ssyncset.done $0x0  }
0x47: {  	[sflag:s13] =	ssyncadd.s32 $0xFFFFC400  }
0x48: {  	[bflag:$0x0] =	sbarrier.arrive $0xFFFF  }
0x49: {  	s9 =	rddreg [dreg:$0x5]  }
0x4a: {  	s8 =	sadd.s32 $0x0, s9  }
0x4b: {  	[tilespmem:s3], [sflag:$0x5] =	stream.linear.gather [hbm4b:s8+s3], $0x800, $0x38;
	[tilespmem:$0x1CC00] =	vst v63  }
0x4c: {  	_ =	swait.ge [sflag:s13], $0x800  }
0x4d: {  	s10 =	rddreg [dreg:$0x4];
	[sflag:s13] =	ssyncset.done $0x0  }
0x4e: {  	[sflag:s13] =	ssyncadd.s32 $0xFFFFF800;
	s8 =	sadd.s32 $0x0, s10  }
0x4f: {  	[tilespmem:s14], [sflag:$0x5] =	stream.linear.gather [hbm4b:s8+s3], $0x400, $0x38;
	[tilespmem:$0x1CC00] =	vst v63  }
0x50: {  	_ =	swait.ge [sflag:s13], $0x400  }
0x51: {  	p0 =	por $0x1, $0x1;
	[sflag:s13] =	ssyncset.done $0x0  }
0x52: {  	s9 =	simm.s32 @!p0 $0x3;
	[sflag:s13] =	ssyncadd.s32 $0xFFFFFC00  }
0x53: {  	_ =	swait.ge @!p0 [sflag:s9], $0x4000  }
0x54: {  	[sflag:s9] =	ssyncset.done @!p0 $0x0  }
0x55: {  	[sflag:s9] =	ssyncadd.s32 @!p0 $0xFFFFC000;
	s9 =	simm.s32 @!p0 $0x4  }
0x56: {  	_ =	swait.ge @!p0 [sflag:s9], $0x4000  }
0x57: {  	[sflag:s9] =	ssyncset.done @!p0 $0x0  }
0x58: {  	[sflag:s9] =	ssyncadd.s32 @!p0 $0xFFFFC000  }
0x59: {  	[tilespmem:s12], [sflag:$0x1] =	stream.indirect.gather [hbm4b:s4+s15], $0x80, s3, s15, $0xb8;
	[tilespmem:$0x1CC00] =	vst v63  }
0x5a: {  	_ = 	snop  }
0x5b: {  	[tilespmem:s16], [sflag:$0x2] =	stream.indirect.gather [hbm4b:s4+s15], $0x80, s15, s15, $0xb8;
	[tilespmem:$0x1CC00] =	vst v63  }
0x5c: {  	_ =	swait.ge [sflag:s17], $0x4000  }
0x5d: {  	[sflag:s17] =	ssyncset.done $0x0  }
0x5e: {  	[sflag:s17] =	ssyncadd.s32 $0xFFFFC000  }
0x5f: {  	[spmem:s2] =	stream.indirect.scatter.add.f32 [tilespmem:s12], [sflag:$0x3], $0x80, s14, s15, $0xb8;
	[tilespmem:$0x1CC00] =	vst v63  }
0x60: {  	_ =	swait.ge [sflag:s18], $0x4000  }
0x61: {  	[sflag:s18] =	ssyncset.done $0x0  }
0x62: {  	s11 =	rddreg [dreg:$0x6];
	[sflag:s18] =	ssyncadd.s32 $0xFFFFC000  }
0x63: {  	[tilespmem:s12], [sflag:$0x1] =	stream.indirect.gather [hbm4b:s4+s15], $0x80, s11, s15, $0xb8;
	[tilespmem:$0x1CC00] =	vst v63  }
0x64: {  	_ =	swait.ge [sflag:s19], $0x4000  }
0x65: {  	[sflag:s19] =	ssyncset.done $0x0  }
0x66: {  	s10 =	rddreg [dreg:$0x7];
	[sflag:s19] =	ssyncadd.s32 $0xFFFFC000  }
0x67: {  	[spmem:s2] =	stream.indirect.scatter.add.f32 [tilespmem:s16], [sflag:$0x4], $0x80, s10, s15, $0xb8;
	[tilespmem:$0x1CC00] =	vst v63  }
0x68: {  	_ =	swait.ge [sflag:s20], $0x4000  }
0x69: {  	[sflag:s20] =	ssyncset.done $0x0  }
0x6a: {  	s11 =	rddreg [dreg:$0x8];
	[sflag:s20] =	ssyncadd.s32 $0xFFFFC000  }
0x6b: {  	[tilespmem:s16], [sflag:$0x2] =	stream.indirect.gather [hbm4b:s4+s15], $0x80, s11, s15, $0xb8;
	[tilespmem:$0x1CC00] =	vst v63  }
0x6c: {  	_ =	swait.ge [sflag:s17], $0x4000  }
0x6d: {  	[sflag:s17] =	ssyncset.done $0x0  }
0x6e: {  	s10 =	rddreg [dreg:$0x9];
	[sflag:s17] =	ssyncadd.s32 $0xFFFFC000  }
0x6f: {  	[spmem:s2] =	stream.indirect.scatter.add.f32 [tilespmem:s12], [sflag:$0x3], $0x80, s10, s15, $0xb8;
	[tilespmem:$0x1CC00] =	vst v63  }
0x70: {  	_ =	swait.ge [sflag:s18], $0x4000  }
0x71: {  	[sflag:s18] =	ssyncset.done $0x0  }
0x72: {  	s11 =	rddreg [dreg:$0xa];
	[sflag:s18] =	ssyncadd.s32 $0xFFFFC000  }
0x73: {  	[tilespmem:s12], [sflag:$0x1] =	stream.indirect.gather [hbm4b:s4+s15], $0x80, s11, s15, $0xb8;
	[tilespmem:$0x1CC00] =	vst v63  }
0x74: {  	_ =	swait.ge [sflag:s19], $0x4000  }
0x75: {  	[sflag:s19] =	ssyncset.done $0x0  }
0x76: {  	s10 =	rddreg [dreg:$0xb];
	[sflag:s19] =	ssyncadd.s32 $0xFFFFC000  }
0x77: {  	[spmem:s2] =	stream.indirect.scatter.add.f32 [tilespmem:s16], [sflag:$0x4], $0x80, s10, s15, $0xb8;
	[tilespmem:$0x1CC00] =	vst v63  }
0x78: {  	_ =	swait.ge [sflag:s20], $0x4000  }
0x79: {  	[sflag:s20] =	ssyncset.done $0x0  }
0x7a: {  	s11 =	rddreg [dreg:$0xc];
	[sflag:s20] =	ssyncadd.s32 $0xFFFFC000  }
0x7b: {  	[tilespmem:s16], [sflag:$0x2] =	stream.indirect.gather [hbm4b:s4+s15], $0x80, s11, s15, $0xb8;
	[tilespmem:$0x1CC00] =	vst v63  }
0x7c: {  	_ =	swait.ge [sflag:s17], $0x4000  }
0x7d: {  	[sflag:s17] =	ssyncset.done $0x0  }
0x7e: {  	s10 =	rddreg [dreg:$0xd];
	[sflag:s17] =	ssyncadd.s32 $0xFFFFC000  }
0x7f: {  	[spmem:s2] =	stream.indirect.scatter.add.f32 [tilespmem:s12], [sflag:$0x3], $0x80, s10, s15, $0xb8;
	[tilespmem:$0x1CC00] =	vst v63  }
0x80: {  	_ =	swait.ge [sflag:s18], $0x4000  }
0x81: {  	[sflag:s18] =	ssyncset.done $0x0  }
0x82: {  	s11 =	rddreg [dreg:$0xe];
	[sflag:s18] =	ssyncadd.s32 $0xFFFFC000  }
0x83: {  	[tilespmem:s12], [sflag:$0x1] =	stream.indirect.gather [hbm4b:s4+s15], $0x80, s11, s15, $0xb8;
	[tilespmem:$0x1CC00] =	vst v63  }
0x84: {  	_ =	swait.ge [sflag:s19], $0x4000  }
0x85: {  	[sflag:s19] =	ssyncset.done $0x0  }
0x86: {  	s10 =	rddreg [dreg:$0xf];
	[sflag:s19] =	ssyncadd.s32 $0xFFFFC000  }
0x87: {  	[spmem:s2] =	stream.indirect.scatter.add.f32 [tilespmem:s16], [sflag:$0x4], $0x80, s10, s15, $0xb8;
	[tilespmem:$0x1CC00] =	vst v63  }
0x88: {  	_ =	swait.ge [sflag:s20], $0x4000  }
0x89: {  	[sflag:s20] =	ssyncset.done $0x0  }
0x8a: {  	s11 =	rddreg [dreg:$0x10];
	[sflag:s20] =	ssyncadd.s32 $0xFFFFC000  }
0x8b: {  	[tilespmem:s16], [sflag:$0x2] =	stream.indirect.gather [hbm4b:s4+s15], $0x80, s11, s15, $0xb8;
	[tilespmem:$0x1CC00] =	vst v63  }
0x8c: {  	s8 =	sadd.s32 $0x80, s8  }
0x8d: {  	[tilespmem:s21], [sflag:$0x5] =	stream.linear.gather [hbm4b:s8+s3], $0x400, $0x38;
	[tilespmem:$0x1CC00] =	vst v63  }
0x8e: {  	_ =	swait.ge [sflag:s13], $0x400  }
0x8f: {  	[sflag:s13] =	ssyncset.done $0x0  }
0x90: {  	[sflag:s13] =	ssyncadd.s32 $0xFFFFFC00  }
0x91: {  	_ =	swait.ge [sflag:s17], $0x4000  }
0x92: {  	[sflag:s17] =	ssyncset.done $0x0  }
0x93: {  	s10 =	rddreg [dreg:$0x11];
	[sflag:s17] =	ssyncadd.s32 $0xFFFFC000  }
0x94: {  	[spmem:s2] =	stream.indirect.scatter.add.f32 [tilespmem:s12], [sflag:$0x3], $0x80, s10, s15, $0xb8;
	[tilespmem:$0x1CC00] =	vst v63  }
0x95: {  	_ =	swait.ge [sflag:s18], $0x4000  }
0x96: {  	[sflag:s18] =	ssyncset.done $0x0  }
0x97: {  	s11 =	rddreg [dreg:$0x12];
	[sflag:s18] =	ssyncadd.s32 $0xFFFFC000  }
0x98: {  	[tilespmem:s12], [sflag:$0x1] =	stream.indirect.gather [hbm4b:s4+s15], $0x80, s11, s15, $0xb8;
	[tilespmem:$0x1CC00] =	vst v63  }
0x99: {  	_ =	swait.ge [sflag:s19], $0x4000  }
0x9a: {  	[sflag:s19] =	ssyncset.done $0x0  }
0x9b: {  	s9 =	rddreg [dreg:$0x13];
	[sflag:s19] =	ssyncadd.s32 $0xFFFFC000  }
0x9c: {  	[spmem:s2] =	stream.indirect.scatter.add.f32 [tilespmem:s16], [sflag:$0x4], $0x80, s9, s15, $0xb8;
	[tilespmem:$0x1CC00] =	vst v63  }
0x9d: {  	_ =	swait.ge [sflag:s20], $0x4000  }
0x9e: {  	[sflag:s20] =	ssyncset.done $0x0  }
0x9f: {  	s10 =	rddreg [dreg:$0x14];
	[sflag:s20] =	ssyncadd.s32 $0xFFFFC000  }
0xa0: {  	[tilespmem:s16], [sflag:$0x2] =	stream.indirect.gather [hbm4b:s4+s15], $0x80, s10, s15, $0xb8;
	[tilespmem:$0x1CC00] =	vst v63  }
0xa1: {  	_ =	swait.ge [sflag:s17], $0x4000  }
0xa2: {  	[sflag:s17] =	ssyncset.done $0x0  }
0xa3: {  	[sflag:s17] =	ssyncadd.s32 $0xFFFFC000  }
0xa4: {  	[spmem:s2] =	stream.indirect.scatter.add.f32 [tilespmem:s12], [sflag:$0x3], $0x80, s21, s15, $0xb8;
	[tilespmem:$0x1CC00] =	vst v63  }
0xa5: {  	_ =	swait.ge [sflag:s18], $0x4000  }
0xa6: {  	[sflag:s18] =	ssyncset.done $0x0  }
0xa7: {  	s11 =	rddreg [dreg:$0x15];
	[sflag:s18] =	ssyncadd.s32 $0xFFFFC000  }
0xa8: {  	[tilespmem:s12], [sflag:$0x1] =	stream.indirect.gather [hbm4b:s4+s15], $0x80, s11, s15, $0xb8;
	[tilespmem:$0x1CC00] =	vst v63  }
0xa9: {  	_ =	swait.ge [sflag:s19], $0x4000  }
0xaa: {  	[sflag:s19] =	ssyncset.done $0x0  }
0xab: {  	[sflag:s19] =	ssyncadd.s32 $0xFFFFC000  }
0xac: {  	[spmem:s2] =	stream.indirect.scatter.add.f32 [tilespmem:s16], [sflag:$0x4], $0x80, s22, s15, $0xb8;
	[tilespmem:$0x1CC00] =	vst v63  }
0xad: {  	_ =	swait.ge [sflag:s20], $0x4000  }
0xae: {  	[sflag:s20] =	ssyncset.done $0x0  }
0xaf: {  	[sflag:s20] =	ssyncadd.s32 $0xFFFFC000  }
0xb0: {  	[tilespmem:s16], [sflag:$0x2] =	stream.indirect.gather [hbm4b:s4+s15], $0x80, s23, s15, $0xb8;
	[tilespmem:$0x1CC00] =	vst v63  }
0xb1: {  	_ =	swait.ge [sflag:s17], $0x4000  }
0xb2: {  	[sflag:s17] =	ssyncset.done $0x0  }
0xb3: {  	[sflag:s17] =	ssyncadd.s32 $0xFFFFC000  }
0xb4: {  	[spmem:s2] =	stream.indirect.scatter.add.f32 [tilespmem:s12], [sflag:$0x3], $0x80, s24, s15, $0xb8;
	[tilespmem:$0x1CC00] =	vst v63  }
0xb5: {  	_ =	swait.ge [sflag:s18], $0x4000  }
0xb6: {  	[sflag:s18] =	ssyncset.done $0x0  }
0xb7: {  	[sflag:s18] =	ssyncadd.s32 $0xFFFFC000  }
0xb8: {  	[tilespmem:s12], [sflag:$0x1] =	stream.indirect.gather [hbm4b:s4+s15], $0x80, s25, s15, $0xb8;
	[tilespmem:$0x1CC00] =	vst v63  }
0xb9: {  	_ =	swait.ge [sflag:s19], $0x4000  }
0xba: {  	[sflag:s19] =	ssyncset.done $0x0  }
0xbb: {  	[sflag:s19] =	ssyncadd.s32 $0xFFFFC000  }
0xbc: {  	[spmem:s2] =	stream.indirect.scatter.add.f32 [tilespmem:s16], [sflag:$0x4], $0x80, s26, s15, $0xb8;
	[tilespmem:$0x1CC00] =	vst v63  }
0xbd: {  	_ =	swait.ge [sflag:s20], $0x4000  }
0xbe: {  	[sflag:s20] =	ssyncset.done $0x0  }
0xbf: {  	[sflag:s20] =	ssyncadd.s32 $0xFFFFC000  }
0xc0: {  	[tilespmem:s16], [sflag:$0x2] =	stream.indirect.gather [hbm4b:s4+s15], $0x80, s28, s15, $0xb8;
	[tilespmem:$0x1CC00] =	vst v63  }
0xc1: {  	_ =	swait.ge [sflag:s17], $0x4000  }
0xc2: {  	[sflag:s17] =	ssyncset.done $0x0  }
0xc3: {  	[sflag:s17] =	ssyncadd.s32 $0xFFFFC000  }
0xc4: {  	[spmem:s2] =	stream.indirect.scatter.add.f32 [tilespmem:s12], [sflag:$0x3], $0x80, s29, s15, $0xb8;
	[tilespmem:$0x1CC00] =	vst v63  }
0xc5: {  	_ =	swait.ge [sflag:s18], $0x4000  }
0xc6: {  	[sflag:s18] =	ssyncset.done $0x0  }
0xc7: {  	[sflag:s18] =	ssyncadd.s32 $0xFFFFC000  }
0xc8: {  	[tilespmem:s12], [sflag:$0x1] =	stream.indirect.gather [hbm4b:s4+s15], $0x80, s30, s15, $0xb8;
	[tilespmem:$0x1CC00] =	vst v63  }
0xc9: {  	_ =	swait.ge [sflag:s19], $0x4000  }
0xca: {  	[sflag:s19] =	ssyncset.done $0x0  }
0xcb: {  	[sflag:s19] =	ssyncadd.s32 $0xFFFFC000  }
0xcc: {  	[spmem:s2] =	stream.indirect.scatter.add.f32 [tilespmem:s16], [sflag:$0x4], $0x80, s31, s15, $0xb8;
	[tilespmem:$0x1CC00] =	vst v63  }
0xcd: {  	_ =	swait.ge [sflag:s20], $0x4000  }
0xce: {  	[sflag:s20] =	ssyncset.done $0x0  }
0xcf: {  	[sflag:s20] =	ssyncadd.s32 $0xFFFFC000  }
0xd0: {  	[tilespmem:s16], [sflag:$0x2] =	stream.indirect.gather [hbm4b:s4+s15], $0x80, s0, s15, $0xb8;
	[tilespmem:$0x1CC00] =	vst v63  }
0xd1: {  	_ =	swait.ge [sflag:s17], $0x4000  }
0xd2: {  	[sflag:s17] =	ssyncset.done $0x0  }
0xd3: {  	[sflag:s17] =	ssyncadd.s32 $0xFFFFC000  }
0xd4: {  	[spmem:s2] =	stream.indirect.scatter.add.f32 [tilespmem:s12], [sflag:$0x3], $0x80, s1, s15, $0xb8;
	[tilespmem:$0x1CC00] =	vst v63  }
0xd5: {  	_ =	swait.ge [sflag:s19], $0x4000  }
0xd6: {  	s8 =	simm.s32 $0x100;
	[sflag:s19] =	ssyncset.done $0x0  }
0xd7: {  	s9 =	simm.s32 $0x200;
	s10 =	rddreg [dreg:$0x5];
	[sflag:s19] =	ssyncadd.s32 $0xFFFFC000  }
.LBB2_4:
0xd8: {  	[spmem:s2] =	stream.indirect.scatter.add.f32 [tilespmem:s16], [sflag:$0x4], $0x80, s6, s15, $0xb8;
	[tilespmem:$0x1CC00] =	vst v63  }
0xd9: {  	s10 =	sadd.s32 s8, s10  }
0xda: {  	[tilespmem:s3], [sflag:$0x5] =	stream.linear.gather [hbm4b:s10+s3], $0x800, $0x38;
	[tilespmem:$0x1CC00] =	vst v63  }
0xdb: {  	_ =	swait.ge [sflag:s13], $0x800  }
0xdc: {  	s10 =	rddreg [dreg:$0x4];
	[sflag:s13] =	ssyncset.done $0x0  }
0xdd: {  	[sflag:s13] =	ssyncadd.s32 $0xFFFFF800;
	s10 =	sadd.s32 s8, s10  }
0xde: {  	[tilespmem:s14], [sflag:$0x5] =	stream.linear.gather [hbm4b:s10+s3], $0x400, $0x38;
	[tilespmem:$0x1CC00] =	vst v63  }
0xdf: {  	_ =	swait.ge [sflag:s13], $0x400  }
0xe0: {  	s11 =	smov.u32 s9;
	p1 =	seq.s32 s8, $0x0;
	[sflag:s13] =	ssyncset.done $0x0  }
0xe1: {  	s8 =	smov.u32 s11;
	s11 =	simm.s32 @!p1 $0x3;
	[sflag:s13] =	ssyncadd.s32 $0xFFFFFC00  }
0xe2: {  	_ =	swait.ge @!p1 [sflag:s11], $0x4000  }
0xe3: {  	[sflag:s11] =	ssyncset.done @!p1 $0x0  }
0xe4: {  	[sflag:s11] =	ssyncadd.s32 @!p1 $0xFFFFC000;
	s11 =	simm.s32 @!p1 $0x4  }
0xe5: {  	_ =	swait.ge @!p1 [sflag:s11], $0x4000  }
0xe6: {  	[sflag:s11] =	ssyncset.done @!p1 $0x0  }
0xe7: {  	[sflag:s11] =	ssyncadd.s32 @!p1 $0xFFFFC000  }
0xe8: {  	[tilespmem:s12], [sflag:$0x1] =	stream.indirect.gather [hbm4b:s4+s15], $0x80, s3, s15, $0xb8;
	[tilespmem:$0x1CC00] =	vst v63  }
0xe9: {  	_ = 	snop  }
0xea: {  	[tilespmem:s16], [sflag:$0x2] =	stream.indirect.gather [hbm4b:s4+s15], $0x80, s15, s15, $0xb8;
	[tilespmem:$0x1CC00] =	vst v63  }
0xeb: {  	_ =	swait.ge [sflag:s17], $0x4000  }
0xec: {  	[sflag:s17] =	ssyncset.done $0x0  }
0xed: {  	[sflag:s17] =	ssyncadd.s32 $0xFFFFC000  }
0xee: {  	[spmem:s2] =	stream.indirect.scatter.add.f32 [tilespmem:s12], [sflag:$0x3], $0x80, s14, s15, $0xb8;
	[tilespmem:$0x1CC00] =	vst v63  }
0xef: {  	_ =	swait.ge [sflag:s18], $0x4000  }
0xf0: {  	[sflag:s18] =	ssyncset.done $0x0  }
0xf1: {  	s11 =	rddreg [dreg:$0x6];
	[sflag:s18] =	ssyncadd.s32 $0xFFFFC000  }
0xf2: {  	[tilespmem:s12], [sflag:$0x1] =	stream.indirect.gather [hbm4b:s4+s15], $0x80, s11, s15, $0xb8;
	[tilespmem:$0x1CC00] =	vst v63  }
0xf3: {  	_ =	swait.ge [sflag:s19], $0x4000  }
0xf4: {  	[sflag:s19] =	ssyncset.done $0x0  }
0xf5: {  	s11 =	rddreg [dreg:$0x7];
	[sflag:s19] =	ssyncadd.s32 $0xFFFFC000  }
0xf6: {  	[spmem:s2] =	stream.indirect.scatter.add.f32 [tilespmem:s16], [sflag:$0x4], $0x80, s11, s15, $0xb8;
	[tilespmem:$0x1CC00] =	vst v63  }
0xf7: {  	_ =	swait.ge [sflag:s20], $0x4000  }
0xf8: {  	[sflag:s20] =	ssyncset.done $0x0  }
0xf9: {  	s11 =	rddreg [dreg:$0x8];
	[sflag:s20] =	ssyncadd.s32 $0xFFFFC000  }
0xfa: {  	[tilespmem:s16], [sflag:$0x2] =	stream.indirect.gather [hbm4b:s4+s15], $0x80, s11, s15, $0xb8;
	[tilespmem:$0x1CC00] =	vst v63  }
0xfb: {  	_ =	swait.ge [sflag:s17], $0x4000  }
0xfc: {  	[sflag:s17] =	ssyncset.done $0x0  }
0xfd: {  	s11 =	rddreg [dreg:$0x9];
	[sflag:s17] =	ssyncadd.s32 $0xFFFFC000  }
0xfe: {  	[spmem:s2] =	stream.indirect.scatter.add.f32 [tilespmem:s12], [sflag:$0x3], $0x80, s11, s15, $0xb8;
	[tilespmem:$0x1CC00] =	vst v63  }
0xff: {  	_ =	swait.ge [sflag:s18], $0x4000  }
0x100: {  	[sflag:s18] =	ssyncset.done $0x0  }
0x101: {  	s11 =	rddreg [dreg:$0xa];
	[sflag:s18] =	ssyncadd.s32 $0xFFFFC000  }
0x102: {  	[tilespmem:s12], [sflag:$0x1] =	stream.indirect.gather [hbm4b:s4+s15], $0x80, s11, s15, $0xb8;
	[tilespmem:$0x1CC00] =	vst v63  }
0x103: {  	_ =	swait.ge [sflag:s19], $0x4000  }
0x104: {  	[sflag:s19] =	ssyncset.done $0x0  }
0x105: {  	s11 =	rddreg [dreg:$0xb];
	[sflag:s19] =	ssyncadd.s32 $0xFFFFC000  }
0x106: {  	[spmem:s2] =	stream.indirect.scatter.add.f32 [tilespmem:s16], [sflag:$0x4], $0x80, s11, s15, $0xb8;
	[tilespmem:$0x1CC00] =	vst v63  }
0x107: {  	_ =	swait.ge [sflag:s20], $0x4000  }
0x108: {  	[sflag:s20] =	ssyncset.done $0x0  }
0x109: {  	s11 =	rddreg [dreg:$0xc];
	[sflag:s20] =	ssyncadd.s32 $0xFFFFC000  }
0x10a: {  	[tilespmem:s16], [sflag:$0x2] =	stream.indirect.gather [hbm4b:s4+s15], $0x80, s11, s15, $0xb8;
	[tilespmem:$0x1CC00] =	vst v63  }
0x10b: {  	_ =	swait.ge [sflag:s17], $0x4000  }
0x10c: {  	[sflag:s17] =	ssyncset.done $0x0  }
0x10d: {  	s11 =	rddreg [dreg:$0xd];
	[sflag:s17] =	ssyncadd.s32 $0xFFFFC000  }
0x10e: {  	[spmem:s2] =	stream.indirect.scatter.add.f32 [tilespmem:s12], [sflag:$0x3], $0x80, s11, s15, $0xb8;
	[tilespmem:$0x1CC00] =	vst v63  }
0x10f: {  	_ =	swait.ge [sflag:s18], $0x4000  }
0x110: {  	[sflag:s18] =	ssyncset.done $0x0  }
0x111: {  	s11 =	rddreg [dreg:$0xe];
	[sflag:s18] =	ssyncadd.s32 $0xFFFFC000  }
0x112: {  	[tilespmem:s12], [sflag:$0x1] =	stream.indirect.gather [hbm4b:s4+s15], $0x80, s11, s15, $0xb8;
	[tilespmem:$0x1CC00] =	vst v63  }
0x113: {  	_ =	swait.ge [sflag:s19], $0x4000  }
0x114: {  	[sflag:s19] =	ssyncset.done $0x0  }
0x115: {  	s11 =	rddreg [dreg:$0xf];
	[sflag:s19] =	ssyncadd.s32 $0xFFFFC000  }
0x116: {  	[spmem:s2] =	stream.indirect.scatter.add.f32 [tilespmem:s16], [sflag:$0x4], $0x80, s11, s15, $0xb8;
	[tilespmem:$0x1CC00] =	vst v63  }
0x117: {  	_ =	swait.ge [sflag:s20], $0x4000  }
0x118: {  	[sflag:s20] =	ssyncset.done $0x0  }
0x119: {  	s11 =	rddreg [dreg:$0x10];
	[sflag:s20] =	ssyncadd.s32 $0xFFFFC000  }
0x11a: {  	[tilespmem:s16], [sflag:$0x2] =	stream.indirect.gather [hbm4b:s4+s15], $0x80, s11, s15, $0xb8;
	[tilespmem:$0x1CC00] =	vst v63  }
0x11b: {  	s10 =	sadd.s32 $0x80, s10  }
0x11c: {  	[tilespmem:s21], [sflag:$0x5] =	stream.linear.gather [hbm4b:s10+s3], $0x400, $0x38;
	[tilespmem:$0x1CC00] =	vst v63  }
0x11d: {  	_ =	swait.ge [sflag:s13], $0x400  }
0x11e: {  	[sflag:s13] =	ssyncset.done $0x0  }
0x11f: {  	[sflag:s13] =	ssyncadd.s32 $0xFFFFFC00  }
0x120: {  	_ =	swait.ge [sflag:s17], $0x4000  }
0x121: {  	[sflag:s17] =	ssyncset.done $0x0  }
0x122: {  	s11 =	rddreg [dreg:$0x11];
	[sflag:s17] =	ssyncadd.s32 $0xFFFFC000  }
0x123: {  	[spmem:s2] =	stream.indirect.scatter.add.f32 [tilespmem:s12], [sflag:$0x3], $0x80, s11, s15, $0xb8;
	[tilespmem:$0x1CC00] =	vst v63  }
0x124: {  	_ =	swait.ge [sflag:s18], $0x4000  }
0x125: {  	[sflag:s18] =	ssyncset.done $0x0  }
0x126: {  	s11 =	rddreg [dreg:$0x12];
	[sflag:s18] =	ssyncadd.s32 $0xFFFFC000  }
0x127: {  	[tilespmem:s12], [sflag:$0x1] =	stream.indirect.gather [hbm4b:s4+s15], $0x80, s11, s15, $0xb8;
	[tilespmem:$0x1CC00] =	vst v63  }
0x128: {  	_ =	swait.ge [sflag:s19], $0x4000  }
0x129: {  	[sflag:s19] =	ssyncset.done $0x0  }
0x12a: {  	s11 =	rddreg [dreg:$0x13];
	[sflag:s19] =	ssyncadd.s32 $0xFFFFC000  }
0x12b: {  	[spmem:s2] =	stream.indirect.scatter.add.f32 [tilespmem:s16], [sflag:$0x4], $0x80, s11, s15, $0xb8;
	[tilespmem:$0x1CC00] =	vst v63  }
0x12c: {  	_ =	swait.ge [sflag:s20], $0x4000  }
0x12d: {  	[sflag:s20] =	ssyncset.done $0x0  }
0x12e: {  	s11 =	rddreg [dreg:$0x14];
	[sflag:s20] =	ssyncadd.s32 $0xFFFFC000  }
0x12f: {  	[tilespmem:s16], [sflag:$0x2] =	stream.indirect.gather [hbm4b:s4+s15], $0x80, s11, s15, $0xb8;
	[tilespmem:$0x1CC00] =	vst v63  }
0x130: {  	_ =	swait.ge [sflag:s17], $0x4000  }
0x131: {  	[sflag:s17] =	ssyncset.done $0x0  }
0x132: {  	[sflag:s17] =	ssyncadd.s32 $0xFFFFC000  }
0x133: {  	[spmem:s2] =	stream.indirect.scatter.add.f32 [tilespmem:s12], [sflag:$0x3], $0x80, s21, s15, $0xb8;
	[tilespmem:$0x1CC00] =	vst v63  }
0x134: {  	_ =	swait.ge [sflag:s18], $0x4000  }
0x135: {  	[sflag:s18] =	ssyncset.done $0x0  }
0x136: {  	s11 =	rddreg [dreg:$0x15];
	[sflag:s18] =	ssyncadd.s32 $0xFFFFC000  }
0x137: {  	[tilespmem:s12], [sflag:$0x1] =	stream.indirect.gather [hbm4b:s4+s15], $0x80, s11, s15, $0xb8;
	[tilespmem:$0x1CC00] =	vst v63  }
0x138: {  	_ =	swait.ge [sflag:s19], $0x4000  }
0x139: {  	[sflag:s19] =	ssyncset.done $0x0  }
0x13a: {  	[sflag:s19] =	ssyncadd.s32 $0xFFFFC000  }
0x13b: {  	[spmem:s2] =	stream.indirect.scatter.add.f32 [tilespmem:s16], [sflag:$0x4], $0x80, s22, s15, $0xb8;
	[tilespmem:$0x1CC00] =	vst v63  }
0x13c: {  	_ =	swait.ge [sflag:s20], $0x4000  }
0x13d: {  	[sflag:s20] =	ssyncset.done $0x0  }
0x13e: {  	[sflag:s20] =	ssyncadd.s32 $0xFFFFC000  }
0x13f: {  	[tilespmem:s16], [sflag:$0x2] =	stream.indirect.gather [hbm4b:s4+s15], $0x80, s23, s15, $0xb8;
	[tilespmem:$0x1CC00] =	vst v63  }
0x140: {  	_ =	swait.ge [sflag:s17], $0x4000  }
0x141: {  	[sflag:s17] =	ssyncset.done $0x0  }
0x142: {  	[sflag:s17] =	ssyncadd.s32 $0xFFFFC000  }
0x143: {  	[spmem:s2] =	stream.indirect.scatter.add.f32 [tilespmem:s12], [sflag:$0x3], $0x80, s24, s15, $0xb8;
	[tilespmem:$0x1CC00] =	vst v63  }
0x144: {  	_ =	swait.ge [sflag:s18], $0x4000  }
0x145: {  	[sflag:s18] =	ssyncset.done $0x0  }
0x146: {  	[sflag:s18] =	ssyncadd.s32 $0xFFFFC000  }
0x147: {  	[tilespmem:s12], [sflag:$0x1] =	stream.indirect.gather [hbm4b:s4+s15], $0x80, s25, s15, $0xb8;
	[tilespmem:$0x1CC00] =	vst v63  }
0x148: {  	_ =	swait.ge [sflag:s19], $0x4000  }
0x149: {  	[sflag:s19] =	ssyncset.done $0x0  }
0x14a: {  	[sflag:s19] =	ssyncadd.s32 $0xFFFFC000  }
0x14b: {  	[spmem:s2] =	stream.indirect.scatter.add.f32 [tilespmem:s16], [sflag:$0x4], $0x80, s26, s15, $0xb8;
	[tilespmem:$0x1CC00] =	vst v63  }
0x14c: {  	_ =	swait.ge [sflag:s20], $0x4000  }
0x14d: {  	[sflag:s20] =	ssyncset.done $0x0  }
0x14e: {  	[sflag:s20] =	ssyncadd.s32 $0xFFFFC000  }
0x14f: {  	[tilespmem:s16], [sflag:$0x2] =	stream.indirect.gather [hbm4b:s4+s15], $0x80, s28, s15, $0xb8;
	[tilespmem:$0x1CC00] =	vst v63  }
0x150: {  	_ =	swait.ge [sflag:s17], $0x4000  }
0x151: {  	[sflag:s17] =	ssyncset.done $0x0  }
0x152: {  	[sflag:s17] =	ssyncadd.s32 $0xFFFFC000  }
0x153: {  	[spmem:s2] =	stream.indirect.scatter.add.f32 [tilespmem:s12], [sflag:$0x3], $0x80, s29, s15, $0xb8;
	[tilespmem:$0x1CC00] =	vst v63  }
0x154: {  	_ =	swait.ge [sflag:s18], $0x4000  }
0x155: {  	[sflag:s18] =	ssyncset.done $0x0  }
0x156: {  	[sflag:s18] =	ssyncadd.s32 $0xFFFFC000  }
0x157: {  	[tilespmem:s12], [sflag:$0x1] =	stream.indirect.gather [hbm4b:s4+s15], $0x80, s30, s15, $0xb8;
	[tilespmem:$0x1CC00] =	vst v63  }
0x158: {  	_ =	swait.ge [sflag:s19], $0x4000  }
0x159: {  	[sflag:s19] =	ssyncset.done $0x0  }
0x15a: {  	[sflag:s19] =	ssyncadd.s32 $0xFFFFC000  }
0x15b: {  	[spmem:s2] =	stream.indirect.scatter.add.f32 [tilespmem:s16], [sflag:$0x4], $0x80, s31, s15, $0xb8;
	[tilespmem:$0x1CC00] =	vst v63  }
0x15c: {  	_ =	swait.ge [sflag:s20], $0x4000  }
0x15d: {  	[sflag:s20] =	ssyncset.done $0x0  }
0x15e: {  	[sflag:s20] =	ssyncadd.s32 $0xFFFFC000  }
0x15f: {  	[tilespmem:s16], [sflag:$0x2] =	stream.indirect.gather [hbm4b:s4+s15], $0x80, s0, s15, $0xb8;
	[tilespmem:$0x1CC00] =	vst v63  }
0x160: {  	s9 =	sadd.s32 $0x100, s9;
	_ =	swait.ge [sflag:s17], $0x4000  }
0x161: {  	p0 =	sne.s32 s9, $0x500;
	[sflag:s17] =	ssyncset.done $0x0  }
.Ltmp1:
0x162: {  	[sflag:s17] =	ssyncadd.s32 $0xFFFFC000;
	(pc) =	sbr.rel @p0 .LBB2_4-.Ltmp1, $4  }
0x163: {  	[spmem:s2] =	stream.indirect.scatter.add.f32 [tilespmem:s12], [sflag:$0x3], $0x80, s1, s15, $0xb8;
	[tilespmem:$0x1CC00] =	vst v63  }
0x164: {  	_ =	swait.ge [sflag:s19], $0x4000  }
0x165: {  	[sflag:s19] =	ssyncset.done $0x0  }
0x166: {  	s10 =	rddreg [dreg:$0x5];
	[sflag:s19] =	ssyncadd.s32 $0xFFFFC000  }
0x167: {  	[spmem:s2] =	stream.indirect.scatter.add.f32 [tilespmem:s16], [sflag:$0x4], $0x80, s6, s15, $0xb8;
	[tilespmem:$0x1CC00] =	vst v63  }
0x168: {  	s9 =	sadd.s32 s8, s10  }
0x169: {  	[tilespmem:s3], [sflag:$0x5] =	stream.linear.gather [hbm4b:s9+s3], $0x800, $0x38;
	[tilespmem:$0x1CC00] =	vst v63  }
0x16a: {  	_ =	swait.ge [sflag:s13], $0x800  }
0x16b: {  	s10 =	rddreg [dreg:$0x4];
	[sflag:s13] =	ssyncset.done $0x0  }
0x16c: {  	[sflag:s13] =	ssyncadd.s32 $0xFFFFF800;
	s9 =	sadd.s32 s8, s10  }
0x16d: {  	[tilespmem:s14], [sflag:$0x5] =	stream.linear.gather [hbm4b:s9+s3], $0x400, $0x38;
	[tilespmem:$0x1CC00] =	vst v63  }
0x16e: {  	_ =	swait.ge [sflag:s13], $0x400  }
0x16f: {  	p0 =	seq.s32 s8, $0x0;
	[sflag:s13] =	ssyncset.done $0x0  }
0x170: {  	s8 =	simm.s32 @!p0 $0x3;
	[sflag:s13] =	ssyncadd.s32 $0xFFFFFC00  }
0x171: {  	_ =	swait.ge @!p0 [sflag:s8], $0x4000  }
0x172: {  	[sflag:s8] =	ssyncset.done @!p0 $0x0  }
0x173: {  	[sflag:s8] =	ssyncadd.s32 @!p0 $0xFFFFC000;
	s8 =	simm.s32 @!p0 $0x4  }
0x174: {  	_ =	swait.ge @!p0 [sflag:s8], $0x4000  }
0x175: {  	[sflag:s8] =	ssyncset.done @!p0 $0x0  }
0x176: {  	[sflag:s8] =	ssyncadd.s32 @!p0 $0xFFFFC000  }
0x177: {  	[tilespmem:s12], [sflag:$0x1] =	stream.indirect.gather [hbm4b:s4+s15], $0x80, s3, s15, $0xb8;
	[tilespmem:$0x1CC00] =	vst v63  }
0x178: {  	_ = 	snop  }
0x179: {  	[tilespmem:s16], [sflag:$0x2] =	stream.indirect.gather [hbm4b:s4+s15], $0x80, s15, s15, $0xb8;
	[tilespmem:$0x1CC00] =	vst v63  }
0x17a: {  	_ =	swait.ge [sflag:s17], $0x4000  }
0x17b: {  	[sflag:s17] =	ssyncset.done $0x0  }
0x17c: {  	[sflag:s17] =	ssyncadd.s32 $0xFFFFC000  }
0x17d: {  	[spmem:s2] =	stream.indirect.scatter.add.f32 [tilespmem:s12], [sflag:$0x3], $0x80, s14, s15, $0xb8;
	[tilespmem:$0x1CC00] =	vst v63  }
0x17e: {  	_ =	swait.ge [sflag:s18], $0x4000  }
0x17f: {  	[sflag:s18] =	ssyncset.done $0x0  }
0x180: {  	s11 =	rddreg [dreg:$0x6];
	[sflag:s18] =	ssyncadd.s32 $0xFFFFC000  }
0x181: {  	[tilespmem:s12], [sflag:$0x1] =	stream.indirect.gather [hbm4b:s4+s15], $0x80, s11, s15, $0xb8;
	[tilespmem:$0x1CC00] =	vst v63  }
0x182: {  	_ =	swait.ge [sflag:s19], $0x4000  }
0x183: {  	[sflag:s19] =	ssyncset.done $0x0  }
0x184: {  	s10 =	rddreg [dreg:$0x7];
	[sflag:s19] =	ssyncadd.s32 $0xFFFFC000  }
0x185: {  	[spmem:s2] =	stream.indirect.scatter.add.f32 [tilespmem:s16], [sflag:$0x4], $0x80, s10, s15, $0xb8;
	[tilespmem:$0x1CC00] =	vst v63  }
0x186: {  	_ =	swait.ge [sflag:s20], $0x4000  }
0x187: {  	[sflag:s20] =	ssyncset.done $0x0  }
0x188: {  	s11 =	rddreg [dreg:$0x8];
	[sflag:s20] =	ssyncadd.s32 $0xFFFFC000  }
0x189: {  	[tilespmem:s16], [sflag:$0x2] =	stream.indirect.gather [hbm4b:s4+s15], $0x80, s11, s15, $0xb8;
	[tilespmem:$0x1CC00] =	vst v63  }
0x18a: {  	_ =	swait.ge [sflag:s17], $0x4000  }
0x18b: {  	[sflag:s17] =	ssyncset.done $0x0  }
0x18c: {  	s10 =	rddreg [dreg:$0x9];
	[sflag:s17] =	ssyncadd.s32 $0xFFFFC000  }
0x18d: {  	[spmem:s2] =	stream.indirect.scatter.add.f32 [tilespmem:s12], [sflag:$0x3], $0x80, s10, s15, $0xb8;
	[tilespmem:$0x1CC00] =	vst v63  }
0x18e: {  	_ =	swait.ge [sflag:s18], $0x4000  }
0x18f: {  	[sflag:s18] =	ssyncset.done $0x0  }
0x190: {  	s11 =	rddreg [dreg:$0xa];
	[sflag:s18] =	ssyncadd.s32 $0xFFFFC000  }
0x191: {  	[tilespmem:s12], [sflag:$0x1] =	stream.indirect.gather [hbm4b:s4+s15], $0x80, s11, s15, $0xb8;
	[tilespmem:$0x1CC00] =	vst v63  }
0x192: {  	_ =	swait.ge [sflag:s19], $0x4000  }
0x193: {  	[sflag:s19] =	ssyncset.done $0x0  }
0x194: {  	s10 =	rddreg [dreg:$0xb];
	[sflag:s19] =	ssyncadd.s32 $0xFFFFC000  }
0x195: {  	[spmem:s2] =	stream.indirect.scatter.add.f32 [tilespmem:s16], [sflag:$0x4], $0x80, s10, s15, $0xb8;
	[tilespmem:$0x1CC00] =	vst v63  }
0x196: {  	_ =	swait.ge [sflag:s20], $0x4000  }
0x197: {  	[sflag:s20] =	ssyncset.done $0x0  }
0x198: {  	s11 =	rddreg [dreg:$0xc];
	[sflag:s20] =	ssyncadd.s32 $0xFFFFC000  }
0x199: {  	[tilespmem:s16], [sflag:$0x2] =	stream.indirect.gather [hbm4b:s4+s15], $0x80, s11, s15, $0xb8;
	[tilespmem:$0x1CC00] =	vst v63  }
0x19a: {  	_ =	swait.ge [sflag:s17], $0x4000  }
0x19b: {  	[sflag:s17] =	ssyncset.done $0x0  }
0x19c: {  	s10 =	rddreg [dreg:$0xd];
	[sflag:s17] =	ssyncadd.s32 $0xFFFFC000  }
0x19d: {  	[spmem:s2] =	stream.indirect.scatter.add.f32 [tilespmem:s12], [sflag:$0x3], $0x80, s10, s15, $0xb8;
	[tilespmem:$0x1CC00] =	vst v63  }
0x19e: {  	_ =	swait.ge [sflag:s18], $0x4000  }
0x19f: {  	[sflag:s18] =	ssyncset.done $0x0  }
0x1a0: {  	s11 =	rddreg [dreg:$0xe];
	[sflag:s18] =	ssyncadd.s32 $0xFFFFC000  }
0x1a1: {  	[tilespmem:s12], [sflag:$0x1] =	stream.indirect.gather [hbm4b:s4+s15], $0x80, s11, s15, $0xb8;
	[tilespmem:$0x1CC00] =	vst v63  }
0x1a2: {  	_ =	swait.ge [sflag:s19], $0x4000  }
0x1a3: {  	[sflag:s19] =	ssyncset.done $0x0  }
0x1a4: {  	s10 =	rddreg [dreg:$0xf];
	[sflag:s19] =	ssyncadd.s32 $0xFFFFC000  }
0x1a5: {  	[spmem:s2] =	stream.indirect.scatter.add.f32 [tilespmem:s16], [sflag:$0x4], $0x80, s10, s15, $0xb8;
	[tilespmem:$0x1CC00] =	vst v63  }
0x1a6: {  	_ =	swait.ge [sflag:s20], $0x4000  }
0x1a7: {  	[sflag:s20] =	ssyncset.done $0x0  }
0x1a8: {  	s11 =	rddreg [dreg:$0x10];
	[sflag:s20] =	ssyncadd.s32 $0xFFFFC000  }
0x1a9: {  	[tilespmem:s16], [sflag:$0x2] =	stream.indirect.gather [hbm4b:s4+s15], $0x80, s11, s15, $0xb8;
	[tilespmem:$0x1CC00] =	vst v63  }
0x1aa: {  	s9 =	sadd.s32 $0x80, s9  }
0x1ab: {  	[tilespmem:s21], [sflag:$0x5] =	stream.linear.gather [hbm4b:s9+s3], $0x400, $0x38;
	[tilespmem:$0x1CC00] =	vst v63  }
0x1ac: {  	_ =	swait.ge [sflag:s13], $0x400  }
0x1ad: {  	[sflag:s13] =	ssyncset.done $0x0  }
0x1ae: {  	[sflag:s13] =	ssyncadd.s32 $0xFFFFFC00  }
0x1af: {  	_ =	swait.ge [sflag:s17], $0x4000  }
0x1b0: {  	[sflag:s17] =	ssyncset.done $0x0  }
0x1b1: {  	s10 =	rddreg [dreg:$0x11];
	[sflag:s17] =	ssyncadd.s32 $0xFFFFC000  }
0x1b2: {  	[spmem:s2] =	stream.indirect.scatter.add.f32 [tilespmem:s12], [sflag:$0x3], $0x80, s10, s15, $0xb8;
	[tilespmem:$0x1CC00] =	vst v63  }
0x1b3: {  	_ =	swait.ge [sflag:s18], $0x4000  }
0x1b4: {  	[sflag:s18] =	ssyncset.done $0x0  }
0x1b5: {  	s11 =	rddreg [dreg:$0x12];
	[sflag:s18] =	ssyncadd.s32 $0xFFFFC000  }
0x1b6: {  	[tilespmem:s12], [sflag:$0x1] =	stream.indirect.gather [hbm4b:s4+s15], $0x80, s11, s15, $0xb8;
	[tilespmem:$0x1CC00] =	vst v63  }
0x1b7: {  	_ =	swait.ge [sflag:s19], $0x4000  }
0x1b8: {  	[sflag:s19] =	ssyncset.done $0x0  }
0x1b9: {  	s9 =	rddreg [dreg:$0x13];
	[sflag:s19] =	ssyncadd.s32 $0xFFFFC000  }
0x1ba: {  	[spmem:s2] =	stream.indirect.scatter.add.f32 [tilespmem:s16], [sflag:$0x4], $0x80, s9, s15, $0xb8;
	[tilespmem:$0x1CC00] =	vst v63  }
0x1bb: {  	_ =	swait.ge [sflag:s20], $0x4000  }
0x1bc: {  	[sflag:s20] =	ssyncset.done $0x0  }
0x1bd: {  	s10 =	rddreg [dreg:$0x14];
	[sflag:s20] =	ssyncadd.s32 $0xFFFFC000  }
0x1be: {  	[tilespmem:s16], [sflag:$0x2] =	stream.indirect.gather [hbm4b:s4+s15], $0x80, s10, s15, $0xb8;
	[tilespmem:$0x1CC00] =	vst v63  }
0x1bf: {  	_ =	swait.ge [sflag:s17], $0x4000  }
0x1c0: {  	[sflag:s17] =	ssyncset.done $0x0  }
0x1c1: {  	[sflag:s17] =	ssyncadd.s32 $0xFFFFC000  }
0x1c2: {  	[spmem:s2] =	stream.indirect.scatter.add.f32 [tilespmem:s12], [sflag:$0x3], $0x80, s21, s15, $0xb8;
	[tilespmem:$0x1CC00] =	vst v63  }
0x1c3: {  	_ =	swait.ge [sflag:s18], $0x4000  }
0x1c4: {  	[sflag:s18] =	ssyncset.done $0x0  }
0x1c5: {  	s11 =	rddreg [dreg:$0x15];
	[sflag:s18] =	ssyncadd.s32 $0xFFFFC000  }
0x1c6: {  	[tilespmem:s12], [sflag:$0x1] =	stream.indirect.gather [hbm4b:s4+s15], $0x80, s11, s15, $0xb8;
	[tilespmem:$0x1CC00] =	vst v63  }
0x1c7: {  	_ =	swait.ge [sflag:s19], $0x4000  }
0x1c8: {  	[sflag:s19] =	ssyncset.done $0x0  }
0x1c9: {  	[sflag:s19] =	ssyncadd.s32 $0xFFFFC000  }
0x1ca: {  	[spmem:s2] =	stream.indirect.scatter.add.f32 [tilespmem:s16], [sflag:$0x4], $0x80, s22, s15, $0xb8;
	[tilespmem:$0x1CC00] =	vst v63  }
0x1cb: {  	_ =	swait.ge [sflag:s20], $0x4000  }
0x1cc: {  	[sflag:s20] =	ssyncset.done $0x0  }
0x1cd: {  	[sflag:s20] =	ssyncadd.s32 $0xFFFFC000  }
0x1ce: {  	[tilespmem:s16], [sflag:$0x2] =	stream.indirect.gather [hbm4b:s4+s15], $0x80, s23, s15, $0xb8;
	[tilespmem:$0x1CC00] =	vst v63  }
0x1cf: {  	_ =	swait.ge [sflag:s17], $0x4000  }
0x1d0: {  	[sflag:s17] =	ssyncset.done $0x0  }
0x1d1: {  	[sflag:s17] =	ssyncadd.s32 $0xFFFFC000  }
0x1d2: {  	[spmem:s2] =	stream.indirect.scatter.add.f32 [tilespmem:s12], [sflag:$0x3], $0x80, s24, s15, $0xb8;
	[tilespmem:$0x1CC00] =	vst v63  }
0x1d3: {  	_ =	swait.ge [sflag:s18], $0x4000  }
0x1d4: {  	[sflag:s18] =	ssyncset.done $0x0  }
0x1d5: {  	[sflag:s18] =	ssyncadd.s32 $0xFFFFC000  }
0x1d6: {  	[tilespmem:s12], [sflag:$0x1] =	stream.indirect.gather [hbm4b:s4+s15], $0x80, s25, s15, $0xb8;
	[tilespmem:$0x1CC00] =	vst v63  }
0x1d7: {  	_ =	swait.ge [sflag:s19], $0x4000  }
0x1d8: {  	[sflag:s19] =	ssyncset.done $0x0  }
0x1d9: {  	[sflag:s19] =	ssyncadd.s32 $0xFFFFC000  }
0x1da: {  	[spmem:s2] =	stream.indirect.scatter.add.f32 [tilespmem:s16], [sflag:$0x4], $0x80, s26, s15, $0xb8;
	[tilespmem:$0x1CC00] =	vst v63  }
0x1db: {  	_ =	swait.ge [sflag:s20], $0x4000  }
0x1dc: {  	[sflag:s20] =	ssyncset.done $0x0  }
0x1dd: {  	[sflag:s20] =	ssyncadd.s32 $0xFFFFC000  }
0x1de: {  	[tilespmem:s16], [sflag:$0x2] =	stream.indirect.gather [hbm4b:s4+s15], $0x80, s28, s15, $0xb8;
	[tilespmem:$0x1CC00] =	vst v63  }
0x1df: {  	_ =	swait.ge [sflag:s17], $0x4000  }
0x1e0: {  	[sflag:s17] =	ssyncset.done $0x0  }
0x1e1: {  	[sflag:s17] =	ssyncadd.s32 $0xFFFFC000  }
0x1e2: {  	[spmem:s2] =	stream.indirect.scatter.add.f32 [tilespmem:s12], [sflag:$0x3], $0x80, s29, s15, $0xb8;
	[tilespmem:$0x1CC00] =	vst v63  }
0x1e3: {  	_ =	swait.ge [sflag:s18], $0x4000  }
0x1e4: {  	[sflag:s18] =	ssyncset.done $0x0  }
0x1e5: {  	[sflag:s18] =	ssyncadd.s32 $0xFFFFC000  }
0x1e6: {  	[tilespmem:s12], [sflag:$0x1] =	stream.indirect.gather [hbm4b:s4+s15], $0x80, s30, s15, $0xb8;
	[tilespmem:$0x1CC00] =	vst v63  }
0x1e7: {  	_ =	swait.ge [sflag:s19], $0x4000  }
0x1e8: {  	[sflag:s19] =	ssyncset.done $0x0  }
0x1e9: {  	[sflag:s19] =	ssyncadd.s32 $0xFFFFC000  }
0x1ea: {  	[spmem:s2] =	stream.indirect.scatter.add.f32 [tilespmem:s16], [sflag:$0x4], $0x80, s31, s15, $0xb8;
	[tilespmem:$0x1CC00] =	vst v63  }
0x1eb: {  	_ =	swait.ge [sflag:s20], $0x4000  }
0x1ec: {  	[sflag:s20] =	ssyncset.done $0x0  }
0x1ed: {  	[sflag:s20] =	ssyncadd.s32 $0xFFFFC000  }
0x1ee: {  	[tilespmem:s16], [sflag:$0x2] =	stream.indirect.gather [hbm4b:s4+s15], $0x80, s0, s15, $0xb8;
	[tilespmem:$0x1CC00] =	vst v63  }
0x1ef: {  	_ =	swait.ge [sflag:s17], $0x4000  }
0x1f0: {  	[sflag:s17] =	ssyncset.done $0x0  }
0x1f1: {  	[sflag:s17] =	ssyncadd.s32 $0xFFFFC000  }
0x1f2: {  	[spmem:s2] =	stream.indirect.scatter.add.f32 [tilespmem:s12], [sflag:$0x3], $0x80, s1, s15, $0xb8;
	[tilespmem:$0x1CC00] =	vst v63  }
0x1f3: {  	_ =	swait.ge [sflag:s19], $0x4000  }
0x1f4: {  	[sflag:s19] =	ssyncset.done $0x0  }
0x1f5: {  	[sflag:s19] =	ssyncadd.s32 $0xFFFFC000  }
0x1f6: {  	[spmem:s2] =	stream.indirect.scatter.add.f32 [tilespmem:s16], [sflag:$0x4], $0x80, s6, s15, $0xb8;
	[tilespmem:$0x1CC00] =	vst v63  }
0x1f7: {  	_ =	swait.ge [sflag:s18], $0x4000  }
0x1f8: {  	[sflag:s18] =	ssyncset.done $0x0  }
0x1f9: {  	[sflag:s18] =	ssyncadd.s32 $0xFFFFC000  }
0x1fa: {  	_ =	swait.ge [sflag:s20], $0x4000  }
0x1fb: {  	[sflag:s20] =	ssyncset.done $0x0  }
0x1fc: {  	s9 =	stileid.u32;
	[sflag:s20] =	ssyncadd.s32 $0xFFFFC000  }
0x1fd: {  	s8 =	sshll.u32 s9, $0x6;
	[bflag:$0x0] =	sbarrier.arrive $0xFFFF  }
0x1fe: {  	s8 =	sor.u32 $0x1C05, s8;
	s10 =	sshrl.u32 s5, $0x3;
	s11 =	rddreg [dreg:$0x1a]  }
0x1ff: {  	[hbm:s11], [sflag:s8] =	dma.local [spmem:s10], $0x2780  }
0x200: {  	_ =	swait.ge [sflag:s13], $0x2780  }
0x201: {  	s7 =	sadd.s32 $0x1, s7;
	s11 =	rddreg [dreg:$0x1b]  }
0x202: {  	p0 =	sne.s32 s7, s11  }
.Ltmp2:
0x203: {  	_ = 	snop;
	(pc) =	sbr.rel @p0 .LBB2_1-.Ltmp2, $3  }
0x204: {  	_ =	sdelay $0x1  }
0x205: {  	[sflag:s13] =	ssyncset.done $0x0  }
0x206: {  	[sflag:s13] =	ssyncadd.s32 $0xFFFFD880  }
0x207: {  	_ =	sfence.sel $0x180000  }
0x208: {  	[bflag:$0x0] =	sbarrier.arrive $0xFFFF  }
0x209: {  	_ =	strace $0x9000004A  }
0x20a: {  	s0 =	stileid.u32;
	[bflag:$0x2] =	sbarrier.arrive $0xFFFF  }
0x20b: {  	p0 =	sne.s32 s0, $0x0;
	s0 =	rddreg [dreg:$0x3]  }
0x20c: {  	s0 =	sadd.s32 @!p0 $0x100000, s0  }
0x20d: {  	[sflag:s0] =	ssyncadd.tile.s32 @!p0 $0x1;
	_ =	shalt  }
.Lfunc_end2:
_tile_overlayer_lowered:
.L_overlay_start_2:
0x20e: {  	(tag) =	ssettag $0x2  }
0x20f: {  	s0 =	rddreg [dreg:$0x0];
	s2 =	stileid.u32  }
0x210: {  	s1 =	rddreg [dreg:$0x1];
	p0 =	sne.s32 s2, $0x0  }
0x211: {  	s3 =	rddreg [dreg:$0x2];
	[bflag:$0x3] =	sbarrier.arrive $0xFFFF;
	s2 =	simm.s32 @!p0 $0x1C05  }
0x212: {  	[timem:s3], [sflag:s2] =	dma.local @!p0 [hbm:s0], s1  }
0x213: {  	s0 =	simm.s32 @!p0 $0x5  }
0x214: {  	_ =	swait.ge @!p0 [sflag:s0], s1  }
0x215: {  	s1 =	ssub.s32 @!p0 $0x0, s1;
	[sflag:s0] =	ssyncset.done @!p0 $0x0  }
0x216: {  	[sflag:s0] =	ssyncadd.s32 @!p0 s1  }
0x217: {  	[bflag:$0x3] =	sbarrier.arrive $0xFFFF  }
0x218: {  	_ =	shalt  }

// kernel: kernel.15.cloned.1.call-start
scs
__scs_entry_jumppad:
0x0: {  	(pc) =	sbr.rel $0x88, $3  }
0x1: {  	(tag) =	ssettag $0x0;
	lr =	simm.s32 $0x1  }
0x2: {  	[smem:$0x3F97] =	sst lr;
	_ =	strace $0xD0000000  }
0x3: {  	_ = 	snop  }
0x4: {  	_ = 	snop  }
0x5: {  	_ = 	snop  }
0x6: {  	_ = 	snop  }
0x7: {  	_ = 	snop  }
__scs_overlays_trampoline_lowered:
0x8: {  	[smem:$0x3FA6] =	sst s0  }
0x9: {  	[smem:$0x3FA7] =	sst s1  }
0xa: {  	[smem:$0x3FA8] =	sst s2  }
0xb: {  	[smem:$0x3FA9] =	sst s3  }
0xc: {  	[smem:$0x3FAA] =	sst s4  }
0xd: {  	[smem:$0x3FAB] =	sst s5  }
0xe: {  	[smem:$0x3FAC] =	sst s6  }
0xf: {  	[smem:$0x3FAD] =	sst s7  }
0x10: {  	[smem:$0x3FAE] =	sst s8  }
0x11: {  	[smem:$0x3FAF] =	sst s9;
	s0 =	simm.s32 @!p0 $0x0  }
0x12: {  	s1 =	sld [smem:$0x3F95];
	s0 =	simm.s32 @p0 $0x1  }
0x13: {  	[smem:$0x3FB0] =	sst s0;
	s0 =	simm.s32 @!p1 $0x0  }
0x14: {  	s2 =	sld [smem:$0x3F94];
	s0 =	simm.s32 @p1 $0x1  }
0x15: {  	[smem:$0x3FB1] =	sst s0;
	s0 =	simm.s32 @!p2 $0x0  }
0x16: {  	s3 =	sld [smem:$0x3FDB];
	s0 =	simm.s32 @p2 $0x1  }
0x17: {  	s4 =	simm.s32 $0x1BF5;
	[smem:$0x3FB3] =	sst s0  }
0x18: {  	s0 =	sld [smem:$0x3F96];
	_ =	swait.ge [sflag:s4], $0x0  }
0x19: {  	s7 =	sld [smem:$0x3F97]  }
0x1a: {  	s8 =	sadd.s32 $0xFFFFE003, lr  }
0x1b: {  	s9 =	sadd.s32 $0xFFFFFEF7, lr;
	s5 =	simm.s32 $0xFFFFFFFF;
	p2 =	slt.u32 s8, $0xFFFFF086  }
0x1c: {  	p1 =	slt.u32 s9, $0xF7A;
	s5 =	simm.s32 @!p2 $0x0  }
0x1d: {  	s5 =	simm.s32 @p1 $0x1;
	p0 =	seq.s32 s7, s2  }
0x1e: {  	s7 =	smul.u32 @!p0 $0xF7A, s2;
	p2 =	seq.s32 @!p0 s5, $0x0  }
0x1f: {  	s9 =	smul.u32 $0xF7A, s1;
	s8 =	simm.s32 @!p0 $0x1BF5;
	p2 =	por !p2, p0  }
0x20: {  	[sflag:s8] =	ssyncset.s32 @!p0 $0xFFFFF086;
	s6 =	sadd.s32 @!p0 s3, s7;
	s7 =	simm.s32 @!p0 $0x108  }
0x21: {  	s3 =	sadd.s32 s3, s9;
	s6 =	sadd.s32 @!p0 $0x88, s6;
	s7 =	simm.s32 @p2 $0x1082  }
0x22: {  	[simem:s7], [sflag:s8] =	dma.local @!p0 [hbm:s6], $0xF7A  }
0x23: {  	s9 =	sor.u32 $0xD0000000, s2;
	s6 =	simm.s32 $0x108;
	_ =	swait.ge @!p0 [sflag:s8], $0x0  }
0x24: {  	s3 =	sadd.s32 $0x88, s3;
	s6 =	simm.s32 @!p1 $0x1082;
	[sflag:s4] =	ssyncset.s32 $0xFFFFF086  }
0x25: {  	[simem:s6], [sflag:s4] =	dma.local [hbm:s3], $0xF7A  }
0x26: {  	[smem:$0x3F97] =	sst s1;
	(tag) =	ssettag s2;
	_ =	strace s9  }
0x27: {  	s1 =	sld [smem:$0x3FA7]  }
0x28: {  	s2 =	sld [smem:$0x3FA8]  }
0x29: {  	s4 =	sld [smem:$0x3FAA]  }
0x2a: {  	p0 =	seq.s32 s5, $0x0;
	s5 =	sld [smem:$0x3FAB]  }
0x2b: {  	s6 =	sld [smem:$0x3FAC]  }
0x2c: {  	s7 =	sld [smem:$0x3FAD]  }
0x2d: {  	s3 =	simm.s32 $0x108;
	s8 =	sld [smem:$0x3FAE]  }
0x2e: {  	s3 =	simm.s32 @!p0 $0x1082;
	s9 =	sld [smem:$0x3FAF]  }
0x2f: {  	lr =	sadd.s32 s0, s3;
	s0 =	sld [smem:$0x3FA6]  }
0x30: {  	s3 =	sld [smem:$0x3FA9]  }
0x31: {  	[smem:$0x3FB2] =	sst s10  }
0x32: {  	s10 =	sld [smem:$0x3FB0];
	_ =	sdelay $0x3  }
0x33: {  	p0 =	seq.s32 s10, $0x1;
	s10 =	sld [smem:$0x3FB2];
	_ =	sdelay $0x3  }
0x34: {  	[smem:$0x3FB2] =	sst s10  }
0x35: {  	s10 =	sld [smem:$0x3FB1];
	_ =	sdelay $0x3  }
0x36: {  	p1 =	seq.s32 s10, $0x1;
	s10 =	sld [smem:$0x3FB2];
	_ =	sdelay $0x3  }
0x37: {  	[smem:$0x3FB2] =	sst s10  }
0x38: {  	s10 =	sld [smem:$0x3FB3]  }
0x39: {  	_ = 	snop;
	(pc) =	sbr.ind lr, $3  }
0x3a: {  	_ = 	snop  }
0x3b: {  	_ = 	snop  }
0x3c: {  	p2 =	seq.s32 s10, $0x1;
	s10 =	sld [smem:$0x3FB2]  }
0x3d: {  	_ =	shalt  }
0x3e: {  	_ =	shalt  }
0x3f: {  	_ =	shalt  }
0x40: {  	_ =	shalt  }
0x41: {  	_ =	shalt  }
0x42: {  	_ =	shalt  }
0x43: {  	_ =	shalt  }
0x44: {  	_ =	shalt  }
0x45: {  	_ =	shalt  }
0x46: {  	_ =	shalt  }
0x47: {  	_ =	shalt  }
0x48: {  	_ =	shalt  }
0x49: {  	_ =	shalt  }
0x4a: {  	_ =	shalt  }
0x4b: {  	_ =	shalt  }
0x4c: {  	_ =	shalt  }
0x4d: {  	_ =	shalt  }
0x4e: {  	_ =	shalt  }
0x4f: {  	_ =	shalt  }
0x50: {  	_ =	shalt  }
0x51: {  	_ =	shalt  }
0x52: {  	_ =	shalt  }
0x53: {  	_ =	shalt  }
0x54: {  	_ =	shalt  }
0x55: {  	_ =	shalt  }
0x56: {  	_ =	shalt  }
0x57: {  	_ =	shalt  }
0x58: {  	_ =	shalt  }
0x59: {  	_ =	shalt  }
0x5a: {  	_ =	shalt  }
0x5b: {  	_ =	shalt  }
0x5c: {  	_ =	shalt  }
0x5d: {  	_ =	shalt  }
0x5e: {  	_ =	shalt  }
0x5f: {  	_ =	shalt  }
0x60: {  	_ =	shalt  }
0x61: {  	_ =	shalt  }
0x62: {  	_ =	shalt  }
0x63: {  	_ =	shalt  }
0x64: {  	_ =	shalt  }
0x65: {  	_ =	shalt  }
0x66: {  	_ =	shalt  }
0x67: {  	_ =	shalt  }
0x68: {  	_ =	shalt  }
0x69: {  	_ =	shalt  }
0x6a: {  	_ =	shalt  }
0x6b: {  	_ =	shalt  }
0x6c: {  	_ =	shalt  }
0x6d: {  	_ =	shalt  }
0x6e: {  	_ =	shalt  }
0x6f: {  	_ =	shalt  }
0x70: {  	_ =	shalt  }
0x71: {  	_ =	shalt  }
0x72: {  	_ =	shalt  }
0x73: {  	_ =	shalt  }
0x74: {  	_ =	shalt  }
0x75: {  	_ =	shalt  }
0x76: {  	_ =	shalt  }
0x77: {  	_ =	shalt  }
0x78: {  	_ =	shalt  }
0x79: {  	_ =	shalt  }
0x7a: {  	_ =	shalt  }
0x7b: {  	_ =	shalt  }
0x7c: {  	_ =	shalt  }
0x7d: {  	_ =	shalt  }
0x7e: {  	_ =	shalt  }
0x7f: {  	_ =	shalt  }
0x80: {  	_ =	shalt  }
0x81: {  	_ =	shalt  }
0x82: {  	_ =	shalt  }
0x83: {  	_ =	shalt  }
0x84: {  	_ =	shalt  }
0x85: {  	_ =	shalt  }
0x86: {  	_ =	shalt  }
0x87: {  	_ =	shalt  }
.Lfunc_end0:
.L_simem_size_0:
called_computation.2_lowered:
.L_overlay_start_0:
0x88: {  	s2 =	sld [smem:$0x3FD9]  }
0x89: {  	s3 =	sld [smem:$0x3FFE];
	_ =	sdelay $0x1  }
0x8a: {  	s1 =	srdreg.scid  }
0x8b: {  	s0 =	sand.u32 $0x1, s1  }
0x8c: {  	s14 =	sshll.u32 s0, $0xA;
	s2 =	sadd.s32 s3, s2  }
0x8d: {  	s2 =	sadd.s32 s2, s14  }
0x8e: {  	[smem:$0x3FBE] =	sst s2  }
0x8f: {  	_ = 	snop  }
0x90: {  	s2 =	sld [smem:$0x3FD0];
	_ =	sdelay $0x2  }
0x91: {  	s15 =	simm.s32 $0xA;
	s4 =	simm.s32 $0x10  }
0x92: {  	[smem:s4], [sflag:s15] =	dma.local [hbm:s2], $0x1  }
0x93: {  	_ =	swait.eq [sflag:s15], $0x1  }
0x94: {  	[sflag:s15] =	ssyncset.done $0x0  }
0x95: {  	[sflag:s15] =	ssyncadd.s32 $0xFFFFFFFF  }
0x96: {  	s16 =	sld [smem:$0x10];
	(tm) =	ssettm $0x1  }
0x97: {  	s17 =	sld [smem:$0x3FFB];
	_ =	sdelay $0x3  }
0x98: {  	_ =	strace s17  }
0x99: {  	s3 =	sld [smem:$0x3FFC];
	_ =	sdelay $0x3  }
0x9a: {  	_ =	strace s3  }
0x9b: {  	s3 =	sld [smem:$0x3FFD];
	_ =	sdelay $0x3  }
0x9c: {  	_ =	strace s3  }
0x9d: {  	_ =	strace $0x8FFFFFFF  }
0x9e: {  	s18 =	sld [smem:$0x3FDB];
	_ =	sdelay $0x1  }
0x9f: {  	s19 =	simm.s32 $_scs_section_size  }
0xa0: {  	s5 =	simm.s32 $_size__tile_overlayer_lowered;
	s6 =	simm.s32 $_tile_overlayer_lowered  }
0xa1: {  	s22 =	simm.s32 $0x1BFF;
	s21 =	sshll.u32 s6, $0x1;
	s3 =	sadd.s32 s19, s18  }
0xa2: {  	s7 =	simm.s32 $0x0;
	s20 =	sshll.u32 s5, $0x1;
	s5 =	sadd.s32 s21, s3  }
0xa3: {  	[timem:s7], [sflag:s22] =	dma.local [hbm:s5], s20  }
0xa4: {  	_ =	swait.ge [sflag:s22], s20  }
0xa5: {  	s4 =	ssub.s32 $0x0, s20;
	[sflag:s22] =	ssyncset.done $0x0  }
0xa6: {  	[sflag:s22] =	ssyncadd.s32 s4;
	_ =	sdelay $0x1  }
0xa7: {  	s23 =	simm.s32 $0x1B8B  }
0xa8: {  	_ =	swait.ge [sflag:s23], $0x1  }
0xa9: {  	[sflag:s23] =	ssyncset.done $0x0  }
0xaa: {  	s25 =	simm.s32 $0x1B8E;
	s24 =	sld [smem:$0x3FFE];
	[sflag:s23] =	ssyncadd.s32 $0xFFFFFFFF  }
0xab: {  	s26 =	simm.s32 $execute0_lowered;
	[smem:$0x3FD2] =	sst s25  }
0xac: {  	s5 =	sshll.u32 s26, $0x1;
	_ =	strace $0x8000004C;
	[dreg:$0x1] =	wrdreg $0xFFFFFFFF  }
0xad: {  	s28 =	simm.s32 $_size_execute0_lowered;
	s3 =	sadd.s32 s3, s5;
	[dreg:$0x0] =	wrdreg $0x0  }
0xae: {  	s5 =	sshll.u32 s28, $0x1;
	[dreg:$0x2] =	wrdreg s3  }
0xaf: {  	[dreg:$0x3] =	wrdreg s5  }
0xb0: {  	[dreg:$0x4] =	wrdreg $0xC0  }
0xb1: {  	_ =	task [dreg:s7], $0x5FFFF  }
0xb2: {  	[dreg:$0x1] =	wrdreg $0xFFFFFFFF  }
0xb3: {  	[dreg:$0x0] =	wrdreg $0x60  }
0xb4: {  	[dreg:$0x2] =	wrdreg s24  }
0xb5: {  	[dreg:$0x3] =	wrdreg s16  }
0xb6: {  	[dreg:$0x4] =	wrdreg $0x90000  }
0xb7: {  	[dreg:$0x5] =	wrdreg $0x9  }
0xb8: {  	_ =	task.clear_ibuf [dreg:s7], $0x6FFFF;
	_ =	strace $0x9000004C  }
0xb9: {  	s29 =	simm.s32 $0x9;
	_ =	strace $0x8000004E  }
0xba: {  	_ =	swait.ge [sflag:s29], $0x1  }
0xbb: {  	[sflag:s29] =	ssyncadd.s32 $0xFFFFFFFF  }
0xbc: {  	_ =	strace $0x9000004E  }
0xbd: {  	_ =	sfence  }
0xbe: {  	s30 =	sld [smem:$0x0];
	_ =	sdelay $0x2  }
0xbf: {  	s31 =	sshll.u32 s1, $0xD;
	s1 =	sshrl.u32 s1, $0x2  }
0xc0: {  	s3 =	sand.u32 $0x4000, s31;
	s1 =	sadd.s32 s1, s30  }
0xc1: {  	s0 =	sor.u32 s3, s0;
	s1 =	sshll.u32 s1, $0x11  }
0xc2: {  	s0 =	sor.u32 s1, s0  }
0xc3: {  	s0 =	sadd.s32 $0x8F2B, s0  }
0xc4: {  	[sflag:s0] =	ssyncadd.remote.s32 $0x1  }
0xc5: {  	_ =	sfence.sel $0xFFFF  }
0xc6: {  	[dreg:$0x0] =	wrdreg $0xFFFFFFFF;
	(pc) =	sbr.abs _section_cstart, $3  }
0xc7: {  	[dreg:$0x1] =	wrdreg $0xFFFFFFFF  }
0xc8: {  	_ =	task.clear_ibuf [dreg:s7], $0x2FFFF;
	_ =	strace $0x9FFFFFFF  }
0xc9: {  	(tm) =	ssettm $0x7FFFFFFF  }
tec
execute0_lowered:
.L_overlay_start_1:
0x0: {  	(tag) =	ssettag $0x1  }
0x1: {  	s0 =	rddreg [dreg:$0x0]  }
0x2: {  	s1 =	rddreg [dreg:$0x1]  }
0x3: {  	s3 =	srdreg.scid;
	s2 =	rddreg [dreg:$0x2]  }
0x4: {  	s10 =	stileid.u32;
	s26 =	simm.s32 $0x100;
	s12 =	simm.s32 $0x900  }
0x5: {  	s14 =	simm.s32 $0x200;
	s15 =	simm.s32 $0x980;
	s17 =	simm.s32 $0x280  }
0x6: {  	s18 =	simm.s32 $0xA00;
	s5 =	sand.u32 $0x1, s3;
	s3 =	simm.s32 $0x0  }
0x7: {  	s19 =	simm.s32 $0x300;
	s20 =	simm.s32 $0xA80;
	[smem:$0x7FF] =	sst s3  }
0x8: {  	s21 =	simm.s32 $0x380;
	_ =	strace $0x8000004D;
	[dreg:$0x6] =	wrdreg s26  }
0x9: {  	s22 =	simm.s32 $0xB00;
	s6 =	smul.u32 $0x13C00, s10;
	[dreg:$0x9] =	wrdreg s12  }
0xa: {  	s28 =	simm.s32 $0x680;
	s8 =	smul.u32 $0x500, s10;
	[dreg:$0xa] =	wrdreg s14  }
0xb: {  	s29 =	simm.s32 $0xE00;
	s10 =	smul.u32 $0x4F000, s10;
	[dreg:$0xb] =	wrdreg s15  }
0xc: {  	s30 =	simm.s32 $0x700;
	s4 =	smul.u32 $0x13C000, s5;
	[dreg:$0xc] =	wrdreg s17  }
0xd: {  	s7 =	smul.u32 $0x5000, s5;
	s5 =	ssub.s32 $0x2, s5;
	[dreg:$0xd] =	wrdreg s18  }
0xe: {  	s31 =	simm.s32 $0xE80;
	s23 =	sshrl.u32 s5, $0x1;
	[dreg:$0xe] =	wrdreg s19  }
0xf: {  	s25 =	sshrl.u32 s10, $0x2;
	s10 =	simm.s32 $0x180;
	[dreg:$0xf] =	wrdreg s20  }
0x10: {  	s12 =	simm.s32 $0x1000;
	s14 =	simm.s32 $0x800;
	[dreg:$0x10] =	wrdreg s21  }
0x11: {  	s15 =	simm.s32 $0x80;
	s17 =	simm.s32 $0x1;
	[dreg:$0x11] =	wrdreg s22  }
0x12: {  	s18 =	simm.s32 $0x3;
	s19 =	simm.s32 $0x2;
	s20 =	simm.s32 $0x4  }
0x13: {  	s26 =	simm.s32 $0x500;
	s6 =	sadd.s32 s6, s4;
	s4 =	sadd.s32 $0xD800, s0  }
0x14: {  	s9 =	sadd.s32 s7, s0;
	s1 =	sadd.s32 s7, s1;
	[dreg:$0x8] =	wrdreg s10  }
0x15: {  	[dreg:$0x15] =	wrdreg s26;
	s6 =	sshrl.u32 s6, $0x3;
	s1 =	sadd.s32 s8, s1  }
0x16: {  	s9 =	sadd.s32 s8, s9;
	s8 =	simm.s32 $0x880;
	[dreg:$0x5] =	wrdreg s1  }
0x17: {  	s0 =	sadd.s32 s6, s0;
	s24 =	sadd.s32 $0x3800, s9;
	[dreg:$0x7] =	wrdreg s8  }
0x18: {  	s6 =	ssub.s32 s5, s23;
	s23 =	simm.s32 $0x400;
	[dreg:$0x4] =	wrdreg s24  }
0x19: {  	s5 =	sadd.s32 s25, s2;
	s25 =	simm.s32 $0x480;
	[dreg:$0x12] =	wrdreg s23  }
0x1a: {  	s21 =	simm.s32 $0xC00;
	s7 =	sadd.s32 $0x4000, s5;
	[dreg:$0x14] =	wrdreg s25  }
0x1b: {  	s22 =	simm.s32 $0xC80;
	s9 =	sadd.s32 $0x8000, s5;
	[dreg:$0x16] =	wrdreg s7  }
0x1c: {  	s26 =	simm.s32 $0xD80;
	s11 =	sadd.s32 $0xC000, s5;
	[dreg:$0x17] =	wrdreg s9  }
0x1d: {  	s1 =	simm.s32 $0xF00;
	s13 =	sadd.s32 $0x10000, s5;
	[dreg:$0x18] =	wrdreg s11  }
0x1e: {  	s0 =	sadd.s32 $0x35800, s0;
	s16 =	smax.u32 s6, $0x1;
	[dreg:$0x19] =	wrdreg s13  }
0x1f: {  	s24 =	simm.s32 $0xB80;
	s23 =	simm.s32 $0x580;
	[dreg:$0x1a] =	wrdreg s0  }
0x20: {  	s25 =	simm.s32 $0x600;
	s6 =	simm.s32 $0xF80;
	[dreg:$0x1b] =	wrdreg s16  }
0x21: {  	s13 =	simm.s32 $0x5;
	s16 =	simm.s32 $0x5000;
	[dreg:$0x13] =	wrdreg s24  }
0x22: {  	v0 =	vimm.f32 $0.0e+00;
	s24 =	simm.s32 $0xD00;
	s0 =	simm.s32 $0x780;
	s7 =	simm.s32 $0x0  }
.LBB2_1:
0x23: {  	s8 =	simm.s32 $0x0;
	s9 =	simm.s32 $0x200  }
.LBB2_2:
0x24: {  	p0 =	sne.s32 s9, $0xFE00;
	[tilespmem:s8+$0x1070] =	vst v0  }
0x25: {  	[tilespmem:s8+$0x1000] =	vst v0  }
0x26: {  	[tilespmem:s8+$0x1010] =	vst v0  }
.Ltmp0:
0x27: {  	[tilespmem:s8+$0x1020] =	vst v0;
	(pc) =	sbr.rel @p0 .LBB2_2-.Ltmp0, $4  }
0x28: {  	[tilespmem:s8+$0x1030] =	vst v0  }
0x29: {  	[tilespmem:s8+$0x1040] =	vst v0  }
0x2a: {  	[tilespmem:s8+$0x1050] =	vst v0  }
0x2b: {  	[tilespmem:s8+$0x1060] =	vst v0;
	s8 =	sshra.s32 s9, $0x2;
	s9 =	sadd.s32 $0x200, s9  }
0x2c: {  	[tilespmem:s8+$0x1070] =	vst v0  }
0x2d: {  	[tilespmem:s8+$0x1000] =	vst v0  }
0x2e: {  	[tilespmem:s8+$0x1010] =	vst v0  }
0x2f: {  	[tilespmem:s8+$0x1020] =	vst v0  }
0x30: {  	[tilespmem:s8+$0x1030] =	vst v0  }
0x31: {  	[tilespmem:s8+$0x1040] =	vst v0  }
0x32: {  	[tilespmem:s8+$0x1050] =	vst v0  }
0x33: {  	[tilespmem:s8+$0x1060] =	vst v0  }
0x34: {  	[spmem:s5] =	stream.linear.scatter [tilespmem:s12], [sflag:$0x5], $0x4000, $0x38;
	[tilespmem:$0x1CC00] =	vst v63  }
0x35: {  	_ =	swait.ge [sflag:s13], $0x4000  }
0x36: {  	[sflag:s13] =	ssyncset.done $0x0  }
0x37: {  	s11 =	rddreg [dreg:$0x16];
	[sflag:s13] =	ssyncadd.s32 $0xFFFFC000  }
0x38: {  	[spmem:s11] =	stream.linear.scatter [tilespmem:s12], [sflag:$0x5], $0x4000, $0x38;
	[tilespmem:$0x1CC00] =	vst v63  }
0x39: {  	_ =	swait.ge [sflag:s13], $0x4000  }
0x3a: {  	[sflag:s13] =	ssyncset.done $0x0  }
0x3b: {  	s9 =	rddreg [dreg:$0x17];
	[sflag:s13] =	ssyncadd.s32 $0xFFFFC000  }
0x3c: {  	[spmem:s9] =	stream.linear.scatter [tilespmem:s12], [sflag:$0x5], $0x4000, $0x38;
	[tilespmem:$0x1CC00] =	vst v63  }
0x3d: {  	_ =	swait.ge [sflag:s13], $0x4000  }
0x3e: {  	[sflag:s13] =	ssyncset.done $0x0  }
0x3f: {  	s10 =	rddreg [dreg:$0x18];
	[sflag:s13] =	ssyncadd.s32 $0xFFFFC000  }
0x40: {  	[spmem:s10] =	stream.linear.scatter [tilespmem:s12], [sflag:$0x5], $0x4000, $0x38;
	[tilespmem:$0x1CC00] =	vst v63  }
0x41: {  	_ =	swait.ge [sflag:s13], $0x4000  }
0x42: {  	[sflag:s13] =	ssyncset.done $0x0  }
0x43: {  	s11 =	rddreg [dreg:$0x19];
	[sflag:s13] =	ssyncadd.s32 $0xFFFFC000  }
0x44: {  	[spmem:s11] =	stream.linear.scatter [tilespmem:s12], [sflag:$0x5], $0x3C00, $0x38;
	[tilespmem:$0x1CC00] =	vst v63  }
0x45: {  	_ =	swait.ge [sflag:s13], $0x3C00  }
0x46: {  	[sflag:s13] =	ssyncset.done $0x0  }
0x47: {  	[sflag:s13] =	ssyncadd.s32 $0xFFFFC400  }
0x48: {  	[bflag:$0x0] =	sbarrier.arrive $0xFFFF  }
0x49: {  	s9 =	rddreg [dreg:$0x5]  }
0x4a: {  	s8 =	sadd.s32 $0x0, s9  }
0x4b: {  	[tilespmem:s3], [sflag:$0x5] =	stream.linear.gather [hbm4b:s8+s3], $0x800, $0x38;
	[tilespmem:$0x1CC00] =	vst v63  }
0x4c: {  	_ =	swait.ge [sflag:s13], $0x800  }
0x4d: {  	s10 =	rddreg [dreg:$0x4];
	[sflag:s13] =	ssyncset.done $0x0  }
0x4e: {  	[sflag:s13] =	ssyncadd.s32 $0xFFFFF800;
	s8 =	sadd.s32 $0x0, s10  }
0x4f: {  	[tilespmem:s14], [sflag:$0x5] =	stream.linear.gather [hbm4b:s8+s3], $0x400, $0x38;
	[tilespmem:$0x1CC00] =	vst v63  }
0x50: {  	_ =	swait.ge [sflag:s13], $0x400  }
0x51: {  	p0 =	por $0x1, $0x1;
	[sflag:s13] =	ssyncset.done $0x0  }
0x52: {  	s9 =	simm.s32 @!p0 $0x3;
	[sflag:s13] =	ssyncadd.s32 $0xFFFFFC00  }
0x53: {  	_ =	swait.ge @!p0 [sflag:s9], $0x4000  }
0x54: {  	[sflag:s9] =	ssyncset.done @!p0 $0x0  }
0x55: {  	[sflag:s9] =	ssyncadd.s32 @!p0 $0xFFFFC000;
	s9 =	simm.s32 @!p0 $0x4  }
0x56: {  	_ =	swait.ge @!p0 [sflag:s9], $0x4000  }
0x57: {  	[sflag:s9] =	ssyncset.done @!p0 $0x0  }
0x58: {  	[sflag:s9] =	ssyncadd.s32 @!p0 $0xFFFFC000  }
0x59: {  	[tilespmem:s12], [sflag:$0x1] =	stream.indirect.gather [hbm4b:s4+s15], $0x80, s3, s15, $0xb8;
	[tilespmem:$0x1CC00] =	vst v63  }
0x5a: {  	_ = 	snop  }
0x5b: {  	[tilespmem:s16], [sflag:$0x2] =	stream.indirect.gather [hbm4b:s4+s15], $0x80, s15, s15, $0xb8;
	[tilespmem:$0x1CC00] =	vst v63  }
0x5c: {  	_ =	swait.ge [sflag:s17], $0x4000  }
0x5d: {  	[sflag:s17] =	ssyncset.done $0x0  }
0x5e: {  	[sflag:s17] =	ssyncadd.s32 $0xFFFFC000  }
0x5f: {  	[spmem:s2] =	stream.indirect.scatter.add.f32 [tilespmem:s12], [sflag:$0x3], $0x80, s14, s15, $0xb8;
	[tilespmem:$0x1CC00] =	vst v63  }
0x60: {  	_ =	swait.ge [sflag:s18], $0x4000  }
0x61: {  	[sflag:s18] =	ssyncset.done $0x0  }
0x62: {  	s11 =	rddreg [dreg:$0x6];
	[sflag:s18] =	ssyncadd.s32 $0xFFFFC000  }
0x63: {  	[tilespmem:s12], [sflag:$0x1] =	stream.indirect.gather [hbm4b:s4+s15], $0x80, s11, s15, $0xb8;
	[tilespmem:$0x1CC00] =	vst v63  }
0x64: {  	_ =	swait.ge [sflag:s19], $0x4000  }
0x65: {  	[sflag:s19] =	ssyncset.done $0x0  }
0x66: {  	s10 =	rddreg [dreg:$0x7];
	[sflag:s19] =	ssyncadd.s32 $0xFFFFC000  }
0x67: {  	[spmem:s2] =	stream.indirect.scatter.add.f32 [tilespmem:s16], [sflag:$0x4], $0x80, s10, s15, $0xb8;
	[tilespmem:$0x1CC00] =	vst v63  }
0x68: {  	_ =	swait.ge [sflag:s20], $0x4000  }
0x69: {  	[sflag:s20] =	ssyncset.done $0x0  }
0x6a: {  	s11 =	rddreg [dreg:$0x8];
	[sflag:s20] =	ssyncadd.s32 $0xFFFFC000  }
0x6b: {  	[tilespmem:s16], [sflag:$0x2] =	stream.indirect.gather [hbm4b:s4+s15], $0x80, s11, s15, $0xb8;
	[tilespmem:$0x1CC00] =	vst v63  }
0x6c: {  	_ =	swait.ge [sflag:s17], $0x4000  }
0x6d: {  	[sflag:s17] =	ssyncset.done $0x0  }
0x6e: {  	s10 =	rddreg [dreg:$0x9];
	[sflag:s17] =	ssyncadd.s32 $0xFFFFC000  }
0x6f: {  	[spmem:s2] =	stream.indirect.scatter.add.f32 [tilespmem:s12], [sflag:$0x3], $0x80, s10, s15, $0xb8;
	[tilespmem:$0x1CC00] =	vst v63  }
0x70: {  	_ =	swait.ge [sflag:s18], $0x4000  }
0x71: {  	[sflag:s18] =	ssyncset.done $0x0  }
0x72: {  	s11 =	rddreg [dreg:$0xa];
	[sflag:s18] =	ssyncadd.s32 $0xFFFFC000  }
0x73: {  	[tilespmem:s12], [sflag:$0x1] =	stream.indirect.gather [hbm4b:s4+s15], $0x80, s11, s15, $0xb8;
	[tilespmem:$0x1CC00] =	vst v63  }
0x74: {  	_ =	swait.ge [sflag:s19], $0x4000  }
0x75: {  	[sflag:s19] =	ssyncset.done $0x0  }
0x76: {  	s10 =	rddreg [dreg:$0xb];
	[sflag:s19] =	ssyncadd.s32 $0xFFFFC000  }
0x77: {  	[spmem:s2] =	stream.indirect.scatter.add.f32 [tilespmem:s16], [sflag:$0x4], $0x80, s10, s15, $0xb8;
	[tilespmem:$0x1CC00] =	vst v63  }
0x78: {  	_ =	swait.ge [sflag:s20], $0x4000  }
0x79: {  	[sflag:s20] =	ssyncset.done $0x0  }
0x7a: {  	s11 =	rddreg [dreg:$0xc];
	[sflag:s20] =	ssyncadd.s32 $0xFFFFC000  }
0x7b: {  	[tilespmem:s16], [sflag:$0x2] =	stream.indirect.gather [hbm4b:s4+s15], $0x80, s11, s15, $0xb8;
	[tilespmem:$0x1CC00] =	vst v63  }
0x7c: {  	_ =	swait.ge [sflag:s17], $0x4000  }
0x7d: {  	[sflag:s17] =	ssyncset.done $0x0  }
0x7e: {  	s10 =	rddreg [dreg:$0xd];
	[sflag:s17] =	ssyncadd.s32 $0xFFFFC000  }
0x7f: {  	[spmem:s2] =	stream.indirect.scatter.add.f32 [tilespmem:s12], [sflag:$0x3], $0x80, s10, s15, $0xb8;
	[tilespmem:$0x1CC00] =	vst v63  }
0x80: {  	_ =	swait.ge [sflag:s18], $0x4000  }
0x81: {  	[sflag:s18] =	ssyncset.done $0x0  }
0x82: {  	s11 =	rddreg [dreg:$0xe];
	[sflag:s18] =	ssyncadd.s32 $0xFFFFC000  }
0x83: {  	[tilespmem:s12], [sflag:$0x1] =	stream.indirect.gather [hbm4b:s4+s15], $0x80, s11, s15, $0xb8;
	[tilespmem:$0x1CC00] =	vst v63  }
0x84: {  	_ =	swait.ge [sflag:s19], $0x4000  }
0x85: {  	[sflag:s19] =	ssyncset.done $0x0  }
0x86: {  	s10 =	rddreg [dreg:$0xf];
	[sflag:s19] =	ssyncadd.s32 $0xFFFFC000  }
0x87: {  	[spmem:s2] =	stream.indirect.scatter.add.f32 [tilespmem:s16], [sflag:$0x4], $0x80, s10, s15, $0xb8;
	[tilespmem:$0x1CC00] =	vst v63  }
0x88: {  	_ =	swait.ge [sflag:s20], $0x4000  }
0x89: {  	[sflag:s20] =	ssyncset.done $0x0  }
0x8a: {  	s11 =	rddreg [dreg:$0x10];
	[sflag:s20] =	ssyncadd.s32 $0xFFFFC000  }
0x8b: {  	[tilespmem:s16], [sflag:$0x2] =	stream.indirect.gather [hbm4b:s4+s15], $0x80, s11, s15, $0xb8;
	[tilespmem:$0x1CC00] =	vst v63  }
0x8c: {  	s8 =	sadd.s32 $0x80, s8  }
0x8d: {  	[tilespmem:s21], [sflag:$0x5] =	stream.linear.gather [hbm4b:s8+s3], $0x400, $0x38;
	[tilespmem:$0x1CC00] =	vst v63  }
0x8e: {  	_ =	swait.ge [sflag:s13], $0x400  }
0x8f: {  	[sflag:s13] =	ssyncset.done $0x0  }
0x90: {  	[sflag:s13] =	ssyncadd.s32 $0xFFFFFC00  }
0x91: {  	_ =	swait.ge [sflag:s17], $0x4000  }
0x92: {  	[sflag:s17] =	ssyncset.done $0x0  }
0x93: {  	s10 =	rddreg [dreg:$0x11];
	[sflag:s17] =	ssyncadd.s32 $0xFFFFC000  }
0x94: {  	[spmem:s2] =	stream.indirect.scatter.add.f32 [tilespmem:s12], [sflag:$0x3], $0x80, s10, s15, $0xb8;
	[tilespmem:$0x1CC00] =	vst v63  }
0x95: {  	_ =	swait.ge [sflag:s18], $0x4000  }
0x96: {  	[sflag:s18] =	ssyncset.done $0x0  }
0x97: {  	s11 =	rddreg [dreg:$0x12];
	[sflag:s18] =	ssyncadd.s32 $0xFFFFC000  }
0x98: {  	[tilespmem:s12], [sflag:$0x1] =	stream.indirect.gather [hbm4b:s4+s15], $0x80, s11, s15, $0xb8;
	[tilespmem:$0x1CC00] =	vst v63  }
0x99: {  	_ =	swait.ge [sflag:s19], $0x4000  }
0x9a: {  	[sflag:s19] =	ssyncset.done $0x0  }
0x9b: {  	s9 =	rddreg [dreg:$0x13];
	[sflag:s19] =	ssyncadd.s32 $0xFFFFC000  }
0x9c: {  	[spmem:s2] =	stream.indirect.scatter.add.f32 [tilespmem:s16], [sflag:$0x4], $0x80, s9, s15, $0xb8;
	[tilespmem:$0x1CC00] =	vst v63  }
0x9d: {  	_ =	swait.ge [sflag:s20], $0x4000  }
0x9e: {  	[sflag:s20] =	ssyncset.done $0x0  }
0x9f: {  	s10 =	rddreg [dreg:$0x14];
	[sflag:s20] =	ssyncadd.s32 $0xFFFFC000  }
0xa0: {  	[tilespmem:s16], [sflag:$0x2] =	stream.indirect.gather [hbm4b:s4+s15], $0x80, s10, s15, $0xb8;
	[tilespmem:$0x1CC00] =	vst v63  }
0xa1: {  	_ =	swait.ge [sflag:s17], $0x4000  }
0xa2: {  	[sflag:s17] =	ssyncset.done $0x0  }
0xa3: {  	[sflag:s17] =	ssyncadd.s32 $0xFFFFC000  }
0xa4: {  	[spmem:s2] =	stream.indirect.scatter.add.f32 [tilespmem:s12], [sflag:$0x3], $0x80, s21, s15, $0xb8;
	[tilespmem:$0x1CC00] =	vst v63  }
0xa5: {  	_ =	swait.ge [sflag:s18], $0x4000  }
0xa6: {  	[sflag:s18] =	ssyncset.done $0x0  }
0xa7: {  	s11 =	rddreg [dreg:$0x15];
	[sflag:s18] =	ssyncadd.s32 $0xFFFFC000  }
0xa8: {  	[tilespmem:s12], [sflag:$0x1] =	stream.indirect.gather [hbm4b:s4+s15], $0x80, s11, s15, $0xb8;
	[tilespmem:$0x1CC00] =	vst v63  }
0xa9: {  	_ =	swait.ge [sflag:s19], $0x4000  }
0xaa: {  	[sflag:s19] =	ssyncset.done $0x0  }
0xab: {  	[sflag:s19] =	ssyncadd.s32 $0xFFFFC000  }
0xac: {  	[spmem:s2] =	stream.indirect.scatter.add.f32 [tilespmem:s16], [sflag:$0x4], $0x80, s22, s15, $0xb8;
	[tilespmem:$0x1CC00] =	vst v63  }
0xad: {  	_ =	swait.ge [sflag:s20], $0x4000  }
0xae: {  	[sflag:s20] =	ssyncset.done $0x0  }
0xaf: {  	[sflag:s20] =	ssyncadd.s32 $0xFFFFC000  }
0xb0: {  	[tilespmem:s16], [sflag:$0x2] =	stream.indirect.gather [hbm4b:s4+s15], $0x80, s23, s15, $0xb8;
	[tilespmem:$0x1CC00] =	vst v63  }
0xb1: {  	_ =	swait.ge [sflag:s17], $0x4000  }
0xb2: {  	[sflag:s17] =	ssyncset.done $0x0  }
0xb3: {  	[sflag:s17] =	ssyncadd.s32 $0xFFFFC000  }
0xb4: {  	[spmem:s2] =	stream.indirect.scatter.add.f32 [tilespmem:s12], [sflag:$0x3], $0x80, s24, s15, $0xb8;
	[tilespmem:$0x1CC00] =	vst v63  }
0xb5: {  	_ =	swait.ge [sflag:s18], $0x4000  }
0xb6: {  	[sflag:s18] =	ssyncset.done $0x0  }
0xb7: {  	[sflag:s18] =	ssyncadd.s32 $0xFFFFC000  }
0xb8: {  	[tilespmem:s12], [sflag:$0x1] =	stream.indirect.gather [hbm4b:s4+s15], $0x80, s25, s15, $0xb8;
	[tilespmem:$0x1CC00] =	vst v63  }
0xb9: {  	_ =	swait.ge [sflag:s19], $0x4000  }
0xba: {  	[sflag:s19] =	ssyncset.done $0x0  }
0xbb: {  	[sflag:s19] =	ssyncadd.s32 $0xFFFFC000  }
0xbc: {  	[spmem:s2] =	stream.indirect.scatter.add.f32 [tilespmem:s16], [sflag:$0x4], $0x80, s26, s15, $0xb8;
	[tilespmem:$0x1CC00] =	vst v63  }
0xbd: {  	_ =	swait.ge [sflag:s20], $0x4000  }
0xbe: {  	[sflag:s20] =	ssyncset.done $0x0  }
0xbf: {  	[sflag:s20] =	ssyncadd.s32 $0xFFFFC000  }
0xc0: {  	[tilespmem:s16], [sflag:$0x2] =	stream.indirect.gather [hbm4b:s4+s15], $0x80, s28, s15, $0xb8;
	[tilespmem:$0x1CC00] =	vst v63  }
0xc1: {  	_ =	swait.ge [sflag:s17], $0x4000  }
0xc2: {  	[sflag:s17] =	ssyncset.done $0x0  }
0xc3: {  	[sflag:s17] =	ssyncadd.s32 $0xFFFFC000  }
0xc4: {  	[spmem:s2] =	stream.indirect.scatter.add.f32 [tilespmem:s12], [sflag:$0x3], $0x80, s29, s15, $0xb8;
	[tilespmem:$0x1CC00] =	vst v63  }
0xc5: {  	_ =	swait.ge [sflag:s18], $0x4000  }
0xc6: {  	[sflag:s18] =	ssyncset.done $0x0  }
0xc7: {  	[sflag:s18] =	ssyncadd.s32 $0xFFFFC000  }
0xc8: {  	[tilespmem:s12], [sflag:$0x1] =	stream.indirect.gather [hbm4b:s4+s15], $0x80, s30, s15, $0xb8;
	[tilespmem:$0x1CC00] =	vst v63  }
0xc9: {  	_ =	swait.ge [sflag:s19], $0x4000  }
0xca: {  	[sflag:s19] =	ssyncset.done $0x0  }
0xcb: {  	[sflag:s19] =	ssyncadd.s32 $0xFFFFC000  }
0xcc: {  	[spmem:s2] =	stream.indirect.scatter.add.f32 [tilespmem:s16], [sflag:$0x4], $0x80, s31, s15, $0xb8;
	[tilespmem:$0x1CC00] =	vst v63  }
0xcd: {  	_ =	swait.ge [sflag:s20], $0x4000  }
0xce: {  	[sflag:s20] =	ssyncset.done $0x0  }
0xcf: {  	[sflag:s20] =	ssyncadd.s32 $0xFFFFC000  }
0xd0: {  	[tilespmem:s16], [sflag:$0x2] =	stream.indirect.gather [hbm4b:s4+s15], $0x80, s0, s15, $0xb8;
	[tilespmem:$0x1CC00] =	vst v63  }
0xd1: {  	_ =	swait.ge [sflag:s17], $0x4000  }
0xd2: {  	[sflag:s17] =	ssyncset.done $0x0  }
0xd3: {  	[sflag:s17] =	ssyncadd.s32 $0xFFFFC000  }
0xd4: {  	[spmem:s2] =	stream.indirect.scatter.add.f32 [tilespmem:s12], [sflag:$0x3], $0x80, s1, s15, $0xb8;
	[tilespmem:$0x1CC00] =	vst v63  }
0xd5: {  	_ =	swait.ge [sflag:s19], $0x4000  }
0xd6: {  	s8 =	simm.s32 $0x100;
	[sflag:s19] =	ssyncset.done $0x0  }
0xd7: {  	s9 =	simm.s32 $0x200;
	s10 =	rddreg [dreg:$0x5];
	[sflag:s19] =	ssyncadd.s32 $0xFFFFC000  }
.LBB2_4:
0xd8: {  	[spmem:s2] =	stream.indirect.scatter.add.f32 [tilespmem:s16], [sflag:$0x4], $0x80, s6, s15, $0xb8;
	[tilespmem:$0x1CC00] =	vst v63  }
0xd9: {  	s10 =	sadd.s32 s8, s10  }
0xda: {  	[tilespmem:s3], [sflag:$0x5] =	stream.linear.gather [hbm4b:s10+s3], $0x800, $0x38;
	[tilespmem:$0x1CC00] =	vst v63  }
0xdb: {  	_ =	swait.ge [sflag:s13], $0x800  }
0xdc: {  	s10 =	rddreg [dreg:$0x4];
	[sflag:s13] =	ssyncset.done $0x0  }
0xdd: {  	[sflag:s13] =	ssyncadd.s32 $0xFFFFF800;
	s10 =	sadd.s32 s8, s10  }
0xde: {  	[tilespmem:s14], [sflag:$0x5] =	stream.linear.gather [hbm4b:s10+s3], $0x400, $0x38;
	[tilespmem:$0x1CC00] =	vst v63  }
0xdf: {  	_ =	swait.ge [sflag:s13], $0x400  }
0xe0: {  	s11 =	smov.u32 s9;
	p1 =	seq.s32 s8, $0x0;
	[sflag:s13] =	ssyncset.done $0x0  }
0xe1: {  	s8 =	smov.u32 s11;
	s11 =	simm.s32 @!p1 $0x3;
	[sflag:s13] =	ssyncadd.s32 $0xFFFFFC00  }
0xe2: {  	_ =	swait.ge @!p1 [sflag:s11], $0x4000  }
0xe3: {  	[sflag:s11] =	ssyncset.done @!p1 $0x0  }
0xe4: {  	[sflag:s11] =	ssyncadd.s32 @!p1 $0xFFFFC000;
	s11 =	simm.s32 @!p1 $0x4  }
0xe5: {  	_ =	swait.ge @!p1 [sflag:s11], $0x4000  }
0xe6: {  	[sflag:s11] =	ssyncset.done @!p1 $0x0  }
0xe7: {  	[sflag:s11] =	ssyncadd.s32 @!p1 $0xFFFFC000  }
0xe8: {  	[tilespmem:s12], [sflag:$0x1] =	stream.indirect.gather [hbm4b:s4+s15], $0x80, s3, s15, $0xb8;
	[tilespmem:$0x1CC00] =	vst v63  }
0xe9: {  	_ = 	snop  }
0xea: {  	[tilespmem:s16], [sflag:$0x2] =	stream.indirect.gather [hbm4b:s4+s15], $0x80, s15, s15, $0xb8;
	[tilespmem:$0x1CC00] =	vst v63  }
0xeb: {  	_ =	swait.ge [sflag:s17], $0x4000  }
0xec: {  	[sflag:s17] =	ssyncset.done $0x0  }
0xed: {  	[sflag:s17] =	ssyncadd.s32 $0xFFFFC000  }
0xee: {  	[spmem:s2] =	stream.indirect.scatter.add.f32 [tilespmem:s12], [sflag:$0x3], $0x80, s14, s15, $0xb8;
	[tilespmem:$0x1CC00] =	vst v63  }
0xef: {  	_ =	swait.ge [sflag:s18], $0x4000  }
0xf0: {  	[sflag:s18] =	ssyncset.done $0x0  }
0xf1: {  	s11 =	rddreg [dreg:$0x6];
	[sflag:s18] =	ssyncadd.s32 $0xFFFFC000  }
0xf2: {  	[tilespmem:s12], [sflag:$0x1] =	stream.indirect.gather [hbm4b:s4+s15], $0x80, s11, s15, $0xb8;
	[tilespmem:$0x1CC00] =	vst v63  }
0xf3: {  	_ =	swait.ge [sflag:s19], $0x4000  }
0xf4: {  	[sflag:s19] =	ssyncset.done $0x0  }
0xf5: {  	s11 =	rddreg [dreg:$0x7];
	[sflag:s19] =	ssyncadd.s32 $0xFFFFC000  }
0xf6: {  	[spmem:s2] =	stream.indirect.scatter.add.f32 [tilespmem:s16], [sflag:$0x4], $0x80, s11, s15, $0xb8;
	[tilespmem:$0x1CC00] =	vst v63  }
0xf7: {  	_ =	swait.ge [sflag:s20], $0x4000  }
0xf8: {  	[sflag:s20] =	ssyncset.done $0x0  }
0xf9: {  	s11 =	rddreg [dreg:$0x8];
	[sflag:s20] =	ssyncadd.s32 $0xFFFFC000  }
0xfa: {  	[tilespmem:s16], [sflag:$0x2] =	stream.indirect.gather [hbm4b:s4+s15], $0x80, s11, s15, $0xb8;
	[tilespmem:$0x1CC00] =	vst v63  }
0xfb: {  	_ =	swait.ge [sflag:s17], $0x4000  }
0xfc: {  	[sflag:s17] =	ssyncset.done $0x0  }
0xfd: {  	s11 =	rddreg [dreg:$0x9];
	[sflag:s17] =	ssyncadd.s32 $0xFFFFC000  }
0xfe: {  	[spmem:s2] =	stream.indirect.scatter.add.f32 [tilespmem:s12], [sflag:$0x3], $0x80, s11, s15, $0xb8;
	[tilespmem:$0x1CC00] =	vst v63  }
0xff: {  	_ =	swait.ge [sflag:s18], $0x4000  }
0x100: {  	[sflag:s18] =	ssyncset.done $0x0  }
0x101: {  	s11 =	rddreg [dreg:$0xa];
	[sflag:s18] =	ssyncadd.s32 $0xFFFFC000  }
0x102: {  	[tilespmem:s12], [sflag:$0x1] =	stream.indirect.gather [hbm4b:s4+s15], $0x80, s11, s15, $0xb8;
	[tilespmem:$0x1CC00] =	vst v63  }
0x103: {  	_ =	swait.ge [sflag:s19], $0x4000  }
0x104: {  	[sflag:s19] =	ssyncset.done $0x0  }
0x105: {  	s11 =	rddreg [dreg:$0xb];
	[sflag:s19] =	ssyncadd.s32 $0xFFFFC000  }
0x106: {  	[spmem:s2] =	stream.indirect.scatter.add.f32 [tilespmem:s16], [sflag:$0x4], $0x80, s11, s15, $0xb8;
	[tilespmem:$0x1CC00] =	vst v63  }
0x107: {  	_ =	swait.ge [sflag:s20], $0x4000  }
0x108: {  	[sflag:s20] =	ssyncset.done $0x0  }
0x109: {  	s11 =	rddreg [dreg:$0xc];
	[sflag:s20] =	ssyncadd.s32 $0xFFFFC000  }
0x10a: {  	[tilespmem:s16], [sflag:$0x2] =	stream.indirect.gather [hbm4b:s4+s15], $0x80, s11, s15, $0xb8;
	[tilespmem:$0x1CC00] =	vst v63  }
0x10b: {  	_ =	swait.ge [sflag:s17], $0x4000  }
0x10c: {  	[sflag:s17] =	ssyncset.done $0x0  }
0x10d: {  	s11 =	rddreg [dreg:$0xd];
	[sflag:s17] =	ssyncadd.s32 $0xFFFFC000  }
0x10e: {  	[spmem:s2] =	stream.indirect.scatter.add.f32 [tilespmem:s12], [sflag:$0x3], $0x80, s11, s15, $0xb8;
	[tilespmem:$0x1CC00] =	vst v63  }
0x10f: {  	_ =	swait.ge [sflag:s18], $0x4000  }
0x110: {  	[sflag:s18] =	ssyncset.done $0x0  }
0x111: {  	s11 =	rddreg [dreg:$0xe];
	[sflag:s18] =	ssyncadd.s32 $0xFFFFC000  }
0x112: {  	[tilespmem:s12], [sflag:$0x1] =	stream.indirect.gather [hbm4b:s4+s15], $0x80, s11, s15, $0xb8;
	[tilespmem:$0x1CC00] =	vst v63  }
0x113: {  	_ =	swait.ge [sflag:s19], $0x4000  }
0x114: {  	[sflag:s19] =	ssyncset.done $0x0  }
0x115: {  	s11 =	rddreg [dreg:$0xf];
	[sflag:s19] =	ssyncadd.s32 $0xFFFFC000  }
0x116: {  	[spmem:s2] =	stream.indirect.scatter.add.f32 [tilespmem:s16], [sflag:$0x4], $0x80, s11, s15, $0xb8;
	[tilespmem:$0x1CC00] =	vst v63  }
0x117: {  	_ =	swait.ge [sflag:s20], $0x4000  }
0x118: {  	[sflag:s20] =	ssyncset.done $0x0  }
0x119: {  	s11 =	rddreg [dreg:$0x10];
	[sflag:s20] =	ssyncadd.s32 $0xFFFFC000  }
0x11a: {  	[tilespmem:s16], [sflag:$0x2] =	stream.indirect.gather [hbm4b:s4+s15], $0x80, s11, s15, $0xb8;
	[tilespmem:$0x1CC00] =	vst v63  }
0x11b: {  	s10 =	sadd.s32 $0x80, s10  }
0x11c: {  	[tilespmem:s21], [sflag:$0x5] =	stream.linear.gather [hbm4b:s10+s3], $0x400, $0x38;
	[tilespmem:$0x1CC00] =	vst v63  }
0x11d: {  	_ =	swait.ge [sflag:s13], $0x400  }
0x11e: {  	[sflag:s13] =	ssyncset.done $0x0  }
0x11f: {  	[sflag:s13] =	ssyncadd.s32 $0xFFFFFC00  }
0x120: {  	_ =	swait.ge [sflag:s17], $0x4000  }
0x121: {  	[sflag:s17] =	ssyncset.done $0x0  }
0x122: {  	s11 =	rddreg [dreg:$0x11];
	[sflag:s17] =	ssyncadd.s32 $0xFFFFC000  }
0x123: {  	[spmem:s2] =	stream.indirect.scatter.add.f32 [tilespmem:s12], [sflag:$0x3], $0x80, s11, s15, $0xb8;
	[tilespmem:$0x1CC00] =	vst v63  }
0x124: {  	_ =	swait.ge [sflag:s18], $0x4000  }
0x125: {  	[sflag:s18] =	ssyncset.done $0x0  }
0x126: {  	s11 =	rddreg [dreg:$0x12];
	[sflag:s18] =	ssyncadd.s32 $0xFFFFC000  }
0x127: {  	[tilespmem:s12], [sflag:$0x1] =	stream.indirect.gather [hbm4b:s4+s15], $0x80, s11, s15, $0xb8;
	[tilespmem:$0x1CC00] =	vst v63  }
0x128: {  	_ =	swait.ge [sflag:s19], $0x4000  }
0x129: {  	[sflag:s19] =	ssyncset.done $0x0  }
0x12a: {  	s11 =	rddreg [dreg:$0x13];
	[sflag:s19] =	ssyncadd.s32 $0xFFFFC000  }
0x12b: {  	[spmem:s2] =	stream.indirect.scatter.add.f32 [tilespmem:s16], [sflag:$0x4], $0x80, s11, s15, $0xb8;
	[tilespmem:$0x1CC00] =	vst v63  }
0x12c: {  	_ =	swait.ge [sflag:s20], $0x4000  }
0x12d: {  	[sflag:s20] =	ssyncset.done $0x0  }
0x12e: {  	s11 =	rddreg [dreg:$0x14];
	[sflag:s20] =	ssyncadd.s32 $0xFFFFC000  }
0x12f: {  	[tilespmem:s16], [sflag:$0x2] =	stream.indirect.gather [hbm4b:s4+s15], $0x80, s11, s15, $0xb8;
	[tilespmem:$0x1CC00] =	vst v63  }
0x130: {  	_ =	swait.ge [sflag:s17], $0x4000  }
0x131: {  	[sflag:s17] =	ssyncset.done $0x0  }
0x132: {  	[sflag:s17] =	ssyncadd.s32 $0xFFFFC000  }
0x133: {  	[spmem:s2] =	stream.indirect.scatter.add.f32 [tilespmem:s12], [sflag:$0x3], $0x80, s21, s15, $0xb8;
	[tilespmem:$0x1CC00] =	vst v63  }
0x134: {  	_ =	swait.ge [sflag:s18], $0x4000  }
0x135: {  	[sflag:s18] =	ssyncset.done $0x0  }
0x136: {  	s11 =	rddreg [dreg:$0x15];
	[sflag:s18] =	ssyncadd.s32 $0xFFFFC000  }
0x137: {  	[tilespmem:s12], [sflag:$0x1] =	stream.indirect.gather [hbm4b:s4+s15], $0x80, s11, s15, $0xb8;
	[tilespmem:$0x1CC00] =	vst v63  }
0x138: {  	_ =	swait.ge [sflag:s19], $0x4000  }
0x139: {  	[sflag:s19] =	ssyncset.done $0x0  }
0x13a: {  	[sflag:s19] =	ssyncadd.s32 $0xFFFFC000  }
0x13b: {  	[spmem:s2] =	stream.indirect.scatter.add.f32 [tilespmem:s16], [sflag:$0x4], $0x80, s22, s15, $0xb8;
	[tilespmem:$0x1CC00] =	vst v63  }
0x13c: {  	_ =	swait.ge [sflag:s20], $0x4000  }
0x13d: {  	[sflag:s20] =	ssyncset.done $0x0  }
0x13e: {  	[sflag:s20] =	ssyncadd.s32 $0xFFFFC000  }
0x13f: {  	[tilespmem:s16], [sflag:$0x2] =	stream.indirect.gather [hbm4b:s4+s15], $0x80, s23, s15, $0xb8;
	[tilespmem:$0x1CC00] =	vst v63  }
0x140: {  	_ =	swait.ge [sflag:s17], $0x4000  }
0x141: {  	[sflag:s17] =	ssyncset.done $0x0  }
0x142: {  	[sflag:s17] =	ssyncadd.s32 $0xFFFFC000  }
0x143: {  	[spmem:s2] =	stream.indirect.scatter.add.f32 [tilespmem:s12], [sflag:$0x3], $0x80, s24, s15, $0xb8;
	[tilespmem:$0x1CC00] =	vst v63  }
0x144: {  	_ =	swait.ge [sflag:s18], $0x4000  }
0x145: {  	[sflag:s18] =	ssyncset.done $0x0  }
0x146: {  	[sflag:s18] =	ssyncadd.s32 $0xFFFFC000  }
0x147: {  	[tilespmem:s12], [sflag:$0x1] =	stream.indirect.gather [hbm4b:s4+s15], $0x80, s25, s15, $0xb8;
	[tilespmem:$0x1CC00] =	vst v63  }
0x148: {  	_ =	swait.ge [sflag:s19], $0x4000  }
0x149: {  	[sflag:s19] =	ssyncset.done $0x0  }
0x14a: {  	[sflag:s19] =	ssyncadd.s32 $0xFFFFC000  }
0x14b: {  	[spmem:s2] =	stream.indirect.scatter.add.f32 [tilespmem:s16], [sflag:$0x4], $0x80, s26, s15, $0xb8;
	[tilespmem:$0x1CC00] =	vst v63  }
0x14c: {  	_ =	swait.ge [sflag:s20], $0x4000  }
0x14d: {  	[sflag:s20] =	ssyncset.done $0x0  }
0x14e: {  	[sflag:s20] =	ssyncadd.s32 $0xFFFFC000  }
0x14f: {  	[tilespmem:s16], [sflag:$0x2] =	stream.indirect.gather [hbm4b:s4+s15], $0x80, s28, s15, $0xb8;
	[tilespmem:$0x1CC00] =	vst v63  }
0x150: {  	_ =	swait.ge [sflag:s17], $0x4000  }
0x151: {  	[sflag:s17] =	ssyncset.done $0x0  }
0x152: {  	[sflag:s17] =	ssyncadd.s32 $0xFFFFC000  }
0x153: {  	[spmem:s2] =	stream.indirect.scatter.add.f32 [tilespmem:s12], [sflag:$0x3], $0x80, s29, s15, $0xb8;
	[tilespmem:$0x1CC00] =	vst v63  }
0x154: {  	_ =	swait.ge [sflag:s18], $0x4000  }
0x155: {  	[sflag:s18] =	ssyncset.done $0x0  }
0x156: {  	[sflag:s18] =	ssyncadd.s32 $0xFFFFC000  }
0x157: {  	[tilespmem:s12], [sflag:$0x1] =	stream.indirect.gather [hbm4b:s4+s15], $0x80, s30, s15, $0xb8;
	[tilespmem:$0x1CC00] =	vst v63  }
0x158: {  	_ =	swait.ge [sflag:s19], $0x4000  }
0x159: {  	[sflag:s19] =	ssyncset.done $0x0  }
0x15a: {  	[sflag:s19] =	ssyncadd.s32 $0xFFFFC000  }
0x15b: {  	[spmem:s2] =	stream.indirect.scatter.add.f32 [tilespmem:s16], [sflag:$0x4], $0x80, s31, s15, $0xb8;
	[tilespmem:$0x1CC00] =	vst v63  }
0x15c: {  	_ =	swait.ge [sflag:s20], $0x4000  }
0x15d: {  	[sflag:s20] =	ssyncset.done $0x0  }
0x15e: {  	[sflag:s20] =	ssyncadd.s32 $0xFFFFC000  }
0x15f: {  	[tilespmem:s16], [sflag:$0x2] =	stream.indirect.gather [hbm4b:s4+s15], $0x80, s0, s15, $0xb8;
	[tilespmem:$0x1CC00] =	vst v63  }
0x160: {  	s9 =	sadd.s32 $0x100, s9;
	_ =	swait.ge [sflag:s17], $0x4000  }
0x161: {  	p0 =	sne.s32 s9, $0x500;
	[sflag:s17] =	ssyncset.done $0x0  }
.Ltmp1:
0x162: {  	[sflag:s17] =	ssyncadd.s32 $0xFFFFC000;
	(pc) =	sbr.rel @p0 .LBB2_4-.Ltmp1, $4  }
0x163: {  	[spmem:s2] =	stream.indirect.scatter.add.f32 [tilespmem:s12], [sflag:$0x3], $0x80, s1, s15, $0xb8;
	[tilespmem:$0x1CC00] =	vst v63  }
0x164: {  	_ =	swait.ge [sflag:s19], $0x4000  }
0x165: {  	[sflag:s19] =	ssyncset.done $0x0  }
0x166: {  	s10 =	rddreg [dreg:$0x5];
	[sflag:s19] =	ssyncadd.s32 $0xFFFFC000  }
0x167: {  	[spmem:s2] =	stream.indirect.scatter.add.f32 [tilespmem:s16], [sflag:$0x4], $0x80, s6, s15, $0xb8;
	[tilespmem:$0x1CC00] =	vst v63  }
0x168: {  	s9 =	sadd.s32 s8, s10  }
0x169: {  	[tilespmem:s3], [sflag:$0x5] =	stream.linear.gather [hbm4b:s9+s3], $0x800, $0x38;
	[tilespmem:$0x1CC00] =	vst v63  }
0x16a: {  	_ =	swait.ge [sflag:s13], $0x800  }
0x16b: {  	s10 =	rddreg [dreg:$0x4];
	[sflag:s13] =	ssyncset.done $0x0  }
0x16c: {  	[sflag:s13] =	ssyncadd.s32 $0xFFFFF800;
	s9 =	sadd.s32 s8, s10  }
0x16d: {  	[tilespmem:s14], [sflag:$0x5] =	stream.linear.gather [hbm4b:s9+s3], $0x400, $0x38;
	[tilespmem:$0x1CC00] =	vst v63  }
0x16e: {  	_ =	swait.ge [sflag:s13], $0x400  }
0x16f: {  	p0 =	seq.s32 s8, $0x0;
	[sflag:s13] =	ssyncset.done $0x0  }
0x170: {  	s8 =	simm.s32 @!p0 $0x3;
	[sflag:s13] =	ssyncadd.s32 $0xFFFFFC00  }
0x171: {  	_ =	swait.ge @!p0 [sflag:s8], $0x4000  }
0x172: {  	[sflag:s8] =	ssyncset.done @!p0 $0x0  }
0x173: {  	[sflag:s8] =	ssyncadd.s32 @!p0 $0xFFFFC000;
	s8 =	simm.s32 @!p0 $0x4  }
0x174: {  	_ =	swait.ge @!p0 [sflag:s8], $0x4000  }
0x175: {  	[sflag:s8] =	ssyncset.done @!p0 $0x0  }
0x176: {  	[sflag:s8] =	ssyncadd.s32 @!p0 $0xFFFFC000  }
0x177: {  	[tilespmem:s12], [sflag:$0x1] =	stream.indirect.gather [hbm4b:s4+s15], $0x80, s3, s15, $0xb8;
	[tilespmem:$0x1CC00] =	vst v63  }
0x178: {  	_ = 	snop  }
0x179: {  	[tilespmem:s16], [sflag:$0x2] =	stream.indirect.gather [hbm4b:s4+s15], $0x80, s15, s15, $0xb8;
	[tilespmem:$0x1CC00] =	vst v63  }
0x17a: {  	_ =	swait.ge [sflag:s17], $0x4000  }
0x17b: {  	[sflag:s17] =	ssyncset.done $0x0  }
0x17c: {  	[sflag:s17] =	ssyncadd.s32 $0xFFFFC000  }
0x17d: {  	[spmem:s2] =	stream.indirect.scatter.add.f32 [tilespmem:s12], [sflag:$0x3], $0x80, s14, s15, $0xb8;
	[tilespmem:$0x1CC00] =	vst v63  }
0x17e: {  	_ =	swait.ge [sflag:s18], $0x4000  }
0x17f: {  	[sflag:s18] =	ssyncset.done $0x0  }
0x180: {  	s11 =	rddreg [dreg:$0x6];
	[sflag:s18] =	ssyncadd.s32 $0xFFFFC000  }
0x181: {  	[tilespmem:s12], [sflag:$0x1] =	stream.indirect.gather [hbm4b:s4+s15], $0x80, s11, s15, $0xb8;
	[tilespmem:$0x1CC00] =	vst v63  }
0x182: {  	_ =	swait.ge [sflag:s19], $0x4000  }
0x183: {  	[sflag:s19] =	ssyncset.done $0x0  }
0x184: {  	s10 =	rddreg [dreg:$0x7];
	[sflag:s19] =	ssyncadd.s32 $0xFFFFC000  }
0x185: {  	[spmem:s2] =	stream.indirect.scatter.add.f32 [tilespmem:s16], [sflag:$0x4], $0x80, s10, s15, $0xb8;
	[tilespmem:$0x1CC00] =	vst v63  }
0x186: {  	_ =	swait.ge [sflag:s20], $0x4000  }
0x187: {  	[sflag:s20] =	ssyncset.done $0x0  }
0x188: {  	s11 =	rddreg [dreg:$0x8];
	[sflag:s20] =	ssyncadd.s32 $0xFFFFC000  }
0x189: {  	[tilespmem:s16], [sflag:$0x2] =	stream.indirect.gather [hbm4b:s4+s15], $0x80, s11, s15, $0xb8;
	[tilespmem:$0x1CC00] =	vst v63  }
0x18a: {  	_ =	swait.ge [sflag:s17], $0x4000  }
0x18b: {  	[sflag:s17] =	ssyncset.done $0x0  }
0x18c: {  	s10 =	rddreg [dreg:$0x9];
	[sflag:s17] =	ssyncadd.s32 $0xFFFFC000  }
0x18d: {  	[spmem:s2] =	stream.indirect.scatter.add.f32 [tilespmem:s12], [sflag:$0x3], $0x80, s10, s15, $0xb8;
	[tilespmem:$0x1CC00] =	vst v63  }
0x18e: {  	_ =	swait.ge [sflag:s18], $0x4000  }
0x18f: {  	[sflag:s18] =	ssyncset.done $0x0  }
0x190: {  	s11 =	rddreg [dreg:$0xa];
	[sflag:s18] =	ssyncadd.s32 $0xFFFFC000  }
0x191: {  	[tilespmem:s12], [sflag:$0x1] =	stream.indirect.gather [hbm4b:s4+s15], $0x80, s11, s15, $0xb8;
	[tilespmem:$0x1CC00] =	vst v63  }
0x192: {  	_ =	swait.ge [sflag:s19], $0x4000  }
0x193: {  	[sflag:s19] =	ssyncset.done $0x0  }
0x194: {  	s10 =	rddreg [dreg:$0xb];
	[sflag:s19] =	ssyncadd.s32 $0xFFFFC000  }
0x195: {  	[spmem:s2] =	stream.indirect.scatter.add.f32 [tilespmem:s16], [sflag:$0x4], $0x80, s10, s15, $0xb8;
	[tilespmem:$0x1CC00] =	vst v63  }
0x196: {  	_ =	swait.ge [sflag:s20], $0x4000  }
0x197: {  	[sflag:s20] =	ssyncset.done $0x0  }
0x198: {  	s11 =	rddreg [dreg:$0xc];
	[sflag:s20] =	ssyncadd.s32 $0xFFFFC000  }
0x199: {  	[tilespmem:s16], [sflag:$0x2] =	stream.indirect.gather [hbm4b:s4+s15], $0x80, s11, s15, $0xb8;
	[tilespmem:$0x1CC00] =	vst v63  }
0x19a: {  	_ =	swait.ge [sflag:s17], $0x4000  }
0x19b: {  	[sflag:s17] =	ssyncset.done $0x0  }
0x19c: {  	s10 =	rddreg [dreg:$0xd];
	[sflag:s17] =	ssyncadd.s32 $0xFFFFC000  }
0x19d: {  	[spmem:s2] =	stream.indirect.scatter.add.f32 [tilespmem:s12], [sflag:$0x3], $0x80, s10, s15, $0xb8;
	[tilespmem:$0x1CC00] =	vst v63  }
0x19e: {  	_ =	swait.ge [sflag:s18], $0x4000  }
0x19f: {  	[sflag:s18] =	ssyncset.done $0x0  }
0x1a0: {  	s11 =	rddreg [dreg:$0xe];
	[sflag:s18] =	ssyncadd.s32 $0xFFFFC000  }
0x1a1: {  	[tilespmem:s12], [sflag:$0x1] =	stream.indirect.gather [hbm4b:s4+s15], $0x80, s11, s15, $0xb8;
	[tilespmem:$0x1CC00] =	vst v63  }
0x1a2: {  	_ =	swait.ge [sflag:s19], $0x4000  }
0x1a3: {  	[sflag:s19] =	ssyncset.done $0x0  }
0x1a4: {  	s10 =	rddreg [dreg:$0xf];
	[sflag:s19] =	ssyncadd.s32 $0xFFFFC000  }
0x1a5: {  	[spmem:s2] =	stream.indirect.scatter.add.f32 [tilespmem:s16], [sflag:$0x4], $0x80, s10, s15, $0xb8;
	[tilespmem:$0x1CC00] =	vst v63  }
0x1a6: {  	_ =	swait.ge [sflag:s20], $0x4000  }
0x1a7: {  	[sflag:s20] =	ssyncset.done $0x0  }
0x1a8: {  	s11 =	rddreg [dreg:$0x10];
	[sflag:s20] =	ssyncadd.s32 $0xFFFFC000  }
0x1a9: {  	[tilespmem:s16], [sflag:$0x2] =	stream.indirect.gather [hbm4b:s4+s15], $0x80, s11, s15, $0xb8;
	[tilespmem:$0x1CC00] =	vst v63  }
0x1aa: {  	s9 =	sadd.s32 $0x80, s9  }
0x1ab: {  	[tilespmem:s21], [sflag:$0x5] =	stream.linear.gather [hbm4b:s9+s3], $0x400, $0x38;
	[tilespmem:$0x1CC00] =	vst v63  }
0x1ac: {  	_ =	swait.ge [sflag:s13], $0x400  }
0x1ad: {  	[sflag:s13] =	ssyncset.done $0x0  }
0x1ae: {  	[sflag:s13] =	ssyncadd.s32 $0xFFFFFC00  }
0x1af: {  	_ =	swait.ge [sflag:s17], $0x4000  }
0x1b0: {  	[sflag:s17] =	ssyncset.done $0x0  }
0x1b1: {  	s10 =	rddreg [dreg:$0x11];
	[sflag:s17] =	ssyncadd.s32 $0xFFFFC000  }
0x1b2: {  	[spmem:s2] =	stream.indirect.scatter.add.f32 [tilespmem:s12], [sflag:$0x3], $0x80, s10, s15, $0xb8;
	[tilespmem:$0x1CC00] =	vst v63  }
0x1b3: {  	_ =	swait.ge [sflag:s18], $0x4000  }
0x1b4: {  	[sflag:s18] =	ssyncset.done $0x0  }
0x1b5: {  	s11 =	rddreg [dreg:$0x12];
	[sflag:s18] =	ssyncadd.s32 $0xFFFFC000  }
0x1b6: {  	[tilespmem:s12], [sflag:$0x1] =	stream.indirect.gather [hbm4b:s4+s15], $0x80, s11, s15, $0xb8;
	[tilespmem:$0x1CC00] =	vst v63  }
0x1b7: {  	_ =	swait.ge [sflag:s19], $0x4000  }
0x1b8: {  	[sflag:s19] =	ssyncset.done $0x0  }
0x1b9: {  	s9 =	rddreg [dreg:$0x13];
	[sflag:s19] =	ssyncadd.s32 $0xFFFFC000  }
0x1ba: {  	[spmem:s2] =	stream.indirect.scatter.add.f32 [tilespmem:s16], [sflag:$0x4], $0x80, s9, s15, $0xb8;
	[tilespmem:$0x1CC00] =	vst v63  }
0x1bb: {  	_ =	swait.ge [sflag:s20], $0x4000  }
0x1bc: {  	[sflag:s20] =	ssyncset.done $0x0  }
0x1bd: {  	s10 =	rddreg [dreg:$0x14];
	[sflag:s20] =	ssyncadd.s32 $0xFFFFC000  }
0x1be: {  	[tilespmem:s16], [sflag:$0x2] =	stream.indirect.gather [hbm4b:s4+s15], $0x80, s10, s15, $0xb8;
	[tilespmem:$0x1CC00] =	vst v63  }
0x1bf: {  	_ =	swait.ge [sflag:s17], $0x4000  }
0x1c0: {  	[sflag:s17] =	ssyncset.done $0x0  }
0x1c1: {  	[sflag:s17] =	ssyncadd.s32 $0xFFFFC000  }
0x1c2: {  	[spmem:s2] =	stream.indirect.scatter.add.f32 [tilespmem:s12], [sflag:$0x3], $0x80, s21, s15, $0xb8;
	[tilespmem:$0x1CC00] =	vst v63  }
0x1c3: {  	_ =	swait.ge [sflag:s18], $0x4000  }
0x1c4: {  	[sflag:s18] =	ssyncset.done $0x0  }
0x1c5: {  	s11 =	rddreg [dreg:$0x15];
	[sflag:s18] =	ssyncadd.s32 $0xFFFFC000  }
0x1c6: {  	[tilespmem:s12], [sflag:$0x1] =	stream.indirect.gather [hbm4b:s4+s15], $0x80, s11, s15, $0xb8;
	[tilespmem:$0x1CC00] =	vst v63  }
0x1c7: {  	_ =	swait.ge [sflag:s19], $0x4000  }
0x1c8: {  	[sflag:s19] =	ssyncset.done $0x0  }
0x1c9: {  	[sflag:s19] =	ssyncadd.s32 $0xFFFFC000  }
0x1ca: {  	[spmem:s2] =	stream.indirect.scatter.add.f32 [tilespmem:s16], [sflag:$0x4], $0x80, s22, s15, $0xb8;
	[tilespmem:$0x1CC00] =	vst v63  }
0x1cb: {  	_ =	swait.ge [sflag:s20], $0x4000  }
0x1cc: {  	[sflag:s20] =	ssyncset.done $0x0  }
0x1cd: {  	[sflag:s20] =	ssyncadd.s32 $0xFFFFC000  }
0x1ce: {  	[tilespmem:s16], [sflag:$0x2] =	stream.indirect.gather [hbm4b:s4+s15], $0x80, s23, s15, $0xb8;
	[tilespmem:$0x1CC00] =	vst v63  }
0x1cf: {  	_ =	swait.ge [sflag:s17], $0x4000  }
0x1d0: {  	[sflag:s17] =	ssyncset.done $0x0  }
0x1d1: {  	[sflag:s17] =	ssyncadd.s32 $0xFFFFC000  }
0x1d2: {  	[spmem:s2] =	stream.indirect.scatter.add.f32 [tilespmem:s12], [sflag:$0x3], $0x80, s24, s15, $0xb8;
	[tilespmem:$0x1CC00] =	vst v63  }
0x1d3: {  	_ =	swait.ge [sflag:s18], $0x4000  }
0x1d4: {  	[sflag:s18] =	ssyncset.done $0x0  }
0x1d5: {  	[sflag:s18] =	ssyncadd.s32 $0xFFFFC000  }
0x1d6: {  	[tilespmem:s12], [sflag:$0x1] =	stream.indirect.gather [hbm4b:s4+s15], $0x80, s25, s15, $0xb8;
	[tilespmem:$0x1CC00] =	vst v63  }
0x1d7: {  	_ =	swait.ge [sflag:s19], $0x4000  }
0x1d8: {  	[sflag:s19] =	ssyncset.done $0x0  }
0x1d9: {  	[sflag:s19] =	ssyncadd.s32 $0xFFFFC000  }
0x1da: {  	[spmem:s2] =	stream.indirect.scatter.add.f32 [tilespmem:s16], [sflag:$0x4], $0x80, s26, s15, $0xb8;
	[tilespmem:$0x1CC00] =	vst v63  }
0x1db: {  	_ =	swait.ge [sflag:s20], $0x4000  }
0x1dc: {  	[sflag:s20] =	ssyncset.done $0x0  }
0x1dd: {  	[sflag:s20] =	ssyncadd.s32 $0xFFFFC000  }
0x1de: {  	[tilespmem:s16], [sflag:$0x2] =	stream.indirect.gather [hbm4b:s4+s15], $0x80, s28, s15, $0xb8;
	[tilespmem:$0x1CC00] =	vst v63  }
0x1df: {  	_ =	swait.ge [sflag:s17], $0x4000  }
0x1e0: {  	[sflag:s17] =	ssyncset.done $0x0  }
0x1e1: {  	[sflag:s17] =	ssyncadd.s32 $0xFFFFC000  }
0x1e2: {  	[spmem:s2] =	stream.indirect.scatter.add.f32 [tilespmem:s12], [sflag:$0x3], $0x80, s29, s15, $0xb8;
	[tilespmem:$0x1CC00] =	vst v63  }
0x1e3: {  	_ =	swait.ge [sflag:s18], $0x4000  }
0x1e4: {  	[sflag:s18] =	ssyncset.done $0x0  }
0x1e5: {  	[sflag:s18] =	ssyncadd.s32 $0xFFFFC000  }
0x1e6: {  	[tilespmem:s12], [sflag:$0x1] =	stream.indirect.gather [hbm4b:s4+s15], $0x80, s30, s15, $0xb8;
	[tilespmem:$0x1CC00] =	vst v63  }
0x1e7: {  	_ =	swait.ge [sflag:s19], $0x4000  }
0x1e8: {  	[sflag:s19] =	ssyncset.done $0x0  }
0x1e9: {  	[sflag:s19] =	ssyncadd.s32 $0xFFFFC000  }
0x1ea: {  	[spmem:s2] =	stream.indirect.scatter.add.f32 [tilespmem:s16], [sflag:$0x4], $0x80, s31, s15, $0xb8;
	[tilespmem:$0x1CC00] =	vst v63  }
0x1eb: {  	_ =	swait.ge [sflag:s20], $0x4000  }
0x1ec: {  	[sflag:s20] =	ssyncset.done $0x0  }
0x1ed: {  	[sflag:s20] =	ssyncadd.s32 $0xFFFFC000  }
0x1ee: {  	[tilespmem:s16], [sflag:$0x2] =	stream.indirect.gather [hbm4b:s4+s15], $0x80, s0, s15, $0xb8;
	[tilespmem:$0x1CC00] =	vst v63  }
0x1ef: {  	_ =	swait.ge [sflag:s17], $0x4000  }
0x1f0: {  	[sflag:s17] =	ssyncset.done $0x0  }
0x1f1: {  	[sflag:s17] =	ssyncadd.s32 $0xFFFFC000  }
0x1f2: {  	[spmem:s2] =	stream.indirect.scatter.add.f32 [tilespmem:s12], [sflag:$0x3], $0x80, s1, s15, $0xb8;
	[tilespmem:$0x1CC00] =	vst v63  }
0x1f3: {  	_ =	swait.ge [sflag:s19], $0x4000  }
0x1f4: {  	[sflag:s19] =	ssyncset.done $0x0  }
0x1f5: {  	[sflag:s19] =	ssyncadd.s32 $0xFFFFC000  }
0x1f6: {  	[spmem:s2] =	stream.indirect.scatter.add.f32 [tilespmem:s16], [sflag:$0x4], $0x80, s6, s15, $0xb8;
	[tilespmem:$0x1CC00] =	vst v63  }
0x1f7: {  	_ =	swait.ge [sflag:s18], $0x4000  }
0x1f8: {  	[sflag:s18] =	ssyncset.done $0x0  }
0x1f9: {  	[sflag:s18] =	ssyncadd.s32 $0xFFFFC000  }
0x1fa: {  	_ =	swait.ge [sflag:s20], $0x4000  }
0x1fb: {  	[sflag:s20] =	ssyncset.done $0x0  }
0x1fc: {  	s9 =	stileid.u32;
	[sflag:s20] =	ssyncadd.s32 $0xFFFFC000  }
0x1fd: {  	s8 =	sshll.u32 s9, $0x6;
	[bflag:$0x0] =	sbarrier.arrive $0xFFFF  }
0x1fe: {  	s8 =	sor.u32 $0x1C05, s8;
	s10 =	sshrl.u32 s5, $0x3;
	s11 =	rddreg [dreg:$0x1a]  }
0x1ff: {  	[hbm:s11], [sflag:s8] =	dma.local [spmem:s10], $0x2780  }
0x200: {  	_ =	swait.ge [sflag:s13], $0x2780  }
0x201: {  	s7 =	sadd.s32 $0x1, s7;
	s11 =	rddreg [dreg:$0x1b]  }
0x202: {  	p0 =	sne.s32 s7, s11  }
.Ltmp2:
0x203: {  	_ = 	snop;
	(pc) =	sbr.rel @p0 .LBB2_1-.Ltmp2, $3  }
0x204: {  	_ =	sdelay $0x1  }
0x205: {  	[sflag:s13] =	ssyncset.done $0x0  }
0x206: {  	[sflag:s13] =	ssyncadd.s32 $0xFFFFD880  }
0x207: {  	_ =	sfence.sel $0x180000  }
0x208: {  	[bflag:$0x0] =	sbarrier.arrive $0xFFFF  }
0x209: {  	_ =	strace $0x9000004D  }
0x20a: {  	s0 =	stileid.u32;
	[bflag:$0x2] =	sbarrier.arrive $0xFFFF  }
0x20b: {  	p0 =	sne.s32 s0, $0x0;
	s0 =	rddreg [dreg:$0x3]  }
0x20c: {  	s0 =	sadd.s32 @!p0 $0x100000, s0  }
0x20d: {  	[sflag:s0] =	ssyncadd.tile.s32 @!p0 $0x1;
	_ =	shalt  }
.Lfunc_end2:
_tile_overlayer_lowered:
.L_overlay_start_2:
0x20e: {  	(tag) =	ssettag $0x2  }
0x20f: {  	s0 =	rddreg [dreg:$0x0];
	s2 =	stileid.u32  }
0x210: {  	s1 =	rddreg [dreg:$0x1];
	p0 =	sne.s32 s2, $0x0  }
0x211: {  	s3 =	rddreg [dreg:$0x2];
	[bflag:$0x3] =	sbarrier.arrive $0xFFFF;
	s2 =	simm.s32 @!p0 $0x1C05  }
0x212: {  	[timem:s3], [sflag:s2] =	dma.local @!p0 [hbm:s0], s1  }
0x213: {  	s0 =	simm.s32 @!p0 $0x5  }
0x214: {  	_ =	swait.ge @!p0 [sflag:s0], s1  }
0x215: {  	s1 =	ssub.s32 @!p0 $0x0, s1;
	[sflag:s0] =	ssyncset.done @!p0 $0x0  }
0x216: {  	[sflag:s0] =	ssyncadd.s32 @!p0 s1  }
0x217: {  	[bflag:$0x3] =	sbarrier.arrive $0xFFFF  }
0x218: {  	_ =	shalt  }

// kernel: kernel.9.cloned.1.call-start
scs
__scs_entry_jumppad:
0x0: {  	(pc) =	sbr.rel $0x88, $3  }
0x1: {  	(tag) =	ssettag $0x0;
	lr =	simm.s32 $0x1  }
0x2: {  	[smem:$0x3F97] =	sst lr;
	_ =	strace $0xD0000000  }
0x3: {  	_ = 	snop  }
0x4: {  	_ = 	snop  }
0x5: {  	_ = 	snop  }
0x6: {  	_ = 	snop  }
0x7: {  	_ = 	snop  }
__scs_overlays_trampoline_lowered:
0x8: {  	[smem:$0x3FA6] =	sst s0  }
0x9: {  	[smem:$0x3FA7] =	sst s1  }
0xa: {  	[smem:$0x3FA8] =	sst s2  }
0xb: {  	[smem:$0x3FA9] =	sst s3  }
0xc: {  	[smem:$0x3FAA] =	sst s4  }
0xd: {  	[smem:$0x3FAB] =	sst s5  }
0xe: {  	[smem:$0x3FAC] =	sst s6  }
0xf: {  	[smem:$0x3FAD] =	sst s7  }
0x10: {  	[smem:$0x3FAE] =	sst s8  }
0x11: {  	[smem:$0x3FAF] =	sst s9;
	s0 =	simm.s32 @!p0 $0x0  }
0x12: {  	s1 =	sld [smem:$0x3F95];
	s0 =	simm.s32 @p0 $0x1  }
0x13: {  	[smem:$0x3FB0] =	sst s0;
	s0 =	simm.s32 @!p1 $0x0  }
0x14: {  	s2 =	sld [smem:$0x3F94];
	s0 =	simm.s32 @p1 $0x1  }
0x15: {  	[smem:$0x3FB1] =	sst s0;
	s0 =	simm.s32 @!p2 $0x0  }
0x16: {  	s3 =	sld [smem:$0x3FDB];
	s0 =	simm.s32 @p2 $0x1  }
0x17: {  	s4 =	simm.s32 $0x1BF5;
	[smem:$0x3FB3] =	sst s0  }
0x18: {  	s0 =	sld [smem:$0x3F96];
	_ =	swait.ge [sflag:s4], $0x0  }
0x19: {  	s7 =	sld [smem:$0x3F97]  }
0x1a: {  	s8 =	sadd.s32 $0xFFFFE003, lr  }
0x1b: {  	s9 =	sadd.s32 $0xFFFFFEF7, lr;
	s5 =	simm.s32 $0xFFFFFFFF;
	p2 =	slt.u32 s8, $0xFFFFF086  }
0x1c: {  	p1 =	slt.u32 s9, $0xF7A;
	s5 =	simm.s32 @!p2 $0x0  }
0x1d: {  	s5 =	simm.s32 @p1 $0x1;
	p0 =	seq.s32 s7, s2  }
0x1e: {  	s7 =	smul.u32 @!p0 $0xF7A, s2;
	p2 =	seq.s32 @!p0 s5, $0x0  }
0x1f: {  	s9 =	smul.u32 $0xF7A, s1;
	s8 =	simm.s32 @!p0 $0x1BF5;
	p2 =	por !p2, p0  }
0x20: {  	[sflag:s8] =	ssyncset.s32 @!p0 $0xFFFFF086;
	s6 =	sadd.s32 @!p0 s3, s7;
	s7 =	simm.s32 @!p0 $0x108  }
0x21: {  	s3 =	sadd.s32 s3, s9;
	s6 =	sadd.s32 @!p0 $0x88, s6;
	s7 =	simm.s32 @p2 $0x1082  }
0x22: {  	[simem:s7], [sflag:s8] =	dma.local @!p0 [hbm:s6], $0xF7A  }
0x23: {  	s9 =	sor.u32 $0xD0000000, s2;
	s6 =	simm.s32 $0x108;
	_ =	swait.ge @!p0 [sflag:s8], $0x0  }
0x24: {  	s3 =	sadd.s32 $0x88, s3;
	s6 =	simm.s32 @!p1 $0x1082;
	[sflag:s4] =	ssyncset.s32 $0xFFFFF086  }
0x25: {  	[simem:s6], [sflag:s4] =	dma.local [hbm:s3], $0xF7A  }
0x26: {  	[smem:$0x3F97] =	sst s1;
	(tag) =	ssettag s2;
	_ =	strace s9  }
0x27: {  	s1 =	sld [smem:$0x3FA7]  }
0x28: {  	s2 =	sld [smem:$0x3FA8]  }
0x29: {  	s4 =	sld [smem:$0x3FAA]  }
0x2a: {  	p0 =	seq.s32 s5, $0x0;
	s5 =	sld [smem:$0x3FAB]  }
0x2b: {  	s6 =	sld [smem:$0x3FAC]  }
0x2c: {  	s7 =	sld [smem:$0x3FAD]  }
0x2d: {  	s3 =	simm.s32 $0x108;
	s8 =	sld [smem:$0x3FAE]  }
0x2e: {  	s3 =	simm.s32 @!p0 $0x1082;
	s9 =	sld [smem:$0x3FAF]  }
0x2f: {  	lr =	sadd.s32 s0, s3;
	s0 =	sld [smem:$0x3FA6]  }
0x30: {  	s3 =	sld [smem:$0x3FA9]  }
0x31: {  	[smem:$0x3FB2] =	sst s10  }
0x32: {  	s10 =	sld [smem:$0x3FB0];
	_ =	sdelay $0x3  }
0x33: {  	p0 =	seq.s32 s10, $0x1;
	s10 =	sld [smem:$0x3FB2];
	_ =	sdelay $0x3  }
0x34: {  	[smem:$0x3FB2] =	sst s10  }
0x35: {  	s10 =	sld [smem:$0x3FB1];
	_ =	sdelay $0x3  }
0x36: {  	p1 =	seq.s32 s10, $0x1;
	s10 =	sld [smem:$0x3FB2];
	_ =	sdelay $0x3  }
0x37: {  	[smem:$0x3FB2] =	sst s10  }
0x38: {  	s10 =	sld [smem:$0x3FB3]  }
0x39: {  	_ = 	snop;
	(pc) =	sbr.ind lr, $3  }
0x3a: {  	_ = 	snop  }
0x3b: {  	_ = 	snop  }
0x3c: {  	p2 =	seq.s32 s10, $0x1;
	s10 =	sld [smem:$0x3FB2]  }
0x3d: {  	_ =	shalt  }
0x3e: {  	_ =	shalt  }
0x3f: {  	_ =	shalt  }
0x40: {  	_ =	shalt  }
0x41: {  	_ =	shalt  }
0x42: {  	_ =	shalt  }
0x43: {  	_ =	shalt  }
0x44: {  	_ =	shalt  }
0x45: {  	_ =	shalt  }
0x46: {  	_ =	shalt  }
0x47: {  	_ =	shalt  }
0x48: {  	_ =	shalt  }
0x49: {  	_ =	shalt  }
0x4a: {  	_ =	shalt  }
0x4b: {  	_ =	shalt  }
0x4c: {  	_ =	shalt  }
0x4d: {  	_ =	shalt  }
0x4e: {  	_ =	shalt  }
0x4f: {  	_ =	shalt  }
0x50: {  	_ =	shalt  }
0x51: {  	_ =	shalt  }
0x52: {  	_ =	shalt  }
0x53: {  	_ =	shalt  }
0x54: {  	_ =	shalt  }
0x55: {  	_ =	shalt  }
0x56: {  	_ =	shalt  }
0x57: {  	_ =	shalt  }
0x58: {  	_ =	shalt  }
0x59: {  	_ =	shalt  }
0x5a: {  	_ =	shalt  }
0x5b: {  	_ =	shalt  }
0x5c: {  	_ =	shalt  }
0x5d: {  	_ =	shalt  }
0x5e: {  	_ =	shalt  }
0x5f: {  	_ =	shalt  }
0x60: {  	_ =	shalt  }
0x61: {  	_ =	shalt  }
0x62: {  	_ =	shalt  }
0x63: {  	_ =	shalt  }
0x64: {  	_ =	shalt  }
0x65: {  	_ =	shalt  }
0x66: {  	_ =	shalt  }
0x67: {  	_ =	shalt  }
0x68: {  	_ =	shalt  }
0x69: {  	_ =	shalt  }
0x6a: {  	_ =	shalt  }
0x6b: {  	_ =	shalt  }
0x6c: {  	_ =	shalt  }
0x6d: {  	_ =	shalt  }
0x6e: {  	_ =	shalt  }
0x6f: {  	_ =	shalt  }
0x70: {  	_ =	shalt  }
0x71: {  	_ =	shalt  }
0x72: {  	_ =	shalt  }
0x73: {  	_ =	shalt  }
0x74: {  	_ =	shalt  }
0x75: {  	_ =	shalt  }
0x76: {  	_ =	shalt  }
0x77: {  	_ =	shalt  }
0x78: {  	_ =	shalt  }
0x79: {  	_ =	shalt  }
0x7a: {  	_ =	shalt  }
0x7b: {  	_ =	shalt  }
0x7c: {  	_ =	shalt  }
0x7d: {  	_ =	shalt  }
0x7e: {  	_ =	shalt  }
0x7f: {  	_ =	shalt  }
0x80: {  	_ =	shalt  }
0x81: {  	_ =	shalt  }
0x82: {  	_ =	shalt  }
0x83: {  	_ =	shalt  }
0x84: {  	_ =	shalt  }
0x85: {  	_ =	shalt  }
0x86: {  	_ =	shalt  }
0x87: {  	_ =	shalt  }
.Lfunc_end0:
.L_simem_size_0:
called_computation_lowered:
.L_overlay_start_0:
0x88: {  	s2 =	sld [smem:$0x3FD9]  }
0x89: {  	s3 =	sld [smem:$0x3FFE];
	_ =	sdelay $0x1  }
0x8a: {  	s1 =	srdreg.scid  }
0x8b: {  	s0 =	sand.u32 $0x1, s1  }
0x8c: {  	s14 =	sshll.u32 s0, $0xA;
	s2 =	sadd.s32 s3, s2  }
0x8d: {  	s2 =	sadd.s32 s2, s14  }
0x8e: {  	[smem:$0x3FBE] =	sst s2  }
0x8f: {  	_ = 	snop  }
0x90: {  	s2 =	sld [smem:$0x3FD0];
	_ =	sdelay $0x2  }
0x91: {  	s15 =	simm.s32 $0xA;
	s4 =	simm.s32 $0x10  }
0x92: {  	[smem:s4], [sflag:s15] =	dma.local [hbm:s2], $0x1  }
0x93: {  	_ =	swait.eq [sflag:s15], $0x1  }
0x94: {  	[sflag:s15] =	ssyncset.done $0x0  }
0x95: {  	[sflag:s15] =	ssyncadd.s32 $0xFFFFFFFF  }
0x96: {  	s16 =	sld [smem:$0x11];
	(tm) =	ssettm $0x1  }
0x97: {  	s17 =	sld [smem:$0x3FFB];
	_ =	sdelay $0x3  }
0x98: {  	_ =	strace s17  }
0x99: {  	s3 =	sld [smem:$0x3FFC];
	_ =	sdelay $0x3  }
0x9a: {  	_ =	strace s3  }
0x9b: {  	s3 =	sld [smem:$0x3FFD];
	_ =	sdelay $0x3  }
0x9c: {  	_ =	strace s3  }
0x9d: {  	_ =	strace $0x8FFFFFFF  }
0x9e: {  	s18 =	sld [smem:$0x3FDB];
	_ =	sdelay $0x1  }
0x9f: {  	s19 =	simm.s32 $_scs_section_size  }
0xa0: {  	s5 =	simm.s32 $_size__tile_overlayer_lowered;
	s6 =	simm.s32 $_tile_overlayer_lowered  }
0xa1: {  	s22 =	simm.s32 $0x1BFF;
	s21 =	sshll.u32 s6, $0x1;
	s3 =	sadd.s32 s19, s18  }
0xa2: {  	s7 =	simm.s32 $0x0;
	s20 =	sshll.u32 s5, $0x1;
	s5 =	sadd.s32 s21, s3  }
0xa3: {  	[timem:s7], [sflag:s22] =	dma.local [hbm:s5], s20  }
0xa4: {  	_ =	swait.ge [sflag:s22], s20  }
0xa5: {  	s4 =	ssub.s32 $0x0, s20;
	[sflag:s22] =	ssyncset.done $0x0  }
0xa6: {  	[sflag:s22] =	ssyncadd.s32 s4;
	_ =	sdelay $0x1  }
0xa7: {  	s23 =	simm.s32 $0x1B8B  }
0xa8: {  	_ =	swait.ge [sflag:s23], $0x1  }
0xa9: {  	[sflag:s23] =	ssyncset.done $0x0  }
0xaa: {  	s25 =	simm.s32 $0x1B8E;
	s24 =	sld [smem:$0x3FFE];
	[sflag:s23] =	ssyncadd.s32 $0xFFFFFFFF  }
0xab: {  	s26 =	simm.s32 $execute0_lowered;
	[smem:$0x3FD2] =	sst s25  }
0xac: {  	s5 =	sshll.u32 s26, $0x1;
	_ =	strace $0x80000046;
	[dreg:$0x1] =	wrdreg $0xFFFFFFFF  }
0xad: {  	s28 =	simm.s32 $_size_execute0_lowered;
	s3 =	sadd.s32 s3, s5;
	[dreg:$0x0] =	wrdreg $0x0  }
0xae: {  	s5 =	sshll.u32 s28, $0x1;
	[dreg:$0x2] =	wrdreg s3  }
0xaf: {  	[dreg:$0x3] =	wrdreg s5  }
0xb0: {  	[dreg:$0x4] =	wrdreg $0xC0  }
0xb1: {  	_ =	task [dreg:s7], $0x5FFFF  }
0xb2: {  	[dreg:$0x1] =	wrdreg $0xFFFFFFFF  }
0xb3: {  	[dreg:$0x0] =	wrdreg $0x60  }
0xb4: {  	[dreg:$0x2] =	wrdreg s24  }
0xb5: {  	[dreg:$0x3] =	wrdreg s16  }
0xb6: {  	[dreg:$0x4] =	wrdreg $0x2B000  }
0xb7: {  	[dreg:$0x5] =	wrdreg $0x9  }
0xb8: {  	_ =	task.clear_ibuf [dreg:s7], $0x6FFFF;
	_ =	strace $0x90000046  }
0xb9: {  	s29 =	simm.s32 $0x9;
	_ =	strace $0x80000048  }
0xba: {  	_ =	swait.ge [sflag:s29], $0x1  }
0xbb: {  	[sflag:s29] =	ssyncadd.s32 $0xFFFFFFFF  }
0xbc: {  	_ =	strace $0x90000048  }
0xbd: {  	_ =	sfence  }
0xbe: {  	s30 =	sld [smem:$0x0];
	_ =	sdelay $0x2  }
0xbf: {  	s31 =	sshll.u32 s1, $0xD;
	s1 =	sshrl.u32 s1, $0x2  }
0xc0: {  	s3 =	sand.u32 $0x4000, s31;
	s1 =	sadd.s32 s1, s30  }
0xc1: {  	s0 =	sor.u32 s3, s0;
	s1 =	sshll.u32 s1, $0x11  }
0xc2: {  	s0 =	sor.u32 s1, s0  }
0xc3: {  	s0 =	sadd.s32 $0x8F2B, s0  }
0xc4: {  	[sflag:s0] =	ssyncadd.remote.s32 $0x1  }
0xc5: {  	_ =	sfence.sel $0xFFFF  }
0xc6: {  	[dreg:$0x0] =	wrdreg $0xFFFFFFFF;
	(pc) =	sbr.abs _section_cstart, $3  }
0xc7: {  	[dreg:$0x1] =	wrdreg $0xFFFFFFFF  }
0xc8: {  	_ =	task.clear_ibuf [dreg:s7], $0x2FFFF;
	_ =	strace $0x9FFFFFFF  }
0xc9: {  	(tm) =	ssettm $0x7FFFFFFF  }
tec
execute0_lowered:
.L_overlay_start_1:
0x0: {  	(tag) =	ssettag $0x1  }
0x1: {  	s4 =	rddreg [dreg:$0x0]  }
0x2: {  	s6 =	rddreg [dreg:$0x1]  }
0x3: {  	s0 =	srdreg.scid;
	s2 =	rddreg [dreg:$0x2];
	s3 =	simm.s32 $0x0  }
0x4: {  	s11 =	simm.s32 $0x2800;
	s14 =	simm.s32 $0x0;
	s5 =	sand.u32 $0x1, s0  }
0x5: {  	s0 =	stileid.u32;
	[smem:$0x7FF] =	sst s3;
	s1 =	sshll.u32 s5, $0x4  }
0x6: {  	s5 =	ssub.s32 $0x2, s5;
	s9 =	smul.u32 $0xA00, s0;
	s12 =	sshll.u32 s0, $0x6  }
0x7: {  	s7 =	sor.u32 s0, s1;
	s1 =	rddreg [dreg:$0x3];
	_ =	strace $0x80000047  }
0x8: {  	s10 =	sshrl.u32 s5, $0x1;
	s12 =	sor.u32 $0x1C01, s12;
	s8 =	smul.u32 $0x500, s7  }
0x9: {  	s7 =	smul.u32 $0x50, s7;
	s10 =	ssub.s32 s5, s10;
	s31 =	sshrl.u32 s9, $0x2  }
0xa: {  	s9 =	simm.s32 $0x1;
	s8 =	sadd.s32 s8, s4;
	s4 =	sadd.s32 s31, s2  }
0xb: {  	s6 =	sadd.s32 s6, s7;
	s7 =	smax.u32 s10, $0x1;
	s10 =	simm.s32 $0x80  }
0xc: {  	v0 =	vimm.f32 $0.0e+00;
	v1 =	vimm.f32 $1.000000000e+00;
	s5 =	sadd.s32 $0x3800, s8;
	s8 =	simm.s32 $0x2880;
	s13 =	sshrl.u32 s4, $0x3  }
.LBB2_1:
0xd: {  	[tilespmem:$0x2880] =	vst v0  }
0xe: {  	[tilespmem:$0x2890] =	vst v0  }
0xf: {  	[tilespmem:$0x28A0] =	vst v0  }
0x10: {  	[tilespmem:$0x28B0] =	vst v0  }
0x11: {  	[tilespmem:$0x28C0] =	vst v0  }
0x12: {  	[tilespmem:$0x28D0] =	vst v0  }
0x13: {  	[tilespmem:$0x28E0] =	vst v0  }
0x14: {  	[tilespmem:$0x28F0] =	vst v0  }
0x15: {  	[tilespmem:$0x2900] =	vst v0  }
0x16: {  	[tilespmem:$0x2910] =	vst v0  }
0x17: {  	[tilespmem:$0x2920] =	vst v0  }
0x18: {  	[tilespmem:$0x2930] =	vst v0  }
0x19: {  	[tilespmem:$0x2940] =	vst v0  }
0x1a: {  	[tilespmem:$0x2950] =	vst v0  }
0x1b: {  	[tilespmem:$0x2960] =	vst v0  }
0x1c: {  	[tilespmem:$0x2970] =	vst v0  }
0x1d: {  	[tilespmem:$0x2980] =	vst v0  }
0x1e: {  	[tilespmem:$0x2990] =	vst v0  }
0x1f: {  	[tilespmem:$0x29A0] =	vst v0  }
0x20: {  	[tilespmem:$0x29B0] =	vst v0  }
0x21: {  	[tilespmem:$0x29C0] =	vst v0  }
0x22: {  	[tilespmem:$0x29D0] =	vst v0  }
0x23: {  	[tilespmem:$0x29E0] =	vst v0  }
0x24: {  	[tilespmem:$0x29F0] =	vst v0  }
0x25: {  	[tilespmem:$0x2A00] =	vst v0  }
0x26: {  	[tilespmem:$0x2A10] =	vst v0  }
0x27: {  	[tilespmem:$0x2A20] =	vst v0  }
0x28: {  	[tilespmem:$0x2A30] =	vst v0  }
0x29: {  	[tilespmem:$0x2A40] =	vst v0  }
0x2a: {  	[tilespmem:$0x2A50] =	vst v0  }
0x2b: {  	[tilespmem:$0x2A60] =	vst v0  }
0x2c: {  	[tilespmem:$0x2A70] =	vst v0  }
0x2d: {  	[tilespmem:$0x2A80] =	vst v0  }
0x2e: {  	[tilespmem:$0x2A90] =	vst v0  }
0x2f: {  	[tilespmem:$0x2AA0] =	vst v0  }
0x30: {  	[tilespmem:$0x2AB0] =	vst v0  }
0x31: {  	[tilespmem:$0x2AC0] =	vst v0  }
0x32: {  	[tilespmem:$0x2AD0] =	vst v0  }
0x33: {  	[tilespmem:$0x2AE0] =	vst v0  }
0x34: {  	[tilespmem:$0x2AF0] =	vst v0  }
0x35: {  	[tilespmem:$0x2800] =	vst v1  }
0x36: {  	[tilespmem:$0x2810] =	vst v1  }
0x37: {  	[tilespmem:$0x2820] =	vst v1  }
0x38: {  	[tilespmem:$0x2830] =	vst v1  }
0x39: {  	[tilespmem:$0x2840] =	vst v1  }
0x3a: {  	[tilespmem:$0x2850] =	vst v1  }
0x3b: {  	[tilespmem:$0x2860] =	vst v1  }
0x3c: {  	[tilespmem:$0x2870] =	vst v1  }
0x3d: {  	[spmem:s4] =	stream.linear.scatter [tilespmem:s8], [sflag:$0x1], $0x280, $0x38;
	[tilespmem:$0x2D80] =	vst v63  }
0x3e: {  	_ =	swait.ge [sflag:s9], $0x280  }
0x3f: {  	[sflag:s9] =	ssyncset.done $0x0  }
0x40: {  	[sflag:s9] =	ssyncadd.s32 $0xFFFFFD80  }
0x41: {  	[bflag:$0x0] =	sbarrier.arrive $0xFFFF  }
0x42: {  	[tilespmem:s3], [sflag:$0x1] =	stream.linear.gather [hbm4b:s5+s3], $0x2800, $0x38;
	[tilespmem:$0x2D80] =	vst v63  }
0x43: {  	_ =	swait.ge [sflag:s9], $0x2800  }
0x44: {  	[sflag:s9] =	ssyncset.done $0x0  }
0x45: {  	s15 =	simm.s32 $0x0;
	[sflag:s9] =	ssyncadd.s32 $0xFFFFD800  }
0x46: {  	[spmem:s2] =	stream.indirect.scatter.add.f32 [tilespmem:s11], [sflag:$0x1], $0x1, s15, s10, $0xb8;
	[tilespmem:$0x2D80] =	vst v63  }
0x47: {  	_ =	swait.ge [sflag:s9], $0x80  }
0x48: {  	s15 =	simm.s32 $0x200;
	[sflag:s9] =	ssyncset.done $0x0  }
.LBB2_2:
0x49: {  	s16 =	sshra.s32 s15, $0x2;
	[sflag:s9] =	ssyncadd.s32 $0xFFFFFF80;
	p0 =	sne.s32 s15, $0x9E00  }
0x4a: {  	[spmem:s2] =	stream.indirect.scatter.add.f32 [tilespmem:s11], [sflag:$0x1], $0x1, s16, s10, $0xb8;
	[tilespmem:$0x2D80] =	vst v63  }
.Ltmp0:
0x4b: {  	_ = 	snop;
	(pc) =	sbr.rel @p0 .LBB2_2-.Ltmp0, $4  }
0x4c: {  	_ = 	snop  }
0x4d: {  	s15 =	sadd.s32 $0x200, s15  }
0x4e: {  	_ =	swait.ge [sflag:s9], $0x80  }
0x4f: {  	[sflag:s9] =	ssyncset.done $0x0  }
0x50: {  	s14 =	sadd.s32 $0x1, s14  }
0x51: {  	[sflag:s9] =	ssyncadd.s32 $0xFFFFFF80;
	p0 =	sne.s32 s14, s7  }
.Ltmp1:
0x52: {  	[bflag:$0x0] =	sbarrier.arrive $0xFFFF;
	(pc) =	sbr.rel @p0 .LBB2_1-.Ltmp1, $4  }
0x53: {  	[hbm:s6], [sflag:s12] =	dma.local [spmem:s13], $0x50  }
0x54: {  	_ =	swait.ge [sflag:s9], $0x50  }
0x55: {  	[sflag:s9] =	ssyncset.done $0x0  }
0x56: {  	[sflag:s9] =	ssyncadd.s32 $0xFFFFFFB0  }
0x57: {  	_ =	sfence.sel $0x180000  }
0x58: {  	[bflag:$0x0] =	sbarrier.arrive $0xFFFF  }
0x59: {  	p0 =	sne.s32 s0, $0x0;
	_ =	strace $0x90000047  }
0x5a: {  	s0 =	sadd.s32 @!p0 $0x100000, s1;
	[bflag:$0x2] =	sbarrier.arrive $0xFFFF  }
0x5b: {  	[sflag:s0] =	ssyncadd.tile.s32 @!p0 $0x1;
	_ =	shalt  }
.Lfunc_end2:
_tile_overlayer_lowered:
.L_overlay_start_2:
0x5c: {  	(tag) =	ssettag $0x2  }
0x5d: {  	s0 =	rddreg [dreg:$0x0];
	s2 =	stileid.u32  }
0x5e: {  	s1 =	rddreg [dreg:$0x1];
	p0 =	sne.s32 s2, $0x0  }
0x5f: {  	s3 =	rddreg [dreg:$0x2];
	[bflag:$0x3] =	sbarrier.arrive $0xFFFF;
	s2 =	simm.s32 @!p0 $0x1C01  }
0x60: {  	[timem:s3], [sflag:s2] =	dma.local @!p0 [hbm:s0], s1  }
0x61: {  	s0 =	simm.s32 @!p0 $0x1  }
0x62: {  	_ =	swait.ge @!p0 [sflag:s0], s1  }
0x63: {  	s1 =	ssub.s32 @!p0 $0x0, s1;
	[sflag:s0] =	ssyncset.done @!p0 $0x0  }
0x64: {  	[sflag:s0] =	ssyncadd.s32 @!p0 s1  }
0x65: {  	[bflag:$0x3] =	sbarrier.arrive $0xFFFF  }
0x66: {  	_ =	shalt  }

</sc_bundles>
